<compile_context>
chip_gen: v7x
topology: tpu7x:2x2x1
jax: 0.10.2.dev20260603
libtpu: 0.0.44.dev20260713+nightly
codegen_flags: <defaults>
</compile_context>

<pallas_src>
import functools

import jax
import jax.numpy as jnp
from jax import lax
from jax.experimental import pallas as pl
from jax.experimental.pallas import tpu as pltpu
from jax.experimental.pallas import tpu_sc as plsc

T = 2048
D = 1024
H = 2048
E = 8
CAP = 320
CAPP = CAP + 8
XROWS = E * CAPP
NH = 2
HB = H // NH
TB = 256
NTB = T // TB

NC = 2
NS = 16
NW = NC * NS
TPW = T // NW
HC = TPW // 2


def _route_body(x_ref, wg_ref, bg_ref, d0_ref, d1_ref, cw0_ref, cw1_ref,
                lbl_ref, pos_ref):
    xf = x_ref[0]
    logits = jnp.dot(xf, wg_ref[...],
                     preferred_element_type=jnp.float32) + bg_ref[...]
    eio = jax.lax.broadcasted_iota(jnp.int32, (T, E), 1).astype(jnp.float32)
    l1 = jnp.max(logits, axis=1, keepdims=True)
    i1 = jnp.min(jnp.where(logits == l1, eio, float(E)), axis=1, keepdims=True)
    masked = jnp.where(eio == i1, -jnp.inf, logits)
    l2 = jnp.max(masked, axis=1, keepdims=True)
    i2 = jnp.min(jnp.where(masked == l2, eio, float(E)), axis=1, keepdims=True)
    lbl_ref[...] = ((eio == i1) | (eio == i2)).astype(jnp.float32)

    r = jax.lax.broadcasted_iota(jnp.int32, (TB, TB), 0)
    c = jax.lax.broadcasted_iota(jnp.int32, (TB, TB), 1)
    tri = (r >= c).astype(jnp.float32)

    def body(b, carry):
        blk = lbl_ref[pl.ds(b * TB, TB), :]
        s = jnp.dot(tri, blk, preferred_element_type=jnp.float32) + carry
        pos_ref[pl.ds(b * TB, TB), :] = s
        return s[TB - 1:TB, :]

    jax.lax.fori_loop(0, NTB, body, jnp.zeros((1, E), jnp.float32))

    pos = pos_ref[...]
    pos1 = jnp.sum(pos * (eio == i1), axis=1, keepdims=True)
    pos2 = jnp.sum(pos * (eio == i2), axis=1, keepdims=True)
    v1 = pos1 <= float(CAP)
    v2 = pos2 <= float(CAP)
    tmod = jnp.astype(
        jax.lax.broadcasted_iota(jnp.int32, (T, 1), 0) % 8, jnp.float32)
    slot0 = jnp.where(v1, pos1 - 1.0, float(CAP) + tmod)
    slot1 = jnp.where(v2, pos2 - 1.0, float(CAP) + tmod)
    col0 = i1 * CAPP + slot0
    col1 = i2 * CAPP + slot1
    d0_ref[...] = col0.astype(jnp.int32).reshape(16, 128)
    d1_ref[...] = col1.astype(jnp.int32).reshape(16, 128)

    e2 = jnp.exp(l2 - l1)
    den = 1.0 + e2
    cw0_ref[...] = (v1.astype(jnp.float32) / den).reshape(16, 128)
    cw1_ref[...] = (v2.astype(jnp.float32) * e2 / den).reshape(16, 128)


def _route(x, Wg, bg2):
    return pl.pallas_call(
        _route_body,
        out_shape=[
            jax.ShapeDtypeStruct((16, 128), jnp.int32),
            jax.ShapeDtypeStruct((16, 128), jnp.int32),
            jax.ShapeDtypeStruct((16, 128), jnp.float32),
            jax.ShapeDtypeStruct((16, 128), jnp.float32),
        ],
        scratch_shapes=[
            pltpu.VMEM((T, E), jnp.float32),
            pltpu.VMEM((T, E), jnp.float32),
        ],
    )(x, Wg, bg2)


def _dispatch_body(x_hbm, d0_hbm, d1_hbm, cw0_hbm, cw1_hbm,
                   xall_hbm, wst_hbm, rows_v, i0_v, i1_v, cw_v,
                   wbuf0_v, wbuf1_v, sem):
    wid = lax.axis_index("s") * NC + lax.axis_index("c")
    base = wid * TPW
    pltpu.sync_copy(x_hbm.at[0, pl.ds(base, TPW)], rows_v)
    row, colb = wid // 2, (wid % 2) * TPW
    pltpu.sync_copy(d0_hbm.at[row, pl.ds(colb, TPW)], i0_v.at[0])
    pltpu.sync_copy(d1_hbm.at[row, pl.ds(colb, TPW)], i1_v.at[0])
    c0 = pltpu.async_copy(rows_v, xall_hbm.at[i0_v.at[0]], sem)
    c1 = pltpu.async_copy(rows_v, xall_hbm.at[i1_v.at[0]], sem)

    copies = [c0, c1]
    for cw_hbm, idx_v, wbuf_v in ((cw0_hbm, i0_v, wbuf0_v),
                                  (cw1_hbm, i1_v, wbuf1_v)):
        idx_v = idx_v.at[0]
        pltpu.sync_copy(cw_hbm.at[row, pl.ds(colb, TPW)], cw_v.at[pl.ds(0, TPW)])
        cw_v[pl.ds(TPW, 16)] = jnp.zeros((16,), jnp.float32)
        for i in range(TPW):
            wbuf_v[i, pl.ds(0, 16)] = cw_v[pl.ds(i, 16)]
        copies.append(pltpu.async_copy(wbuf_v, wst_hbm.at[idx_v], sem))
    for c in copies:
        c.wait()


@functools.cache
def _get_dispatch():
    return pl.kernel(
        _dispatch_body,
        mesh=plsc.VectorSubcoreMesh(core_axis_name="c", subcore_axis_name="s"),
        out_type=[
            jax.ShapeDtypeStruct((XROWS, D), jnp.float32),
            jax.ShapeDtypeStruct((XROWS, 128), jnp.float32),
        ],
        scratch_types=[
            pltpu.VMEM((TPW, D), jnp.float32),
            pltpu.VMEM((1, TPW), jnp.int32),
            pltpu.VMEM((1, TPW), jnp.int32),
            pltpu.VMEM((TPW + 16,), jnp.float32),
            pltpu.VMEM((TPW, 128), jnp.float32),
            pltpu.VMEM((TPW, 128), jnp.float32),
            pltpu.SemaphoreType.DMA,
        ],
    )


def _ffn_body(xall_ref, w1_ref, w2_ref, w3_ref, ws_ref, ys_ref, acc_ref):
    h = pl.program_id(1)
    xe = xall_ref[...]
    hp = jnp.dot(xe, w1_ref[0], preferred_element_type=jnp.float32)
    gp = jnp.dot(xe, w2_ref[0], preferred_element_type=jnp.float32)
    act = hp * (1.0 / (1.0 + jnp.exp(-hp))) * gp
    yb = jnp.dot(act, w3_ref[0], preferred_element_type=jnp.float32)

    @pl.when(h == 0)
    def _():
        acc_ref[...] = yb

    @pl.when(h > 0)
    def _():
        acc_ref[...] += yb

    @pl.when(h == NH - 1)
    def _():
        ys_ref[...] = acc_ref[...] * ws_ref[:, 0:1]
        ys_ref[pl.ds(CAP, CAPP - CAP), :] = jnp.zeros(
            (CAPP - CAP, D), jnp.float32)


def _ffn(xall, W1, W2, W3, ws):
    return pl.pallas_call(
        _ffn_body,
        grid=(E, NH),
        in_specs=[
            pl.BlockSpec((CAPP, D), lambda e, h: (e, 0)),
            pl.BlockSpec((1, D, HB), lambda e, h: (e, 0, h)),
            pl.BlockSpec((1, D, HB), lambda e, h: (e, 0, h)),
            pl.BlockSpec((1, HB, D), lambda e, h: (e, h, 0)),
            pl.BlockSpec((CAPP, 128), lambda e, h: (e, 0)),
        ],
        out_specs=pl.BlockSpec((CAPP, D), lambda e, h: (e, 0)),
        out_shape=jax.ShapeDtypeStruct((XROWS, D), jnp.float32),
        scratch_shapes=[pltpu.VMEM((CAPP, D), jnp.float32)],
        compiler_params=pltpu.CompilerParams(
            dimension_semantics=("arbitrary", "arbitrary")),
    )(xall, W1, W2, W3, ws)


def _combine_body(ys_hbm, d0_hbm, d1_hbm, out_hbm, g0_v, g1_v, i0_v, i1_v,
                  sem0, sem1):
    wid = lax.axis_index("s") * NC + lax.axis_index("c")
    for half in range(2):
        base = wid * TPW + half * HC
        row, colb = base // 128, base % 128
        pltpu.sync_copy(d0_hbm.at[row, pl.ds(colb, HC)], i0_v.at[0])
        pltpu.sync_copy(d1_hbm.at[row, pl.ds(colb, HC)], i1_v.at[0])
        cp0 = pltpu.async_copy(ys_hbm.at[i0_v.at[0]], g0_v, sem0)
        cp1 = pltpu.async_copy(ys_hbm.at[i1_v.at[0]], g1_v, sem1)
        cp0.wait()
        cp1.wait()

        def tok(i, _):
            for j in range(D // 16):
                sl = pl.ds(j * 16, 16)
                g0_v[i, sl] = g0_v[i, sl] + g1_v[i, sl]
            return 0

        jax.lax.fori_loop(0, HC, tok, 0)
        pltpu.sync_copy(g0_v, out_hbm.at[0, pl.ds(base, HC)])


@functools.cache
def _get_combine():
    return pl.kernel(
        _combine_body,
        mesh=plsc.VectorSubcoreMesh(core_axis_name="c", subcore_axis_name="s"),
        out_type=jax.ShapeDtypeStruct((1, T, D), jnp.float32),
        scratch_types=[
            pltpu.VMEM((HC, D), jnp.float32),
            pltpu.VMEM((HC, D), jnp.float32),
            pltpu.VMEM((1, HC), jnp.int32),
            pltpu.VMEM((1, HC), jnp.int32),
            pltpu.SemaphoreType.DMA,
            pltpu.SemaphoreType.DMA,
        ],
    )


def kernel(x, Wg, bg, W1, W2, W3):
    b, s, d = x.shape
    bg2 = bg.reshape(1, E)
    d0, d1, cw0, cw1 = _route(x, Wg, bg2)
    xall, ws = _get_dispatch()(x, d0, d1, cw0, cw1)
    ys = _ffn(xall, W1, W2, W3, ws)
    return _get_combine()(ys, d0, d1)

# --- scband reference (transcript-rebuilt; emitter-appended) ---
"""Pipeline reference for scband-smo-e-56324201120511 (READ-ONLY COPY).

The authoritative reference and input builder live on the scoring server;
editing this copy changes nothing except your own understanding.
"""

import jax, jax.numpy as jnp
import numpy as np

DIM = 1024
HIDDEN = 2048
E = 8
TOP_K = 2
CAP_FACTOR = 1.25
ALPHA = 0.01
B, S = 1, 2048


def setup_inputs(seed: int = 0) -> dict:
    key = jax.random.key(seed)
    ks = jax.random.split(key, 7)
    x = jax.random.normal(ks[0], (B, S, DIM), dtype=jnp.float32)
    Wg = jax.random.normal(ks[1], (DIM, E), dtype=jnp.float32) * (1.0 / np.sqrt(DIM))
    bg = jnp.zeros((E,), dtype=jnp.float32)
    W1 = jax.random.normal(ks[2], (E, DIM, HIDDEN), dtype=jnp.float32) * (1.0 / np.sqrt(DIM))
    W2 = jax.random.normal(ks[3], (E, DIM, HIDDEN), dtype=jnp.float32) * (1.0 / np.sqrt(DIM))
    W3 = jax.random.normal(ks[4], (E, HIDDEN, DIM), dtype=jnp.float32) * (1.0 / np.sqrt(HIDDEN))
    return {"x": x, "Wg": Wg, "bg": bg, "W1": W1, "W2": W2, "W3": W3}


def reference(x, Wg, bg, W1, W2, W3):
    b, s, d = x.shape
    xf = x.reshape(-1, d)
    num_tokens = xf.shape[0]
    capacity = int(num_tokens / E * CAP_FACTOR)
    # gate (deterministic=True -> no noise)
    gate_logits = xf @ Wg + bg
    top_k_gate_logits, top_k_indices = jax.lax.top_k(gate_logits, k=TOP_K)
    top_k_label_list = jax.nn.one_hot(top_k_indices, num_classes=E)
    expert_label = jnp.sum(top_k_label_list, axis=1)                 # [T, E]
    cumsum_expert = jnp.cumsum(expert_label, axis=0)
    token_for_expert_seq = cumsum_expert * expert_label
    valid_routing_mask = (token_for_expert_seq > 0) & (token_for_expert_seq <= capacity)
    routing_weights = jax.nn.softmax(top_k_gate_logits, axis=-1)
    # dense expert compute (mathematically identical to masked-gather version:
    # non-routed tokens are zeroed by the mask, matching the zeros-init buffer)
    h = jnp.einsum('td,edh->eth', xf, W1)
    g = jnp.einsum('td,edh->eth', xf, W2)
    act = jax.nn.silu(h) * g
    expert_out = jnp.einsum('eth,ehd->etd', act, W3)                 # [E, T, d]
    is_chosen = jnp.any(top_k_indices[:, None, :] == jnp.arange(E)[None, :, None], axis=-1)  # [T, E]
    combined_mask = valid_routing_mask & is_chosen                   # [T, E]
    all_expert_output = jnp.transpose(expert_out, (1, 0, 2)) * combined_mask[:, :, None]
    indices_for_gather = jnp.expand_dims(top_k_indices, axis=-1)
    selected = jnp.take_along_axis(all_expert_output, indices_for_gather, axis=1)
    weighted = jnp.sum(routing_weights[..., None] * selected, axis=1)
    # aux loss (sowed in original; computed for faithfulness, not returned)
    token_per_expert = jnp.sum(expert_label, axis=0)
    all_w = jax.nn.softmax(gate_logits, axis=-1)
    f_i = token_per_expert / num_tokens
    p_i = jnp.mean(all_w, axis=0)
    _aux = ALPHA * E * jnp.sum(f_i * p_i)
    return weighted.reshape(b, s, d)

if __name__ == "__main__":
    import jax
    _d = setup_inputs()
    print(jax.jit(kernel)(*tuple(_d.values())))

</pallas_src>

<mosaic_0001>
#map = affine_map<(d0, d1) -> (0, 0, 0)>
#map1 = affine_map<(d0, d1) -> (0, 0)>
module attributes {stable_mosaic.version = 14 : i64} {
  func.func @_dispatch_body(%arg0: i32, %arg1: i32, %arg2: memref<1x2048x1024xf32, #tpu.memory_space<hbm>>, %arg3: memref<16x128xi32, #tpu.memory_space<hbm>>, %arg4: memref<16x128xi32, #tpu.memory_space<hbm>>, %arg5: memref<16x128xf32, #tpu.memory_space<hbm>>, %arg6: memref<16x128xf32, #tpu.memory_space<hbm>>, %arg7: memref<2624x1024xf32, #tpu.memory_space<hbm>>, %arg8: memref<2624x128xf32, #tpu.memory_space<hbm>>, %arg9: memref<64x1024xf32, #tpu.memory_space<vmem>>, %arg10: memref<1x64xi32, #tpu.memory_space<vmem>>, %arg11: memref<1x64xi32, #tpu.memory_space<vmem>>, %arg12: memref<80xf32, #tpu.memory_space<vmem>>, %arg13: memref<64x128xf32, #tpu.memory_space<vmem>>, %arg14: memref<64x128xf32, #tpu.memory_space<vmem>>, %arg15: memref<!tpu.dma_semaphore, #tpu.memory_space<semaphore_mem>>) attributes {dimension_semantics = [#tpu.dimension_semantics<core_parallel>, #tpu.dimension_semantics<subcore_parallel>], iteration_bounds = array<i64: 2, 16>, scalar_prefetch = 0 : i64, scratch_operands = 7 : i64, tpu.core_type = #tpu.core_type<sc_vector_subcore>, window_params = [{transform_indices = #map}, {transform_indices = #map1}, {transform_indices = #map1}, {transform_indices = #map1}, {transform_indices = #map1}, {transform_indices = #map1}, {transform_indices = #map1}]} {
    %mul3A = arith.constant 2 : i32
    %mul3A_0 = arith.muli %arg1, %mul3A : i32
    %add3A = arith.addi %mul3A_0, %arg0 : i32
    %mul3A_1 = arith.constant 64 : i32
    %mul3A_2 = arith.muli %add3A, %mul3A_1 : i32
    %run_scoped3A = arith.constant 0 : i32
    "tpu.region"() ({
      %run_scoped3A_1252 = tpu.sem_alloc : memref<!tpu.dma_semaphore, #tpu.memory_space<semaphore_mem>>
      %dma_start3A_1253 = arith.constant 0 : i32
      %dma_start3A_1254 = tpu.memref_slice %arg2[%run_scoped3A, %mul3A_2, %dma_start3A_1253] : memref<1x2048x1024xf32, #tpu.memory_space<hbm>> -> memref<1x64x1024xf32, #tpu.memory_space<hbm>>
      %dma_start3A_1255 = tpu.memref_squeeze %dma_start3A_1254 : memref<1x64x1024xf32, #tpu.memory_space<hbm>> -> memref<64x1024xf32, #tpu.memory_space<hbm>>
      %dma_start3A_1256 = arith.constant 0 : i32
      %dma_start3A_1257 = tpu.memref_slice %arg2[%run_scoped3A, %mul3A_2, %dma_start3A_1256] : memref<1x2048x1024xf32, #tpu.memory_space<hbm>> -> memref<1x64x1024xf32, #tpu.memory_space<hbm>>
      %dma_start3A_1258 = tpu.memref_squeeze %dma_start3A_1257 : memref<1x64x1024xf32, #tpu.memory_space<hbm>> -> memref<64x1024xf32, #tpu.memory_space<hbm>>
      tpu.enqueue_dma source(%dma_start3A_1258 : memref<64x1024xf32, #tpu.memory_space<hbm>>) target(%arg9 : memref<64x1024xf32, #tpu.memory_space<vmem>>) target_semaphore(%run_scoped3A_1252 : memref<!tpu.dma_semaphore, #tpu.memory_space<semaphore_mem>>)
      %dma_wait3A_1259 = arith.constant 0 : i32
      %dma_wait3A_1260 = tpu.memref_slice %arg2[%run_scoped3A, %mul3A_2, %dma_wait3A_1259] : memref<1x2048x1024xf32, #tpu.memory_space<hbm>> -> memref<1x64x1024xf32, #tpu.memory_space<hbm>>
      %dma_wait3A_1261 = tpu.memref_squeeze %dma_wait3A_1260 : memref<1x64x1024xf32, #tpu.memory_space<hbm>> -> memref<64x1024xf32, #tpu.memory_space<hbm>>
      %dma_wait3A_1262 = arith.constant 0 : i32
      %dma_wait3A_1263 = tpu.memref_slice %arg2[%run_scoped3A, %mul3A_2, %dma_wait3A_1262] : memref<1x2048x1024xf32, #tpu.memory_space<hbm>> -> memref<1x64x1024xf32, #tpu.memory_space<hbm>>
      %dma_wait3A_1264 = tpu.memref_squeeze %dma_wait3A_1263 : memref<1x64x1024xf32, #tpu.memory_space<hbm>> -> memref<64x1024xf32, #tpu.memory_space<hbm>>
      tpu.wait_dma2 semaphore(%run_scoped3A_1252 : memref<!tpu.dma_semaphore, #tpu.memory_space<semaphore_mem>>) src(%dma_wait3A_1264 : memref<64x1024xf32, #tpu.memory_space<hbm>>) dst(%arg9 : memref<64x1024xf32, #tpu.memory_space<vmem>>)
      tpu.yield
    }) : () -> ()
    %jit3A = arith.constant 2 : i32
    %div3A = arith.divsi %add3A, %jit3A : i32
    %sign3A = arith.constant 0 : i32
    %sign3A_3 = arith.cmpi sgt, %add3A, %sign3A : i32
    %sign3A_4 = arith.extui %sign3A_3 : i1 to i32
    %sign3A_5 = arith.constant 0 : i32
    %sign3A_6 = arith.cmpi slt, %add3A, %sign3A_5 : i32
    %sign3A_7 = arith.extui %sign3A_6 : i1 to i32
    %sign3A_8 = arith.subi %sign3A_4, %sign3A_7 : i32
    %sign3A_9 = arith.constant 0 : i32
    %sign3A_10 = arith.cmpi sgt, %jit3A, %sign3A_9 : i32
    %sign3A_11 = arith.extui %sign3A_10 : i1 to i32
    %sign3A_12 = arith.constant 0 : i32
    %sign3A_13 = arith.cmpi slt, %jit3A, %sign3A_12 : i32
    %sign3A_14 = arith.extui %sign3A_13 : i1 to i32
    %sign3A_15 = arith.subi %sign3A_11, %sign3A_14 : i32
    %ne3A = arith.cmpi ne, %sign3A_8, %sign3A_15 : i32
    %rem3A = arith.remsi %add3A, %jit3A : i32
    %ne3A_16 = arith.constant 0 : i32
    %ne3A_17 = arith.cmpi ne, %rem3A, %ne3A_16 : i32
    %and3A = arith.andi %ne3A, %ne3A_17 : i1
    %sub3A = arith.constant 1 : i32
    %sub3A_18 = arith.subi %div3A, %sub3A : i32
    %select_n3A = arith.select %and3A, %sub3A_18, %div3A : i32
    %jit3A_19 = arith.constant 2 : i32
    %eq3A = arith.constant 0 : i32
    %eq3A_20 = arith.cmpi eq, %jit3A_19, %eq3A : i32
    %jit3A_21 = arith.constant 1 : i32
    %select_n3A_22 = arith.select %eq3A_20, %jit3A_21, %jit3A_19 : i32
    %rem3A_23 = arith.remsi %add3A, %select_n3A_22 : i32
    %ne3A_24 = arith.constant 0 : i32
    %ne3A_25 = arith.cmpi ne, %rem3A_23, %ne3A_24 : i32
    %lt3A = arith.constant 0 : i32
    %lt3A_26 = arith.cmpi slt, %rem3A_23, %lt3A : i32
    %lt3A_27 = arith.constant 0 : i32
    %lt3A_28 = arith.cmpi slt, %select_n3A_22, %lt3A_27 : i32
    %ne3A_29 = arith.xori %lt3A_26, %lt3A_28 : i1
    %and3A_30 = arith.andi %ne3A_29, %ne3A_25 : i1
    %add3A_31 = arith.addi %rem3A_23, %select_n3A_22 : i32
    %select_n3A_32 = arith.select %and3A_30, %add3A_31, %rem3A_23 : i32
    %mul3A_33 = arith.constant 64 : i32
    %mul3A_34 = arith.muli %select_n3A_32, %mul3A_33 : i32
    %run_scoped3A_35 = arith.constant 0 : i32
    "tpu.region"() ({
      %run_scoped3A_1252 = tpu.sem_alloc : memref<!tpu.dma_semaphore, #tpu.memory_space<semaphore_mem>>
      %dma_start3A_1253 = arith.constant 0 : i32
      %dma_start3A_1254 = tpu.memref_slice %arg10[%run_scoped3A_35, %dma_start3A_1253] : memref<1x64xi32, #tpu.memory_space<vmem>> -> memref<1x64xi32, #tpu.memory_space<vmem>>
      %dma_start3A_1255 = tpu.memref_squeeze %dma_start3A_1254 : memref<1x64xi32, #tpu.memory_space<vmem>> -> memref<64xi32, #tpu.memory_space<vmem>>
      %dma_start3A_1256 = tpu.memref_slice %arg3[%select_n3A, %mul3A_34] : memref<16x128xi32, #tpu.memory_space<hbm>> -> memref<1x64xi32, #tpu.memory_space<hbm>>
      %dma_start3A_1257 = tpu.memref_squeeze %dma_start3A_1256 : memref<1x64xi32, #tpu.memory_space<hbm>> -> memref<64xi32, #tpu.memory_space<hbm>>
      %dma_start3A_1258 = arith.constant 0 : i32
      %dma_start3A_1259 = tpu.memref_slice %arg10[%run_scoped3A_35, %dma_start3A_1258] : memref<1x64xi32, #tpu.memory_space<vmem>> -> memref<1x64xi32, #tpu.memory_space<vmem>>
      %dma_start3A_1260 = tpu.memref_squeeze %dma_start3A_1259 : memref<1x64xi32, #tpu.memory_space<vmem>> -> memref<64xi32, #tpu.memory_space<vmem>>
      %dma_start3A_1261 = tpu.memref_slice %arg3[%select_n3A, %mul3A_34] : memref<16x128xi32, #tpu.memory_space<hbm>> -> memref<1x64xi32, #tpu.memory_space<hbm>>
      %dma_start3A_1262 = tpu.memref_squeeze %dma_start3A_1261 : memref<1x64xi32, #tpu.memory_space<hbm>> -> memref<64xi32, #tpu.memory_space<hbm>>
      tpu.enqueue_dma source(%dma_start3A_1262 : memref<64xi32, #tpu.memory_space<hbm>>) target(%dma_start3A_1260 : memref<64xi32, #tpu.memory_space<vmem>>) target_semaphore(%run_scoped3A_1252 : memref<!tpu.dma_semaphore, #tpu.memory_space<semaphore_mem>>)
      %dma_wait3A_1263 = arith.constant 0 : i32
      %dma_wait3A_1264 = tpu.memref_slice %arg10[%run_scoped3A_35, %dma_wait3A_1263] : memref<1x64xi32, #tpu.memory_space<vmem>> -> memref<1x64xi32, #tpu.memory_space<vmem>>
      %dma_wait3A_1265 = tpu.memref_squeeze %dma_wait3A_1264 : memref<1x64xi32, #tpu.memory_space<vmem>> -> memref<64xi32, #tpu.memory_space<vmem>>
      %dma_wait3A_1266 = tpu.memref_slice %arg3[%select_n3A, %mul3A_34] : memref<16x128xi32, #tpu.memory_space<hbm>> -> memref<1x64xi32, #tpu.memory_space<hbm>>
      %dma_wait3A_1267 = tpu.memref_squeeze %dma_wait3A_1266 : memref<1x64xi32, #tpu.memory_space<hbm>> -> memref<64xi32, #tpu.memory_space<hbm>>
      %dma_wait3A_1268 = arith.constant 0 : i32
      %dma_wait3A_1269 = tpu.memref_slice %arg10[%run_scoped3A_35, %dma_wait3A_1268] : memref<1x64xi32, #tpu.memory_space<vmem>> -> memref<1x64xi32, #tpu.memory_space<vmem>>
      %dma_wait3A_1270 = tpu.memref_squeeze %dma_wait3A_1269 : memref<1x64xi32, #tpu.memory_space<vmem>> -> memref<64xi32, #tpu.memory_space<vmem>>
      %dma_wait3A_1271 = tpu.memref_slice %arg3[%select_n3A, %mul3A_34] : memref<16x128xi32, #tpu.memory_space<hbm>> -> memref<1x64xi32, #tpu.memory_space<hbm>>
      %dma_wait3A_1272 = tpu.memref_squeeze %dma_wait3A_1271 : memref<1x64xi32, #tpu.memory_space<hbm>> -> memref<64xi32, #tpu.memory_space<hbm>>
      tpu.wait_dma2 semaphore(%run_scoped3A_1252 : memref<!tpu.dma_semaphore, #tpu.memory_space<semaphore_mem>>) src(%dma_wait3A_1272 : memref<64xi32, #tpu.memory_space<hbm>>) dst(%dma_wait3A_1270 : memref<64xi32, #tpu.memory_space<vmem>>)
      tpu.yield
    }) : () -> ()
    %run_scoped3A_36 = arith.constant 0 : i32
    "tpu.region"() ({
      %run_scoped3A_1252 = tpu.sem_alloc : memref<!tpu.dma_semaphore, #tpu.memory_space<semaphore_mem>>
      %dma_start3A_1253 = arith.constant 0 : i32
      %dma_start3A_1254 = tpu.memref_slice %arg11[%run_scoped3A_36, %dma_start3A_1253] : memref<1x64xi32, #tpu.memory_space<vmem>> -> memref<1x64xi32, #tpu.memory_space<vmem>>
      %dma_start3A_1255 = tpu.memref_squeeze %dma_start3A_1254 : memref<1x64xi32, #tpu.memory_space<vmem>> -> memref<64xi32, #tpu.memory_space<vmem>>
      %dma_start3A_1256 = tpu.memref_slice %arg4[%select_n3A, %mul3A_34] : memref<16x128xi32, #tpu.memory_space<hbm>> -> memref<1x64xi32, #tpu.memory_space<hbm>>
      %dma_start3A_1257 = tpu.memref_squeeze %dma_start3A_1256 : memref<1x64xi32, #tpu.memory_space<hbm>> -> memref<64xi32, #tpu.memory_space<hbm>>
      %dma_start3A_1258 = arith.constant 0 : i32
      %dma_start3A_1259 = tpu.memref_slice %arg11[%run_scoped3A_36, %dma_start3A_1258] : memref<1x64xi32, #tpu.memory_space<vmem>> -> memref<1x64xi32, #tpu.memory_space<vmem>>
      %dma_start3A_1260 = tpu.memref_squeeze %dma_start3A_1259 : memref<1x64xi32, #tpu.memory_space<vmem>> -> memref<64xi32, #tpu.memory_space<vmem>>
      %dma_start3A_1261 = tpu.memref_slice %arg4[%select_n3A, %mul3A_34] : memref<16x128xi32, #tpu.memory_space<hbm>> -> memref<1x64xi32, #tpu.memory_space<hbm>>
      %dma_start3A_1262 = tpu.memref_squeeze %dma_start3A_1261 : memref<1x64xi32, #tpu.memory_space<hbm>> -> memref<64xi32, #tpu.memory_space<hbm>>
      tpu.enqueue_dma source(%dma_start3A_1262 : memref<64xi32, #tpu.memory_space<hbm>>) target(%dma_start3A_1260 : memref<64xi32, #tpu.memory_space<vmem>>) target_semaphore(%run_scoped3A_1252 : memref<!tpu.dma_semaphore, #tpu.memory_space<semaphore_mem>>)
      %dma_wait3A_1263 = arith.constant 0 : i32
      %dma_wait3A_1264 = tpu.memref_slice %arg11[%run_scoped3A_36, %dma_wait3A_1263] : memref<1x64xi32, #tpu.memory_space<vmem>> -> memref<1x64xi32, #tpu.memory_space<vmem>>
      %dma_wait3A_1265 = tpu.memref_squeeze %dma_wait3A_1264 : memref<1x64xi32, #tpu.memory_space<vmem>> -> memref<64xi32, #tpu.memory_space<vmem>>
      %dma_wait3A_1266 = tpu.memref_slice %arg4[%select_n3A, %mul3A_34] : memref<16x128xi32, #tpu.memory_space<hbm>> -> memref<1x64xi32, #tpu.memory_space<hbm>>
      %dma_wait3A_1267 = tpu.memref_squeeze %dma_wait3A_1266 : memref<1x64xi32, #tpu.memory_space<hbm>> -> memref<64xi32, #tpu.memory_space<hbm>>
      %dma_wait3A_1268 = arith.constant 0 : i32
      %dma_wait3A_1269 = tpu.memref_slice %arg11[%run_scoped3A_36, %dma_wait3A_1268] : memref<1x64xi32, #tpu.memory_space<vmem>> -> memref<1x64xi32, #tpu.memory_space<vmem>>
      %dma_wait3A_1270 = tpu.memref_squeeze %dma_wait3A_1269 : memref<1x64xi32, #tpu.memory_space<vmem>> -> memref<64xi32, #tpu.memory_space<vmem>>
      %dma_wait3A_1271 = tpu.memref_slice %arg4[%select_n3A, %mul3A_34] : memref<16x128xi32, #tpu.memory_space<hbm>> -> memref<1x64xi32, #tpu.memory_space<hbm>>
      %dma_wait3A_1272 = tpu.memref_squeeze %dma_wait3A_1271 : memref<1x64xi32, #tpu.memory_space<hbm>> -> memref<64xi32, #tpu.memory_space<hbm>>
      tpu.wait_dma2 semaphore(%run_scoped3A_1252 : memref<!tpu.dma_semaphore, #tpu.memory_space<semaphore_mem>>) src(%dma_wait3A_1272 : memref<64xi32, #tpu.memory_space<hbm>>) dst(%dma_wait3A_1270 : memref<64xi32, #tpu.memory_space<vmem>>)
      tpu.yield
    }) : () -> ()
    %dma_start3A = arith.constant 0 : i32
    %dma_start3A_37 = arith.constant 0 : i32
    %dma_start3A_38 = tpu.memref_slice %arg10[%dma_start3A, %dma_start3A_37] : memref<1x64xi32, #tpu.memory_space<vmem>> -> memref<1x64xi32, #tpu.memory_space<vmem>>
    %dma_start3A_39 = tpu.memref_squeeze %dma_start3A_38 : memref<1x64xi32, #tpu.memory_space<vmem>> -> memref<64xi32, #tpu.memory_space<vmem>>
    %dma_start3A_40 = arith.constant 0 : i32
    %dma_start3A_41 = arith.constant 0 : i32
    %dma_start3A_42 = tpu.memref_slice %arg7[%dma_start3A_40, %dma_start3A_41] : memref<2624x1024xf32, #tpu.memory_space<hbm>> -> memref<2624x1024xf32, #tpu.memory_space<hbm>>
    tpu.enqueue_indirect_dma source(%arg9 : memref<64x1024xf32, #tpu.memory_space<vmem>>) target(%dma_start3A_42 : memref<2624x1024xf32, #tpu.memory_space<hbm>>) offsets(%dma_start3A_39 : memref<64xi32, #tpu.memory_space<vmem>>) semaphore(%arg15 : memref<!tpu.dma_semaphore, #tpu.memory_space<semaphore_mem>>)
    %dma_start3A_43 = arith.constant 0 : i32
    %dma_start3A_44 = arith.constant 0 : i32
    %dma_start3A_45 = tpu.memref_slice %arg11[%dma_start3A_43, %dma_start3A_44] : memref<1x64xi32, #tpu.memory_space<vmem>> -> memref<1x64xi32, #tpu.memory_space<vmem>>
    %dma_start3A_46 = tpu.memref_squeeze %dma_start3A_45 : memref<1x64xi32, #tpu.memory_space<vmem>> -> memref<64xi32, #tpu.memory_space<vmem>>
    %dma_start3A_47 = arith.constant 0 : i32
    %dma_start3A_48 = arith.constant 0 : i32
    %dma_start3A_49 = tpu.memref_slice %arg7[%dma_start3A_47, %dma_start3A_48] : memref<2624x1024xf32, #tpu.memory_space<hbm>> -> memref<2624x1024xf32, #tpu.memory_space<hbm>>
    tpu.enqueue_indirect_dma source(%arg9 : memref<64x1024xf32, #tpu.memory_space<vmem>>) target(%dma_start3A_49 : memref<2624x1024xf32, #tpu.memory_space<hbm>>) offsets(%dma_start3A_46 : memref<64xi32, #tpu.memory_space<vmem>>) semaphore(%arg15 : memref<!tpu.dma_semaphore, #tpu.memory_space<semaphore_mem>>)
    "tpu.region"() ({
      %run_scoped3A_1252 = tpu.sem_alloc : memref<!tpu.dma_semaphore, #tpu.memory_space<semaphore_mem>>
      %dma_start3A_1253 = arith.constant 0 : i32
      %dma_start3A_1254 = tpu.memref_slice %arg12[%dma_start3A_1253] : memref<80xf32, #tpu.memory_space<vmem>> -> memref<64xf32, #tpu.memory_space<vmem>>
      %dma_start3A_1255 = tpu.memref_slice %arg5[%select_n3A, %mul3A_34] : memref<16x128xf32, #tpu.memory_space<hbm>> -> memref<1x64xf32, #tpu.memory_space<hbm>>
      %dma_start3A_1256 = tpu.memref_squeeze %dma_start3A_1255 : memref<1x64xf32, #tpu.memory_space<hbm>> -> memref<64xf32, #tpu.memory_space<hbm>>
      %dma_start3A_1257 = arith.constant 0 : i32
      %dma_start3A_1258 = tpu.memref_slice %arg12[%dma_start3A_1257] : memref<80xf32, #tpu.memory_space<vmem>> -> memref<64xf32, #tpu.memory_space<vmem>>
      %dma_start3A_1259 = tpu.memref_slice %arg5[%select_n3A, %mul3A_34] : memref<16x128xf32, #tpu.memory_space<hbm>> -> memref<1x64xf32, #tpu.memory_space<hbm>>
      %dma_start3A_1260 = tpu.memref_squeeze %dma_start3A_1259 : memref<1x64xf32, #tpu.memory_space<hbm>> -> memref<64xf32, #tpu.memory_space<hbm>>
      tpu.enqueue_dma source(%dma_start3A_1260 : memref<64xf32, #tpu.memory_space<hbm>>) target(%dma_start3A_1258 : memref<64xf32, #tpu.memory_space<vmem>>) target_semaphore(%run_scoped3A_1252 : memref<!tpu.dma_semaphore, #tpu.memory_space<semaphore_mem>>)
      %dma_wait3A_1261 = arith.constant 0 : i32
      %dma_wait3A_1262 = tpu.memref_slice %arg12[%dma_wait3A_1261] : memref<80xf32, #tpu.memory_space<vmem>> -> memref<64xf32, #tpu.memory_space<vmem>>
      %dma_wait3A_1263 = tpu.memref_slice %arg5[%select_n3A, %mul3A_34] : memref<16x128xf32, #tpu.memory_space<hbm>> -> memref<1x64xf32, #tpu.memory_space<hbm>>
      %dma_wait3A_1264 = tpu.memref_squeeze %dma_wait3A_1263 : memref<1x64xf32, #tpu.memory_space<hbm>> -> memref<64xf32, #tpu.memory_space<hbm>>
      %dma_wait3A_1265 = arith.constant 0 : i32
      %dma_wait3A_1266 = tpu.memref_slice %arg12[%dma_wait3A_1265] : memref<80xf32, #tpu.memory_space<vmem>> -> memref<64xf32, #tpu.memory_space<vmem>>
      %dma_wait3A_1267 = tpu.memref_slice %arg5[%select_n3A, %mul3A_34] : memref<16x128xf32, #tpu.memory_space<hbm>> -> memref<1x64xf32, #tpu.memory_space<hbm>>
      %dma_wait3A_1268 = tpu.memref_squeeze %dma_wait3A_1267 : memref<1x64xf32, #tpu.memory_space<hbm>> -> memref<64xf32, #tpu.memory_space<hbm>>
      tpu.wait_dma2 semaphore(%run_scoped3A_1252 : memref<!tpu.dma_semaphore, #tpu.memory_space<semaphore_mem>>) src(%dma_wait3A_1268 : memref<64xf32, #tpu.memory_space<hbm>>) dst(%dma_wait3A_1266 : memref<64xf32, #tpu.memory_space<vmem>>)
      tpu.yield
    }) : () -> ()
    %broadcast_in_dim3A = arith.constant 0.000000e+00 : f32
    %broadcast_in_dim3A_50 = vector.broadcast %broadcast_in_dim3A : f32 to vector<16xf32>
    %swap3A = arith.constant 64 : index
    %swap3A_51 = tpu.vector_load %arg12[%swap3A] {strides = array<i32>} : memref<80xf32, #tpu.memory_space<vmem>>, vector<16xf32>,
    %swap3A_52 = vector.shape_cast %swap3A_51 : vector<16xf32> to vector<16xf32>
    %swap3A_53 = vector.shape_cast %broadcast_in_dim3A_50 : vector<16xf32> to vector<16xf32>
    tpu.vector_store %arg12[%swap3A], %swap3A_53 {strides = array<i32>} : memref<80xf32, #tpu.memory_space<vmem>>, vector<16xf32>,
    %get3A = arith.constant 0 : index
    %get3A_54 = tpu.vector_load %arg12[%get3A] {strides = array<i32>} : memref<80xf32, #tpu.memory_space<vmem>>, vector<16xf32>,
    %get3A_55 = vector.shape_cast %get3A_54 : vector<16xf32> to vector<16xf32>
    %swap3A_56 = arith.constant 0 : i32
    %swap3A_57 = arith.index_cast %swap3A_56 : i32 to index
    %swap3A_58 = arith.constant 0 : index
    %swap3A_59 = tpu.vector_load %arg13[%swap3A_57, %swap3A_58] {strides = array<i32>} : memref<64x128xf32, #tpu.memory_space<vmem>>, vector<1x16xf32>,
    %swap3A_60 = vector.shape_cast %swap3A_59 : vector<1x16xf32> to vector<16xf32>
    %swap3A_61 = vector.shape_cast %get3A_55 : vector<16xf32> to vector<1x16xf32>
    tpu.vector_store %arg13[%swap3A_57, %swap3A_58], %swap3A_61 {strides = array<i32>} : memref<64x128xf32, #tpu.memory_space<vmem>>, vector<1x16xf32>,
    %get3A_62 = arith.constant 1 : index
    %get3A_63 = tpu.vector_load %arg12[%get3A_62] {strides = array<i32>} : memref<80xf32, #tpu.memory_space<vmem>>, vector<16xf32>,
    %get3A_64 = vector.shape_cast %get3A_63 : vector<16xf32> to vector<16xf32>
    %swap3A_65 = arith.constant 1 : i32
    %swap3A_66 = arith.index_cast %swap3A_65 : i32 to index
    %swap3A_67 = arith.constant 0 : index
    %swap3A_68 = tpu.vector_load %arg13[%swap3A_66, %swap3A_67] {strides = array<i32>} : memref<64x128xf32, #tpu.memory_space<vmem>>, vector<1x16xf32>,
    %swap3A_69 = vector.shape_cast %swap3A_68 : vector<1x16xf32> to vector<16xf32>
    %swap3A_70 = vector.shape_cast %get3A_64 : vector<16xf32> to vector<1x16xf32>
    tpu.vector_store %arg13[%swap3A_66, %swap3A_67], %swap3A_70 {strides = array<i32>} : memref<64x128xf32, #tpu.memory_space<vmem>>, vector<1x16xf32>,
    %get3A_71 = arith.constant 2 : index
    %get3A_72 = tpu.vector_load %arg12[%get3A_71] {strides = array<i32>} : memref<80xf32, #tpu.memory_space<vmem>>, vector<16xf32>,
    %get3A_73 = vector.shape_cast %get3A_72 : vector<16xf32> to vector<16xf32>
    %swap3A_74 = arith.constant 2 : i32
    %swap3A_75 = arith.index_cast %swap3A_74 : i32 to index
    %swap3A_76 = arith.constant 0 : index
    %swap3A_77 = tpu.vector_load %arg13[%swap3A_75, %swap3A_76] {strides = array<i32>} : memref<64x128xf32, #tpu.memory_space<vmem>>, vector<1x16xf32>,
    %swap3A_78 = vector.shape_cast %swap3A_77 : vector<1x16xf32> to vector<16xf32>
    %swap3A_79 = vector.shape_cast %get3A_73 : vector<16xf32> to vector<1x16xf32>
    tpu.vector_store %arg13[%swap3A_75, %swap3A_76], %swap3A_79 {strides = array<i32>} : memref<64x128xf32, #tpu.memory_space<vmem>>, vector<1x16xf32>,
    %get3A_80 = arith.constant 3 : index
    %get3A_81 = tpu.vector_load %arg12[%get3A_80] {strides = array<i32>} : memref<80xf32, #tpu.memory_space<vmem>>, vector<16xf32>,
    %get3A_82 = vector.shape_cast %get3A_81 : vector<16xf32> to vector<16xf32>
    %swap3A_83 = arith.constant 3 : i32
    %swap3A_84 = arith.index_cast %swap3A_83 : i32 to index
    %swap3A_85 = arith.constant 0 : index
    %swap3A_86 = tpu.vector_load %arg13[%swap3A_84, %swap3A_85] {strides = array<i32>} : memref<64x128xf32, #tpu.memory_space<vmem>>, vector<1x16xf32>,
    %swap3A_87 = vector.shape_cast %swap3A_86 : vector<1x16xf32> to vector<16xf32>
    %swap3A_88 = vector.shape_cast %get3A_82 : vector<16xf32> to vector<1x16xf32>
    tpu.vector_store %arg13[%swap3A_84, %swap3A_85], %swap3A_88 {strides = array<i32>} : memref<64x128xf32, #tpu.memory_space<vmem>>, vector<1x16xf32>,
    %get3A_89 = arith.constant 4 : index
    %get3A_90 = tpu.vector_load %arg12[%get3A_89] {strides = array<i32>} : memref<80xf32, #tpu.memory_space<vmem>>, vector<16xf32>,
    %get3A_91 = vector.shape_cast %get3A_90 : vector<16xf32> to vector<16xf32>
    %swap3A_92 = arith.constant 4 : i32
    %swap3A_93 = arith.index_cast %swap3A_92 : i32 to index
    %swap3A_94 = arith.constant 0 : index
    %swap3A_95 = tpu.vector_load %arg13[%swap3A_93, %swap3A_94] {strides = array<i32>} : memref<64x128xf32, #tpu.memory_space<vmem>>, vector<1x16xf32>,
    %swap3A_96 = vector.shape_cast %swap3A_95 : vector<1x16xf32> to vector<16xf32>
    %swap3A_97 = vector.shape_cast %get3A_91 : vector<16xf32> to vector<1x16xf32>
    tpu.vector_store %arg13[%swap3A_93, %swap3A_94], %swap3A_97 {strides = array<i32>} : memref<64x128xf32, #tpu.memory_space<vmem>>, vector<1x16xf32>,
    %get3A_98 = arith.constant 5 : index
    %get3A_99 = tpu.vector_load %arg12[%get3A_98] {strides = array<i32>} : memref<80xf32, #tpu.memory_space<vmem>>, vector<16xf32>,
    %get3A_100 = vector.shape_cast %get3A_99 : vector<16xf32> to vector<16xf32>
    %swap3A_101 = arith.constant 5 : i32
    %swap3A_102 = arith.index_cast %swap3A_101 : i32 to index
    %swap3A_103 = arith.constant 0 : index
    %swap3A_104 = tpu.vector_load %arg13[%swap3A_102, %swap3A_103] {strides = array<i32>} : memref<64x128xf32, #tpu.memory_space<vmem>>, vector<1x16xf32>,
    %swap3A_105 = vector.shape_cast %swap3A_104 : vector<1x16xf32> to vector<16xf32>
    %swap3A_106 = vector.shape_cast %get3A_100 : vector<16xf32> to vector<1x16xf32>
    tpu.vector_store %arg13[%swap3A_102, %swap3A_103], %swap3A_106 {strides = array<i32>} : memref<64x128xf32, #tpu.memory_space<vmem>>, vector<1x16xf32>,
    %get3A_107 = arith.constant 6 : index
    %get3A_108 = tpu.vector_load %arg12[%get3A_107] {strides = array<i32>} : memref<80xf32, #tpu.memory_space<vmem>>, vector<16xf32>,
    %get3A_109 = vector.shape_cast %get3A_108 : vector<16xf32> to vector<16xf32>
    %swap3A_110 = arith.constant 6 : i32
    %swap3A_111 = arith.index_cast %swap3A_110 : i32 to index
    %swap3A_112 = arith.constant 0 : index
    %swap3A_113 = tpu.vector_load %arg13[%swap3A_111, %swap3A_112] {strides = array<i32>} : memref<64x128xf32, #tpu.memory_space<vmem>>, vector<1x16xf32>,
    %swap3A_114 = vector.shape_cast %swap3A_113 : vector<1x16xf32> to vector<16xf32>
    %swap3A_115 = vector.shape_cast %get3A_109 : vector<16xf32> to vector<1x16xf32>
    tpu.vector_store %arg13[%swap3A_111, %swap3A_112], %swap3A_115 {strides = array<i32>} : memref<64x128xf32, #tpu.memory_space<vmem>>, vector<1x16xf32>,
    %get3A_116 = arith.constant 7 : index
    %get3A_117 = tpu.vector_load %arg12[%get3A_116] {strides = array<i32>} : memref<80xf32, #tpu.memory_space<vmem>>, vector<16xf32>,
    %get3A_118 = vector.shape_cast %get3A_117 : vector<16xf32> to vector<16xf32>
    %swap3A_119 = arith.constant 7 : i32
    %swap3A_120 = arith.index_cast %swap3A_119 : i32 to index
    %swap3A_121 = arith.constant 0 : index
    %swap3A_122 = tpu.vector_load %arg13[%swap3A_120, %swap3A_121] {strides = array<i32>} : memref<64x128xf32, #tpu.memory_space<vmem>>, vector<1x16xf32>,
    %swap3A_123 = vector.shape_cast %swap3A_122 : vector<1x16xf32> to vector<16xf32>
    %swap3A_124 = vector.shape_cast %get3A_118 : vector<16xf32> to vector<1x16xf32>
    tpu.vector_store %arg13[%swap3A_120, %swap3A_121], %swap3A_124 {strides = array<i32>} : memref<64x128xf32, #tpu.memory_space<vmem>>, vector<1x16xf32>,
    %get3A_125 = arith.constant 8 : index
    %get3A_126 = tpu.vector_load %arg12[%get3A_125] {strides = array<i32>} : memref<80xf32, #tpu.memory_space<vmem>>, vector<16xf32>,
    %get3A_127 = vector.shape_cast %get3A_126 : vector<16xf32> to vector<16xf32>
    %swap3A_128 = arith.constant 8 : i32
    %swap3A_129 = arith.index_cast %swap3A_128 : i32 to index
    %swap3A_130 = arith.constant 0 : index
    %swap3A_131 = tpu.vector_load %arg13[%swap3A_129, %swap3A_130] {strides = array<i32>} : memref<64x128xf32, #tpu.memory_space<vmem>>, vector<1x16xf32>,
    %swap3A_132 = vector.shape_cast %swap3A_131 : vector<1x16xf32> to vector<16xf32>
    %swap3A_133 = vector.shape_cast %get3A_127 : vector<16xf32> to vector<1x16xf32>
    tpu.vector_store %arg13[%swap3A_129, %swap3A_130], %swap3A_133 {strides = array<i32>} : memref<64x128xf32, #tpu.memory_space<vmem>>, vector<1x16xf32>,
    %get3A_134 = arith.constant 9 : index
    %get3A_135 = tpu.vector_load %arg12[%get3A_134] {strides = array<i32>} : memref<80xf32, #tpu.memory_space<vmem>>, vector<16xf32>,
    %get3A_136 = vector.shape_cast %get3A_135 : vector<16xf32> to vector<16xf32>
    %swap3A_137 = arith.constant 9 : i32
    %swap3A_138 = arith.index_cast %swap3A_137 : i32 to index
    %swap3A_139 = arith.constant 0 : index
    %swap3A_140 = tpu.vector_load %arg13[%swap3A_138, %swap3A_139] {strides = array<i32>} : memref<64x128xf32, #tpu.memory_space<vmem>>, vector<1x16xf32>,
    %swap3A_141 = vector.shape_cast %swap3A_140 : vector<1x16xf32> to vector<16xf32>
    %swap3A_142 = vector.shape_cast %get3A_136 : vector<16xf32> to vector<1x16xf32>
    tpu.vector_store %arg13[%swap3A_138, %swap3A_139], %swap3A_142 {strides = array<i32>} : memref<64x128xf32, #tpu.memory_space<vmem>>, vector<1x16xf32>,
    %get3A_143 = arith.constant 10 : index
    %get3A_144 = tpu.vector_load %arg12[%get3A_143] {strides = array<i32>} : memref<80xf32, #tpu.memory_space<vmem>>, vector<16xf32>,
    %get3A_145 = vector.shape_cast %get3A_144 : vector<16xf32> to vector<16xf32>
    %swap3A_146 = arith.constant 10 : i32
    %swap3A_147 = arith.index_cast %swap3A_146 : i32 to index
    %swap3A_148 = arith.constant 0 : index
    %swap3A_149 = tpu.vector_load %arg13[%swap3A_147, %swap3A_148] {strides = array<i32>} : memref<64x128xf32, #tpu.memory_space<vmem>>, vector<1x16xf32>,
    %swap3A_150 = vector.shape_cast %swap3A_149 : vector<1x16xf32> to vector<16xf32>
    %swap3A_151 = vector.shape_cast %get3A_145 : vector<16xf32> to vector<1x16xf32>
    tpu.vector_store %arg13[%swap3A_147, %swap3A_148], %swap3A_151 {strides = array<i32>} : memref<64x128xf32, #tpu.memory_space<vmem>>, vector<1x16xf32>,
    %get3A_152 = arith.constant 11 : index
    %get3A_153 = tpu.vector_load %arg12[%get3A_152] {strides = array<i32>} : memref<80xf32, #tpu.memory_space<vmem>>, vector<16xf32>,
    %get3A_154 = vector.shape_cast %get3A_153 : vector<16xf32> to vector<16xf32>
    %swap3A_155 = arith.constant 11 : i32
    %swap3A_156 = arith.index_cast %swap3A_155 : i32 to index
    %swap3A_157 = arith.constant 0 : index
    %swap3A_158 = tpu.vector_load %arg13[%swap3A_156, %swap3A_157] {strides = array<i32>} : memref<64x128xf32, #tpu.memory_space<vmem>>, vector<1x16xf32>,
    %swap3A_159 = vector.shape_cast %swap3A_158 : vector<1x16xf32> to vector<16xf32>
    %swap3A_160 = vector.shape_cast %get3A_154 : vector<16xf32> to vector<1x16xf32>
    tpu.vector_store %arg13[%swap3A_156, %swap3A_157], %swap3A_160 {strides = array<i32>} : memref<64x128xf32, #tpu.memory_space<vmem>>, vector<1x16xf32>,
    %get3A_161 = arith.constant 12 : index
    %get3A_162 = tpu.vector_load %arg12[%get3A_161] {strides = array<i32>} : memref<80xf32, #tpu.memory_space<vmem>>, vector<16xf32>,
    %get3A_163 = vector.shape_cast %get3A_162 : vector<16xf32> to vector<16xf32>
    %swap3A_164 = arith.constant 12 : i32
    %swap3A_165 = arith.index_cast %swap3A_164 : i32 to index
    %swap3A_166 = arith.constant 0 : index
    %swap3A_167 = tpu.vector_load %arg13[%swap3A_165, %swap3A_166] {strides = array<i32>} : memref<64x128xf32, #tpu.memory_space<vmem>>, vector<1x16xf32>,
    %swap3A_168 = vector.shape_cast %swap3A_167 : vector<1x16xf32> to vector<16xf32>
    %swap3A_169 = vector.shape_cast %get3A_163 : vector<16xf32> to vector<1x16xf32>
    tpu.vector_store %arg13[%swap3A_165, %swap3A_166], %swap3A_169 {strides = array<i32>} : memref<64x128xf32, #tpu.memory_space<vmem>>, vector<1x16xf32>,
    %get3A_170 = arith.constant 13 : index
    %get3A_171 = tpu.vector_load %arg12[%get3A_170] {strides = array<i32>} : memref<80xf32, #tpu.memory_space<vmem>>, vector<16xf32>,
    %get3A_172 = vector.shape_cast %get3A_171 : vector<16xf32> to vector<16xf32>
    %swap3A_173 = arith.constant 13 : i32
    %swap3A_174 = arith.index_cast %swap3A_173 : i32 to index
    %swap3A_175 = arith.constant 0 : index
    %swap3A_176 = tpu.vector_load %arg13[%swap3A_174, %swap3A_175] {strides = array<i32>} : memref<64x128xf32, #tpu.memory_space<vmem>>, vector<1x16xf32>,
    %swap3A_177 = vector.shape_cast %swap3A_176 : vector<1x16xf32> to vector<16xf32>
    %swap3A_178 = vector.shape_cast %get3A_172 : vector<16xf32> to vector<1x16xf32>
    tpu.vector_store %arg13[%swap3A_174, %swap3A_175], %swap3A_178 {strides = array<i32>} : memref<64x128xf32, #tpu.memory_space<vmem>>, vector<1x16xf32>,
    %get3A_179 = arith.constant 14 : index
    %get3A_180 = tpu.vector_load %arg12[%get3A_179] {strides = array<i32>} : memref<80xf32, #tpu.memory_space<vmem>>, vector<16xf32>,
    %get3A_181 = vector.shape_cast %get3A_180 : vector<16xf32> to vector<16xf32>
    %swap3A_182 = arith.constant 14 : i32
    %swap3A_183 = arith.index_cast %swap3A_182 : i32 to index
    %swap3A_184 = arith.constant 0 : index
    %swap3A_185 = tpu.vector_load %arg13[%swap3A_183, %swap3A_184] {strides = array<i32>} : memref<64x128xf32, #tpu.memory_space<vmem>>, vector<1x16xf32>,
    %swap3A_186 = vector.shape_cast %swap3A_185 : vector<1x16xf32> to vector<16xf32>
    %swap3A_187 = vector.shape_cast %get3A_181 : vector<16xf32> to vector<1x16xf32>
    tpu.vector_store %arg13[%swap3A_183, %swap3A_184], %swap3A_187 {strides = array<i32>} : memref<64x128xf32, #tpu.memory_space<vmem>>, vector<1x16xf32>,
    %get3A_188 = arith.constant 15 : index
    %get3A_189 = tpu.vector_load %arg12[%get3A_188] {strides = array<i32>} : memref<80xf32, #tpu.memory_space<vmem>>, vector<16xf32>,
    %get3A_190 = vector.shape_cast %get3A_189 : vector<16xf32> to vector<16xf32>
    %swap3A_191 = arith.constant 15 : i32
    %swap3A_192 = arith.index_cast %swap3A_191 : i32 to index
    %swap3A_193 = arith.constant 0 : index
    %swap3A_194 = tpu.vector_load %arg13[%swap3A_192, %swap3A_193] {strides = array<i32>} : memref<64x128xf32, #tpu.memory_space<vmem>>, vector<1x16xf32>,
    %swap3A_195 = vector.shape_cast %swap3A_194 : vector<1x16xf32> to vector<16xf32>
    %swap3A_196 = vector.shape_cast %get3A_190 : vector<16xf32> to vector<1x16xf32>
    tpu.vector_store %arg13[%swap3A_192, %swap3A_193], %swap3A_196 {strides = array<i32>} : memref<64x128xf32, #tpu.memory_space<vmem>>, vector<1x16xf32>,
    %get3A_197 = arith.constant 16 : index
    %get3A_198 = tpu.vector_load %arg12[%get3A_197] {strides = array<i32>} : memref<80xf32, #tpu.memory_space<vmem>>, vector<16xf32>,
    %get3A_199 = vector.shape_cast %get3A_198 : vector<16xf32> to vector<16xf32>
    %swap3A_200 = arith.constant 16 : i32
    %swap3A_201 = arith.index_cast %swap3A_200 : i32 to index
    %swap3A_202 = arith.constant 0 : index
    %swap3A_203 = tpu.vector_load %arg13[%swap3A_201, %swap3A_202] {strides = array<i32>} : memref<64x128xf32, #tpu.memory_space<vmem>>, vector<1x16xf32>,
    %swap3A_204 = vector.shape_cast %swap3A_203 : vector<1x16xf32> to vector<16xf32>
    %swap3A_205 = vector.shape_cast %get3A_199 : vector<16xf32> to vector<1x16xf32>
    tpu.vector_store %arg13[%swap3A_201, %swap3A_202], %swap3A_205 {strides = array<i32>} : memref<64x128xf32, #tpu.memory_space<vmem>>, vector<1x16xf32>,
    %get3A_206 = arith.constant 17 : index
    %get3A_207 = tpu.vector_load %arg12[%get3A_206] {strides = array<i32>} : memref<80xf32, #tpu.memory_space<vmem>>, vector<16xf32>,
    %get3A_208 = vector.shape_cast %get3A_207 : vector<16xf32> to vector<16xf32>
    %swap3A_209 = arith.constant 17 : i32
    %swap3A_210 = arith.index_cast %swap3A_209 : i32 to index
    %swap3A_211 = arith.constant 0 : index
    %swap3A_212 = tpu.vector_load %arg13[%swap3A_210, %swap3A_211] {strides = array<i32>} : memref<64x128xf32, #tpu.memory_space<vmem>>, vector<1x16xf32>,
    %swap3A_213 = vector.shape_cast %swap3A_212 : vector<1x16xf32> to vector<16xf32>
    %swap3A_214 = vector.shape_cast %get3A_208 : vector<16xf32> to vector<1x16xf32>
    tpu.vector_store %arg13[%swap3A_210, %swap3A_211], %swap3A_214 {strides = array<i32>} : memref<64x128xf32, #tpu.memory_space<vmem>>, vector<1x16xf32>,
    %get3A_215 = arith.constant 18 : index
    %get3A_216 = tpu.vector_load %arg12[%get3A_215] {strides = array<i32>} : memref<80xf32, #tpu.memory_space<vmem>>, vector<16xf32>,
    %get3A_217 = vector.shape_cast %get3A_216 : vector<16xf32> to vector<16xf32>
    %swap3A_218 = arith.constant 18 : i32
    %swap3A_219 = arith.index_cast %swap3A_218 : i32 to index
    %swap3A_220 = arith.constant 0 : index
    %swap3A_221 = tpu.vector_load %arg13[%swap3A_219, %swap3A_220] {strides = array<i32>} : memref<64x128xf32, #tpu.memory_space<vmem>>, vector<1x16xf32>,
    %swap3A_222 = vector.shape_cast %swap3A_221 : vector<1x16xf32> to vector<16xf32>
    %swap3A_223 = vector.shape_cast %get3A_217 : vector<16xf32> to vector<1x16xf32>
    tpu.vector_store %arg13[%swap3A_219, %swap3A_220], %swap3A_223 {strides = array<i32>} : memref<64x128xf32, #tpu.memory_space<vmem>>, vector<1x16xf32>,
    %get3A_224 = arith.constant 19 : index
    %get3A_225 = tpu.vector_load %arg12[%get3A_224] {strides = array<i32>} : memref<80xf32, #tpu.memory_space<vmem>>, vector<16xf32>,
    %get3A_226 = vector.shape_cast %get3A_225 : vector<16xf32> to vector<16xf32>
    %swap3A_227 = arith.constant 19 : i32
    %swap3A_228 = arith.index_cast %swap3A_227 : i32 to index
    %swap3A_229 = arith.constant 0 : index
    %swap3A_230 = tpu.vector_load %arg13[%swap3A_228, %swap3A_229] {strides = array<i32>} : memref<64x128xf32, #tpu.memory_space<vmem>>, vector<1x16xf32>,
    %swap3A_231 = vector.shape_cast %swap3A_230 : vector<1x16xf32> to vector<16xf32>
    %swap3A_232 = vector.shape_cast %get3A_226 : vector<16xf32> to vector<1x16xf32>
    tpu.vector_store %arg13[%swap3A_228, %swap3A_229], %swap3A_232 {strides = array<i32>} : memref<64x128xf32, #tpu.memory_space<vmem>>, vector<1x16xf32>,
    %get3A_233 = arith.constant 20 : index
    %get3A_234 = tpu.vector_load %arg12[%get3A_233] {strides = array<i32>} : memref<80xf32, #tpu.memory_space<vmem>>, vector<16xf32>,
    %get3A_235 = vector.shape_cast %get3A_234 : vector<16xf32> to vector<16xf32>
    %swap3A_236 = arith.constant 20 : i32
    %swap3A_237 = arith.index_cast %swap3A_236 : i32 to index
    %swap3A_238 = arith.constant 0 : index
    %swap3A_239 = tpu.vector_load %arg13[%swap3A_237, %swap3A_238] {strides = array<i32>} : memref<64x128xf32, #tpu.memory_space<vmem>>, vector<1x16xf32>,
    %swap3A_240 = vector.shape_cast %swap3A_239 : vector<1x16xf32> to vector<16xf32>
    %swap3A_241 = vector.shape_cast %get3A_235 : vector<16xf32> to vector<1x16xf32>
    tpu.vector_store %arg13[%swap3A_237, %swap3A_238], %swap3A_241 {strides = array<i32>} : memref<64x128xf32, #tpu.memory_space<vmem>>, vector<1x16xf32>,
    %get3A_242 = arith.constant 21 : index
    %get3A_243 = tpu.vector_load %arg12[%get3A_242] {strides = array<i32>} : memref<80xf32, #tpu.memory_space<vmem>>, vector<16xf32>,
    %get3A_244 = vector.shape_cast %get3A_243 : vector<16xf32> to vector<16xf32>
    %swap3A_245 = arith.constant 21 : i32
    %swap3A_246 = arith.index_cast %swap3A_245 : i32 to index
    %swap3A_247 = arith.constant 0 : index
    %swap3A_248 = tpu.vector_load %arg13[%swap3A_246, %swap3A_247] {strides = array<i32>} : memref<64x128xf32, #tpu.memory_space<vmem>>, vector<1x16xf32>,
    %swap3A_249 = vector.shape_cast %swap3A_248 : vector<1x16xf32> to vector<16xf32>
    %swap3A_250 = vector.shape_cast %get3A_244 : vector<16xf32> to vector<1x16xf32>
    tpu.vector_store %arg13[%swap3A_246, %swap3A_247], %swap3A_250 {strides = array<i32>} : memref<64x128xf32, #tpu.memory_space<vmem>>, vector<1x16xf32>,
    %get3A_251 = arith.constant 22 : index
    %get3A_252 = tpu.vector_load %arg12[%get3A_251] {strides = array<i32>} : memref<80xf32, #tpu.memory_space<vmem>>, vector<16xf32>,
    %get3A_253 = vector.shape_cast %get3A_252 : vector<16xf32> to vector<16xf32>
    %swap3A_254 = arith.constant 22 : i32
    %swap3A_255 = arith.index_cast %swap3A_254 : i32 to index
    %swap3A_256 = arith.constant 0 : index
    %swap3A_257 = tpu.vector_load %arg13[%swap3A_255, %swap3A_256] {strides = array<i32>} : memref<64x128xf32, #tpu.memory_space<vmem>>, vector<1x16xf32>,
    %swap3A_258 = vector.shape_cast %swap3A_257 : vector<1x16xf32> to vector<16xf32>
    %swap3A_259 = vector.shape_cast %get3A_253 : vector<16xf32> to vector<1x16xf32>
    tpu.vector_store %arg13[%swap3A_255, %swap3A_256], %swap3A_259 {strides = array<i32>} : memref<64x128xf32, #tpu.memory_space<vmem>>, vector<1x16xf32>,
    %get3A_260 = arith.constant 23 : index
    %get3A_261 = tpu.vector_load %arg12[%get3A_260] {strides = array<i32>} : memref<80xf32, #tpu.memory_space<vmem>>, vector<16xf32>,
    %get3A_262 = vector.shape_cast %get3A_261 : vector<16xf32> to vector<16xf32>
    %swap3A_263 = arith.constant 23 : i32
    %swap3A_264 = arith.index_cast %swap3A_263 : i32 to index
    %swap3A_265 = arith.constant 0 : index
    %swap3A_266 = tpu.vector_load %arg13[%swap3A_264, %swap3A_265] {strides = array<i32>} : memref<64x128xf32, #tpu.memory_space<vmem>>, vector<1x16xf32>,
    %swap3A_267 = vector.shape_cast %swap3A_266 : vector<1x16xf32> to vector<16xf32>
    %swap3A_268 = vector.shape_cast %get3A_262 : vector<16xf32> to vector<1x16xf32>
    tpu.vector_store %arg13[%swap3A_264, %swap3A_265], %swap3A_268 {strides = array<i32>} : memref<64x128xf32, #tpu.memory_space<vmem>>, vector<1x16xf32>,
    %get3A_269 = arith.constant 24 : index
    %get3A_270 = tpu.vector_load %arg12[%get3A_269] {strides = array<i32>} : memref<80xf32, #tpu.memory_space<vmem>>, vector<16xf32>,
    %get3A_271 = vector.shape_cast %get3A_270 : vector<16xf32> to vector<16xf32>
    %swap3A_272 = arith.constant 24 : i32
    %swap3A_273 = arith.index_cast %swap3A_272 : i32 to index
    %swap3A_274 = arith.constant 0 : index
    %swap3A_275 = tpu.vector_load %arg13[%swap3A_273, %swap3A_274] {strides = array<i32>} : memref<64x128xf32, #tpu.memory_space<vmem>>, vector<1x16xf32>,
    %swap3A_276 = vector.shape_cast %swap3A_275 : vector<1x16xf32> to vector<16xf32>
    %swap3A_277 = vector.shape_cast %get3A_271 : vector<16xf32> to vector<1x16xf32>
    tpu.vector_store %arg13[%swap3A_273, %swap3A_274], %swap3A_277 {strides = array<i32>} : memref<64x128xf32, #tpu.memory_space<vmem>>, vector<1x16xf32>,
    %get3A_278 = arith.constant 25 : index
    %get3A_279 = tpu.vector_load %arg12[%get3A_278] {strides = array<i32>} : memref<80xf32, #tpu.memory_space<vmem>>, vector<16xf32>,
    %get3A_280 = vector.shape_cast %get3A_279 : vector<16xf32> to vector<16xf32>
    %swap3A_281 = arith.constant 25 : i32
    %swap3A_282 = arith.index_cast %swap3A_281 : i32 to index
    %swap3A_283 = arith.constant 0 : index
    %swap3A_284 = tpu.vector_load %arg13[%swap3A_282, %swap3A_283] {strides = array<i32>} : memref<64x128xf32, #tpu.memory_space<vmem>>, vector<1x16xf32>,
    %swap3A_285 = vector.shape_cast %swap3A_284 : vector<1x16xf32> to vector<16xf32>
    %swap3A_286 = vector.shape_cast %get3A_280 : vector<16xf32> to vector<1x16xf32>
    tpu.vector_store %arg13[%swap3A_282, %swap3A_283], %swap3A_286 {strides = array<i32>} : memref<64x128xf32, #tpu.memory_space<vmem>>, vector<1x16xf32>,
    %get3A_287 = arith.constant 26 : index
    %get3A_288 = tpu.vector_load %arg12[%get3A_287] {strides = array<i32>} : memref<80xf32, #tpu.memory_space<vmem>>, vector<16xf32>,
    %get3A_289 = vector.shape_cast %get3A_288 : vector<16xf32> to vector<16xf32>
    %swap3A_290 = arith.constant 26 : i32
    %swap3A_291 = arith.index_cast %swap3A_290 : i32 to index
    %swap3A_292 = arith.constant 0 : index
    %swap3A_293 = tpu.vector_load %arg13[%swap3A_291, %swap3A_292] {strides = array<i32>} : memref<64x128xf32, #tpu.memory_space<vmem>>, vector<1x16xf32>,
    %swap3A_294 = vector.shape_cast %swap3A_293 : vector<1x16xf32> to vector<16xf32>
    %swap3A_295 = vector.shape_cast %get3A_289 : vector<16xf32> to vector<1x16xf32>
    tpu.vector_store %arg13[%swap3A_291, %swap3A_292], %swap3A_295 {strides = array<i32>} : memref<64x128xf32, #tpu.memory_space<vmem>>, vector<1x16xf32>,
    %get3A_296 = arith.constant 27 : index
    %get3A_297 = tpu.vector_load %arg12[%get3A_296] {strides = array<i32>} : memref<80xf32, #tpu.memory_space<vmem>>, vector<16xf32>,
    %get3A_298 = vector.shape_cast %get3A_297 : vector<16xf32> to vector<16xf32>
    %swap3A_299 = arith.constant 27 : i32
    %swap3A_300 = arith.index_cast %swap3A_299 : i32 to index
    %swap3A_301 = arith.constant 0 : index
    %swap3A_302 = tpu.vector_load %arg13[%swap3A_300, %swap3A_301] {strides = array<i32>} : memref<64x128xf32, #tpu.memory_space<vmem>>, vector<1x16xf32>,
    %swap3A_303 = vector.shape_cast %swap3A_302 : vector<1x16xf32> to vector<16xf32>
    %swap3A_304 = vector.shape_cast %get3A_298 : vector<16xf32> to vector<1x16xf32>
    tpu.vector_store %arg13[%swap3A_300, %swap3A_301], %swap3A_304 {strides = array<i32>} : memref<64x128xf32, #tpu.memory_space<vmem>>, vector<1x16xf32>,
    %get3A_305 = arith.constant 28 : index
    %get3A_306 = tpu.vector_load %arg12[%get3A_305] {strides = array<i32>} : memref<80xf32, #tpu.memory_space<vmem>>, vector<16xf32>,
    %get3A_307 = vector.shape_cast %get3A_306 : vector<16xf32> to vector<16xf32>
    %swap3A_308 = arith.constant 28 : i32
    %swap3A_309 = arith.index_cast %swap3A_308 : i32 to index
    %swap3A_310 = arith.constant 0 : index
    %swap3A_311 = tpu.vector_load %arg13[%swap3A_309, %swap3A_310] {strides = array<i32>} : memref<64x128xf32, #tpu.memory_space<vmem>>, vector<1x16xf32>,
    %swap3A_312 = vector.shape_cast %swap3A_311 : vector<1x16xf32> to vector<16xf32>
    %swap3A_313 = vector.shape_cast %get3A_307 : vector<16xf32> to vector<1x16xf32>
    tpu.vector_store %arg13[%swap3A_309, %swap3A_310], %swap3A_313 {strides = array<i32>} : memref<64x128xf32, #tpu.memory_space<vmem>>, vector<1x16xf32>,
    %get3A_314 = arith.constant 29 : index
    %get3A_315 = tpu.vector_load %arg12[%get3A_314] {strides = array<i32>} : memref<80xf32, #tpu.memory_space<vmem>>, vector<16xf32>,
    %get3A_316 = vector.shape_cast %get3A_315 : vector<16xf32> to vector<16xf32>
    %swap3A_317 = arith.constant 29 : i32
    %swap3A_318 = arith.index_cast %swap3A_317 : i32 to index
    %swap3A_319 = arith.constant 0 : index
    %swap3A_320 = tpu.vector_load %arg13[%swap3A_318, %swap3A_319] {strides = array<i32>} : memref<64x128xf32, #tpu.memory_space<vmem>>, vector<1x16xf32>,
    %swap3A_321 = vector.shape_cast %swap3A_320 : vector<1x16xf32> to vector<16xf32>
    %swap3A_322 = vector.shape_cast %get3A_316 : vector<16xf32> to vector<1x16xf32>
    tpu.vector_store %arg13[%swap3A_318, %swap3A_319], %swap3A_322 {strides = array<i32>} : memref<64x128xf32, #tpu.memory_space<vmem>>, vector<1x16xf32>,
    %get3A_323 = arith.constant 30 : index
    %get3A_324 = tpu.vector_load %arg12[%get3A_323] {strides = array<i32>} : memref<80xf32, #tpu.memory_space<vmem>>, vector<16xf32>,
    %get3A_325 = vector.shape_cast %get3A_324 : vector<16xf32> to vector<16xf32>
    %swap3A_326 = arith.constant 30 : i32
    %swap3A_327 = arith.index_cast %swap3A_326 : i32 to index
    %swap3A_328 = arith.constant 0 : index
    %swap3A_329 = tpu.vector_load %arg13[%swap3A_327, %swap3A_328] {strides = array<i32>} : memref<64x128xf32, #tpu.memory_space<vmem>>, vector<1x16xf32>,
    %swap3A_330 = vector.shape_cast %swap3A_329 : vector<1x16xf32> to vector<16xf32>
    %swap3A_331 = vector.shape_cast %get3A_325 : vector<16xf32> to vector<1x16xf32>
    tpu.vector_store %arg13[%swap3A_327, %swap3A_328], %swap3A_331 {strides = array<i32>} : memref<64x128xf32, #tpu.memory_space<vmem>>, vector<1x16xf32>,
    %get3A_332 = arith.constant 31 : index
    %get3A_333 = tpu.vector_load %arg12[%get3A_332] {strides = array<i32>} : memref<80xf32, #tpu.memory_space<vmem>>, vector<16xf32>,
    %get3A_334 = vector.shape_cast %get3A_333 : vector<16xf32> to vector<16xf32>
    %swap3A_335 = arith.constant 31 : i32
    %swap3A_336 = arith.index_cast %swap3A_335 : i32 to index
    %swap3A_337 = arith.constant 0 : index
    %swap3A_338 = tpu.vector_load %arg13[%swap3A_336, %swap3A_337] {strides = array<i32>} : memref<64x128xf32, #tpu.memory_space<vmem>>, vector<1x16xf32>,
    %swap3A_339 = vector.shape_cast %swap3A_338 : vector<1x16xf32> to vector<16xf32>
    %swap3A_340 = vector.shape_cast %get3A_334 : vector<16xf32> to vector<1x16xf32>
    tpu.vector_store %arg13[%swap3A_336, %swap3A_337], %swap3A_340 {strides = array<i32>} : memref<64x128xf32, #tpu.memory_space<vmem>>, vector<1x16xf32>,
    %get3A_341 = arith.constant 32 : index
    %get3A_342 = tpu.vector_load %arg12[%get3A_341] {strides = array<i32>} : memref<80xf32, #tpu.memory_space<vmem>>, vector<16xf32>,
    %get3A_343 = vector.shape_cast %get3A_342 : vector<16xf32> to vector<16xf32>
    %swap3A_344 = arith.constant 32 : i32
    %swap3A_345 = arith.index_cast %swap3A_344 : i32 to index
    %swap3A_346 = arith.constant 0 : index
    %swap3A_347 = tpu.vector_load %arg13[%swap3A_345, %swap3A_346] {strides = array<i32>} : memref<64x128xf32, #tpu.memory_space<vmem>>, vector<1x16xf32>,
    %swap3A_348 = vector.shape_cast %swap3A_347 : vector<1x16xf32> to vector<16xf32>
    %swap3A_349 = vector.shape_cast %get3A_343 : vector<16xf32> to vector<1x16xf32>
    tpu.vector_store %arg13[%swap3A_345, %swap3A_346], %swap3A_349 {strides = array<i32>} : memref<64x128xf32, #tpu.memory_space<vmem>>, vector<1x16xf32>,
    %get3A_350 = arith.constant 33 : index
    %get3A_351 = tpu.vector_load %arg12[%get3A_350] {strides = array<i32>} : memref<80xf32, #tpu.memory_space<vmem>>, vector<16xf32>,
    %get3A_352 = vector.shape_cast %get3A_351 : vector<16xf32> to vector<16xf32>
    %swap3A_353 = arith.constant 33 : i32
    %swap3A_354 = arith.index_cast %swap3A_353 : i32 to index
    %swap3A_355 = arith.constant 0 : index
    %swap3A_356 = tpu.vector_load %arg13[%swap3A_354, %swap3A_355] {strides = array<i32>} : memref<64x128xf32, #tpu.memory_space<vmem>>, vector<1x16xf32>,
    %swap3A_357 = vector.shape_cast %swap3A_356 : vector<1x16xf32> to vector<16xf32>
    %swap3A_358 = vector.shape_cast %get3A_352 : vector<16xf32> to vector<1x16xf32>
    tpu.vector_store %arg13[%swap3A_354, %swap3A_355], %swap3A_358 {strides = array<i32>} : memref<64x128xf32, #tpu.memory_space<vmem>>, vector<1x16xf32>,
    %get3A_359 = arith.constant 34 : index
    %get3A_360 = tpu.vector_load %arg12[%get3A_359] {strides = array<i32>} : memref<80xf32, #tpu.memory_space<vmem>>, vector<16xf32>,
    %get3A_361 = vector.shape_cast %get3A_360 : vector<16xf32> to vector<16xf32>
    %swap3A_362 = arith.constant 34 : i32
    %swap3A_363 = arith.index_cast %swap3A_362 : i32 to index
    %swap3A_364 = arith.constant 0 : index
    %swap3A_365 = tpu.vector_load %arg13[%swap3A_363, %swap3A_364] {strides = array<i32>} : memref<64x128xf32, #tpu.memory_space<vmem>>, vector<1x16xf32>,
    %swap3A_366 = vector.shape_cast %swap3A_365 : vector<1x16xf32> to vector<16xf32>
    %swap3A_367 = vector.shape_cast %get3A_361 : vector<16xf32> to vector<1x16xf32>
    tpu.vector_store %arg13[%swap3A_363, %swap3A_364], %swap3A_367 {strides = array<i32>} : memref<64x128xf32, #tpu.memory_space<vmem>>, vector<1x16xf32>,
    %get3A_368 = arith.constant 35 : index
    %get3A_369 = tpu.vector_load %arg12[%get3A_368] {strides = array<i32>} : memref<80xf32, #tpu.memory_space<vmem>>, vector<16xf32>,
    %get3A_370 = vector.shape_cast %get3A_369 : vector<16xf32> to vector<16xf32>
    %swap3A_371 = arith.constant 35 : i32
    %swap3A_372 = arith.index_cast %swap3A_371 : i32 to index
    %swap3A_373 = arith.constant 0 : index
    %swap3A_374 = tpu.vector_load %arg13[%swap3A_372, %swap3A_373] {strides = array<i32>} : memref<64x128xf32, #tpu.memory_space<vmem>>, vector<1x16xf32>,
    %swap3A_375 = vector.shape_cast %swap3A_374 : vector<1x16xf32> to vector<16xf32>
    %swap3A_376 = vector.shape_cast %get3A_370 : vector<16xf32> to vector<1x16xf32>
    tpu.vector_store %arg13[%swap3A_372, %swap3A_373], %swap3A_376 {strides = array<i32>} : memref<64x128xf32, #tpu.memory_space<vmem>>, vector<1x16xf32>,
    %get3A_377 = arith.constant 36 : index
    %get3A_378 = tpu.vector_load %arg12[%get3A_377] {strides = array<i32>} : memref<80xf32, #tpu.memory_space<vmem>>, vector<16xf32>,
    %get3A_379 = vector.shape_cast %get3A_378 : vector<16xf32> to vector<16xf32>
    %swap3A_380 = arith.constant 36 : i32
    %swap3A_381 = arith.index_cast %swap3A_380 : i32 to index
    %swap3A_382 = arith.constant 0 : index
    %swap3A_383 = tpu.vector_load %arg13[%swap3A_381, %swap3A_382] {strides = array<i32>} : memref<64x128xf32, #tpu.memory_space<vmem>>, vector<1x16xf32>,
    %swap3A_384 = vector.shape_cast %swap3A_383 : vector<1x16xf32> to vector<16xf32>
    %swap3A_385 = vector.shape_cast %get3A_379 : vector<16xf32> to vector<1x16xf32>
    tpu.vector_store %arg13[%swap3A_381, %swap3A_382], %swap3A_385 {strides = array<i32>} : memref<64x128xf32, #tpu.memory_space<vmem>>, vector<1x16xf32>,
    %get3A_386 = arith.constant 37 : index
    %get3A_387 = tpu.vector_load %arg12[%get3A_386] {strides = array<i32>} : memref<80xf32, #tpu.memory_space<vmem>>, vector<16xf32>,
    %get3A_388 = vector.shape_cast %get3A_387 : vector<16xf32> to vector<16xf32>
    %swap3A_389 = arith.constant 37 : i32
    %swap3A_390 = arith.index_cast %swap3A_389 : i32 to index
    %swap3A_391 = arith.constant 0 : index
    %swap3A_392 = tpu.vector_load %arg13[%swap3A_390, %swap3A_391] {strides = array<i32>} : memref<64x128xf32, #tpu.memory_space<vmem>>, vector<1x16xf32>,
    %swap3A_393 = vector.shape_cast %swap3A_392 : vector<1x16xf32> to vector<16xf32>
    %swap3A_394 = vector.shape_cast %get3A_388 : vector<16xf32> to vector<1x16xf32>
    tpu.vector_store %arg13[%swap3A_390, %swap3A_391], %swap3A_394 {strides = array<i32>} : memref<64x128xf32, #tpu.memory_space<vmem>>, vector<1x16xf32>,
    %get3A_395 = arith.constant 38 : index
    %get3A_396 = tpu.vector_load %arg12[%get3A_395] {strides = array<i32>} : memref<80xf32, #tpu.memory_space<vmem>>, vector<16xf32>,
    %get3A_397 = vector.shape_cast %get3A_396 : vector<16xf32> to vector<16xf32>
    %swap3A_398 = arith.constant 38 : i32
    %swap3A_399 = arith.index_cast %swap3A_398 : i32 to index
    %swap3A_400 = arith.constant 0 : index
    %swap3A_401 = tpu.vector_load %arg13[%swap3A_399, %swap3A_400] {strides = array<i32>} : memref<64x128xf32, #tpu.memory_space<vmem>>, vector<1x16xf32>,
    %swap3A_402 = vector.shape_cast %swap3A_401 : vector<1x16xf32> to vector<16xf32>
    %swap3A_403 = vector.shape_cast %get3A_397 : vector<16xf32> to vector<1x16xf32>
    tpu.vector_store %arg13[%swap3A_399, %swap3A_400], %swap3A_403 {strides = array<i32>} : memref<64x128xf32, #tpu.memory_space<vmem>>, vector<1x16xf32>,
    %get3A_404 = arith.constant 39 : index
    %get3A_405 = tpu.vector_load %arg12[%get3A_404] {strides = array<i32>} : memref<80xf32, #tpu.memory_space<vmem>>, vector<16xf32>,
    %get3A_406 = vector.shape_cast %get3A_405 : vector<16xf32> to vector<16xf32>
    %swap3A_407 = arith.constant 39 : i32
    %swap3A_408 = arith.index_cast %swap3A_407 : i32 to index
    %swap3A_409 = arith.constant 0 : index
    %swap3A_410 = tpu.vector_load %arg13[%swap3A_408, %swap3A_409] {strides = array<i32>} : memref<64x128xf32, #tpu.memory_space<vmem>>, vector<1x16xf32>,
    %swap3A_411 = vector.shape_cast %swap3A_410 : vector<1x16xf32> to vector<16xf32>
    %swap3A_412 = vector.shape_cast %get3A_406 : vector<16xf32> to vector<1x16xf32>
    tpu.vector_store %arg13[%swap3A_408, %swap3A_409], %swap3A_412 {strides = array<i32>} : memref<64x128xf32, #tpu.memory_space<vmem>>, vector<1x16xf32>,
    %get3A_413 = arith.constant 40 : index
    %get3A_414 = tpu.vector_load %arg12[%get3A_413] {strides = array<i32>} : memref<80xf32, #tpu.memory_space<vmem>>, vector<16xf32>,
    %get3A_415 = vector.shape_cast %get3A_414 : vector<16xf32> to vector<16xf32>
    %swap3A_416 = arith.constant 40 : i32
    %swap3A_417 = arith.index_cast %swap3A_416 : i32 to index
    %swap3A_418 = arith.constant 0 : index
    %swap3A_419 = tpu.vector_load %arg13[%swap3A_417, %swap3A_418] {strides = array<i32>} : memref<64x128xf32, #tpu.memory_space<vmem>>, vector<1x16xf32>,
    %swap3A_420 = vector.shape_cast %swap3A_419 : vector<1x16xf32> to vector<16xf32>
    %swap3A_421 = vector.shape_cast %get3A_415 : vector<16xf32> to vector<1x16xf32>
    tpu.vector_store %arg13[%swap3A_417, %swap3A_418], %swap3A_421 {strides = array<i32>} : memref<64x128xf32, #tpu.memory_space<vmem>>, vector<1x16xf32>,
    %get3A_422 = arith.constant 41 : index
    %get3A_423 = tpu.vector_load %arg12[%get3A_422] {strides = array<i32>} : memref<80xf32, #tpu.memory_space<vmem>>, vector<16xf32>,
    %get3A_424 = vector.shape_cast %get3A_423 : vector<16xf32> to vector<16xf32>
    %swap3A_425 = arith.constant 41 : i32
    %swap3A_426 = arith.index_cast %swap3A_425 : i32 to index
    %swap3A_427 = arith.constant 0 : index
    %swap3A_428 = tpu.vector_load %arg13[%swap3A_426, %swap3A_427] {strides = array<i32>} : memref<64x128xf32, #tpu.memory_space<vmem>>, vector<1x16xf32>,
    %swap3A_429 = vector.shape_cast %swap3A_428 : vector<1x16xf32> to vector<16xf32>
    %swap3A_430 = vector.shape_cast %get3A_424 : vector<16xf32> to vector<1x16xf32>
    tpu.vector_store %arg13[%swap3A_426, %swap3A_427], %swap3A_430 {strides = array<i32>} : memref<64x128xf32, #tpu.memory_space<vmem>>, vector<1x16xf32>,
    %get3A_431 = arith.constant 42 : index
    %get3A_432 = tpu.vector_load %arg12[%get3A_431] {strides = array<i32>} : memref<80xf32, #tpu.memory_space<vmem>>, vector<16xf32>,
    %get3A_433 = vector.shape_cast %get3A_432 : vector<16xf32> to vector<16xf32>
    %swap3A_434 = arith.constant 42 : i32
    %swap3A_435 = arith.index_cast %swap3A_434 : i32 to index
    %swap3A_436 = arith.constant 0 : index
    %swap3A_437 = tpu.vector_load %arg13[%swap3A_435, %swap3A_436] {strides = array<i32>} : memref<64x128xf32, #tpu.memory_space<vmem>>, vector<1x16xf32>,
    %swap3A_438 = vector.shape_cast %swap3A_437 : vector<1x16xf32> to vector<16xf32>
    %swap3A_439 = vector.shape_cast %get3A_433 : vector<16xf32> to vector<1x16xf32>
    tpu.vector_store %arg13[%swap3A_435, %swap3A_436], %swap3A_439 {strides = array<i32>} : memref<64x128xf32, #tpu.memory_space<vmem>>, vector<1x16xf32>,
    %get3A_440 = arith.constant 43 : index
    %get3A_441 = tpu.vector_load %arg12[%get3A_440] {strides = array<i32>} : memref<80xf32, #tpu.memory_space<vmem>>, vector<16xf32>,
    %get3A_442 = vector.shape_cast %get3A_441 : vector<16xf32> to vector<16xf32>
    %swap3A_443 = arith.constant 43 : i32
    %swap3A_444 = arith.index_cast %swap3A_443 : i32 to index
    %swap3A_445 = arith.constant 0 : index
    %swap3A_446 = tpu.vector_load %arg13[%swap3A_444, %swap3A_445] {strides = array<i32>} : memref<64x128xf32, #tpu.memory_space<vmem>>, vector<1x16xf32>,
    %swap3A_447 = vector.shape_cast %swap3A_446 : vector<1x16xf32> to vector<16xf32>
    %swap3A_448 = vector.shape_cast %get3A_442 : vector<16xf32> to vector<1x16xf32>
    tpu.vector_store %arg13[%swap3A_444, %swap3A_445], %swap3A_448 {strides = array<i32>} : memref<64x128xf32, #tpu.memory_space<vmem>>, vector<1x16xf32>,
    %get3A_449 = arith.constant 44 : index
    %get3A_450 = tpu.vector_load %arg12[%get3A_449] {strides = array<i32>} : memref<80xf32, #tpu.memory_space<vmem>>, vector<16xf32>,
    %get3A_451 = vector.shape_cast %get3A_450 : vector<16xf32> to vector<16xf32>
    %swap3A_452 = arith.constant 44 : i32
    %swap3A_453 = arith.index_cast %swap3A_452 : i32 to index
    %swap3A_454 = arith.constant 0 : index
    %swap3A_455 = tpu.vector_load %arg13[%swap3A_453, %swap3A_454] {strides = array<i32>} : memref<64x128xf32, #tpu.memory_space<vmem>>, vector<1x16xf32>,
    %swap3A_456 = vector.shape_cast %swap3A_455 : vector<1x16xf32> to vector<16xf32>
    %swap3A_457 = vector.shape_cast %get3A_451 : vector<16xf32> to vector<1x16xf32>
    tpu.vector_store %arg13[%swap3A_453, %swap3A_454], %swap3A_457 {strides = array<i32>} : memref<64x128xf32, #tpu.memory_space<vmem>>, vector<1x16xf32>,
    %get3A_458 = arith.constant 45 : index
    %get3A_459 = tpu.vector_load %arg12[%get3A_458] {strides = array<i32>} : memref<80xf32, #tpu.memory_space<vmem>>, vector<16xf32>,
    %get3A_460 = vector.shape_cast %get3A_459 : vector<16xf32> to vector<16xf32>
    %swap3A_461 = arith.constant 45 : i32
    %swap3A_462 = arith.index_cast %swap3A_461 : i32 to index
    %swap3A_463 = arith.constant 0 : index
    %swap3A_464 = tpu.vector_load %arg13[%swap3A_462, %swap3A_463] {strides = array<i32>} : memref<64x128xf32, #tpu.memory_space<vmem>>, vector<1x16xf32>,
    %swap3A_465 = vector.shape_cast %swap3A_464 : vector<1x16xf32> to vector<16xf32>
    %swap3A_466 = vector.shape_cast %get3A_460 : vector<16xf32> to vector<1x16xf32>
    tpu.vector_store %arg13[%swap3A_462, %swap3A_463], %swap3A_466 {strides = array<i32>} : memref<64x128xf32, #tpu.memory_space<vmem>>, vector<1x16xf32>,
    %get3A_467 = arith.constant 46 : index
    %get3A_468 = tpu.vector_load %arg12[%get3A_467] {strides = array<i32>} : memref<80xf32, #tpu.memory_space<vmem>>, vector<16xf32>,
    %get3A_469 = vector.shape_cast %get3A_468 : vector<16xf32> to vector<16xf32>
    %swap3A_470 = arith.constant 46 : i32
    %swap3A_471 = arith.index_cast %swap3A_470 : i32 to index
    %swap3A_472 = arith.constant 0 : index
    %swap3A_473 = tpu.vector_load %arg13[%swap3A_471, %swap3A_472] {strides = array<i32>} : memref<64x128xf32, #tpu.memory_space<vmem>>, vector<1x16xf32>,
    %swap3A_474 = vector.shape_cast %swap3A_473 : vector<1x16xf32> to vector<16xf32>
    %swap3A_475 = vector.shape_cast %get3A_469 : vector<16xf32> to vector<1x16xf32>
    tpu.vector_store %arg13[%swap3A_471, %swap3A_472], %swap3A_475 {strides = array<i32>} : memref<64x128xf32, #tpu.memory_space<vmem>>, vector<1x16xf32>,
    %get3A_476 = arith.constant 47 : index
    %get3A_477 = tpu.vector_load %arg12[%get3A_476] {strides = array<i32>} : memref<80xf32, #tpu.memory_space<vmem>>, vector<16xf32>,
    %get3A_478 = vector.shape_cast %get3A_477 : vector<16xf32> to vector<16xf32>
    %swap3A_479 = arith.constant 47 : i32
    %swap3A_480 = arith.index_cast %swap3A_479 : i32 to index
    %swap3A_481 = arith.constant 0 : index
    %swap3A_482 = tpu.vector_load %arg13[%swap3A_480, %swap3A_481] {strides = array<i32>} : memref<64x128xf32, #tpu.memory_space<vmem>>, vector<1x16xf32>,
    %swap3A_483 = vector.shape_cast %swap3A_482 : vector<1x16xf32> to vector<16xf32>
    %swap3A_484 = vector.shape_cast %get3A_478 : vector<16xf32> to vector<1x16xf32>
    tpu.vector_store %arg13[%swap3A_480, %swap3A_481], %swap3A_484 {strides = array<i32>} : memref<64x128xf32, #tpu.memory_space<vmem>>, vector<1x16xf32>,
    %get3A_485 = arith.constant 48 : index
    %get3A_486 = tpu.vector_load %arg12[%get3A_485] {strides = array<i32>} : memref<80xf32, #tpu.memory_space<vmem>>, vector<16xf32>,
    %get3A_487 = vector.shape_cast %get3A_486 : vector<16xf32> to vector<16xf32>
    %swap3A_488 = arith.constant 48 : i32
    %swap3A_489 = arith.index_cast %swap3A_488 : i32 to index
    %swap3A_490 = arith.constant 0 : index
    %swap3A_491 = tpu.vector_load %arg13[%swap3A_489, %swap3A_490] {strides = array<i32>} : memref<64x128xf32, #tpu.memory_space<vmem>>, vector<1x16xf32>,
    %swap3A_492 = vector.shape_cast %swap3A_491 : vector<1x16xf32> to vector<16xf32>
    %swap3A_493 = vector.shape_cast %get3A_487 : vector<16xf32> to vector<1x16xf32>
    tpu.vector_store %arg13[%swap3A_489, %swap3A_490], %swap3A_493 {strides = array<i32>} : memref<64x128xf32, #tpu.memory_space<vmem>>, vector<1x16xf32>,
    %get3A_494 = arith.constant 49 : index
    %get3A_495 = tpu.vector_load %arg12[%get3A_494] {strides = array<i32>} : memref<80xf32, #tpu.memory_space<vmem>>, vector<16xf32>,
    %get3A_496 = vector.shape_cast %get3A_495 : vector<16xf32> to vector<16xf32>
    %swap3A_497 = arith.constant 49 : i32
    %swap3A_498 = arith.index_cast %swap3A_497 : i32 to index
    %swap3A_499 = arith.constant 0 : index
    %swap3A_500 = tpu.vector_load %arg13[%swap3A_498, %swap3A_499] {strides = array<i32>} : memref<64x128xf32, #tpu.memory_space<vmem>>, vector<1x16xf32>,
    %swap3A_501 = vector.shape_cast %swap3A_500 : vector<1x16xf32> to vector<16xf32>
    %swap3A_502 = vector.shape_cast %get3A_496 : vector<16xf32> to vector<1x16xf32>
    tpu.vector_store %arg13[%swap3A_498, %swap3A_499], %swap3A_502 {strides = array<i32>} : memref<64x128xf32, #tpu.memory_space<vmem>>, vector<1x16xf32>,
    %get3A_503 = arith.constant 50 : index
    %get3A_504 = tpu.vector_load %arg12[%get3A_503] {strides = array<i32>} : memref<80xf32, #tpu.memory_space<vmem>>, vector<16xf32>,
    %get3A_505 = vector.shape_cast %get3A_504 : vector<16xf32> to vector<16xf32>
    %swap3A_506 = arith.constant 50 : i32
    %swap3A_507 = arith.index_cast %swap3A_506 : i32 to index
    %swap3A_508 = arith.constant 0 : index
    %swap3A_509 = tpu.vector_load %arg13[%swap3A_507, %swap3A_508] {strides = array<i32>} : memref<64x128xf32, #tpu.memory_space<vmem>>, vector<1x16xf32>,
    %swap3A_510 = vector.shape_cast %swap3A_509 : vector<1x16xf32> to vector<16xf32>
    %swap3A_511 = vector.shape_cast %get3A_505 : vector<16xf32> to vector<1x16xf32>
    tpu.vector_store %arg13[%swap3A_507, %swap3A_508], %swap3A_511 {strides = array<i32>} : memref<64x128xf32, #tpu.memory_space<vmem>>, vector<1x16xf32>,
    %get3A_512 = arith.constant 51 : index
    %get3A_513 = tpu.vector_load %arg12[%get3A_512] {strides = array<i32>} : memref<80xf32, #tpu.memory_space<vmem>>, vector<16xf32>,
    %get3A_514 = vector.shape_cast %get3A_513 : vector<16xf32> to vector<16xf32>
    %swap3A_515 = arith.constant 51 : i32
    %swap3A_516 = arith.index_cast %swap3A_515 : i32 to index
    %swap3A_517 = arith.constant 0 : index
    %swap3A_518 = tpu.vector_load %arg13[%swap3A_516, %swap3A_517] {strides = array<i32>} : memref<64x128xf32, #tpu.memory_space<vmem>>, vector<1x16xf32>,
    %swap3A_519 = vector.shape_cast %swap3A_518 : vector<1x16xf32> to vector<16xf32>
    %swap3A_520 = vector.shape_cast %get3A_514 : vector<16xf32> to vector<1x16xf32>
    tpu.vector_store %arg13[%swap3A_516, %swap3A_517], %swap3A_520 {strides = array<i32>} : memref<64x128xf32, #tpu.memory_space<vmem>>, vector<1x16xf32>,
    %get3A_521 = arith.constant 52 : index
    %get3A_522 = tpu.vector_load %arg12[%get3A_521] {strides = array<i32>} : memref<80xf32, #tpu.memory_space<vmem>>, vector<16xf32>,
    %get3A_523 = vector.shape_cast %get3A_522 : vector<16xf32> to vector<16xf32>
    %swap3A_524 = arith.constant 52 : i32
    %swap3A_525 = arith.index_cast %swap3A_524 : i32 to index
    %swap3A_526 = arith.constant 0 : index
    %swap3A_527 = tpu.vector_load %arg13[%swap3A_525, %swap3A_526] {strides = array<i32>} : memref<64x128xf32, #tpu.memory_space<vmem>>, vector<1x16xf32>,
    %swap3A_528 = vector.shape_cast %swap3A_527 : vector<1x16xf32> to vector<16xf32>
    %swap3A_529 = vector.shape_cast %get3A_523 : vector<16xf32> to vector<1x16xf32>
    tpu.vector_store %arg13[%swap3A_525, %swap3A_526], %swap3A_529 {strides = array<i32>} : memref<64x128xf32, #tpu.memory_space<vmem>>, vector<1x16xf32>,
    %get3A_530 = arith.constant 53 : index
    %get3A_531 = tpu.vector_load %arg12[%get3A_530] {strides = array<i32>} : memref<80xf32, #tpu.memory_space<vmem>>, vector<16xf32>,
    %get3A_532 = vector.shape_cast %get3A_531 : vector<16xf32> to vector<16xf32>
    %swap3A_533 = arith.constant 53 : i32
    %swap3A_534 = arith.index_cast %swap3A_533 : i32 to index
    %swap3A_535 = arith.constant 0 : index
    %swap3A_536 = tpu.vector_load %arg13[%swap3A_534, %swap3A_535] {strides = array<i32>} : memref<64x128xf32, #tpu.memory_space<vmem>>, vector<1x16xf32>,
    %swap3A_537 = vector.shape_cast %swap3A_536 : vector<1x16xf32> to vector<16xf32>
    %swap3A_538 = vector.shape_cast %get3A_532 : vector<16xf32> to vector<1x16xf32>
    tpu.vector_store %arg13[%swap3A_534, %swap3A_535], %swap3A_538 {strides = array<i32>} : memref<64x128xf32, #tpu.memory_space<vmem>>, vector<1x16xf32>,
    %get3A_539 = arith.constant 54 : index
    %get3A_540 = tpu.vector_load %arg12[%get3A_539] {strides = array<i32>} : memref<80xf32, #tpu.memory_space<vmem>>, vector<16xf32>,
    %get3A_541 = vector.shape_cast %get3A_540 : vector<16xf32> to vector<16xf32>
    %swap3A_542 = arith.constant 54 : i32
    %swap3A_543 = arith.index_cast %swap3A_542 : i32 to index
    %swap3A_544 = arith.constant 0 : index
    %swap3A_545 = tpu.vector_load %arg13[%swap3A_543, %swap3A_544] {strides = array<i32>} : memref<64x128xf32, #tpu.memory_space<vmem>>, vector<1x16xf32>,
    %swap3A_546 = vector.shape_cast %swap3A_545 : vector<1x16xf32> to vector<16xf32>
    %swap3A_547 = vector.shape_cast %get3A_541 : vector<16xf32> to vector<1x16xf32>
    tpu.vector_store %arg13[%swap3A_543, %swap3A_544], %swap3A_547 {strides = array<i32>} : memref<64x128xf32, #tpu.memory_space<vmem>>, vector<1x16xf32>,
    %get3A_548 = arith.constant 55 : index
    %get3A_549 = tpu.vector_load %arg12[%get3A_548] {strides = array<i32>} : memref<80xf32, #tpu.memory_space<vmem>>, vector<16xf32>,
    %get3A_550 = vector.shape_cast %get3A_549 : vector<16xf32> to vector<16xf32>
    %swap3A_551 = arith.constant 55 : i32
    %swap3A_552 = arith.index_cast %swap3A_551 : i32 to index
    %swap3A_553 = arith.constant 0 : index
    %swap3A_554 = tpu.vector_load %arg13[%swap3A_552, %swap3A_553] {strides = array<i32>} : memref<64x128xf32, #tpu.memory_space<vmem>>, vector<1x16xf32>,
    %swap3A_555 = vector.shape_cast %swap3A_554 : vector<1x16xf32> to vector<16xf32>
    %swap3A_556 = vector.shape_cast %get3A_550 : vector<16xf32> to vector<1x16xf32>
    tpu.vector_store %arg13[%swap3A_552, %swap3A_553], %swap3A_556 {strides = array<i32>} : memref<64x128xf32, #tpu.memory_space<vmem>>, vector<1x16xf32>,
    %get3A_557 = arith.constant 56 : index
    %get3A_558 = tpu.vector_load %arg12[%get3A_557] {strides = array<i32>} : memref<80xf32, #tpu.memory_space<vmem>>, vector<16xf32>,
    %get3A_559 = vector.shape_cast %get3A_558 : vector<16xf32> to vector<16xf32>
    %swap3A_560 = arith.constant 56 : i32
    %swap3A_561 = arith.index_cast %swap3A_560 : i32 to index
    %swap3A_562 = arith.constant 0 : index
    %swap3A_563 = tpu.vector_load %arg13[%swap3A_561, %swap3A_562] {strides = array<i32>} : memref<64x128xf32, #tpu.memory_space<vmem>>, vector<1x16xf32>,
    %swap3A_564 = vector.shape_cast %swap3A_563 : vector<1x16xf32> to vector<16xf32>
    %swap3A_565 = vector.shape_cast %get3A_559 : vector<16xf32> to vector<1x16xf32>
    tpu.vector_store %arg13[%swap3A_561, %swap3A_562], %swap3A_565 {strides = array<i32>} : memref<64x128xf32, #tpu.memory_space<vmem>>, vector<1x16xf32>,
    %get3A_566 = arith.constant 57 : index
    %get3A_567 = tpu.vector_load %arg12[%get3A_566] {strides = array<i32>} : memref<80xf32, #tpu.memory_space<vmem>>, vector<16xf32>,
    %get3A_568 = vector.shape_cast %get3A_567 : vector<16xf32> to vector<16xf32>
    %swap3A_569 = arith.constant 57 : i32
    %swap3A_570 = arith.index_cast %swap3A_569 : i32 to index
    %swap3A_571 = arith.constant 0 : index
    %swap3A_572 = tpu.vector_load %arg13[%swap3A_570, %swap3A_571] {strides = array<i32>} : memref<64x128xf32, #tpu.memory_space<vmem>>, vector<1x16xf32>,
    %swap3A_573 = vector.shape_cast %swap3A_572 : vector<1x16xf32> to vector<16xf32>
    %swap3A_574 = vector.shape_cast %get3A_568 : vector<16xf32> to vector<1x16xf32>
    tpu.vector_store %arg13[%swap3A_570, %swap3A_571], %swap3A_574 {strides = array<i32>} : memref<64x128xf32, #tpu.memory_space<vmem>>, vector<1x16xf32>,
    %get3A_575 = arith.constant 58 : index
    %get3A_576 = tpu.vector_load %arg12[%get3A_575] {strides = array<i32>} : memref<80xf32, #tpu.memory_space<vmem>>, vector<16xf32>,
    %get3A_577 = vector.shape_cast %get3A_576 : vector<16xf32> to vector<16xf32>
    %swap3A_578 = arith.constant 58 : i32
    %swap3A_579 = arith.index_cast %swap3A_578 : i32 to index
    %swap3A_580 = arith.constant 0 : index
    %swap3A_581 = tpu.vector_load %arg13[%swap3A_579, %swap3A_580] {strides = array<i32>} : memref<64x128xf32, #tpu.memory_space<vmem>>, vector<1x16xf32>,
    %swap3A_582 = vector.shape_cast %swap3A_581 : vector<1x16xf32> to vector<16xf32>
    %swap3A_583 = vector.shape_cast %get3A_577 : vector<16xf32> to vector<1x16xf32>
    tpu.vector_store %arg13[%swap3A_579, %swap3A_580], %swap3A_583 {strides = array<i32>} : memref<64x128xf32, #tpu.memory_space<vmem>>, vector<1x16xf32>,
    %get3A_584 = arith.constant 59 : index
    %get3A_585 = tpu.vector_load %arg12[%get3A_584] {strides = array<i32>} : memref<80xf32, #tpu.memory_space<vmem>>, vector<16xf32>,
    %get3A_586 = vector.shape_cast %get3A_585 : vector<16xf32> to vector<16xf32>
    %swap3A_587 = arith.constant 59 : i32
    %swap3A_588 = arith.index_cast %swap3A_587 : i32 to index
    %swap3A_589 = arith.constant 0 : index
    %swap3A_590 = tpu.vector_load %arg13[%swap3A_588, %swap3A_589] {strides = array<i32>} : memref<64x128xf32, #tpu.memory_space<vmem>>, vector<1x16xf32>,
    %swap3A_591 = vector.shape_cast %swap3A_590 : vector<1x16xf32> to vector<16xf32>
    %swap3A_592 = vector.shape_cast %get3A_586 : vector<16xf32> to vector<1x16xf32>
    tpu.vector_store %arg13[%swap3A_588, %swap3A_589], %swap3A_592 {strides = array<i32>} : memref<64x128xf32, #tpu.memory_space<vmem>>, vector<1x16xf32>,
    %get3A_593 = arith.constant 60 : index
    %get3A_594 = tpu.vector_load %arg12[%get3A_593] {strides = array<i32>} : memref<80xf32, #tpu.memory_space<vmem>>, vector<16xf32>,
    %get3A_595 = vector.shape_cast %get3A_594 : vector<16xf32> to vector<16xf32>
    %swap3A_596 = arith.constant 60 : i32
    %swap3A_597 = arith.index_cast %swap3A_596 : i32 to index
    %swap3A_598 = arith.constant 0 : index
    %swap3A_599 = tpu.vector_load %arg13[%swap3A_597, %swap3A_598] {strides = array<i32>} : memref<64x128xf32, #tpu.memory_space<vmem>>, vector<1x16xf32>,
    %swap3A_600 = vector.shape_cast %swap3A_599 : vector<1x16xf32> to vector<16xf32>
    %swap3A_601 = vector.shape_cast %get3A_595 : vector<16xf32> to vector<1x16xf32>
    tpu.vector_store %arg13[%swap3A_597, %swap3A_598], %swap3A_601 {strides = array<i32>} : memref<64x128xf32, #tpu.memory_space<vmem>>, vector<1x16xf32>,
    %get3A_602 = arith.constant 61 : index
    %get3A_603 = tpu.vector_load %arg12[%get3A_602] {strides = array<i32>} : memref<80xf32, #tpu.memory_space<vmem>>, vector<16xf32>,
    %get3A_604 = vector.shape_cast %get3A_603 : vector<16xf32> to vector<16xf32>
    %swap3A_605 = arith.constant 61 : i32
    %swap3A_606 = arith.index_cast %swap3A_605 : i32 to index
    %swap3A_607 = arith.constant 0 : index
    %swap3A_608 = tpu.vector_load %arg13[%swap3A_606, %swap3A_607] {strides = array<i32>} : memref<64x128xf32, #tpu.memory_space<vmem>>, vector<1x16xf32>,
    %swap3A_609 = vector.shape_cast %swap3A_608 : vector<1x16xf32> to vector<16xf32>
    %swap3A_610 = vector.shape_cast %get3A_604 : vector<16xf32> to vector<1x16xf32>
    tpu.vector_store %arg13[%swap3A_606, %swap3A_607], %swap3A_610 {strides = array<i32>} : memref<64x128xf32, #tpu.memory_space<vmem>>, vector<1x16xf32>,
    %get3A_611 = arith.constant 62 : index
    %get3A_612 = tpu.vector_load %arg12[%get3A_611] {strides = array<i32>} : memref<80xf32, #tpu.memory_space<vmem>>, vector<16xf32>,
    %get3A_613 = vector.shape_cast %get3A_612 : vector<16xf32> to vector<16xf32>
    %swap3A_614 = arith.constant 62 : i32
    %swap3A_615 = arith.index_cast %swap3A_614 : i32 to index
    %swap3A_616 = arith.constant 0 : index
    %swap3A_617 = tpu.vector_load %arg13[%swap3A_615, %swap3A_616] {strides = array<i32>} : memref<64x128xf32, #tpu.memory_space<vmem>>, vector<1x16xf32>,
    %swap3A_618 = vector.shape_cast %swap3A_617 : vector<1x16xf32> to vector<16xf32>
    %swap3A_619 = vector.shape_cast %get3A_613 : vector<16xf32> to vector<1x16xf32>
    tpu.vector_store %arg13[%swap3A_615, %swap3A_616], %swap3A_619 {strides = array<i32>} : memref<64x128xf32, #tpu.memory_space<vmem>>, vector<1x16xf32>,
    %get3A_620 = arith.constant 63 : index
    %get3A_621 = tpu.vector_load %arg12[%get3A_620] {strides = array<i32>} : memref<80xf32, #tpu.memory_space<vmem>>, vector<16xf32>,
    %get3A_622 = vector.shape_cast %get3A_621 : vector<16xf32> to vector<16xf32>
    %swap3A_623 = arith.constant 63 : i32
    %swap3A_624 = arith.index_cast %swap3A_623 : i32 to index
    %swap3A_625 = arith.constant 0 : index
    %swap3A_626 = tpu.vector_load %arg13[%swap3A_624, %swap3A_625] {strides = array<i32>} : memref<64x128xf32, #tpu.memory_space<vmem>>, vector<1x16xf32>,
    %swap3A_627 = vector.shape_cast %swap3A_626 : vector<1x16xf32> to vector<16xf32>
    %swap3A_628 = vector.shape_cast %get3A_622 : vector<16xf32> to vector<1x16xf32>
    tpu.vector_store %arg13[%swap3A_624, %swap3A_625], %swap3A_628 {strides = array<i32>} : memref<64x128xf32, #tpu.memory_space<vmem>>, vector<1x16xf32>,
    %dma_start3A_629 = arith.constant 0 : i32
    %dma_start3A_630 = arith.constant 0 : i32
    %dma_start3A_631 = tpu.memref_slice %arg10[%dma_start3A_629, %dma_start3A_630] : memref<1x64xi32, #tpu.memory_space<vmem>> -> memref<1x64xi32, #tpu.memory_space<vmem>>
    %dma_start3A_632 = tpu.memref_squeeze %dma_start3A_631 : memref<1x64xi32, #tpu.memory_space<vmem>> -> memref<64xi32, #tpu.memory_space<vmem>>
    %dma_start3A_633 = arith.constant 0 : i32
    %dma_start3A_634 = arith.constant 0 : i32
    %dma_start3A_635 = tpu.memref_slice %arg8[%dma_start3A_633, %dma_start3A_634] : memref<2624x128xf32, #tpu.memory_space<hbm>> -> memref<2624x128xf32, #tpu.memory_space<hbm>>
    tpu.enqueue_indirect_dma source(%arg13 : memref<64x128xf32, #tpu.memory_space<vmem>>) target(%dma_start3A_635 : memref<2624x128xf32, #tpu.memory_space<hbm>>) offsets(%dma_start3A_632 : memref<64xi32, #tpu.memory_space<vmem>>) semaphore(%arg15 : memref<!tpu.dma_semaphore, #tpu.memory_space<semaphore_mem>>)
    "tpu.region"() ({
      %run_scoped3A_1252 = tpu.sem_alloc : memref<!tpu.dma_semaphore, #tpu.memory_space<semaphore_mem>>
      %dma_start3A_1253 = arith.constant 0 : i32
      %dma_start3A_1254 = tpu.memref_slice %arg12[%dma_start3A_1253] : memref<80xf32, #tpu.memory_space<vmem>> -> memref<64xf32, #tpu.memory_space<vmem>>
      %dma_start3A_1255 = tpu.memref_slice %arg6[%select_n3A, %mul3A_34] : memref<16x128xf32, #tpu.memory_space<hbm>> -> memref<1x64xf32, #tpu.memory_space<hbm>>
      %dma_start3A_1256 = tpu.memref_squeeze %dma_start3A_1255 : memref<1x64xf32, #tpu.memory_space<hbm>> -> memref<64xf32, #tpu.memory_space<hbm>>
      %dma_start3A_1257 = arith.constant 0 : i32
      %dma_start3A_1258 = tpu.memref_slice %arg12[%dma_start3A_1257] : memref<80xf32, #tpu.memory_space<vmem>> -> memref<64xf32, #tpu.memory_space<vmem>>
      %dma_start3A_1259 = tpu.memref_slice %arg6[%select_n3A, %mul3A_34] : memref<16x128xf32, #tpu.memory_space<hbm>> -> memref<1x64xf32, #tpu.memory_space<hbm>>
      %dma_start3A_1260 = tpu.memref_squeeze %dma_start3A_1259 : memref<1x64xf32, #tpu.memory_space<hbm>> -> memref<64xf32, #tpu.memory_space<hbm>>
      tpu.enqueue_dma source(%dma_start3A_1260 : memref<64xf32, #tpu.memory_space<hbm>>) target(%dma_start3A_1258 : memref<64xf32, #tpu.memory_space<vmem>>) target_semaphore(%run_scoped3A_1252 : memref<!tpu.dma_semaphore, #tpu.memory_space<semaphore_mem>>)
      %dma_wait3A_1261 = arith.constant 0 : i32
      %dma_wait3A_1262 = tpu.memref_slice %arg12[%dma_wait3A_1261] : memref<80xf32, #tpu.memory_space<vmem>> -> memref<64xf32, #tpu.memory_space<vmem>>
      %dma_wait3A_1263 = tpu.memref_slice %arg6[%select_n3A, %mul3A_34] : memref<16x128xf32, #tpu.memory_space<hbm>> -> memref<1x64xf32, #tpu.memory_space<hbm>>
      %dma_wait3A_1264 = tpu.memref_squeeze %dma_wait3A_1263 : memref<1x64xf32, #tpu.memory_space<hbm>> -> memref<64xf32, #tpu.memory_space<hbm>>
      %dma_wait3A_1265 = arith.constant 0 : i32
      %dma_wait3A_1266 = tpu.memref_slice %arg12[%dma_wait3A_1265] : memref<80xf32, #tpu.memory_space<vmem>> -> memref<64xf32, #tpu.memory_space<vmem>>
      %dma_wait3A_1267 = tpu.memref_slice %arg6[%select_n3A, %mul3A_34] : memref<16x128xf32, #tpu.memory_space<hbm>> -> memref<1x64xf32, #tpu.memory_space<hbm>>
      %dma_wait3A_1268 = tpu.memref_squeeze %dma_wait3A_1267 : memref<1x64xf32, #tpu.memory_space<hbm>> -> memref<64xf32, #tpu.memory_space<hbm>>
      tpu.wait_dma2 semaphore(%run_scoped3A_1252 : memref<!tpu.dma_semaphore, #tpu.memory_space<semaphore_mem>>) src(%dma_wait3A_1268 : memref<64xf32, #tpu.memory_space<hbm>>) dst(%dma_wait3A_1266 : memref<64xf32, #tpu.memory_space<vmem>>)
      tpu.yield
    }) : () -> ()
    %broadcast_in_dim3A_636 = arith.constant 0.000000e+00 : f32
    %broadcast_in_dim3A_637 = vector.broadcast %broadcast_in_dim3A_636 : f32 to vector<16xf32>
    %swap3A_638 = arith.constant 64 : index
    %swap3A_639 = tpu.vector_load %arg12[%swap3A_638] {strides = array<i32>} : memref<80xf32, #tpu.memory_space<vmem>>, vector<16xf32>,
    %swap3A_640 = vector.shape_cast %swap3A_639 : vector<16xf32> to vector<16xf32>
    %swap3A_641 = vector.shape_cast %broadcast_in_dim3A_637 : vector<16xf32> to vector<16xf32>
    tpu.vector_store %arg12[%swap3A_638], %swap3A_641 {strides = array<i32>} : memref<80xf32, #tpu.memory_space<vmem>>, vector<16xf32>,
    %get3A_642 = arith.constant 0 : index
    %get3A_643 = tpu.vector_load %arg12[%get3A_642] {strides = array<i32>} : memref<80xf32, #tpu.memory_space<vmem>>, vector<16xf32>,
    %get3A_644 = vector.shape_cast %get3A_643 : vector<16xf32> to vector<16xf32>
    %swap3A_645 = arith.constant 0 : i32
    %swap3A_646 = arith.index_cast %swap3A_645 : i32 to index
    %swap3A_647 = arith.constant 0 : index
    %swap3A_648 = tpu.vector_load %arg14[%swap3A_646, %swap3A_647] {strides = array<i32>} : memref<64x128xf32, #tpu.memory_space<vmem>>, vector<1x16xf32>,
    %swap3A_649 = vector.shape_cast %swap3A_648 : vector<1x16xf32> to vector<16xf32>
    %swap3A_650 = vector.shape_cast %get3A_644 : vector<16xf32> to vector<1x16xf32>
    tpu.vector_store %arg14[%swap3A_646, %swap3A_647], %swap3A_650 {strides = array<i32>} : memref<64x128xf32, #tpu.memory_space<vmem>>, vector<1x16xf32>,
    %get3A_651 = arith.constant 1 : index
    %get3A_652 = tpu.vector_load %arg12[%get3A_651] {strides = array<i32>} : memref<80xf32, #tpu.memory_space<vmem>>, vector<16xf32>,
    %get3A_653 = vector.shape_cast %get3A_652 : vector<16xf32> to vector<16xf32>
    %swap3A_654 = arith.constant 1 : i32
    %swap3A_655 = arith.index_cast %swap3A_654 : i32 to index
    %swap3A_656 = arith.constant 0 : index
    %swap3A_657 = tpu.vector_load %arg14[%swap3A_655, %swap3A_656] {strides = array<i32>} : memref<64x128xf32, #tpu.memory_space<vmem>>, vector<1x16xf32>,
    %swap3A_658 = vector.shape_cast %swap3A_657 : vector<1x16xf32> to vector<16xf32>
    %swap3A_659 = vector.shape_cast %get3A_653 : vector<16xf32> to vector<1x16xf32>
    tpu.vector_store %arg14[%swap3A_655, %swap3A_656], %swap3A_659 {strides = array<i32>} : memref<64x128xf32, #tpu.memory_space<vmem>>, vector<1x16xf32>,
    %get3A_660 = arith.constant 2 : index
    %get3A_661 = tpu.vector_load %arg12[%get3A_660] {strides = array<i32>} : memref<80xf32, #tpu.memory_space<vmem>>, vector<16xf32>,
    %get3A_662 = vector.shape_cast %get3A_661 : vector<16xf32> to vector<16xf32>
    %swap3A_663 = arith.constant 2 : i32
    %swap3A_664 = arith.index_cast %swap3A_663 : i32 to index
    %swap3A_665 = arith.constant 0 : index
    %swap3A_666 = tpu.vector_load %arg14[%swap3A_664, %swap3A_665] {strides = array<i32>} : memref<64x128xf32, #tpu.memory_space<vmem>>, vector<1x16xf32>,
    %swap3A_667 = vector.shape_cast %swap3A_666 : vector<1x16xf32> to vector<16xf32>
    %swap3A_668 = vector.shape_cast %get3A_662 : vector<16xf32> to vector<1x16xf32>
    tpu.vector_store %arg14[%swap3A_664, %swap3A_665], %swap3A_668 {strides = array<i32>} : memref<64x128xf32, #tpu.memory_space<vmem>>, vector<1x16xf32>,
    %get3A_669 = arith.constant 3 : index
    %get3A_670 = tpu.vector_load %arg12[%get3A_669] {strides = array<i32>} : memref<80xf32, #tpu.memory_space<vmem>>, vector<16xf32>,
    %get3A_671 = vector.shape_cast %get3A_670 : vector<16xf32> to vector<16xf32>
    %swap3A_672 = arith.constant 3 : i32
    %swap3A_673 = arith.index_cast %swap3A_672 : i32 to index
    %swap3A_674 = arith.constant 0 : index
    %swap3A_675 = tpu.vector_load %arg14[%swap3A_673, %swap3A_674] {strides = array<i32>} : memref<64x128xf32, #tpu.memory_space<vmem>>, vector<1x16xf32>,
    %swap3A_676 = vector.shape_cast %swap3A_675 : vector<1x16xf32> to vector<16xf32>
    %swap3A_677 = vector.shape_cast %get3A_671 : vector<16xf32> to vector<1x16xf32>
    tpu.vector_store %arg14[%swap3A_673, %swap3A_674], %swap3A_677 {strides = array<i32>} : memref<64x128xf32, #tpu.memory_space<vmem>>, vector<1x16xf32>,
    %get3A_678 = arith.constant 4 : index
    %get3A_679 = tpu.vector_load %arg12[%get3A_678] {strides = array<i32>} : memref<80xf32, #tpu.memory_space<vmem>>, vector<16xf32>,
    %get3A_680 = vector.shape_cast %get3A_679 : vector<16xf32> to vector<16xf32>
    %swap3A_681 = arith.constant 4 : i32
    %swap3A_682 = arith.index_cast %swap3A_681 : i32 to index
    %swap3A_683 = arith.constant 0 : index
    %swap3A_684 = tpu.vector_load %arg14[%swap3A_682, %swap3A_683] {strides = array<i32>} : memref<64x128xf32, #tpu.memory_space<vmem>>, vector<1x16xf32>,
    %swap3A_685 = vector.shape_cast %swap3A_684 : vector<1x16xf32> to vector<16xf32>
    %swap3A_686 = vector.shape_cast %get3A_680 : vector<16xf32> to vector<1x16xf32>
    tpu.vector_store %arg14[%swap3A_682, %swap3A_683], %swap3A_686 {strides = array<i32>} : memref<64x128xf32, #tpu.memory_space<vmem>>, vector<1x16xf32>,
    %get3A_687 = arith.constant 5 : index
    %get3A_688 = tpu.vector_load %arg12[%get3A_687] {strides = array<i32>} : memref<80xf32, #tpu.memory_space<vmem>>, vector<16xf32>,
    %get3A_689 = vector.shape_cast %get3A_688 : vector<16xf32> to vector<16xf32>
    %swap3A_690 = arith.constant 5 : i32
    %swap3A_691 = arith.index_cast %swap3A_690 : i32 to index
    %swap3A_692 = arith.constant 0 : index
    %swap3A_693 = tpu.vector_load %arg14[%swap3A_691, %swap3A_692] {strides = array<i32>} : memref<64x128xf32, #tpu.memory_space<vmem>>, vector<1x16xf32>,
    %swap3A_694 = vector.shape_cast %swap3A_693 : vector<1x16xf32> to vector<16xf32>
    %swap3A_695 = vector.shape_cast %get3A_689 : vector<16xf32> to vector<1x16xf32>
    tpu.vector_store %arg14[%swap3A_691, %swap3A_692], %swap3A_695 {strides = array<i32>} : memref<64x128xf32, #tpu.memory_space<vmem>>, vector<1x16xf32>,
    %get3A_696 = arith.constant 6 : index
    %get3A_697 = tpu.vector_load %arg12[%get3A_696] {strides = array<i32>} : memref<80xf32, #tpu.memory_space<vmem>>, vector<16xf32>,
    %get3A_698 = vector.shape_cast %get3A_697 : vector<16xf32> to vector<16xf32>
    %swap3A_699 = arith.constant 6 : i32
    %swap3A_700 = arith.index_cast %swap3A_699 : i32 to index
    %swap3A_701 = arith.constant 0 : index
    %swap3A_702 = tpu.vector_load %arg14[%swap3A_700, %swap3A_701] {strides = array<i32>} : memref<64x128xf32, #tpu.memory_space<vmem>>, vector<1x16xf32>,
    %swap3A_703 = vector.shape_cast %swap3A_702 : vector<1x16xf32> to vector<16xf32>
    %swap3A_704 = vector.shape_cast %get3A_698 : vector<16xf32> to vector<1x16xf32>
    tpu.vector_store %arg14[%swap3A_700, %swap3A_701], %swap3A_704 {strides = array<i32>} : memref<64x128xf32, #tpu.memory_space<vmem>>, vector<1x16xf32>,
    %get3A_705 = arith.constant 7 : index
    %get3A_706 = tpu.vector_load %arg12[%get3A_705] {strides = array<i32>} : memref<80xf32, #tpu.memory_space<vmem>>, vector<16xf32>,
    %get3A_707 = vector.shape_cast %get3A_706 : vector<16xf32> to vector<16xf32>
    %swap3A_708 = arith.constant 7 : i32
    %swap3A_709 = arith.index_cast %swap3A_708 : i32 to index
    %swap3A_710 = arith.constant 0 : index
    %swap3A_711 = tpu.vector_load %arg14[%swap3A_709, %swap3A_710] {strides = array<i32>} : memref<64x128xf32, #tpu.memory_space<vmem>>, vector<1x16xf32>,
    %swap3A_712 = vector.shape_cast %swap3A_711 : vector<1x16xf32> to vector<16xf32>
    %swap3A_713 = vector.shape_cast %get3A_707 : vector<16xf32> to vector<1x16xf32>
    tpu.vector_store %arg14[%swap3A_709, %swap3A_710], %swap3A_713 {strides = array<i32>} : memref<64x128xf32, #tpu.memory_space<vmem>>, vector<1x16xf32>,
    %get3A_714 = arith.constant 8 : index
    %get3A_715 = tpu.vector_load %arg12[%get3A_714] {strides = array<i32>} : memref<80xf32, #tpu.memory_space<vmem>>, vector<16xf32>,
    %get3A_716 = vector.shape_cast %get3A_715 : vector<16xf32> to vector<16xf32>
    %swap3A_717 = arith.constant 8 : i32
    %swap3A_718 = arith.index_cast %swap3A_717 : i32 to index
    %swap3A_719 = arith.constant 0 : index
    %swap3A_720 = tpu.vector_load %arg14[%swap3A_718, %swap3A_719] {strides = array<i32>} : memref<64x128xf32, #tpu.memory_space<vmem>>, vector<1x16xf32>,
    %swap3A_721 = vector.shape_cast %swap3A_720 : vector<1x16xf32> to vector<16xf32>
    %swap3A_722 = vector.shape_cast %get3A_716 : vector<16xf32> to vector<1x16xf32>
    tpu.vector_store %arg14[%swap3A_718, %swap3A_719], %swap3A_722 {strides = array<i32>} : memref<64x128xf32, #tpu.memory_space<vmem>>, vector<1x16xf32>,
    %get3A_723 = arith.constant 9 : index
    %get3A_724 = tpu.vector_load %arg12[%get3A_723] {strides = array<i32>} : memref<80xf32, #tpu.memory_space<vmem>>, vector<16xf32>,
    %get3A_725 = vector.shape_cast %get3A_724 : vector<16xf32> to vector<16xf32>
    %swap3A_726 = arith.constant 9 : i32
    %swap3A_727 = arith.index_cast %swap3A_726 : i32 to index
    %swap3A_728 = arith.constant 0 : index
    %swap3A_729 = tpu.vector_load %arg14[%swap3A_727, %swap3A_728] {strides = array<i32>} : memref<64x128xf32, #tpu.memory_space<vmem>>, vector<1x16xf32>,
    %swap3A_730 = vector.shape_cast %swap3A_729 : vector<1x16xf32> to vector<16xf32>
    %swap3A_731 = vector.shape_cast %get3A_725 : vector<16xf32> to vector<1x16xf32>
    tpu.vector_store %arg14[%swap3A_727, %swap3A_728], %swap3A_731 {strides = array<i32>} : memref<64x128xf32, #tpu.memory_space<vmem>>, vector<1x16xf32>,
    %get3A_732 = arith.constant 10 : index
    %get3A_733 = tpu.vector_load %arg12[%get3A_732] {strides = array<i32>} : memref<80xf32, #tpu.memory_space<vmem>>, vector<16xf32>,
    %get3A_734 = vector.shape_cast %get3A_733 : vector<16xf32> to vector<16xf32>
    %swap3A_735 = arith.constant 10 : i32
    %swap3A_736 = arith.index_cast %swap3A_735 : i32 to index
    %swap3A_737 = arith.constant 0 : index
    %swap3A_738 = tpu.vector_load %arg14[%swap3A_736, %swap3A_737] {strides = array<i32>} : memref<64x128xf32, #tpu.memory_space<vmem>>, vector<1x16xf32>,
    %swap3A_739 = vector.shape_cast %swap3A_738 : vector<1x16xf32> to vector<16xf32>
    %swap3A_740 = vector.shape_cast %get3A_734 : vector<16xf32> to vector<1x16xf32>
    tpu.vector_store %arg14[%swap3A_736, %swap3A_737], %swap3A_740 {strides = array<i32>} : memref<64x128xf32, #tpu.memory_space<vmem>>, vector<1x16xf32>,
    %get3A_741 = arith.constant 11 : index
    %get3A_742 = tpu.vector_load %arg12[%get3A_741] {strides = array<i32>} : memref<80xf32, #tpu.memory_space<vmem>>, vector<16xf32>,
    %get3A_743 = vector.shape_cast %get3A_742 : vector<16xf32> to vector<16xf32>
    %swap3A_744 = arith.constant 11 : i32
    %swap3A_745 = arith.index_cast %swap3A_744 : i32 to index
    %swap3A_746 = arith.constant 0 : index
    %swap3A_747 = tpu.vector_load %arg14[%swap3A_745, %swap3A_746] {strides = array<i32>} : memref<64x128xf32, #tpu.memory_space<vmem>>, vector<1x16xf32>,
    %swap3A_748 = vector.shape_cast %swap3A_747 : vector<1x16xf32> to vector<16xf32>
    %swap3A_749 = vector.shape_cast %get3A_743 : vector<16xf32> to vector<1x16xf32>
    tpu.vector_store %arg14[%swap3A_745, %swap3A_746], %swap3A_749 {strides = array<i32>} : memref<64x128xf32, #tpu.memory_space<vmem>>, vector<1x16xf32>,
    %get3A_750 = arith.constant 12 : index
    %get3A_751 = tpu.vector_load %arg12[%get3A_750] {strides = array<i32>} : memref<80xf32, #tpu.memory_space<vmem>>, vector<16xf32>,
    %get3A_752 = vector.shape_cast %get3A_751 : vector<16xf32> to vector<16xf32>
    %swap3A_753 = arith.constant 12 : i32
    %swap3A_754 = arith.index_cast %swap3A_753 : i32 to index
    %swap3A_755 = arith.constant 0 : index
    %swap3A_756 = tpu.vector_load %arg14[%swap3A_754, %swap3A_755] {strides = array<i32>} : memref<64x128xf32, #tpu.memory_space<vmem>>, vector<1x16xf32>,
    %swap3A_757 = vector.shape_cast %swap3A_756 : vector<1x16xf32> to vector<16xf32>
    %swap3A_758 = vector.shape_cast %get3A_752 : vector<16xf32> to vector<1x16xf32>
    tpu.vector_store %arg14[%swap3A_754, %swap3A_755], %swap3A_758 {strides = array<i32>} : memref<64x128xf32, #tpu.memory_space<vmem>>, vector<1x16xf32>,
    %get3A_759 = arith.constant 13 : index
    %get3A_760 = tpu.vector_load %arg12[%get3A_759] {strides = array<i32>} : memref<80xf32, #tpu.memory_space<vmem>>, vector<16xf32>,
    %get3A_761 = vector.shape_cast %get3A_760 : vector<16xf32> to vector<16xf32>
    %swap3A_762 = arith.constant 13 : i32
    %swap3A_763 = arith.index_cast %swap3A_762 : i32 to index
    %swap3A_764 = arith.constant 0 : index
    %swap3A_765 = tpu.vector_load %arg14[%swap3A_763, %swap3A_764] {strides = array<i32>} : memref<64x128xf32, #tpu.memory_space<vmem>>, vector<1x16xf32>,
    %swap3A_766 = vector.shape_cast %swap3A_765 : vector<1x16xf32> to vector<16xf32>
    %swap3A_767 = vector.shape_cast %get3A_761 : vector<16xf32> to vector<1x16xf32>
    tpu.vector_store %arg14[%swap3A_763, %swap3A_764], %swap3A_767 {strides = array<i32>} : memref<64x128xf32, #tpu.memory_space<vmem>>, vector<1x16xf32>,
    %get3A_768 = arith.constant 14 : index
    %get3A_769 = tpu.vector_load %arg12[%get3A_768] {strides = array<i32>} : memref<80xf32, #tpu.memory_space<vmem>>, vector<16xf32>,
    %get3A_770 = vector.shape_cast %get3A_769 : vector<16xf32> to vector<16xf32>
    %swap3A_771 = arith.constant 14 : i32
    %swap3A_772 = arith.index_cast %swap3A_771 : i32 to index
    %swap3A_773 = arith.constant 0 : index
    %swap3A_774 = tpu.vector_load %arg14[%swap3A_772, %swap3A_773] {strides = array<i32>} : memref<64x128xf32, #tpu.memory_space<vmem>>, vector<1x16xf32>,
    %swap3A_775 = vector.shape_cast %swap3A_774 : vector<1x16xf32> to vector<16xf32>
    %swap3A_776 = vector.shape_cast %get3A_770 : vector<16xf32> to vector<1x16xf32>
    tpu.vector_store %arg14[%swap3A_772, %swap3A_773], %swap3A_776 {strides = array<i32>} : memref<64x128xf32, #tpu.memory_space<vmem>>, vector<1x16xf32>,
    %get3A_777 = arith.constant 15 : index
    %get3A_778 = tpu.vector_load %arg12[%get3A_777] {strides = array<i32>} : memref<80xf32, #tpu.memory_space<vmem>>, vector<16xf32>,
    %get3A_779 = vector.shape_cast %get3A_778 : vector<16xf32> to vector<16xf32>
    %swap3A_780 = arith.constant 15 : i32
    %swap3A_781 = arith.index_cast %swap3A_780 : i32 to index
    %swap3A_782 = arith.constant 0 : index
    %swap3A_783 = tpu.vector_load %arg14[%swap3A_781, %swap3A_782] {strides = array<i32>} : memref<64x128xf32, #tpu.memory_space<vmem>>, vector<1x16xf32>,
    %swap3A_784 = vector.shape_cast %swap3A_783 : vector<1x16xf32> to vector<16xf32>
    %swap3A_785 = vector.shape_cast %get3A_779 : vector<16xf32> to vector<1x16xf32>
    tpu.vector_store %arg14[%swap3A_781, %swap3A_782], %swap3A_785 {strides = array<i32>} : memref<64x128xf32, #tpu.memory_space<vmem>>, vector<1x16xf32>,
    %get3A_786 = arith.constant 16 : index
    %get3A_787 = tpu.vector_load %arg12[%get3A_786] {strides = array<i32>} : memref<80xf32, #tpu.memory_space<vmem>>, vector<16xf32>,
    %get3A_788 = vector.shape_cast %get3A_787 : vector<16xf32> to vector<16xf32>
    %swap3A_789 = arith.constant 16 : i32
    %swap3A_790 = arith.index_cast %swap3A_789 : i32 to index
    %swap3A_791 = arith.constant 0 : index
    %swap3A_792 = tpu.vector_load %arg14[%swap3A_790, %swap3A_791] {strides = array<i32>} : memref<64x128xf32, #tpu.memory_space<vmem>>, vector<1x16xf32>,
    %swap3A_793 = vector.shape_cast %swap3A_792 : vector<1x16xf32> to vector<16xf32>
    %swap3A_794 = vector.shape_cast %get3A_788 : vector<16xf32> to vector<1x16xf32>
    tpu.vector_store %arg14[%swap3A_790, %swap3A_791], %swap3A_794 {strides = array<i32>} : memref<64x128xf32, #tpu.memory_space<vmem>>, vector<1x16xf32>,
    %get3A_795 = arith.constant 17 : index
    %get3A_796 = tpu.vector_load %arg12[%get3A_795] {strides = array<i32>} : memref<80xf32, #tpu.memory_space<vmem>>, vector<16xf32>,
    %get3A_797 = vector.shape_cast %get3A_796 : vector<16xf32> to vector<16xf32>
    %swap3A_798 = arith.constant 17 : i32
    %swap3A_799 = arith.index_cast %swap3A_798 : i32 to index
    %swap3A_800 = arith.constant 0 : index
    %swap3A_801 = tpu.vector_load %arg14[%swap3A_799, %swap3A_800] {strides = array<i32>} : memref<64x128xf32, #tpu.memory_space<vmem>>, vector<1x16xf32>,
    %swap3A_802 = vector.shape_cast %swap3A_801 : vector<1x16xf32> to vector<16xf32>
    %swap3A_803 = vector.shape_cast %get3A_797 : vector<16xf32> to vector<1x16xf32>
    tpu.vector_store %arg14[%swap3A_799, %swap3A_800], %swap3A_803 {strides = array<i32>} : memref<64x128xf32, #tpu.memory_space<vmem>>, vector<1x16xf32>,
    %get3A_804 = arith.constant 18 : index
    %get3A_805 = tpu.vector_load %arg12[%get3A_804] {strides = array<i32>} : memref<80xf32, #tpu.memory_space<vmem>>, vector<16xf32>,
    %get3A_806 = vector.shape_cast %get3A_805 : vector<16xf32> to vector<16xf32>
    %swap3A_807 = arith.constant 18 : i32
    %swap3A_808 = arith.index_cast %swap3A_807 : i32 to index
    %swap3A_809 = arith.constant 0 : index
    %swap3A_810 = tpu.vector_load %arg14[%swap3A_808, %swap3A_809] {strides = array<i32>} : memref<64x128xf32, #tpu.memory_space<vmem>>, vector<1x16xf32>,
    %swap3A_811 = vector.shape_cast %swap3A_810 : vector<1x16xf32> to vector<16xf32>
    %swap3A_812 = vector.shape_cast %get3A_806 : vector<16xf32> to vector<1x16xf32>
    tpu.vector_store %arg14[%swap3A_808, %swap3A_809], %swap3A_812 {strides = array<i32>} : memref<64x128xf32, #tpu.memory_space<vmem>>, vector<1x16xf32>,
    %get3A_813 = arith.constant 19 : index
    %get3A_814 = tpu.vector_load %arg12[%get3A_813] {strides = array<i32>} : memref<80xf32, #tpu.memory_space<vmem>>, vector<16xf32>,
    %get3A_815 = vector.shape_cast %get3A_814 : vector<16xf32> to vector<16xf32>
    %swap3A_816 = arith.constant 19 : i32
    %swap3A_817 = arith.index_cast %swap3A_816 : i32 to index
    %swap3A_818 = arith.constant 0 : index
    %swap3A_819 = tpu.vector_load %arg14[%swap3A_817, %swap3A_818] {strides = array<i32>} : memref<64x128xf32, #tpu.memory_space<vmem>>, vector<1x16xf32>,
    %swap3A_820 = vector.shape_cast %swap3A_819 : vector<1x16xf32> to vector<16xf32>
    %swap3A_821 = vector.shape_cast %get3A_815 : vector<16xf32> to vector<1x16xf32>
    tpu.vector_store %arg14[%swap3A_817, %swap3A_818], %swap3A_821 {strides = array<i32>} : memref<64x128xf32, #tpu.memory_space<vmem>>, vector<1x16xf32>,
    %get3A_822 = arith.constant 20 : index
    %get3A_823 = tpu.vector_load %arg12[%get3A_822] {strides = array<i32>} : memref<80xf32, #tpu.memory_space<vmem>>, vector<16xf32>,
    %get3A_824 = vector.shape_cast %get3A_823 : vector<16xf32> to vector<16xf32>
    %swap3A_825 = arith.constant 20 : i32
    %swap3A_826 = arith.index_cast %swap3A_825 : i32 to index
    %swap3A_827 = arith.constant 0 : index
    %swap3A_828 = tpu.vector_load %arg14[%swap3A_826, %swap3A_827] {strides = array<i32>} : memref<64x128xf32, #tpu.memory_space<vmem>>, vector<1x16xf32>,
    %swap3A_829 = vector.shape_cast %swap3A_828 : vector<1x16xf32> to vector<16xf32>
    %swap3A_830 = vector.shape_cast %get3A_824 : vector<16xf32> to vector<1x16xf32>
    tpu.vector_store %arg14[%swap3A_826, %swap3A_827], %swap3A_830 {strides = array<i32>} : memref<64x128xf32, #tpu.memory_space<vmem>>, vector<1x16xf32>,
    %get3A_831 = arith.constant 21 : index
    %get3A_832 = tpu.vector_load %arg12[%get3A_831] {strides = array<i32>} : memref<80xf32, #tpu.memory_space<vmem>>, vector<16xf32>,
    %get3A_833 = vector.shape_cast %get3A_832 : vector<16xf32> to vector<16xf32>
    %swap3A_834 = arith.constant 21 : i32
    %swap3A_835 = arith.index_cast %swap3A_834 : i32 to index
    %swap3A_836 = arith.constant 0 : index
    %swap3A_837 = tpu.vector_load %arg14[%swap3A_835, %swap3A_836] {strides = array<i32>} : memref<64x128xf32, #tpu.memory_space<vmem>>, vector<1x16xf32>,
    %swap3A_838 = vector.shape_cast %swap3A_837 : vector<1x16xf32> to vector<16xf32>
    %swap3A_839 = vector.shape_cast %get3A_833 : vector<16xf32> to vector<1x16xf32>
    tpu.vector_store %arg14[%swap3A_835, %swap3A_836], %swap3A_839 {strides = array<i32>} : memref<64x128xf32, #tpu.memory_space<vmem>>, vector<1x16xf32>,
    %get3A_840 = arith.constant 22 : index
    %get3A_841 = tpu.vector_load %arg12[%get3A_840] {strides = array<i32>} : memref<80xf32, #tpu.memory_space<vmem>>, vector<16xf32>,
    %get3A_842 = vector.shape_cast %get3A_841 : vector<16xf32> to vector<16xf32>
    %swap3A_843 = arith.constant 22 : i32
    %swap3A_844 = arith.index_cast %swap3A_843 : i32 to index
    %swap3A_845 = arith.constant 0 : index
    %swap3A_846 = tpu.vector_load %arg14[%swap3A_844, %swap3A_845] {strides = array<i32>} : memref<64x128xf32, #tpu.memory_space<vmem>>, vector<1x16xf32>,
    %swap3A_847 = vector.shape_cast %swap3A_846 : vector<1x16xf32> to vector<16xf32>
    %swap3A_848 = vector.shape_cast %get3A_842 : vector<16xf32> to vector<1x16xf32>
    tpu.vector_store %arg14[%swap3A_844, %swap3A_845], %swap3A_848 {strides = array<i32>} : memref<64x128xf32, #tpu.memory_space<vmem>>, vector<1x16xf32>,
    %get3A_849 = arith.constant 23 : index
    %get3A_850 = tpu.vector_load %arg12[%get3A_849] {strides = array<i32>} : memref<80xf32, #tpu.memory_space<vmem>>, vector<16xf32>,
    %get3A_851 = vector.shape_cast %get3A_850 : vector<16xf32> to vector<16xf32>
    %swap3A_852 = arith.constant 23 : i32
    %swap3A_853 = arith.index_cast %swap3A_852 : i32 to index
    %swap3A_854 = arith.constant 0 : index
    %swap3A_855 = tpu.vector_load %arg14[%swap3A_853, %swap3A_854] {strides = array<i32>} : memref<64x128xf32, #tpu.memory_space<vmem>>, vector<1x16xf32>,
    %swap3A_856 = vector.shape_cast %swap3A_855 : vector<1x16xf32> to vector<16xf32>
    %swap3A_857 = vector.shape_cast %get3A_851 : vector<16xf32> to vector<1x16xf32>
    tpu.vector_store %arg14[%swap3A_853, %swap3A_854], %swap3A_857 {strides = array<i32>} : memref<64x128xf32, #tpu.memory_space<vmem>>, vector<1x16xf32>,
    %get3A_858 = arith.constant 24 : index
    %get3A_859 = tpu.vector_load %arg12[%get3A_858] {strides = array<i32>} : memref<80xf32, #tpu.memory_space<vmem>>, vector<16xf32>,
    %get3A_860 = vector.shape_cast %get3A_859 : vector<16xf32> to vector<16xf32>
    %swap3A_861 = arith.constant 24 : i32
    %swap3A_862 = arith.index_cast %swap3A_861 : i32 to index
    %swap3A_863 = arith.constant 0 : index
    %swap3A_864 = tpu.vector_load %arg14[%swap3A_862, %swap3A_863] {strides = array<i32>} : memref<64x128xf32, #tpu.memory_space<vmem>>, vector<1x16xf32>,
    %swap3A_865 = vector.shape_cast %swap3A_864 : vector<1x16xf32> to vector<16xf32>
    %swap3A_866 = vector.shape_cast %get3A_860 : vector<16xf32> to vector<1x16xf32>
    tpu.vector_store %arg14[%swap3A_862, %swap3A_863], %swap3A_866 {strides = array<i32>} : memref<64x128xf32, #tpu.memory_space<vmem>>, vector<1x16xf32>,
    %get3A_867 = arith.constant 25 : index
    %get3A_868 = tpu.vector_load %arg12[%get3A_867] {strides = array<i32>} : memref<80xf32, #tpu.memory_space<vmem>>, vector<16xf32>,
    %get3A_869 = vector.shape_cast %get3A_868 : vector<16xf32> to vector<16xf32>
    %swap3A_870 = arith.constant 25 : i32
    %swap3A_871 = arith.index_cast %swap3A_870 : i32 to index
    %swap3A_872 = arith.constant 0 : index
    %swap3A_873 = tpu.vector_load %arg14[%swap3A_871, %swap3A_872] {strides = array<i32>} : memref<64x128xf32, #tpu.memory_space<vmem>>, vector<1x16xf32>,
    %swap3A_874 = vector.shape_cast %swap3A_873 : vector<1x16xf32> to vector<16xf32>
    %swap3A_875 = vector.shape_cast %get3A_869 : vector<16xf32> to vector<1x16xf32>
    tpu.vector_store %arg14[%swap3A_871, %swap3A_872], %swap3A_875 {strides = array<i32>} : memref<64x128xf32, #tpu.memory_space<vmem>>, vector<1x16xf32>,
    %get3A_876 = arith.constant 26 : index
    %get3A_877 = tpu.vector_load %arg12[%get3A_876] {strides = array<i32>} : memref<80xf32, #tpu.memory_space<vmem>>, vector<16xf32>,
    %get3A_878 = vector.shape_cast %get3A_877 : vector<16xf32> to vector<16xf32>
    %swap3A_879 = arith.constant 26 : i32
    %swap3A_880 = arith.index_cast %swap3A_879 : i32 to index
    %swap3A_881 = arith.constant 0 : index
    %swap3A_882 = tpu.vector_load %arg14[%swap3A_880, %swap3A_881] {strides = array<i32>} : memref<64x128xf32, #tpu.memory_space<vmem>>, vector<1x16xf32>,
    %swap3A_883 = vector.shape_cast %swap3A_882 : vector<1x16xf32> to vector<16xf32>
    %swap3A_884 = vector.shape_cast %get3A_878 : vector<16xf32> to vector<1x16xf32>
    tpu.vector_store %arg14[%swap3A_880, %swap3A_881], %swap3A_884 {strides = array<i32>} : memref<64x128xf32, #tpu.memory_space<vmem>>, vector<1x16xf32>,
    %get3A_885 = arith.constant 27 : index
    %get3A_886 = tpu.vector_load %arg12[%get3A_885] {strides = array<i32>} : memref<80xf32, #tpu.memory_space<vmem>>, vector<16xf32>,
    %get3A_887 = vector.shape_cast %get3A_886 : vector<16xf32> to vector<16xf32>
    %swap3A_888 = arith.constant 27 : i32
    %swap3A_889 = arith.index_cast %swap3A_888 : i32 to index
    %swap3A_890 = arith.constant 0 : index
    %swap3A_891 = tpu.vector_load %arg14[%swap3A_889, %swap3A_890] {strides = array<i32>} : memref<64x128xf32, #tpu.memory_space<vmem>>, vector<1x16xf32>,
    %swap3A_892 = vector.shape_cast %swap3A_891 : vector<1x16xf32> to vector<16xf32>
    %swap3A_893 = vector.shape_cast %get3A_887 : vector<16xf32> to vector<1x16xf32>
    tpu.vector_store %arg14[%swap3A_889, %swap3A_890], %swap3A_893 {strides = array<i32>} : memref<64x128xf32, #tpu.memory_space<vmem>>, vector<1x16xf32>,
    %get3A_894 = arith.constant 28 : index
    %get3A_895 = tpu.vector_load %arg12[%get3A_894] {strides = array<i32>} : memref<80xf32, #tpu.memory_space<vmem>>, vector<16xf32>,
    %get3A_896 = vector.shape_cast %get3A_895 : vector<16xf32> to vector<16xf32>
    %swap3A_897 = arith.constant 28 : i32
    %swap3A_898 = arith.index_cast %swap3A_897 : i32 to index
    %swap3A_899 = arith.constant 0 : index
    %swap3A_900 = tpu.vector_load %arg14[%swap3A_898, %swap3A_899] {strides = array<i32>} : memref<64x128xf32, #tpu.memory_space<vmem>>, vector<1x16xf32>,
    %swap3A_901 = vector.shape_cast %swap3A_900 : vector<1x16xf32> to vector<16xf32>
    %swap3A_902 = vector.shape_cast %get3A_896 : vector<16xf32> to vector<1x16xf32>
    tpu.vector_store %arg14[%swap3A_898, %swap3A_899], %swap3A_902 {strides = array<i32>} : memref<64x128xf32, #tpu.memory_space<vmem>>, vector<1x16xf32>,
    %get3A_903 = arith.constant 29 : index
    %get3A_904 = tpu.vector_load %arg12[%get3A_903] {strides = array<i32>} : memref<80xf32, #tpu.memory_space<vmem>>, vector<16xf32>,
    %get3A_905 = vector.shape_cast %get3A_904 : vector<16xf32> to vector<16xf32>
    %swap3A_906 = arith.constant 29 : i32
    %swap3A_907 = arith.index_cast %swap3A_906 : i32 to index
    %swap3A_908 = arith.constant 0 : index
    %swap3A_909 = tpu.vector_load %arg14[%swap3A_907, %swap3A_908] {strides = array<i32>} : memref<64x128xf32, #tpu.memory_space<vmem>>, vector<1x16xf32>,
    %swap3A_910 = vector.shape_cast %swap3A_909 : vector<1x16xf32> to vector<16xf32>
    %swap3A_911 = vector.shape_cast %get3A_905 : vector<16xf32> to vector<1x16xf32>
    tpu.vector_store %arg14[%swap3A_907, %swap3A_908], %swap3A_911 {strides = array<i32>} : memref<64x128xf32, #tpu.memory_space<vmem>>, vector<1x16xf32>,
    %get3A_912 = arith.constant 30 : index
    %get3A_913 = tpu.vector_load %arg12[%get3A_912] {strides = array<i32>} : memref<80xf32, #tpu.memory_space<vmem>>, vector<16xf32>,
    %get3A_914 = vector.shape_cast %get3A_913 : vector<16xf32> to vector<16xf32>
    %swap3A_915 = arith.constant 30 : i32
    %swap3A_916 = arith.index_cast %swap3A_915 : i32 to index
    %swap3A_917 = arith.constant 0 : index
    %swap3A_918 = tpu.vector_load %arg14[%swap3A_916, %swap3A_917] {strides = array<i32>} : memref<64x128xf32, #tpu.memory_space<vmem>>, vector<1x16xf32>,
    %swap3A_919 = vector.shape_cast %swap3A_918 : vector<1x16xf32> to vector<16xf32>
    %swap3A_920 = vector.shape_cast %get3A_914 : vector<16xf32> to vector<1x16xf32>
    tpu.vector_store %arg14[%swap3A_916, %swap3A_917], %swap3A_920 {strides = array<i32>} : memref<64x128xf32, #tpu.memory_space<vmem>>, vector<1x16xf32>,
    %get3A_921 = arith.constant 31 : index
    %get3A_922 = tpu.vector_load %arg12[%get3A_921] {strides = array<i32>} : memref<80xf32, #tpu.memory_space<vmem>>, vector<16xf32>,
    %get3A_923 = vector.shape_cast %get3A_922 : vector<16xf32> to vector<16xf32>
    %swap3A_924 = arith.constant 31 : i32
    %swap3A_925 = arith.index_cast %swap3A_924 : i32 to index
    %swap3A_926 = arith.constant 0 : index
    %swap3A_927 = tpu.vector_load %arg14[%swap3A_925, %swap3A_926] {strides = array<i32>} : memref<64x128xf32, #tpu.memory_space<vmem>>, vector<1x16xf32>,
    %swap3A_928 = vector.shape_cast %swap3A_927 : vector<1x16xf32> to vector<16xf32>
    %swap3A_929 = vector.shape_cast %get3A_923 : vector<16xf32> to vector<1x16xf32>
    tpu.vector_store %arg14[%swap3A_925, %swap3A_926], %swap3A_929 {strides = array<i32>} : memref<64x128xf32, #tpu.memory_space<vmem>>, vector<1x16xf32>,
    %get3A_930 = arith.constant 32 : index
    %get3A_931 = tpu.vector_load %arg12[%get3A_930] {strides = array<i32>} : memref<80xf32, #tpu.memory_space<vmem>>, vector<16xf32>,
    %get3A_932 = vector.shape_cast %get3A_931 : vector<16xf32> to vector<16xf32>
    %swap3A_933 = arith.constant 32 : i32
    %swap3A_934 = arith.index_cast %swap3A_933 : i32 to index
    %swap3A_935 = arith.constant 0 : index
    %swap3A_936 = tpu.vector_load %arg14[%swap3A_934, %swap3A_935] {strides = array<i32>} : memref<64x128xf32, #tpu.memory_space<vmem>>, vector<1x16xf32>,
    %swap3A_937 = vector.shape_cast %swap3A_936 : vector<1x16xf32> to vector<16xf32>
    %swap3A_938 = vector.shape_cast %get3A_932 : vector<16xf32> to vector<1x16xf32>
    tpu.vector_store %arg14[%swap3A_934, %swap3A_935], %swap3A_938 {strides = array<i32>} : memref<64x128xf32, #tpu.memory_space<vmem>>, vector<1x16xf32>,
    %get3A_939 = arith.constant 33 : index
    %get3A_940 = tpu.vector_load %arg12[%get3A_939] {strides = array<i32>} : memref<80xf32, #tpu.memory_space<vmem>>, vector<16xf32>,
    %get3A_941 = vector.shape_cast %get3A_940 : vector<16xf32> to vector<16xf32>
    %swap3A_942 = arith.constant 33 : i32
    %swap3A_943 = arith.index_cast %swap3A_942 : i32 to index
    %swap3A_944 = arith.constant 0 : index
    %swap3A_945 = tpu.vector_load %arg14[%swap3A_943, %swap3A_944] {strides = array<i32>} : memref<64x128xf32, #tpu.memory_space<vmem>>, vector<1x16xf32>,
    %swap3A_946 = vector.shape_cast %swap3A_945 : vector<1x16xf32> to vector<16xf32>
    %swap3A_947 = vector.shape_cast %get3A_941 : vector<16xf32> to vector<1x16xf32>
    tpu.vector_store %arg14[%swap3A_943, %swap3A_944], %swap3A_947 {strides = array<i32>} : memref<64x128xf32, #tpu.memory_space<vmem>>, vector<1x16xf32>,
    %get3A_948 = arith.constant 34 : index
    %get3A_949 = tpu.vector_load %arg12[%get3A_948] {strides = array<i32>} : memref<80xf32, #tpu.memory_space<vmem>>, vector<16xf32>,
    %get3A_950 = vector.shape_cast %get3A_949 : vector<16xf32> to vector<16xf32>
    %swap3A_951 = arith.constant 34 : i32
    %swap3A_952 = arith.index_cast %swap3A_951 : i32 to index
    %swap3A_953 = arith.constant 0 : index
    %swap3A_954 = tpu.vector_load %arg14[%swap3A_952, %swap3A_953] {strides = array<i32>} : memref<64x128xf32, #tpu.memory_space<vmem>>, vector<1x16xf32>,
    %swap3A_955 = vector.shape_cast %swap3A_954 : vector<1x16xf32> to vector<16xf32>
    %swap3A_956 = vector.shape_cast %get3A_950 : vector<16xf32> to vector<1x16xf32>
    tpu.vector_store %arg14[%swap3A_952, %swap3A_953], %swap3A_956 {strides = array<i32>} : memref<64x128xf32, #tpu.memory_space<vmem>>, vector<1x16xf32>,
    %get3A_957 = arith.constant 35 : index
    %get3A_958 = tpu.vector_load %arg12[%get3A_957] {strides = array<i32>} : memref<80xf32, #tpu.memory_space<vmem>>, vector<16xf32>,
    %get3A_959 = vector.shape_cast %get3A_958 : vector<16xf32> to vector<16xf32>
    %swap3A_960 = arith.constant 35 : i32
    %swap3A_961 = arith.index_cast %swap3A_960 : i32 to index
    %swap3A_962 = arith.constant 0 : index
    %swap3A_963 = tpu.vector_load %arg14[%swap3A_961, %swap3A_962] {strides = array<i32>} : memref<64x128xf32, #tpu.memory_space<vmem>>, vector<1x16xf32>,
    %swap3A_964 = vector.shape_cast %swap3A_963 : vector<1x16xf32> to vector<16xf32>
    %swap3A_965 = vector.shape_cast %get3A_959 : vector<16xf32> to vector<1x16xf32>
    tpu.vector_store %arg14[%swap3A_961, %swap3A_962], %swap3A_965 {strides = array<i32>} : memref<64x128xf32, #tpu.memory_space<vmem>>, vector<1x16xf32>,
    %get3A_966 = arith.constant 36 : index
    %get3A_967 = tpu.vector_load %arg12[%get3A_966] {strides = array<i32>} : memref<80xf32, #tpu.memory_space<vmem>>, vector<16xf32>,
    %get3A_968 = vector.shape_cast %get3A_967 : vector<16xf32> to vector<16xf32>
    %swap3A_969 = arith.constant 36 : i32
    %swap3A_970 = arith.index_cast %swap3A_969 : i32 to index
    %swap3A_971 = arith.constant 0 : index
    %swap3A_972 = tpu.vector_load %arg14[%swap3A_970, %swap3A_971] {strides = array<i32>} : memref<64x128xf32, #tpu.memory_space<vmem>>, vector<1x16xf32>,
    %swap3A_973 = vector.shape_cast %swap3A_972 : vector<1x16xf32> to vector<16xf32>
    %swap3A_974 = vector.shape_cast %get3A_968 : vector<16xf32> to vector<1x16xf32>
    tpu.vector_store %arg14[%swap3A_970, %swap3A_971], %swap3A_974 {strides = array<i32>} : memref<64x128xf32, #tpu.memory_space<vmem>>, vector<1x16xf32>,
    %get3A_975 = arith.constant 37 : index
    %get3A_976 = tpu.vector_load %arg12[%get3A_975] {strides = array<i32>} : memref<80xf32, #tpu.memory_space<vmem>>, vector<16xf32>,
    %get3A_977 = vector.shape_cast %get3A_976 : vector<16xf32> to vector<16xf32>
    %swap3A_978 = arith.constant 37 : i32
    %swap3A_979 = arith.index_cast %swap3A_978 : i32 to index
    %swap3A_980 = arith.constant 0 : index
    %swap3A_981 = tpu.vector_load %arg14[%swap3A_979, %swap3A_980] {strides = array<i32>} : memref<64x128xf32, #tpu.memory_space<vmem>>, vector<1x16xf32>,
    %swap3A_982 = vector.shape_cast %swap3A_981 : vector<1x16xf32> to vector<16xf32>
    %swap3A_983 = vector.shape_cast %get3A_977 : vector<16xf32> to vector<1x16xf32>
    tpu.vector_store %arg14[%swap3A_979, %swap3A_980], %swap3A_983 {strides = array<i32>} : memref<64x128xf32, #tpu.memory_space<vmem>>, vector<1x16xf32>,
    %get3A_984 = arith.constant 38 : index
    %get3A_985 = tpu.vector_load %arg12[%get3A_984] {strides = array<i32>} : memref<80xf32, #tpu.memory_space<vmem>>, vector<16xf32>,
    %get3A_986 = vector.shape_cast %get3A_985 : vector<16xf32> to vector<16xf32>
    %swap3A_987 = arith.constant 38 : i32
    %swap3A_988 = arith.index_cast %swap3A_987 : i32 to index
    %swap3A_989 = arith.constant 0 : index
    %swap3A_990 = tpu.vector_load %arg14[%swap3A_988, %swap3A_989] {strides = array<i32>} : memref<64x128xf32, #tpu.memory_space<vmem>>, vector<1x16xf32>,
    %swap3A_991 = vector.shape_cast %swap3A_990 : vector<1x16xf32> to vector<16xf32>
    %swap3A_992 = vector.shape_cast %get3A_986 : vector<16xf32> to vector<1x16xf32>
    tpu.vector_store %arg14[%swap3A_988, %swap3A_989], %swap3A_992 {strides = array<i32>} : memref<64x128xf32, #tpu.memory_space<vmem>>, vector<1x16xf32>,
    %get3A_993 = arith.constant 39 : index
    %get3A_994 = tpu.vector_load %arg12[%get3A_993] {strides = array<i32>} : memref<80xf32, #tpu.memory_space<vmem>>, vector<16xf32>,
    %get3A_995 = vector.shape_cast %get3A_994 : vector<16xf32> to vector<16xf32>
    %swap3A_996 = arith.constant 39 : i32
    %swap3A_997 = arith.index_cast %swap3A_996 : i32 to index
    %swap3A_998 = arith.constant 0 : index
    %swap3A_999 = tpu.vector_load %arg14[%swap3A_997, %swap3A_998] {strides = array<i32>} : memref<64x128xf32, #tpu.memory_space<vmem>>, vector<1x16xf32>,
    %swap3A_1000 = vector.shape_cast %swap3A_999 : vector<1x16xf32> to vector<16xf32>
    %swap3A_1001 = vector.shape_cast %get3A_995 : vector<16xf32> to vector<1x16xf32>
    tpu.vector_store %arg14[%swap3A_997, %swap3A_998], %swap3A_1001 {strides = array<i32>} : memref<64x128xf32, #tpu.memory_space<vmem>>, vector<1x16xf32>,
    %get3A_1002 = arith.constant 40 : index
    %get3A_1003 = tpu.vector_load %arg12[%get3A_1002] {strides = array<i32>} : memref<80xf32, #tpu.memory_space<vmem>>, vector<16xf32>,
    %get3A_1004 = vector.shape_cast %get3A_1003 : vector<16xf32> to vector<16xf32>
    %swap3A_1005 = arith.constant 40 : i32
    %swap3A_1006 = arith.index_cast %swap3A_1005 : i32 to index
    %swap3A_1007 = arith.constant 0 : index
    %swap3A_1008 = tpu.vector_load %arg14[%swap3A_1006, %swap3A_1007] {strides = array<i32>} : memref<64x128xf32, #tpu.memory_space<vmem>>, vector<1x16xf32>,
    %swap3A_1009 = vector.shape_cast %swap3A_1008 : vector<1x16xf32> to vector<16xf32>
    %swap3A_1010 = vector.shape_cast %get3A_1004 : vector<16xf32> to vector<1x16xf32>
    tpu.vector_store %arg14[%swap3A_1006, %swap3A_1007], %swap3A_1010 {strides = array<i32>} : memref<64x128xf32, #tpu.memory_space<vmem>>, vector<1x16xf32>,
    %get3A_1011 = arith.constant 41 : index
    %get3A_1012 = tpu.vector_load %arg12[%get3A_1011] {strides = array<i32>} : memref<80xf32, #tpu.memory_space<vmem>>, vector<16xf32>,
    %get3A_1013 = vector.shape_cast %get3A_1012 : vector<16xf32> to vector<16xf32>
    %swap3A_1014 = arith.constant 41 : i32
    %swap3A_1015 = arith.index_cast %swap3A_1014 : i32 to index
    %swap3A_1016 = arith.constant 0 : index
    %swap3A_1017 = tpu.vector_load %arg14[%swap3A_1015, %swap3A_1016] {strides = array<i32>} : memref<64x128xf32, #tpu.memory_space<vmem>>, vector<1x16xf32>,
    %swap3A_1018 = vector.shape_cast %swap3A_1017 : vector<1x16xf32> to vector<16xf32>
    %swap3A_1019 = vector.shape_cast %get3A_1013 : vector<16xf32> to vector<1x16xf32>
    tpu.vector_store %arg14[%swap3A_1015, %swap3A_1016], %swap3A_1019 {strides = array<i32>} : memref<64x128xf32, #tpu.memory_space<vmem>>, vector<1x16xf32>,
    %get3A_1020 = arith.constant 42 : index
    %get3A_1021 = tpu.vector_load %arg12[%get3A_1020] {strides = array<i32>} : memref<80xf32, #tpu.memory_space<vmem>>, vector<16xf32>,
    %get3A_1022 = vector.shape_cast %get3A_1021 : vector<16xf32> to vector<16xf32>
    %swap3A_1023 = arith.constant 42 : i32
    %swap3A_1024 = arith.index_cast %swap3A_1023 : i32 to index
    %swap3A_1025 = arith.constant 0 : index
    %swap3A_1026 = tpu.vector_load %arg14[%swap3A_1024, %swap3A_1025] {strides = array<i32>} : memref<64x128xf32, #tpu.memory_space<vmem>>, vector<1x16xf32>,
    %swap3A_1027 = vector.shape_cast %swap3A_1026 : vector<1x16xf32> to vector<16xf32>
    %swap3A_1028 = vector.shape_cast %get3A_1022 : vector<16xf32> to vector<1x16xf32>
    tpu.vector_store %arg14[%swap3A_1024, %swap3A_1025], %swap3A_1028 {strides = array<i32>} : memref<64x128xf32, #tpu.memory_space<vmem>>, vector<1x16xf32>,
    %get3A_1029 = arith.constant 43 : index
    %get3A_1030 = tpu.vector_load %arg12[%get3A_1029] {strides = array<i32>} : memref<80xf32, #tpu.memory_space<vmem>>, vector<16xf32>,
    %get3A_1031 = vector.shape_cast %get3A_1030 : vector<16xf32> to vector<16xf32>
    %swap3A_1032 = arith.constant 43 : i32
    %swap3A_1033 = arith.index_cast %swap3A_1032 : i32 to index
    %swap3A_1034 = arith.constant 0 : index
    %swap3A_1035 = tpu.vector_load %arg14[%swap3A_1033, %swap3A_1034] {strides = array<i32>} : memref<64x128xf32, #tpu.memory_space<vmem>>, vector<1x16xf32>,
    %swap3A_1036 = vector.shape_cast %swap3A_1035 : vector<1x16xf32> to vector<16xf32>
    %swap3A_1037 = vector.shape_cast %get3A_1031 : vector<16xf32> to vector<1x16xf32>
    tpu.vector_store %arg14[%swap3A_1033, %swap3A_1034], %swap3A_1037 {strides = array<i32>} : memref<64x128xf32, #tpu.memory_space<vmem>>, vector<1x16xf32>,
    %get3A_1038 = arith.constant 44 : index
    %get3A_1039 = tpu.vector_load %arg12[%get3A_1038] {strides = array<i32>} : memref<80xf32, #tpu.memory_space<vmem>>, vector<16xf32>,
    %get3A_1040 = vector.shape_cast %get3A_1039 : vector<16xf32> to vector<16xf32>
    %swap3A_1041 = arith.constant 44 : i32
    %swap3A_1042 = arith.index_cast %swap3A_1041 : i32 to index
    %swap3A_1043 = arith.constant 0 : index
    %swap3A_1044 = tpu.vector_load %arg14[%swap3A_1042, %swap3A_1043] {strides = array<i32>} : memref<64x128xf32, #tpu.memory_space<vmem>>, vector<1x16xf32>,
    %swap3A_1045 = vector.shape_cast %swap3A_1044 : vector<1x16xf32> to vector<16xf32>
    %swap3A_1046 = vector.shape_cast %get3A_1040 : vector<16xf32> to vector<1x16xf32>
    tpu.vector_store %arg14[%swap3A_1042, %swap3A_1043], %swap3A_1046 {strides = array<i32>} : memref<64x128xf32, #tpu.memory_space<vmem>>, vector<1x16xf32>,
    %get3A_1047 = arith.constant 45 : index
    %get3A_1048 = tpu.vector_load %arg12[%get3A_1047] {strides = array<i32>} : memref<80xf32, #tpu.memory_space<vmem>>, vector<16xf32>,
    %get3A_1049 = vector.shape_cast %get3A_1048 : vector<16xf32> to vector<16xf32>
    %swap3A_1050 = arith.constant 45 : i32
    %swap3A_1051 = arith.index_cast %swap3A_1050 : i32 to index
    %swap3A_1052 = arith.constant 0 : index
    %swap3A_1053 = tpu.vector_load %arg14[%swap3A_1051, %swap3A_1052] {strides = array<i32>} : memref<64x128xf32, #tpu.memory_space<vmem>>, vector<1x16xf32>,
    %swap3A_1054 = vector.shape_cast %swap3A_1053 : vector<1x16xf32> to vector<16xf32>
    %swap3A_1055 = vector.shape_cast %get3A_1049 : vector<16xf32> to vector<1x16xf32>
    tpu.vector_store %arg14[%swap3A_1051, %swap3A_1052], %swap3A_1055 {strides = array<i32>} : memref<64x128xf32, #tpu.memory_space<vmem>>, vector<1x16xf32>,
    %get3A_1056 = arith.constant 46 : index
    %get3A_1057 = tpu.vector_load %arg12[%get3A_1056] {strides = array<i32>} : memref<80xf32, #tpu.memory_space<vmem>>, vector<16xf32>,
    %get3A_1058 = vector.shape_cast %get3A_1057 : vector<16xf32> to vector<16xf32>
    %swap3A_1059 = arith.constant 46 : i32
    %swap3A_1060 = arith.index_cast %swap3A_1059 : i32 to index
    %swap3A_1061 = arith.constant 0 : index
    %swap3A_1062 = tpu.vector_load %arg14[%swap3A_1060, %swap3A_1061] {strides = array<i32>} : memref<64x128xf32, #tpu.memory_space<vmem>>, vector<1x16xf32>,
    %swap3A_1063 = vector.shape_cast %swap3A_1062 : vector<1x16xf32> to vector<16xf32>
    %swap3A_1064 = vector.shape_cast %get3A_1058 : vector<16xf32> to vector<1x16xf32>
    tpu.vector_store %arg14[%swap3A_1060, %swap3A_1061], %swap3A_1064 {strides = array<i32>} : memref<64x128xf32, #tpu.memory_space<vmem>>, vector<1x16xf32>,
    %get3A_1065 = arith.constant 47 : index
    %get3A_1066 = tpu.vector_load %arg12[%get3A_1065] {strides = array<i32>} : memref<80xf32, #tpu.memory_space<vmem>>, vector<16xf32>,
    %get3A_1067 = vector.shape_cast %get3A_1066 : vector<16xf32> to vector<16xf32>
    %swap3A_1068 = arith.constant 47 : i32
    %swap3A_1069 = arith.index_cast %swap3A_1068 : i32 to index
    %swap3A_1070 = arith.constant 0 : index
    %swap3A_1071 = tpu.vector_load %arg14[%swap3A_1069, %swap3A_1070] {strides = array<i32>} : memref<64x128xf32, #tpu.memory_space<vmem>>, vector<1x16xf32>,
    %swap3A_1072 = vector.shape_cast %swap3A_1071 : vector<1x16xf32> to vector<16xf32>
    %swap3A_1073 = vector.shape_cast %get3A_1067 : vector<16xf32> to vector<1x16xf32>
    tpu.vector_store %arg14[%swap3A_1069, %swap3A_1070], %swap3A_1073 {strides = array<i32>} : memref<64x128xf32, #tpu.memory_space<vmem>>, vector<1x16xf32>,
    %get3A_1074 = arith.constant 48 : index
    %get3A_1075 = tpu.vector_load %arg12[%get3A_1074] {strides = array<i32>} : memref<80xf32, #tpu.memory_space<vmem>>, vector<16xf32>,
    %get3A_1076 = vector.shape_cast %get3A_1075 : vector<16xf32> to vector<16xf32>
    %swap3A_1077 = arith.constant 48 : i32
    %swap3A_1078 = arith.index_cast %swap3A_1077 : i32 to index
    %swap3A_1079 = arith.constant 0 : index
    %swap3A_1080 = tpu.vector_load %arg14[%swap3A_1078, %swap3A_1079] {strides = array<i32>} : memref<64x128xf32, #tpu.memory_space<vmem>>, vector<1x16xf32>,
    %swap3A_1081 = vector.shape_cast %swap3A_1080 : vector<1x16xf32> to vector<16xf32>
    %swap3A_1082 = vector.shape_cast %get3A_1076 : vector<16xf32> to vector<1x16xf32>
    tpu.vector_store %arg14[%swap3A_1078, %swap3A_1079], %swap3A_1082 {strides = array<i32>} : memref<64x128xf32, #tpu.memory_space<vmem>>, vector<1x16xf32>,
    %get3A_1083 = arith.constant 49 : index
    %get3A_1084 = tpu.vector_load %arg12[%get3A_1083] {strides = array<i32>} : memref<80xf32, #tpu.memory_space<vmem>>, vector<16xf32>,
    %get3A_1085 = vector.shape_cast %get3A_1084 : vector<16xf32> to vector<16xf32>
    %swap3A_1086 = arith.constant 49 : i32
    %swap3A_1087 = arith.index_cast %swap3A_1086 : i32 to index
    %swap3A_1088 = arith.constant 0 : index
    %swap3A_1089 = tpu.vector_load %arg14[%swap3A_1087, %swap3A_1088] {strides = array<i32>} : memref<64x128xf32, #tpu.memory_space<vmem>>, vector<1x16xf32>,
    %swap3A_1090 = vector.shape_cast %swap3A_1089 : vector<1x16xf32> to vector<16xf32>
    %swap3A_1091 = vector.shape_cast %get3A_1085 : vector<16xf32> to vector<1x16xf32>
    tpu.vector_store %arg14[%swap3A_1087, %swap3A_1088], %swap3A_1091 {strides = array<i32>} : memref<64x128xf32, #tpu.memory_space<vmem>>, vector<1x16xf32>,
    %get3A_1092 = arith.constant 50 : index
    %get3A_1093 = tpu.vector_load %arg12[%get3A_1092] {strides = array<i32>} : memref<80xf32, #tpu.memory_space<vmem>>, vector<16xf32>,
    %get3A_1094 = vector.shape_cast %get3A_1093 : vector<16xf32> to vector<16xf32>
    %swap3A_1095 = arith.constant 50 : i32
    %swap3A_1096 = arith.index_cast %swap3A_1095 : i32 to index
    %swap3A_1097 = arith.constant 0 : index
    %swap3A_1098 = tpu.vector_load %arg14[%swap3A_1096, %swap3A_1097] {strides = array<i32>} : memref<64x128xf32, #tpu.memory_space<vmem>>, vector<1x16xf32>,
    %swap3A_1099 = vector.shape_cast %swap3A_1098 : vector<1x16xf32> to vector<16xf32>
    %swap3A_1100 = vector.shape_cast %get3A_1094 : vector<16xf32> to vector<1x16xf32>
    tpu.vector_store %arg14[%swap3A_1096, %swap3A_1097], %swap3A_1100 {strides = array<i32>} : memref<64x128xf32, #tpu.memory_space<vmem>>, vector<1x16xf32>,
    %get3A_1101 = arith.constant 51 : index
    %get3A_1102 = tpu.vector_load %arg12[%get3A_1101] {strides = array<i32>} : memref<80xf32, #tpu.memory_space<vmem>>, vector<16xf32>,
    %get3A_1103 = vector.shape_cast %get3A_1102 : vector<16xf32> to vector<16xf32>
    %swap3A_1104 = arith.constant 51 : i32
    %swap3A_1105 = arith.index_cast %swap3A_1104 : i32 to index
    %swap3A_1106 = arith.constant 0 : index
    %swap3A_1107 = tpu.vector_load %arg14[%swap3A_1105, %swap3A_1106] {strides = array<i32>} : memref<64x128xf32, #tpu.memory_space<vmem>>, vector<1x16xf32>,
    %swap3A_1108 = vector.shape_cast %swap3A_1107 : vector<1x16xf32> to vector<16xf32>
    %swap3A_1109 = vector.shape_cast %get3A_1103 : vector<16xf32> to vector<1x16xf32>
    tpu.vector_store %arg14[%swap3A_1105, %swap3A_1106], %swap3A_1109 {strides = array<i32>} : memref<64x128xf32, #tpu.memory_space<vmem>>, vector<1x16xf32>,
    %get3A_1110 = arith.constant 52 : index
    %get3A_1111 = tpu.vector_load %arg12[%get3A_1110] {strides = array<i32>} : memref<80xf32, #tpu.memory_space<vmem>>, vector<16xf32>,
    %get3A_1112 = vector.shape_cast %get3A_1111 : vector<16xf32> to vector<16xf32>
    %swap3A_1113 = arith.constant 52 : i32
    %swap3A_1114 = arith.index_cast %swap3A_1113 : i32 to index
    %swap3A_1115 = arith.constant 0 : index
    %swap3A_1116 = tpu.vector_load %arg14[%swap3A_1114, %swap3A_1115] {strides = array<i32>} : memref<64x128xf32, #tpu.memory_space<vmem>>, vector<1x16xf32>,
    %swap3A_1117 = vector.shape_cast %swap3A_1116 : vector<1x16xf32> to vector<16xf32>
    %swap3A_1118 = vector.shape_cast %get3A_1112 : vector<16xf32> to vector<1x16xf32>
    tpu.vector_store %arg14[%swap3A_1114, %swap3A_1115], %swap3A_1118 {strides = array<i32>} : memref<64x128xf32, #tpu.memory_space<vmem>>, vector<1x16xf32>,
    %get3A_1119 = arith.constant 53 : index
    %get3A_1120 = tpu.vector_load %arg12[%get3A_1119] {strides = array<i32>} : memref<80xf32, #tpu.memory_space<vmem>>, vector<16xf32>,
    %get3A_1121 = vector.shape_cast %get3A_1120 : vector<16xf32> to vector<16xf32>
    %swap3A_1122 = arith.constant 53 : i32
    %swap3A_1123 = arith.index_cast %swap3A_1122 : i32 to index
    %swap3A_1124 = arith.constant 0 : index
    %swap3A_1125 = tpu.vector_load %arg14[%swap3A_1123, %swap3A_1124] {strides = array<i32>} : memref<64x128xf32, #tpu.memory_space<vmem>>, vector<1x16xf32>,
    %swap3A_1126 = vector.shape_cast %swap3A_1125 : vector<1x16xf32> to vector<16xf32>
    %swap3A_1127 = vector.shape_cast %get3A_1121 : vector<16xf32> to vector<1x16xf32>
    tpu.vector_store %arg14[%swap3A_1123, %swap3A_1124], %swap3A_1127 {strides = array<i32>} : memref<64x128xf32, #tpu.memory_space<vmem>>, vector<1x16xf32>,
    %get3A_1128 = arith.constant 54 : index
    %get3A_1129 = tpu.vector_load %arg12[%get3A_1128] {strides = array<i32>} : memref<80xf32, #tpu.memory_space<vmem>>, vector<16xf32>,
    %get3A_1130 = vector.shape_cast %get3A_1129 : vector<16xf32> to vector<16xf32>
    %swap3A_1131 = arith.constant 54 : i32
    %swap3A_1132 = arith.index_cast %swap3A_1131 : i32 to index
    %swap3A_1133 = arith.constant 0 : index
    %swap3A_1134 = tpu.vector_load %arg14[%swap3A_1132, %swap3A_1133] {strides = array<i32>} : memref<64x128xf32, #tpu.memory_space<vmem>>, vector<1x16xf32>,
    %swap3A_1135 = vector.shape_cast %swap3A_1134 : vector<1x16xf32> to vector<16xf32>
    %swap3A_1136 = vector.shape_cast %get3A_1130 : vector<16xf32> to vector<1x16xf32>
    tpu.vector_store %arg14[%swap3A_1132, %swap3A_1133], %swap3A_1136 {strides = array<i32>} : memref<64x128xf32, #tpu.memory_space<vmem>>, vector<1x16xf32>,
    %get3A_1137 = arith.constant 55 : index
    %get3A_1138 = tpu.vector_load %arg12[%get3A_1137] {strides = array<i32>} : memref<80xf32, #tpu.memory_space<vmem>>, vector<16xf32>,
    %get3A_1139 = vector.shape_cast %get3A_1138 : vector<16xf32> to vector<16xf32>
    %swap3A_1140 = arith.constant 55 : i32
    %swap3A_1141 = arith.index_cast %swap3A_1140 : i32 to index
    %swap3A_1142 = arith.constant 0 : index
    %swap3A_1143 = tpu.vector_load %arg14[%swap3A_1141, %swap3A_1142] {strides = array<i32>} : memref<64x128xf32, #tpu.memory_space<vmem>>, vector<1x16xf32>,
    %swap3A_1144 = vector.shape_cast %swap3A_1143 : vector<1x16xf32> to vector<16xf32>
    %swap3A_1145 = vector.shape_cast %get3A_1139 : vector<16xf32> to vector<1x16xf32>
    tpu.vector_store %arg14[%swap3A_1141, %swap3A_1142], %swap3A_1145 {strides = array<i32>} : memref<64x128xf32, #tpu.memory_space<vmem>>, vector<1x16xf32>,
    %get3A_1146 = arith.constant 56 : index
    %get3A_1147 = tpu.vector_load %arg12[%get3A_1146] {strides = array<i32>} : memref<80xf32, #tpu.memory_space<vmem>>, vector<16xf32>,
    %get3A_1148 = vector.shape_cast %get3A_1147 : vector<16xf32> to vector<16xf32>
    %swap3A_1149 = arith.constant 56 : i32
    %swap3A_1150 = arith.index_cast %swap3A_1149 : i32 to index
    %swap3A_1151 = arith.constant 0 : index
    %swap3A_1152 = tpu.vector_load %arg14[%swap3A_1150, %swap3A_1151] {strides = array<i32>} : memref<64x128xf32, #tpu.memory_space<vmem>>, vector<1x16xf32>,
    %swap3A_1153 = vector.shape_cast %swap3A_1152 : vector<1x16xf32> to vector<16xf32>
    %swap3A_1154 = vector.shape_cast %get3A_1148 : vector<16xf32> to vector<1x16xf32>
    tpu.vector_store %arg14[%swap3A_1150, %swap3A_1151], %swap3A_1154 {strides = array<i32>} : memref<64x128xf32, #tpu.memory_space<vmem>>, vector<1x16xf32>,
    %get3A_1155 = arith.constant 57 : index
    %get3A_1156 = tpu.vector_load %arg12[%get3A_1155] {strides = array<i32>} : memref<80xf32, #tpu.memory_space<vmem>>, vector<16xf32>,
    %get3A_1157 = vector.shape_cast %get3A_1156 : vector<16xf32> to vector<16xf32>
    %swap3A_1158 = arith.constant 57 : i32
    %swap3A_1159 = arith.index_cast %swap3A_1158 : i32 to index
    %swap3A_1160 = arith.constant 0 : index
    %swap3A_1161 = tpu.vector_load %arg14[%swap3A_1159, %swap3A_1160] {strides = array<i32>} : memref<64x128xf32, #tpu.memory_space<vmem>>, vector<1x16xf32>,
    %swap3A_1162 = vector.shape_cast %swap3A_1161 : vector<1x16xf32> to vector<16xf32>
    %swap3A_1163 = vector.shape_cast %get3A_1157 : vector<16xf32> to vector<1x16xf32>
    tpu.vector_store %arg14[%swap3A_1159, %swap3A_1160], %swap3A_1163 {strides = array<i32>} : memref<64x128xf32, #tpu.memory_space<vmem>>, vector<1x16xf32>,
    %get3A_1164 = arith.constant 58 : index
    %get3A_1165 = tpu.vector_load %arg12[%get3A_1164] {strides = array<i32>} : memref<80xf32, #tpu.memory_space<vmem>>, vector<16xf32>,
    %get3A_1166 = vector.shape_cast %get3A_1165 : vector<16xf32> to vector<16xf32>
    %swap3A_1167 = arith.constant 58 : i32
    %swap3A_1168 = arith.index_cast %swap3A_1167 : i32 to index
    %swap3A_1169 = arith.constant 0 : index
    %swap3A_1170 = tpu.vector_load %arg14[%swap3A_1168, %swap3A_1169] {strides = array<i32>} : memref<64x128xf32, #tpu.memory_space<vmem>>, vector<1x16xf32>,
    %swap3A_1171 = vector.shape_cast %swap3A_1170 : vector<1x16xf32> to vector<16xf32>
    %swap3A_1172 = vector.shape_cast %get3A_1166 : vector<16xf32> to vector<1x16xf32>
    tpu.vector_store %arg14[%swap3A_1168, %swap3A_1169], %swap3A_1172 {strides = array<i32>} : memref<64x128xf32, #tpu.memory_space<vmem>>, vector<1x16xf32>,
    %get3A_1173 = arith.constant 59 : index
    %get3A_1174 = tpu.vector_load %arg12[%get3A_1173] {strides = array<i32>} : memref<80xf32, #tpu.memory_space<vmem>>, vector<16xf32>,
    %get3A_1175 = vector.shape_cast %get3A_1174 : vector<16xf32> to vector<16xf32>
    %swap3A_1176 = arith.constant 59 : i32
    %swap3A_1177 = arith.index_cast %swap3A_1176 : i32 to index
    %swap3A_1178 = arith.constant 0 : index
    %swap3A_1179 = tpu.vector_load %arg14[%swap3A_1177, %swap3A_1178] {strides = array<i32>} : memref<64x128xf32, #tpu.memory_space<vmem>>, vector<1x16xf32>,
    %swap3A_1180 = vector.shape_cast %swap3A_1179 : vector<1x16xf32> to vector<16xf32>
    %swap3A_1181 = vector.shape_cast %get3A_1175 : vector<16xf32> to vector<1x16xf32>
    tpu.vector_store %arg14[%swap3A_1177, %swap3A_1178], %swap3A_1181 {strides = array<i32>} : memref<64x128xf32, #tpu.memory_space<vmem>>, vector<1x16xf32>,
    %get3A_1182 = arith.constant 60 : index
    %get3A_1183 = tpu.vector_load %arg12[%get3A_1182] {strides = array<i32>} : memref<80xf32, #tpu.memory_space<vmem>>, vector<16xf32>,
    %get3A_1184 = vector.shape_cast %get3A_1183 : vector<16xf32> to vector<16xf32>
    %swap3A_1185 = arith.constant 60 : i32
    %swap3A_1186 = arith.index_cast %swap3A_1185 : i32 to index
    %swap3A_1187 = arith.constant 0 : index
    %swap3A_1188 = tpu.vector_load %arg14[%swap3A_1186, %swap3A_1187] {strides = array<i32>} : memref<64x128xf32, #tpu.memory_space<vmem>>, vector<1x16xf32>,
    %swap3A_1189 = vector.shape_cast %swap3A_1188 : vector<1x16xf32> to vector<16xf32>
    %swap3A_1190 = vector.shape_cast %get3A_1184 : vector<16xf32> to vector<1x16xf32>
    tpu.vector_store %arg14[%swap3A_1186, %swap3A_1187], %swap3A_1190 {strides = array<i32>} : memref<64x128xf32, #tpu.memory_space<vmem>>, vector<1x16xf32>,
    %get3A_1191 = arith.constant 61 : index
    %get3A_1192 = tpu.vector_load %arg12[%get3A_1191] {strides = array<i32>} : memref<80xf32, #tpu.memory_space<vmem>>, vector<16xf32>,
    %get3A_1193 = vector.shape_cast %get3A_1192 : vector<16xf32> to vector<16xf32>
    %swap3A_1194 = arith.constant 61 : i32
    %swap3A_1195 = arith.index_cast %swap3A_1194 : i32 to index
    %swap3A_1196 = arith.constant 0 : index
    %swap3A_1197 = tpu.vector_load %arg14[%swap3A_1195, %swap3A_1196] {strides = array<i32>} : memref<64x128xf32, #tpu.memory_space<vmem>>, vector<1x16xf32>,
    %swap3A_1198 = vector.shape_cast %swap3A_1197 : vector<1x16xf32> to vector<16xf32>
    %swap3A_1199 = vector.shape_cast %get3A_1193 : vector<16xf32> to vector<1x16xf32>
    tpu.vector_store %arg14[%swap3A_1195, %swap3A_1196], %swap3A_1199 {strides = array<i32>} : memref<64x128xf32, #tpu.memory_space<vmem>>, vector<1x16xf32>,
    %get3A_1200 = arith.constant 62 : index
    %get3A_1201 = tpu.vector_load %arg12[%get3A_1200] {strides = array<i32>} : memref<80xf32, #tpu.memory_space<vmem>>, vector<16xf32>,
    %get3A_1202 = vector.shape_cast %get3A_1201 : vector<16xf32> to vector<16xf32>
    %swap3A_1203 = arith.constant 62 : i32
    %swap3A_1204 = arith.index_cast %swap3A_1203 : i32 to index
    %swap3A_1205 = arith.constant 0 : index
    %swap3A_1206 = tpu.vector_load %arg14[%swap3A_1204, %swap3A_1205] {strides = array<i32>} : memref<64x128xf32, #tpu.memory_space<vmem>>, vector<1x16xf32>,
    %swap3A_1207 = vector.shape_cast %swap3A_1206 : vector<1x16xf32> to vector<16xf32>
    %swap3A_1208 = vector.shape_cast %get3A_1202 : vector<16xf32> to vector<1x16xf32>
    tpu.vector_store %arg14[%swap3A_1204, %swap3A_1205], %swap3A_1208 {strides = array<i32>} : memref<64x128xf32, #tpu.memory_space<vmem>>, vector<1x16xf32>,
    %get3A_1209 = arith.constant 63 : index
    %get3A_1210 = tpu.vector_load %arg12[%get3A_1209] {strides = array<i32>} : memref<80xf32, #tpu.memory_space<vmem>>, vector<16xf32>,
    %get3A_1211 = vector.shape_cast %get3A_1210 : vector<16xf32> to vector<16xf32>
    %swap3A_1212 = arith.constant 63 : i32
    %swap3A_1213 = arith.index_cast %swap3A_1212 : i32 to index
    %swap3A_1214 = arith.constant 0 : index
    %swap3A_1215 = tpu.vector_load %arg14[%swap3A_1213, %swap3A_1214] {strides = array<i32>} : memref<64x128xf32, #tpu.memory_space<vmem>>, vector<1x16xf32>,
    %swap3A_1216 = vector.shape_cast %swap3A_1215 : vector<1x16xf32> to vector<16xf32>
    %swap3A_1217 = vector.shape_cast %get3A_1211 : vector<16xf32> to vector<1x16xf32>
    tpu.vector_store %arg14[%swap3A_1213, %swap3A_1214], %swap3A_1217 {strides = array<i32>} : memref<64x128xf32, #tpu.memory_space<vmem>>, vector<1x16xf32>,
    %dma_start3A_1218 = arith.constant 0 : i32
    %dma_start3A_1219 = arith.constant 0 : i32
    %dma_start3A_1220 = tpu.memref_slice %arg11[%dma_start3A_1218, %dma_start3A_1219] : memref<1x64xi32, #tpu.memory_space<vmem>> -> memref<1x64xi32, #tpu.memory_space<vmem>>
    %dma_start3A_1221 = tpu.memref_squeeze %dma_start3A_1220 : memref<1x64xi32, #tpu.memory_space<vmem>> -> memref<64xi32, #tpu.memory_space<vmem>>
    %dma_start3A_1222 = arith.constant 0 : i32
    %dma_start3A_1223 = arith.constant 0 : i32
    %dma_start3A_1224 = tpu.memref_slice %arg8[%dma_start3A_1222, %dma_start3A_1223] : memref<2624x128xf32, #tpu.memory_space<hbm>> -> memref<2624x128xf32, #tpu.memory_space<hbm>>
    tpu.enqueue_indirect_dma source(%arg14 : memref<64x128xf32, #tpu.memory_space<vmem>>) target(%dma_start3A_1224 : memref<2624x128xf32, #tpu.memory_space<hbm>>) offsets(%dma_start3A_1221 : memref<64xi32, #tpu.memory_space<vmem>>) semaphore(%arg15 : memref<!tpu.dma_semaphore, #tpu.memory_space<semaphore_mem>>)
    %dma_wait3A = arith.constant 0 : i32
    %dma_wait3A_1225 = arith.constant 0 : i32
    %dma_wait3A_1226 = tpu.memref_slice %arg10[%dma_wait3A, %dma_wait3A_1225] : memref<1x64xi32, #tpu.memory_space<vmem>> -> memref<1x64xi32, #tpu.memory_space<vmem>>
    %dma_wait3A_1227 = tpu.memref_squeeze %dma_wait3A_1226 : memref<1x64xi32, #tpu.memory_space<vmem>> -> memref<64xi32, #tpu.memory_space<vmem>>
    %dma_wait3A_1228 = arith.constant 0 : i32
    %dma_wait3A_1229 = arith.constant 0 : i32
    %dma_wait3A_1230 = tpu.memref_slice %arg7[%dma_wait3A_1228, %dma_wait3A_1229] : memref<2624x1024xf32, #tpu.memory_space<hbm>> -> memref<2624x1024xf32, #tpu.memory_space<hbm>>
    tpu.wait_indirect_dma semaphore(%arg15 : memref<!tpu.dma_semaphore, #tpu.memory_space<semaphore_mem>>) src(%arg9 : memref<64x1024xf32, #tpu.memory_space<vmem>>) dst(%dma_wait3A_1230 : memref<2624x1024xf32, #tpu.memory_space<hbm>>)
    %dma_wait3A_1231 = arith.constant 0 : i32
    %dma_wait3A_1232 = arith.constant 0 : i32
    %dma_wait3A_1233 = tpu.memref_slice %arg11[%dma_wait3A_1231, %dma_wait3A_1232] : memref<1x64xi32, #tpu.memory_space<vmem>> -> memref<1x64xi32, #tpu.memory_space<vmem>>
    %dma_wait3A_1234 = tpu.memref_squeeze %dma_wait3A_1233 : memref<1x64xi32, #tpu.memory_space<vmem>> -> memref<64xi32, #tpu.memory_space<vmem>>
    %dma_wait3A_1235 = arith.constant 0 : i32
    %dma_wait3A_1236 = arith.constant 0 : i32
    %dma_wait3A_1237 = tpu.memref_slice %arg7[%dma_wait3A_1235, %dma_wait3A_1236] : memref<2624x1024xf32, #tpu.memory_space<hbm>> -> memref<2624x1024xf32, #tpu.memory_space<hbm>>
    tpu.wait_indirect_dma semaphore(%arg15 : memref<!tpu.dma_semaphore, #tpu.memory_space<semaphore_mem>>) src(%arg9 : memref<64x1024xf32, #tpu.memory_space<vmem>>) dst(%dma_wait3A_1237 : memref<2624x1024xf32, #tpu.memory_space<hbm>>)
    %dma_wait3A_1238 = arith.constant 0 : i32
    %dma_wait3A_1239 = arith.constant 0 : i32
    %dma_wait3A_1240 = tpu.memref_slice %arg10[%dma_wait3A_1238, %dma_wait3A_1239] : memref<1x64xi32, #tpu.memory_space<vmem>> -> memref<1x64xi32, #tpu.memory_space<vmem>>
    %dma_wait3A_1241 = tpu.memref_squeeze %dma_wait3A_1240 : memref<1x64xi32, #tpu.memory_space<vmem>> -> memref<64xi32, #tpu.memory_space<vmem>>
    %dma_wait3A_1242 = arith.constant 0 : i32
    %dma_wait3A_1243 = arith.constant 0 : i32
    %dma_wait3A_1244 = tpu.memref_slice %arg8[%dma_wait3A_1242, %dma_wait3A_1243] : memref<2624x128xf32, #tpu.memory_space<hbm>> -> memref<2624x128xf32, #tpu.memory_space<hbm>>
    tpu.wait_indirect_dma semaphore(%arg15 : memref<!tpu.dma_semaphore, #tpu.memory_space<semaphore_mem>>) src(%arg13 : memref<64x128xf32, #tpu.memory_space<vmem>>) dst(%dma_wait3A_1244 : memref<2624x128xf32, #tpu.memory_space<hbm>>)
    %dma_wait3A_1245 = arith.constant 0 : i32
    %dma_wait3A_1246 = arith.constant 0 : i32
    %dma_wait3A_1247 = tpu.memref_slice %arg11[%dma_wait3A_1245, %dma_wait3A_1246] : memref<1x64xi32, #tpu.memory_space<vmem>> -> memref<1x64xi32, #tpu.memory_space<vmem>>
    %dma_wait3A_1248 = tpu.memref_squeeze %dma_wait3A_1247 : memref<1x64xi32, #tpu.memory_space<vmem>> -> memref<64xi32, #tpu.memory_space<vmem>>
    %dma_wait3A_1249 = arith.constant 0 : i32
    %dma_wait3A_1250 = arith.constant 0 : i32
    %dma_wait3A_1251 = tpu.memref_slice %arg8[%dma_wait3A_1249, %dma_wait3A_1250] : memref<2624x128xf32, #tpu.memory_space<hbm>> -> memref<2624x128xf32, #tpu.memory_space<hbm>>
    tpu.wait_indirect_dma semaphore(%arg15 : memref<!tpu.dma_semaphore, #tpu.memory_space<semaphore_mem>>) src(%arg14 : memref<64x128xf32, #tpu.memory_space<vmem>>) dst(%dma_wait3A_1251 : memref<2624x128xf32, #tpu.memory_space<hbm>>)
    return
  }
}

#map = affine_map<(d0, d1) -> (0, 0)>
#map1 = affine_map<(d0, d1) -> (0, 0, 0)>
module attributes {stable_mosaic.version = 14 : i64} {
  func.func @_combine_body(%arg0: i32, %arg1: i32, %arg2: memref<2624x1024xf32, #tpu.memory_space<hbm>>, %arg3: memref<16x128xi32, #tpu.memory_space<hbm>>, %arg4: memref<16x128xi32, #tpu.memory_space<hbm>>, %arg5: memref<1x2048x1024xf32, #tpu.memory_space<hbm>>, %arg6: memref<32x1024xf32, #tpu.memory_space<vmem>>, %arg7: memref<32x1024xf32, #tpu.memory_space<vmem>>, %arg8: memref<1x32xi32, #tpu.memory_space<vmem>>, %arg9: memref<1x32xi32, #tpu.memory_space<vmem>>, %arg10: memref<!tpu.dma_semaphore, #tpu.memory_space<semaphore_mem>>, %arg11: memref<!tpu.dma_semaphore, #tpu.memory_space<semaphore_mem>>) attributes {dimension_semantics = [#tpu.dimension_semantics<core_parallel>, #tpu.dimension_semantics<subcore_parallel>], iteration_bounds = array<i64: 2, 16>, scalar_prefetch = 0 : i64, scratch_operands = 6 : i64, tpu.core_type = #tpu.core_type<sc_vector_subcore>, window_params = [{transform_indices = #map}, {transform_indices = #map}, {transform_indices = #map}, {transform_indices = #map1}]} {
    %mul3A = arith.constant 2 : i32
    %mul3A_0 = arith.muli %arg1, %mul3A : i32
    %add3A = arith.addi %mul3A_0, %arg0 : i32
    %mul3A_1 = arith.constant 64 : i32
    %mul3A_2 = arith.muli %add3A, %mul3A_1 : i32
    %add3A_3 = arith.constant 0 : i32
    %add3A_4 = arith.addi %mul3A_2, %add3A_3 : i32
    %jit3A = arith.constant 128 : i32
    %div3A = arith.divsi %add3A_4, %jit3A : i32
    %sign3A = arith.constant 0 : i32
    %sign3A_5 = arith.cmpi sgt, %add3A_4, %sign3A : i32
    %sign3A_6 = arith.extui %sign3A_5 : i1 to i32
    %sign3A_7 = arith.constant 0 : i32
    %sign3A_8 = arith.cmpi slt, %add3A_4, %sign3A_7 : i32
    %sign3A_9 = arith.extui %sign3A_8 : i1 to i32
    %sign3A_10 = arith.subi %sign3A_6, %sign3A_9 : i32
    %sign3A_11 = arith.constant 0 : i32
    %sign3A_12 = arith.cmpi sgt, %jit3A, %sign3A_11 : i32
    %sign3A_13 = arith.extui %sign3A_12 : i1 to i32
    %sign3A_14 = arith.constant 0 : i32
    %sign3A_15 = arith.cmpi slt, %jit3A, %sign3A_14 : i32
    %sign3A_16 = arith.extui %sign3A_15 : i1 to i32
    %sign3A_17 = arith.subi %sign3A_13, %sign3A_16 : i32
    %ne3A = arith.cmpi ne, %sign3A_10, %sign3A_17 : i32
    %rem3A = arith.remsi %add3A_4, %jit3A : i32
    %ne3A_18 = arith.constant 0 : i32
    %ne3A_19 = arith.cmpi ne, %rem3A, %ne3A_18 : i32
    %and3A = arith.andi %ne3A, %ne3A_19 : i1
    %sub3A = arith.constant 1 : i32
    %sub3A_20 = arith.subi %div3A, %sub3A : i32
    %select_n3A = arith.select %and3A, %sub3A_20, %div3A : i32
    %jit3A_21 = arith.constant 128 : i32
    %eq3A = arith.constant 0 : i32
    %eq3A_22 = arith.cmpi eq, %jit3A_21, %eq3A : i32
    %jit3A_23 = arith.constant 1 : i32
    %select_n3A_24 = arith.select %eq3A_22, %jit3A_23, %jit3A_21 : i32
    %rem3A_25 = arith.remsi %add3A_4, %select_n3A_24 : i32
    %ne3A_26 = arith.constant 0 : i32
    %ne3A_27 = arith.cmpi ne, %rem3A_25, %ne3A_26 : i32
    %lt3A = arith.constant 0 : i32
    %lt3A_28 = arith.cmpi slt, %rem3A_25, %lt3A : i32
    %lt3A_29 = arith.constant 0 : i32
    %lt3A_30 = arith.cmpi slt, %select_n3A_24, %lt3A_29 : i32
    %ne3A_31 = arith.xori %lt3A_28, %lt3A_30 : i1
    %and3A_32 = arith.andi %ne3A_31, %ne3A_27 : i1
    %add3A_33 = arith.addi %rem3A_25, %select_n3A_24 : i32
    %select_n3A_34 = arith.select %and3A_32, %add3A_33, %rem3A_25 : i32
    %run_scoped3A = arith.constant 0 : i32
    "tpu.region"() ({
      %run_scoped3A_151 = tpu.sem_alloc : memref<!tpu.dma_semaphore, #tpu.memory_space<semaphore_mem>>
      %dma_start3A_152 = arith.constant 0 : i32
      %dma_start3A_153 = tpu.memref_slice %arg8[%run_scoped3A, %dma_start3A_152] : memref<1x32xi32, #tpu.memory_space<vmem>> -> memref<1x32xi32, #tpu.memory_space<vmem>>
      %dma_start3A_154 = tpu.memref_squeeze %dma_start3A_153 : memref<1x32xi32, #tpu.memory_space<vmem>> -> memref<32xi32, #tpu.memory_space<vmem>>
      %dma_start3A_155 = tpu.memref_slice %arg3[%select_n3A, %select_n3A_34] : memref<16x128xi32, #tpu.memory_space<hbm>> -> memref<1x32xi32, #tpu.memory_space<hbm>>
      %dma_start3A_156 = tpu.memref_squeeze %dma_start3A_155 : memref<1x32xi32, #tpu.memory_space<hbm>> -> memref<32xi32, #tpu.memory_space<hbm>>
      %dma_start3A_157 = arith.constant 0 : i32
      %dma_start3A_158 = tpu.memref_slice %arg8[%run_scoped3A, %dma_start3A_157] : memref<1x32xi32, #tpu.memory_space<vmem>> -> memref<1x32xi32, #tpu.memory_space<vmem>>
      %dma_start3A_159 = tpu.memref_squeeze %dma_start3A_158 : memref<1x32xi32, #tpu.memory_space<vmem>> -> memref<32xi32, #tpu.memory_space<vmem>>
      %dma_start3A_160 = tpu.memref_slice %arg3[%select_n3A, %select_n3A_34] : memref<16x128xi32, #tpu.memory_space<hbm>> -> memref<1x32xi32, #tpu.memory_space<hbm>>
      %dma_start3A_161 = tpu.memref_squeeze %dma_start3A_160 : memref<1x32xi32, #tpu.memory_space<hbm>> -> memref<32xi32, #tpu.memory_space<hbm>>
      tpu.enqueue_dma source(%dma_start3A_161 : memref<32xi32, #tpu.memory_space<hbm>>) target(%dma_start3A_159 : memref<32xi32, #tpu.memory_space<vmem>>) target_semaphore(%run_scoped3A_151 : memref<!tpu.dma_semaphore, #tpu.memory_space<semaphore_mem>>)
      %dma_wait3A_162 = arith.constant 0 : i32
      %dma_wait3A_163 = tpu.memref_slice %arg8[%run_scoped3A, %dma_wait3A_162] : memref<1x32xi32, #tpu.memory_space<vmem>> -> memref<1x32xi32, #tpu.memory_space<vmem>>
      %dma_wait3A_164 = tpu.memref_squeeze %dma_wait3A_163 : memref<1x32xi32, #tpu.memory_space<vmem>> -> memref<32xi32, #tpu.memory_space<vmem>>
      %dma_wait3A_165 = tpu.memref_slice %arg3[%select_n3A, %select_n3A_34] : memref<16x128xi32, #tpu.memory_space<hbm>> -> memref<1x32xi32, #tpu.memory_space<hbm>>
      %dma_wait3A_166 = tpu.memref_squeeze %dma_wait3A_165 : memref<1x32xi32, #tpu.memory_space<hbm>> -> memref<32xi32, #tpu.memory_space<hbm>>
      %dma_wait3A_167 = arith.constant 0 : i32
      %dma_wait3A_168 = tpu.memref_slice %arg8[%run_scoped3A, %dma_wait3A_167] : memref<1x32xi32, #tpu.memory_space<vmem>> -> memref<1x32xi32, #tpu.memory_space<vmem>>
      %dma_wait3A_169 = tpu.memref_squeeze %dma_wait3A_168 : memref<1x32xi32, #tpu.memory_space<vmem>> -> memref<32xi32, #tpu.memory_space<vmem>>
      %dma_wait3A_170 = tpu.memref_slice %arg3[%select_n3A, %select_n3A_34] : memref<16x128xi32, #tpu.memory_space<hbm>> -> memref<1x32xi32, #tpu.memory_space<hbm>>
      %dma_wait3A_171 = tpu.memref_squeeze %dma_wait3A_170 : memref<1x32xi32, #tpu.memory_space<hbm>> -> memref<32xi32, #tpu.memory_space<hbm>>
      tpu.wait_dma2 semaphore(%run_scoped3A_151 : memref<!tpu.dma_semaphore, #tpu.memory_space<semaphore_mem>>) src(%dma_wait3A_171 : memref<32xi32, #tpu.memory_space<hbm>>) dst(%dma_wait3A_169 : memref<32xi32, #tpu.memory_space<vmem>>)
      tpu.yield
    }) : () -> ()
    %run_scoped3A_35 = arith.constant 0 : i32
    "tpu.region"() ({
      %run_scoped3A_151 = tpu.sem_alloc : memref<!tpu.dma_semaphore, #tpu.memory_space<semaphore_mem>>
      %dma_start3A_152 = arith.constant 0 : i32
      %dma_start3A_153 = tpu.memref_slice %arg9[%run_scoped3A_35, %dma_start3A_152] : memref<1x32xi32, #tpu.memory_space<vmem>> -> memref<1x32xi32, #tpu.memory_space<vmem>>
      %dma_start3A_154 = tpu.memref_squeeze %dma_start3A_153 : memref<1x32xi32, #tpu.memory_space<vmem>> -> memref<32xi32, #tpu.memory_space<vmem>>
      %dma_start3A_155 = tpu.memref_slice %arg4[%select_n3A, %select_n3A_34] : memref<16x128xi32, #tpu.memory_space<hbm>> -> memref<1x32xi32, #tpu.memory_space<hbm>>
      %dma_start3A_156 = tpu.memref_squeeze %dma_start3A_155 : memref<1x32xi32, #tpu.memory_space<hbm>> -> memref<32xi32, #tpu.memory_space<hbm>>
      %dma_start3A_157 = arith.constant 0 : i32
      %dma_start3A_158 = tpu.memref_slice %arg9[%run_scoped3A_35, %dma_start3A_157] : memref<1x32xi32, #tpu.memory_space<vmem>> -> memref<1x32xi32, #tpu.memory_space<vmem>>
      %dma_start3A_159 = tpu.memref_squeeze %dma_start3A_158 : memref<1x32xi32, #tpu.memory_space<vmem>> -> memref<32xi32, #tpu.memory_space<vmem>>
      %dma_start3A_160 = tpu.memref_slice %arg4[%select_n3A, %select_n3A_34] : memref<16x128xi32, #tpu.memory_space<hbm>> -> memref<1x32xi32, #tpu.memory_space<hbm>>
      %dma_start3A_161 = tpu.memref_squeeze %dma_start3A_160 : memref<1x32xi32, #tpu.memory_space<hbm>> -> memref<32xi32, #tpu.memory_space<hbm>>
      tpu.enqueue_dma source(%dma_start3A_161 : memref<32xi32, #tpu.memory_space<hbm>>) target(%dma_start3A_159 : memref<32xi32, #tpu.memory_space<vmem>>) target_semaphore(%run_scoped3A_151 : memref<!tpu.dma_semaphore, #tpu.memory_space<semaphore_mem>>)
      %dma_wait3A_162 = arith.constant 0 : i32
      %dma_wait3A_163 = tpu.memref_slice %arg9[%run_scoped3A_35, %dma_wait3A_162] : memref<1x32xi32, #tpu.memory_space<vmem>> -> memref<1x32xi32, #tpu.memory_space<vmem>>
      %dma_wait3A_164 = tpu.memref_squeeze %dma_wait3A_163 : memref<1x32xi32, #tpu.memory_space<vmem>> -> memref<32xi32, #tpu.memory_space<vmem>>
      %dma_wait3A_165 = tpu.memref_slice %arg4[%select_n3A, %select_n3A_34] : memref<16x128xi32, #tpu.memory_space<hbm>> -> memref<1x32xi32, #tpu.memory_space<hbm>>
      %dma_wait3A_166 = tpu.memref_squeeze %dma_wait3A_165 : memref<1x32xi32, #tpu.memory_space<hbm>> -> memref<32xi32, #tpu.memory_space<hbm>>
      %dma_wait3A_167 = arith.constant 0 : i32
      %dma_wait3A_168 = tpu.memref_slice %arg9[%run_scoped3A_35, %dma_wait3A_167] : memref<1x32xi32, #tpu.memory_space<vmem>> -> memref<1x32xi32, #tpu.memory_space<vmem>>
      %dma_wait3A_169 = tpu.memref_squeeze %dma_wait3A_168 : memref<1x32xi32, #tpu.memory_space<vmem>> -> memref<32xi32, #tpu.memory_space<vmem>>
      %dma_wait3A_170 = tpu.memref_slice %arg4[%select_n3A, %select_n3A_34] : memref<16x128xi32, #tpu.memory_space<hbm>> -> memref<1x32xi32, #tpu.memory_space<hbm>>
      %dma_wait3A_171 = tpu.memref_squeeze %dma_wait3A_170 : memref<1x32xi32, #tpu.memory_space<hbm>> -> memref<32xi32, #tpu.memory_space<hbm>>
      tpu.wait_dma2 semaphore(%run_scoped3A_151 : memref<!tpu.dma_semaphore, #tpu.memory_space<semaphore_mem>>) src(%dma_wait3A_171 : memref<32xi32, #tpu.memory_space<hbm>>) dst(%dma_wait3A_169 : memref<32xi32, #tpu.memory_space<vmem>>)
      tpu.yield
    }) : () -> ()
    %dma_start3A = arith.constant 0 : i32
    %dma_start3A_36 = arith.constant 0 : i32
    %dma_start3A_37 = tpu.memref_slice %arg8[%dma_start3A, %dma_start3A_36] : memref<1x32xi32, #tpu.memory_space<vmem>> -> memref<1x32xi32, #tpu.memory_space<vmem>>
    %dma_start3A_38 = tpu.memref_squeeze %dma_start3A_37 : memref<1x32xi32, #tpu.memory_space<vmem>> -> memref<32xi32, #tpu.memory_space<vmem>>
    %dma_start3A_39 = arith.constant 0 : i32
    %dma_start3A_40 = arith.constant 0 : i32
    %dma_start3A_41 = tpu.memref_slice %arg2[%dma_start3A_39, %dma_start3A_40] : memref<2624x1024xf32, #tpu.memory_space<hbm>> -> memref<2624x1024xf32, #tpu.memory_space<hbm>>
    tpu.enqueue_indirect_dma source(%dma_start3A_41 : memref<2624x1024xf32, #tpu.memory_space<hbm>>) target(%arg6 : memref<32x1024xf32, #tpu.memory_space<vmem>>) offsets(%dma_start3A_38 : memref<32xi32, #tpu.memory_space<vmem>>) semaphore(%arg10 : memref<!tpu.dma_semaphore, #tpu.memory_space<semaphore_mem>>)
    %dma_start3A_42 = arith.constant 0 : i32
    %dma_start3A_43 = arith.constant 0 : i32
    %dma_start3A_44 = tpu.memref_slice %arg9[%dma_start3A_42, %dma_start3A_43] : memref<1x32xi32, #tpu.memory_space<vmem>> -> memref<1x32xi32, #tpu.memory_space<vmem>>
    %dma_start3A_45 = tpu.memref_squeeze %dma_start3A_44 : memref<1x32xi32, #tpu.memory_space<vmem>> -> memref<32xi32, #tpu.memory_space<vmem>>
    %dma_start3A_46 = arith.constant 0 : i32
    %dma_start3A_47 = arith.constant 0 : i32
    %dma_start3A_48 = tpu.memref_slice %arg2[%dma_start3A_46, %dma_start3A_47] : memref<2624x1024xf32, #tpu.memory_space<hbm>> -> memref<2624x1024xf32, #tpu.memory_space<hbm>>
    tpu.enqueue_indirect_dma source(%dma_start3A_48 : memref<2624x1024xf32, #tpu.memory_space<hbm>>) target(%arg7 : memref<32x1024xf32, #tpu.memory_space<vmem>>) offsets(%dma_start3A_45 : memref<32xi32, #tpu.memory_space<vmem>>) semaphore(%arg11 : memref<!tpu.dma_semaphore, #tpu.memory_space<semaphore_mem>>)
    %dma_wait3A = arith.constant 0 : i32
    %dma_wait3A_49 = arith.constant 0 : i32
    %dma_wait3A_50 = tpu.memref_slice %arg8[%dma_wait3A, %dma_wait3A_49] : memref<1x32xi32, #tpu.memory_space<vmem>> -> memref<1x32xi32, #tpu.memory_space<vmem>>
    %dma_wait3A_51 = tpu.memref_squeeze %dma_wait3A_50 : memref<1x32xi32, #tpu.memory_space<vmem>> -> memref<32xi32, #tpu.memory_space<vmem>>
    %dma_wait3A_52 = arith.constant 0 : i32
    %dma_wait3A_53 = arith.constant 0 : i32
    %dma_wait3A_54 = tpu.memref_slice %arg2[%dma_wait3A_52, %dma_wait3A_53] : memref<2624x1024xf32, #tpu.memory_space<hbm>> -> memref<2624x1024xf32, #tpu.memory_space<hbm>>
    tpu.wait_indirect_dma semaphore(%arg10 : memref<!tpu.dma_semaphore, #tpu.memory_space<semaphore_mem>>) src(%dma_wait3A_54 : memref<2624x1024xf32, #tpu.memory_space<hbm>>) dst(%arg6 : memref<32x1024xf32, #tpu.memory_space<vmem>>)
    %dma_wait3A_55 = arith.constant 0 : i32
    %dma_wait3A_56 = arith.constant 0 : i32
    %dma_wait3A_57 = tpu.memref_slice %arg9[%dma_wait3A_55, %dma_wait3A_56] : memref<1x32xi32, #tpu.memory_space<vmem>> -> memref<1x32xi32, #tpu.memory_space<vmem>>
    %dma_wait3A_58 = tpu.memref_squeeze %dma_wait3A_57 : memref<1x32xi32, #tpu.memory_space<vmem>> -> memref<32xi32, #tpu.memory_space<vmem>>
    %dma_wait3A_59 = arith.constant 0 : i32
    %dma_wait3A_60 = arith.constant 0 : i32
    %dma_wait3A_61 = tpu.memref_slice %arg2[%dma_wait3A_59, %dma_wait3A_60] : memref<2624x1024xf32, #tpu.memory_space<hbm>> -> memref<2624x1024xf32, #tpu.memory_space<hbm>>
    tpu.wait_indirect_dma semaphore(%arg11 : memref<!tpu.dma_semaphore, #tpu.memory_space<semaphore_mem>>) src(%dma_wait3A_61 : memref<2624x1024xf32, #tpu.memory_space<hbm>>) dst(%arg7 : memref<32x1024xf32, #tpu.memory_space<vmem>>)
    %scan3A = arith.constant 0 : i32
    %scan3A_62 = arith.constant 0 : i32
    %scan3A_63 = arith.constant 32 : i32
    %scan3A_64 = arith.addi %scan3A_62, %scan3A_63 : i32
    %scan3A_65 = arith.constant 1 : i32
    %scan3A_66 = scf.for %scan3A_151 = %scan3A_62 to %scan3A_64 step %scan3A_65 iter_args(%scan3A_152 = %scan3A) -> (i32)  : i32 {
      %get3A = arith.index_cast %scan3A_151 : i32 to index
      %get3A_153 = arith.constant 0 : index
      %get3A_154 = tpu.vector_load %arg6[%get3A, %get3A_153] {strides = array<i32>} : memref<32x1024xf32, #tpu.memory_space<vmem>>, vector<1x16xf32>,
      %get3A_155 = vector.shape_cast %get3A_154 : vector<1x16xf32> to vector<16xf32>
      %get3A_156 = arith.index_cast %scan3A_151 : i32 to index
      %get3A_157 = arith.constant 0 : index
      %get3A_158 = tpu.vector_load %arg7[%get3A_156, %get3A_157] {strides = array<i32>} : memref<32x1024xf32, #tpu.memory_space<vmem>>, vector<1x16xf32>,
      %get3A_159 = vector.shape_cast %get3A_158 : vector<1x16xf32> to vector<16xf32>
      %add3A_160 = arith.addf %get3A_155, %get3A_159 : vector<16xf32>
      %swap3A = arith.index_cast %scan3A_151 : i32 to index
      %swap3A_161 = arith.constant 0 : index
      %swap3A_162 = tpu.vector_load %arg6[%swap3A, %swap3A_161] {strides = array<i32>} : memref<32x1024xf32, #tpu.memory_space<vmem>>, vector<1x16xf32>,
      %swap3A_163 = vector.shape_cast %swap3A_162 : vector<1x16xf32> to vector<16xf32>
      %swap3A_164 = vector.shape_cast %add3A_160 : vector<16xf32> to vector<1x16xf32>
      tpu.vector_store %arg6[%swap3A, %swap3A_161], %swap3A_164 {strides = array<i32>} : memref<32x1024xf32, #tpu.memory_space<vmem>>, vector<1x16xf32>,
      %get3A_165 = arith.index_cast %scan3A_151 : i32 to index
      %get3A_166 = arith.constant 16 : index
      %get3A_167 = tpu.vector_load %arg6[%get3A_165, %get3A_166] {strides = array<i32>} : memref<32x1024xf32, #tpu.memory_space<vmem>>, vector<1x16xf32>,
      %get3A_168 = vector.shape_cast %get3A_167 : vector<1x16xf32> to vector<16xf32>
      %get3A_169 = arith.index_cast %scan3A_151 : i32 to index
      %get3A_170 = arith.constant 16 : index
      %get3A_171 = tpu.vector_load %arg7[%get3A_169, %get3A_170] {strides = array<i32>} : memref<32x1024xf32, #tpu.memory_space<vmem>>, vector<1x16xf32>,
      %get3A_172 = vector.shape_cast %get3A_171 : vector<1x16xf32> to vector<16xf32>
      %add3A_173 = arith.addf %get3A_168, %get3A_172 : vector<16xf32>
      %swap3A_174 = arith.index_cast %scan3A_151 : i32 to index
      %swap3A_175 = arith.constant 16 : index
      %swap3A_176 = tpu.vector_load %arg6[%swap3A_174, %swap3A_175] {strides = array<i32>} : memref<32x1024xf32, #tpu.memory_space<vmem>>, vector<1x16xf32>,
      %swap3A_177 = vector.shape_cast %swap3A_176 : vector<1x16xf32> to vector<16xf32>
      %swap3A_178 = vector.shape_cast %add3A_173 : vector<16xf32> to vector<1x16xf32>
      tpu.vector_store %arg6[%swap3A_174, %swap3A_175], %swap3A_178 {strides = array<i32>} : memref<32x1024xf32, #tpu.memory_space<vmem>>, vector<1x16xf32>,
      %get3A_179 = arith.index_cast %scan3A_151 : i32 to index
      %get3A_180 = arith.constant 32 : index
      %get3A_181 = tpu.vector_load %arg6[%get3A_179, %get3A_180] {strides = array<i32>} : memref<32x1024xf32, #tpu.memory_space<vmem>>, vector<1x16xf32>,
      %get3A_182 = vector.shape_cast %get3A_181 : vector<1x16xf32> to vector<16xf32>
      %get3A_183 = arith.index_cast %scan3A_151 : i32 to index
      %get3A_184 = arith.constant 32 : index
      %get3A_185 = tpu.vector_load %arg7[%get3A_183, %get3A_184] {strides = array<i32>} : memref<32x1024xf32, #tpu.memory_space<vmem>>, vector<1x16xf32>,
      %get3A_186 = vector.shape_cast %get3A_185 : vector<1x16xf32> to vector<16xf32>
      %add3A_187 = arith.addf %get3A_182, %get3A_186 : vector<16xf32>
      %swap3A_188 = arith.index_cast %scan3A_151 : i32 to index
      %swap3A_189 = arith.constant 32 : index
      %swap3A_190 = tpu.vector_load %arg6[%swap3A_188, %swap3A_189] {strides = array<i32>} : memref<32x1024xf32, #tpu.memory_space<vmem>>, vector<1x16xf32>,
      %swap3A_191 = vector.shape_cast %swap3A_190 : vector<1x16xf32> to vector<16xf32>
      %swap3A_192 = vector.shape_cast %add3A_187 : vector<16xf32> to vector<1x16xf32>
      tpu.vector_store %arg6[%swap3A_188, %swap3A_189], %swap3A_192 {strides = array<i32>} : memref<32x1024xf32, #tpu.memory_space<vmem>>, vector<1x16xf32>,
      %get3A_193 = arith.index_cast %scan3A_151 : i32 to index
      %get3A_194 = arith.constant 48 : index
      %get3A_195 = tpu.vector_load %arg6[%get3A_193, %get3A_194] {strides = array<i32>} : memref<32x1024xf32, #tpu.memory_space<vmem>>, vector<1x16xf32>,
      %get3A_196 = vector.shape_cast %get3A_195 : vector<1x16xf32> to vector<16xf32>
      %get3A_197 = arith.index_cast %scan3A_151 : i32 to index
      %get3A_198 = arith.constant 48 : index
      %get3A_199 = tpu.vector_load %arg7[%get3A_197, %get3A_198] {strides = array<i32>} : memref<32x1024xf32, #tpu.memory_space<vmem>>, vector<1x16xf32>,
      %get3A_200 = vector.shape_cast %get3A_199 : vector<1x16xf32> to vector<16xf32>
      %add3A_201 = arith.addf %get3A_196, %get3A_200 : vector<16xf32>
      %swap3A_202 = arith.index_cast %scan3A_151 : i32 to index
      %swap3A_203 = arith.constant 48 : index
      %swap3A_204 = tpu.vector_load %arg6[%swap3A_202, %swap3A_203] {strides = array<i32>} : memref<32x1024xf32, #tpu.memory_space<vmem>>, vector<1x16xf32>,
      %swap3A_205 = vector.shape_cast %swap3A_204 : vector<1x16xf32> to vector<16xf32>
      %swap3A_206 = vector.shape_cast %add3A_201 : vector<16xf32> to vector<1x16xf32>
      tpu.vector_store %arg6[%swap3A_202, %swap3A_203], %swap3A_206 {strides = array<i32>} : memref<32x1024xf32, #tpu.memory_space<vmem>>, vector<1x16xf32>,
      %get3A_207 = arith.index_cast %scan3A_151 : i32 to index
      %get3A_208 = arith.constant 64 : index
      %get3A_209 = tpu.vector_load %arg6[%get3A_207, %get3A_208] {strides = array<i32>} : memref<32x1024xf32, #tpu.memory_space<vmem>>, vector<1x16xf32>,
      %get3A_210 = vector.shape_cast %get3A_209 : vector<1x16xf32> to vector<16xf32>
      %get3A_211 = arith.index_cast %scan3A_151 : i32 to index
      %get3A_212 = arith.constant 64 : index
      %get3A_213 = tpu.vector_load %arg7[%get3A_211, %get3A_212] {strides = array<i32>} : memref<32x1024xf32, #tpu.memory_space<vmem>>, vector<1x16xf32>,
      %get3A_214 = vector.shape_cast %get3A_213 : vector<1x16xf32> to vector<16xf32>
      %add3A_215 = arith.addf %get3A_210, %get3A_214 : vector<16xf32>
      %swap3A_216 = arith.index_cast %scan3A_151 : i32 to index
      %swap3A_217 = arith.constant 64 : index
      %swap3A_218 = tpu.vector_load %arg6[%swap3A_216, %swap3A_217] {strides = array<i32>} : memref<32x1024xf32, #tpu.memory_space<vmem>>, vector<1x16xf32>,
      %swap3A_219 = vector.shape_cast %swap3A_218 : vector<1x16xf32> to vector<16xf32>
      %swap3A_220 = vector.shape_cast %add3A_215 : vector<16xf32> to vector<1x16xf32>
      tpu.vector_store %arg6[%swap3A_216, %swap3A_217], %swap3A_220 {strides = array<i32>} : memref<32x1024xf32, #tpu.memory_space<vmem>>, vector<1x16xf32>,
      %get3A_221 = arith.index_cast %scan3A_151 : i32 to index
      %get3A_222 = arith.constant 80 : index
      %get3A_223 = tpu.vector_load %arg6[%get3A_221, %get3A_222] {strides = array<i32>} : memref<32x1024xf32, #tpu.memory_space<vmem>>, vector<1x16xf32>,
      %get3A_224 = vector.shape_cast %get3A_223 : vector<1x16xf32> to vector<16xf32>
      %get3A_225 = arith.index_cast %scan3A_151 : i32 to index
      %get3A_226 = arith.constant 80 : index
      %get3A_227 = tpu.vector_load %arg7[%get3A_225, %get3A_226] {strides = array<i32>} : memref<32x1024xf32, #tpu.memory_space<vmem>>, vector<1x16xf32>,
      %get3A_228 = vector.shape_cast %get3A_227 : vector<1x16xf32> to vector<16xf32>
      %add3A_229 = arith.addf %get3A_224, %get3A_228 : vector<16xf32>
      %swap3A_230 = arith.index_cast %scan3A_151 : i32 to index
      %swap3A_231 = arith.constant 80 : index
      %swap3A_232 = tpu.vector_load %arg6[%swap3A_230, %swap3A_231] {strides = array<i32>} : memref<32x1024xf32, #tpu.memory_space<vmem>>, vector<1x16xf32>,
      %swap3A_233 = vector.shape_cast %swap3A_232 : vector<1x16xf32> to vector<16xf32>
      %swap3A_234 = vector.shape_cast %add3A_229 : vector<16xf32> to vector<1x16xf32>
      tpu.vector_store %arg6[%swap3A_230, %swap3A_231], %swap3A_234 {strides = array<i32>} : memref<32x1024xf32, #tpu.memory_space<vmem>>, vector<1x16xf32>,
      %get3A_235 = arith.index_cast %scan3A_151 : i32 to index
      %get3A_236 = arith.constant 96 : index
      %get3A_237 = tpu.vector_load %arg6[%get3A_235, %get3A_236] {strides = array<i32>} : memref<32x1024xf32, #tpu.memory_space<vmem>>, vector<1x16xf32>,
      %get3A_238 = vector.shape_cast %get3A_237 : vector<1x16xf32> to vector<16xf32>
      %get3A_239 = arith.index_cast %scan3A_151 : i32 to index
      %get3A_240 = arith.constant 96 : index
      %get3A_241 = tpu.vector_load %arg7[%get3A_239, %get3A_240] {strides = array<i32>} : memref<32x1024xf32, #tpu.memory_space<vmem>>, vector<1x16xf32>,
      %get3A_242 = vector.shape_cast %get3A_241 : vector<1x16xf32> to vector<16xf32>
      %add3A_243 = arith.addf %get3A_238, %get3A_242 : vector<16xf32>
      %swap3A_244 = arith.index_cast %scan3A_151 : i32 to index
      %swap3A_245 = arith.constant 96 : index
      %swap3A_246 = tpu.vector_load %arg6[%swap3A_244, %swap3A_245] {strides = array<i32>} : memref<32x1024xf32, #tpu.memory_space<vmem>>, vector<1x16xf32>,
      %swap3A_247 = vector.shape_cast %swap3A_246 : vector<1x16xf32> to vector<16xf32>
      %swap3A_248 = vector.shape_cast %add3A_243 : vector<16xf32> to vector<1x16xf32>
      tpu.vector_store %arg6[%swap3A_244, %swap3A_245], %swap3A_248 {strides = array<i32>} : memref<32x1024xf32, #tpu.memory_space<vmem>>, vector<1x16xf32>,
      %get3A_249 = arith.index_cast %scan3A_151 : i32 to index
      %get3A_250 = arith.constant 112 : index
      %get3A_251 = tpu.vector_load %arg6[%get3A_249, %get3A_250] {strides = array<i32>} : memref<32x1024xf32, #tpu.memory_space<vmem>>, vector<1x16xf32>,
      %get3A_252 = vector.shape_cast %get3A_251 : vector<1x16xf32> to vector<16xf32>
      %get3A_253 = arith.index_cast %scan3A_151 : i32 to index
      %get3A_254 = arith.constant 112 : index
      %get3A_255 = tpu.vector_load %arg7[%get3A_253, %get3A_254] {strides = array<i32>} : memref<32x1024xf32, #tpu.memory_space<vmem>>, vector<1x16xf32>,
      %get3A_256 = vector.shape_cast %get3A_255 : vector<1x16xf32> to vector<16xf32>
      %add3A_257 = arith.addf %get3A_252, %get3A_256 : vector<16xf32>
      %swap3A_258 = arith.index_cast %scan3A_151 : i32 to index
      %swap3A_259 = arith.constant 112 : index
      %swap3A_260 = tpu.vector_load %arg6[%swap3A_258, %swap3A_259] {strides = array<i32>} : memref<32x1024xf32, #tpu.memory_space<vmem>>, vector<1x16xf32>,
      %swap3A_261 = vector.shape_cast %swap3A_260 : vector<1x16xf32> to vector<16xf32>
      %swap3A_262 = vector.shape_cast %add3A_257 : vector<16xf32> to vector<1x16xf32>
      tpu.vector_store %arg6[%swap3A_258, %swap3A_259], %swap3A_262 {strides = array<i32>} : memref<32x1024xf32, #tpu.memory_space<vmem>>, vector<1x16xf32>,
      %get3A_263 = arith.index_cast %scan3A_151 : i32 to index
      %get3A_264 = arith.constant 128 : index
      %get3A_265 = tpu.vector_load %arg6[%get3A_263, %get3A_264] {strides = array<i32>} : memref<32x1024xf32, #tpu.memory_space<vmem>>, vector<1x16xf32>,
      %get3A_266 = vector.shape_cast %get3A_265 : vector<1x16xf32> to vector<16xf32>
      %get3A_267 = arith.index_cast %scan3A_151 : i32 to index
      %get3A_268 = arith.constant 128 : index
      %get3A_269 = tpu.vector_load %arg7[%get3A_267, %get3A_268] {strides = array<i32>} : memref<32x1024xf32, #tpu.memory_space<vmem>>, vector<1x16xf32>,
      %get3A_270 = vector.shape_cast %get3A_269 : vector<1x16xf32> to vector<16xf32>
      %add3A_271 = arith.addf %get3A_266, %get3A_270 : vector<16xf32>
      %swap3A_272 = arith.index_cast %scan3A_151 : i32 to index
      %swap3A_273 = arith.constant 128 : index
      %swap3A_274 = tpu.vector_load %arg6[%swap3A_272, %swap3A_273] {strides = array<i32>} : memref<32x1024xf32, #tpu.memory_space<vmem>>, vector<1x16xf32>,
      %swap3A_275 = vector.shape_cast %swap3A_274 : vector<1x16xf32> to vector<16xf32>
      %swap3A_276 = vector.shape_cast %add3A_271 : vector<16xf32> to vector<1x16xf32>
      tpu.vector_store %arg6[%swap3A_272, %swap3A_273], %swap3A_276 {strides = array<i32>} : memref<32x1024xf32, #tpu.memory_space<vmem>>, vector<1x16xf32>,
      %get3A_277 = arith.index_cast %scan3A_151 : i32 to index
      %get3A_278 = arith.constant 144 : index
      %get3A_279 = tpu.vector_load %arg6[%get3A_277, %get3A_278] {strides = array<i32>} : memref<32x1024xf32, #tpu.memory_space<vmem>>, vector<1x16xf32>,
      %get3A_280 = vector.shape_cast %get3A_279 : vector<1x16xf32> to vector<16xf32>
      %get3A_281 = arith.index_cast %scan3A_151 : i32 to index
      %get3A_282 = arith.constant 144 : index
      %get3A_283 = tpu.vector_load %arg7[%get3A_281, %get3A_282] {strides = array<i32>} : memref<32x1024xf32, #tpu.memory_space<vmem>>, vector<1x16xf32>,
      %get3A_284 = vector.shape_cast %get3A_283 : vector<1x16xf32> to vector<16xf32>
      %add3A_285 = arith.addf %get3A_280, %get3A_284 : vector<16xf32>
      %swap3A_286 = arith.index_cast %scan3A_151 : i32 to index
      %swap3A_287 = arith.constant 144 : index
      %swap3A_288 = tpu.vector_load %arg6[%swap3A_286, %swap3A_287] {strides = array<i32>} : memref<32x1024xf32, #tpu.memory_space<vmem>>, vector<1x16xf32>,
      %swap3A_289 = vector.shape_cast %swap3A_288 : vector<1x16xf32> to vector<16xf32>
      %swap3A_290 = vector.shape_cast %add3A_285 : vector<16xf32> to vector<1x16xf32>
      tpu.vector_store %arg6[%swap3A_286, %swap3A_287], %swap3A_290 {strides = array<i32>} : memref<32x1024xf32, #tpu.memory_space<vmem>>, vector<1x16xf32>,
      %get3A_291 = arith.index_cast %scan3A_151 : i32 to index
      %get3A_292 = arith.constant 160 : index
      %get3A_293 = tpu.vector_load %arg6[%get3A_291, %get3A_292] {strides = array<i32>} : memref<32x1024xf32, #tpu.memory_space<vmem>>, vector<1x16xf32>,
      %get3A_294 = vector.shape_cast %get3A_293 : vector<1x16xf32> to vector<16xf32>
      %get3A_295 = arith.index_cast %scan3A_151 : i32 to index
      %get3A_296 = arith.constant 160 : index
      %get3A_297 = tpu.vector_load %arg7[%get3A_295, %get3A_296] {strides = array<i32>} : memref<32x1024xf32, #tpu.memory_space<vmem>>, vector<1x16xf32>,
      %get3A_298 = vector.shape_cast %get3A_297 : vector<1x16xf32> to vector<16xf32>
      %add3A_299 = arith.addf %get3A_294, %get3A_298 : vector<16xf32>
      %swap3A_300 = arith.index_cast %scan3A_151 : i32 to index
      %swap3A_301 = arith.constant 160 : index
      %swap3A_302 = tpu.vector_load %arg6[%swap3A_300, %swap3A_301] {strides = array<i32>} : memref<32x1024xf32, #tpu.memory_space<vmem>>, vector<1x16xf32>,
      %swap3A_303 = vector.shape_cast %swap3A_302 : vector<1x16xf32> to vector<16xf32>
      %swap3A_304 = vector.shape_cast %add3A_299 : vector<16xf32> to vector<1x16xf32>
      tpu.vector_store %arg6[%swap3A_300, %swap3A_301], %swap3A_304 {strides = array<i32>} : memref<32x1024xf32, #tpu.memory_space<vmem>>, vector<1x16xf32>,
      %get3A_305 = arith.index_cast %scan3A_151 : i32 to index
      %get3A_306 = arith.constant 176 : index
      %get3A_307 = tpu.vector_load %arg6[%get3A_305, %get3A_306] {strides = array<i32>} : memref<32x1024xf32, #tpu.memory_space<vmem>>, vector<1x16xf32>,
      %get3A_308 = vector.shape_cast %get3A_307 : vector<1x16xf32> to vector<16xf32>
      %get3A_309 = arith.index_cast %scan3A_151 : i32 to index
      %get3A_310 = arith.constant 176 : index
      %get3A_311 = tpu.vector_load %arg7[%get3A_309, %get3A_310] {strides = array<i32>} : memref<32x1024xf32, #tpu.memory_space<vmem>>, vector<1x16xf32>,
      %get3A_312 = vector.shape_cast %get3A_311 : vector<1x16xf32> to vector<16xf32>
      %add3A_313 = arith.addf %get3A_308, %get3A_312 : vector<16xf32>
      %swap3A_314 = arith.index_cast %scan3A_151 : i32 to index
      %swap3A_315 = arith.constant 176 : index
      %swap3A_316 = tpu.vector_load %arg6[%swap3A_314, %swap3A_315] {strides = array<i32>} : memref<32x1024xf32, #tpu.memory_space<vmem>>, vector<1x16xf32>,
      %swap3A_317 = vector.shape_cast %swap3A_316 : vector<1x16xf32> to vector<16xf32>
      %swap3A_318 = vector.shape_cast %add3A_313 : vector<16xf32> to vector<1x16xf32>
      tpu.vector_store %arg6[%swap3A_314, %swap3A_315], %swap3A_318 {strides = array<i32>} : memref<32x1024xf32, #tpu.memory_space<vmem>>, vector<1x16xf32>,
      %get3A_319 = arith.index_cast %scan3A_151 : i32 to index
      %get3A_320 = arith.constant 192 : index
      %get3A_321 = tpu.vector_load %arg6[%get3A_319, %get3A_320] {strides = array<i32>} : memref<32x1024xf32, #tpu.memory_space<vmem>>, vector<1x16xf32>,
      %get3A_322 = vector.shape_cast %get3A_321 : vector<1x16xf32> to vector<16xf32>
      %get3A_323 = arith.index_cast %scan3A_151 : i32 to index
      %get3A_324 = arith.constant 192 : index
      %get3A_325 = tpu.vector_load %arg7[%get3A_323, %get3A_324] {strides = array<i32>} : memref<32x1024xf32, #tpu.memory_space<vmem>>, vector<1x16xf32>,
      %get3A_326 = vector.shape_cast %get3A_325 : vector<1x16xf32> to vector<16xf32>
      %add3A_327 = arith.addf %get3A_322, %get3A_326 : vector<16xf32>
      %swap3A_328 = arith.index_cast %scan3A_151 : i32 to index
      %swap3A_329 = arith.constant 192 : index
      %swap3A_330 = tpu.vector_load %arg6[%swap3A_328, %swap3A_329] {strides = array<i32>} : memref<32x1024xf32, #tpu.memory_space<vmem>>, vector<1x16xf32>,
      %swap3A_331 = vector.shape_cast %swap3A_330 : vector<1x16xf32> to vector<16xf32>
      %swap3A_332 = vector.shape_cast %add3A_327 : vector<16xf32> to vector<1x16xf32>
      tpu.vector_store %arg6[%swap3A_328, %swap3A_329], %swap3A_332 {strides = array<i32>} : memref<32x1024xf32, #tpu.memory_space<vmem>>, vector<1x16xf32>,
      %get3A_333 = arith.index_cast %scan3A_151 : i32 to index
      %get3A_334 = arith.constant 208 : index
      %get3A_335 = tpu.vector_load %arg6[%get3A_333, %get3A_334] {strides = array<i32>} : memref<32x1024xf32, #tpu.memory_space<vmem>>, vector<1x16xf32>,
      %get3A_336 = vector.shape_cast %get3A_335 : vector<1x16xf32> to vector<16xf32>
      %get3A_337 = arith.index_cast %scan3A_151 : i32 to index
      %get3A_338 = arith.constant 208 : index
      %get3A_339 = tpu.vector_load %arg7[%get3A_337, %get3A_338] {strides = array<i32>} : memref<32x1024xf32, #tpu.memory_space<vmem>>, vector<1x16xf32>,
      %get3A_340 = vector.shape_cast %get3A_339 : vector<1x16xf32> to vector<16xf32>
      %add3A_341 = arith.addf %get3A_336, %get3A_340 : vector<16xf32>
      %swap3A_342 = arith.index_cast %scan3A_151 : i32 to index
      %swap3A_343 = arith.constant 208 : index
      %swap3A_344 = tpu.vector_load %arg6[%swap3A_342, %swap3A_343] {strides = array<i32>} : memref<32x1024xf32, #tpu.memory_space<vmem>>, vector<1x16xf32>,
      %swap3A_345 = vector.shape_cast %swap3A_344 : vector<1x16xf32> to vector<16xf32>
      %swap3A_346 = vector.shape_cast %add3A_341 : vector<16xf32> to vector<1x16xf32>
      tpu.vector_store %arg6[%swap3A_342, %swap3A_343], %swap3A_346 {strides = array<i32>} : memref<32x1024xf32, #tpu.memory_space<vmem>>, vector<1x16xf32>,
      %get3A_347 = arith.index_cast %scan3A_151 : i32 to index
      %get3A_348 = arith.constant 224 : index
      %get3A_349 = tpu.vector_load %arg6[%get3A_347, %get3A_348] {strides = array<i32>} : memref<32x1024xf32, #tpu.memory_space<vmem>>, vector<1x16xf32>,
      %get3A_350 = vector.shape_cast %get3A_349 : vector<1x16xf32> to vector<16xf32>
      %get3A_351 = arith.index_cast %scan3A_151 : i32 to index
      %get3A_352 = arith.constant 224 : index
      %get3A_353 = tpu.vector_load %arg7[%get3A_351, %get3A_352] {strides = array<i32>} : memref<32x1024xf32, #tpu.memory_space<vmem>>, vector<1x16xf32>,
      %get3A_354 = vector.shape_cast %get3A_353 : vector<1x16xf32> to vector<16xf32>
      %add3A_355 = arith.addf %get3A_350, %get3A_354 : vector<16xf32>
      %swap3A_356 = arith.index_cast %scan3A_151 : i32 to index
      %swap3A_357 = arith.constant 224 : index
      %swap3A_358 = tpu.vector_load %arg6[%swap3A_356, %swap3A_357] {strides = array<i32>} : memref<32x1024xf32, #tpu.memory_space<vmem>>, vector<1x16xf32>,
      %swap3A_359 = vector.shape_cast %swap3A_358 : vector<1x16xf32> to vector<16xf32>
      %swap3A_360 = vector.shape_cast %add3A_355 : vector<16xf32> to vector<1x16xf32>
      tpu.vector_store %arg6[%swap3A_356, %swap3A_357], %swap3A_360 {strides = array<i32>} : memref<32x1024xf32, #tpu.memory_space<vmem>>, vector<1x16xf32>,
      %get3A_361 = arith.index_cast %scan3A_151 : i32 to index
      %get3A_362 = arith.constant 240 : index
      %get3A_363 = tpu.vector_load %arg6[%get3A_361, %get3A_362] {strides = array<i32>} : memref<32x1024xf32, #tpu.memory_space<vmem>>, vector<1x16xf32>,
      %get3A_364 = vector.shape_cast %get3A_363 : vector<1x16xf32> to vector<16xf32>
      %get3A_365 = arith.index_cast %scan3A_151 : i32 to index
      %get3A_366 = arith.constant 240 : index
      %get3A_367 = tpu.vector_load %arg7[%get3A_365, %get3A_366] {strides = array<i32>} : memref<32x1024xf32, #tpu.memory_space<vmem>>, vector<1x16xf32>,
      %get3A_368 = vector.shape_cast %get3A_367 : vector<1x16xf32> to vector<16xf32>
      %add3A_369 = arith.addf %get3A_364, %get3A_368 : vector<16xf32>
      %swap3A_370 = arith.index_cast %scan3A_151 : i32 to index
      %swap3A_371 = arith.constant 240 : index
      %swap3A_372 = tpu.vector_load %arg6[%swap3A_370, %swap3A_371] {strides = array<i32>} : memref<32x1024xf32, #tpu.memory_space<vmem>>, vector<1x16xf32>,
      %swap3A_373 = vector.shape_cast %swap3A_372 : vector<1x16xf32> to vector<16xf32>
      %swap3A_374 = vector.shape_cast %add3A_369 : vector<16xf32> to vector<1x16xf32>
      tpu.vector_store %arg6[%swap3A_370, %swap3A_371], %swap3A_374 {strides = array<i32>} : memref<32x1024xf32, #tpu.memory_space<vmem>>, vector<1x16xf32>,
      %get3A_375 = arith.index_cast %scan3A_151 : i32 to index
      %get3A_376 = arith.constant 256 : index
      %get3A_377 = tpu.vector_load %arg6[%get3A_375, %get3A_376] {strides = array<i32>} : memref<32x1024xf32, #tpu.memory_space<vmem>>, vector<1x16xf32>,
      %get3A_378 = vector.shape_cast %get3A_377 : vector<1x16xf32> to vector<16xf32>
      %get3A_379 = arith.index_cast %scan3A_151 : i32 to index
      %get3A_380 = arith.constant 256 : index
      %get3A_381 = tpu.vector_load %arg7[%get3A_379, %get3A_380] {strides = array<i32>} : memref<32x1024xf32, #tpu.memory_space<vmem>>, vector<1x16xf32>,
      %get3A_382 = vector.shape_cast %get3A_381 : vector<1x16xf32> to vector<16xf32>
      %add3A_383 = arith.addf %get3A_378, %get3A_382 : vector<16xf32>
      %swap3A_384 = arith.index_cast %scan3A_151 : i32 to index
      %swap3A_385 = arith.constant 256 : index
      %swap3A_386 = tpu.vector_load %arg6[%swap3A_384, %swap3A_385] {strides = array<i32>} : memref<32x1024xf32, #tpu.memory_space<vmem>>, vector<1x16xf32>,
      %swap3A_387 = vector.shape_cast %swap3A_386 : vector<1x16xf32> to vector<16xf32>
      %swap3A_388 = vector.shape_cast %add3A_383 : vector<16xf32> to vector<1x16xf32>
      tpu.vector_store %arg6[%swap3A_384, %swap3A_385], %swap3A_388 {strides = array<i32>} : memref<32x1024xf32, #tpu.memory_space<vmem>>, vector<1x16xf32>,
      %get3A_389 = arith.index_cast %scan3A_151 : i32 to index
      %get3A_390 = arith.constant 272 : index
      %get3A_391 = tpu.vector_load %arg6[%get3A_389, %get3A_390] {strides = array<i32>} : memref<32x1024xf32, #tpu.memory_space<vmem>>, vector<1x16xf32>,
      %get3A_392 = vector.shape_cast %get3A_391 : vector<1x16xf32> to vector<16xf32>
      %get3A_393 = arith.index_cast %scan3A_151 : i32 to index
      %get3A_394 = arith.constant 272 : index
      %get3A_395 = tpu.vector_load %arg7[%get3A_393, %get3A_394] {strides = array<i32>} : memref<32x1024xf32, #tpu.memory_space<vmem>>, vector<1x16xf32>,
      %get3A_396 = vector.shape_cast %get3A_395 : vector<1x16xf32> to vector<16xf32>
      %add3A_397 = arith.addf %get3A_392, %get3A_396 : vector<16xf32>
      %swap3A_398 = arith.index_cast %scan3A_151 : i32 to index
      %swap3A_399 = arith.constant 272 : index
      %swap3A_400 = tpu.vector_load %arg6[%swap3A_398, %swap3A_399] {strides = array<i32>} : memref<32x1024xf32, #tpu.memory_space<vmem>>, vector<1x16xf32>,
      %swap3A_401 = vector.shape_cast %swap3A_400 : vector<1x16xf32> to vector<16xf32>
      %swap3A_402 = vector.shape_cast %add3A_397 : vector<16xf32> to vector<1x16xf32>
      tpu.vector_store %arg6[%swap3A_398, %swap3A_399], %swap3A_402 {strides = array<i32>} : memref<32x1024xf32, #tpu.memory_space<vmem>>, vector<1x16xf32>,
      %get3A_403 = arith.index_cast %scan3A_151 : i32 to index
      %get3A_404 = arith.constant 288 : index
      %get3A_405 = tpu.vector_load %arg6[%get3A_403, %get3A_404] {strides = array<i32>} : memref<32x1024xf32, #tpu.memory_space<vmem>>, vector<1x16xf32>,
      %get3A_406 = vector.shape_cast %get3A_405 : vector<1x16xf32> to vector<16xf32>
      %get3A_407 = arith.index_cast %scan3A_151 : i32 to index
      %get3A_408 = arith.constant 288 : index
      %get3A_409 = tpu.vector_load %arg7[%get3A_407, %get3A_408] {strides = array<i32>} : memref<32x1024xf32, #tpu.memory_space<vmem>>, vector<1x16xf32>,
      %get3A_410 = vector.shape_cast %get3A_409 : vector<1x16xf32> to vector<16xf32>
      %add3A_411 = arith.addf %get3A_406, %get3A_410 : vector<16xf32>
      %swap3A_412 = arith.index_cast %scan3A_151 : i32 to index
      %swap3A_413 = arith.constant 288 : index
      %swap3A_414 = tpu.vector_load %arg6[%swap3A_412, %swap3A_413] {strides = array<i32>} : memref<32x1024xf32, #tpu.memory_space<vmem>>, vector<1x16xf32>,
      %swap3A_415 = vector.shape_cast %swap3A_414 : vector<1x16xf32> to vector<16xf32>
      %swap3A_416 = vector.shape_cast %add3A_411 : vector<16xf32> to vector<1x16xf32>
      tpu.vector_store %arg6[%swap3A_412, %swap3A_413], %swap3A_416 {strides = array<i32>} : memref<32x1024xf32, #tpu.memory_space<vmem>>, vector<1x16xf32>,
      %get3A_417 = arith.index_cast %scan3A_151 : i32 to index
      %get3A_418 = arith.constant 304 : index
      %get3A_419 = tpu.vector_load %arg6[%get3A_417, %get3A_418] {strides = array<i32>} : memref<32x1024xf32, #tpu.memory_space<vmem>>, vector<1x16xf32>,
      %get3A_420 = vector.shape_cast %get3A_419 : vector<1x16xf32> to vector<16xf32>
      %get3A_421 = arith.index_cast %scan3A_151 : i32 to index
      %get3A_422 = arith.constant 304 : index
      %get3A_423 = tpu.vector_load %arg7[%get3A_421, %get3A_422] {strides = array<i32>} : memref<32x1024xf32, #tpu.memory_space<vmem>>, vector<1x16xf32>,
      %get3A_424 = vector.shape_cast %get3A_423 : vector<1x16xf32> to vector<16xf32>
      %add3A_425 = arith.addf %get3A_420, %get3A_424 : vector<16xf32>
      %swap3A_426 = arith.index_cast %scan3A_151 : i32 to index
      %swap3A_427 = arith.constant 304 : index
      %swap3A_428 = tpu.vector_load %arg6[%swap3A_426, %swap3A_427] {strides = array<i32>} : memref<32x1024xf32, #tpu.memory_space<vmem>>, vector<1x16xf32>,
      %swap3A_429 = vector.shape_cast %swap3A_428 : vector<1x16xf32> to vector<16xf32>
      %swap3A_430 = vector.shape_cast %add3A_425 : vector<16xf32> to vector<1x16xf32>
      tpu.vector_store %arg6[%swap3A_426, %swap3A_427], %swap3A_430 {strides = array<i32>} : memref<32x1024xf32, #tpu.memory_space<vmem>>, vector<1x16xf32>,
      %get3A_431 = arith.index_cast %scan3A_151 : i32 to index
      %get3A_432 = arith.constant 320 : index
      %get3A_433 = tpu.vector_load %arg6[%get3A_431, %get3A_432] {strides = array<i32>} : memref<32x1024xf32, #tpu.memory_space<vmem>>, vector<1x16xf32>,
      %get3A_434 = vector.shape_cast %get3A_433 : vector<1x16xf32> to vector<16xf32>
      %get3A_435 = arith.index_cast %scan3A_151 : i32 to index
      %get3A_436 = arith.constant 320 : index
      %get3A_437 = tpu.vector_load %arg7[%get3A_435, %get3A_436] {strides = array<i32>} : memref<32x1024xf32, #tpu.memory_space<vmem>>, vector<1x16xf32>,
      %get3A_438 = vector.shape_cast %get3A_437 : vector<1x16xf32> to vector<16xf32>
      %add3A_439 = arith.addf %get3A_434, %get3A_438 : vector<16xf32>
      %swap3A_440 = arith.index_cast %scan3A_151 : i32 to index
      %swap3A_441 = arith.constant 320 : index
      %swap3A_442 = tpu.vector_load %arg6[%swap3A_440, %swap3A_441] {strides = array<i32>} : memref<32x1024xf32, #tpu.memory_space<vmem>>, vector<1x16xf32>,
      %swap3A_443 = vector.shape_cast %swap3A_442 : vector<1x16xf32> to vector<16xf32>
      %swap3A_444 = vector.shape_cast %add3A_439 : vector<16xf32> to vector<1x16xf32>
      tpu.vector_store %arg6[%swap3A_440, %swap3A_441], %swap3A_444 {strides = array<i32>} : memref<32x1024xf32, #tpu.memory_space<vmem>>, vector<1x16xf32>,
      %get3A_445 = arith.index_cast %scan3A_151 : i32 to index
      %get3A_446 = arith.constant 336 : index
      %get3A_447 = tpu.vector_load %arg6[%get3A_445, %get3A_446] {strides = array<i32>} : memref<32x1024xf32, #tpu.memory_space<vmem>>, vector<1x16xf32>,
      %get3A_448 = vector.shape_cast %get3A_447 : vector<1x16xf32> to vector<16xf32>
      %get3A_449 = arith.index_cast %scan3A_151 : i32 to index
      %get3A_450 = arith.constant 336 : index
      %get3A_451 = tpu.vector_load %arg7[%get3A_449, %get3A_450] {strides = array<i32>} : memref<32x1024xf32, #tpu.memory_space<vmem>>, vector<1x16xf32>,
      %get3A_452 = vector.shape_cast %get3A_451 : vector<1x16xf32> to vector<16xf32>
      %add3A_453 = arith.addf %get3A_448, %get3A_452 : vector<16xf32>
      %swap3A_454 = arith.index_cast %scan3A_151 : i32 to index
      %swap3A_455 = arith.constant 336 : index
      %swap3A_456 = tpu.vector_load %arg6[%swap3A_454, %swap3A_455] {strides = array<i32>} : memref<32x1024xf32, #tpu.memory_space<vmem>>, vector<1x16xf32>,
      %swap3A_457 = vector.shape_cast %swap3A_456 : vector<1x16xf32> to vector<16xf32>
      %swap3A_458 = vector.shape_cast %add3A_453 : vector<16xf32> to vector<1x16xf32>
      tpu.vector_store %arg6[%swap3A_454, %swap3A_455], %swap3A_458 {strides = array<i32>} : memref<32x1024xf32, #tpu.memory_space<vmem>>, vector<1x16xf32>,
      %get3A_459 = arith.index_cast %scan3A_151 : i32 to index
      %get3A_460 = arith.constant 352 : index
      %get3A_461 = tpu.vector_load %arg6[%get3A_459, %get3A_460] {strides = array<i32>} : memref<32x1024xf32, #tpu.memory_space<vmem>>, vector<1x16xf32>,
      %get3A_462 = vector.shape_cast %get3A_461 : vector<1x16xf32> to vector<16xf32>
      %get3A_463 = arith.index_cast %scan3A_151 : i32 to index
      %get3A_464 = arith.constant 352 : index
      %get3A_465 = tpu.vector_load %arg7[%get3A_463, %get3A_464] {strides = array<i32>} : memref<32x1024xf32, #tpu.memory_space<vmem>>, vector<1x16xf32>,
      %get3A_466 = vector.shape_cast %get3A_465 : vector<1x16xf32> to vector<16xf32>
      %add3A_467 = arith.addf %get3A_462, %get3A_466 : vector<16xf32>
      %swap3A_468 = arith.index_cast %scan3A_151 : i32 to index
      %swap3A_469 = arith.constant 352 : index
      %swap3A_470 = tpu.vector_load %arg6[%swap3A_468, %swap3A_469] {strides = array<i32>} : memref<32x1024xf32, #tpu.memory_space<vmem>>, vector<1x16xf32>,
      %swap3A_471 = vector.shape_cast %swap3A_470 : vector<1x16xf32> to vector<16xf32>
      %swap3A_472 = vector.shape_cast %add3A_467 : vector<16xf32> to vector<1x16xf32>
      tpu.vector_store %arg6[%swap3A_468, %swap3A_469], %swap3A_472 {strides = array<i32>} : memref<32x1024xf32, #tpu.memory_space<vmem>>, vector<1x16xf32>,
      %get3A_473 = arith.index_cast %scan3A_151 : i32 to index
      %get3A_474 = arith.constant 368 : index
      %get3A_475 = tpu.vector_load %arg6[%get3A_473, %get3A_474] {strides = array<i32>} : memref<32x1024xf32, #tpu.memory_space<vmem>>, vector<1x16xf32>,
      %get3A_476 = vector.shape_cast %get3A_475 : vector<1x16xf32> to vector<16xf32>
      %get3A_477 = arith.index_cast %scan3A_151 : i32 to index
      %get3A_478 = arith.constant 368 : index
      %get3A_479 = tpu.vector_load %arg7[%get3A_477, %get3A_478] {strides = array<i32>} : memref<32x1024xf32, #tpu.memory_space<vmem>>, vector<1x16xf32>,
      %get3A_480 = vector.shape_cast %get3A_479 : vector<1x16xf32> to vector<16xf32>
      %add3A_481 = arith.addf %get3A_476, %get3A_480 : vector<16xf32>
      %swap3A_482 = arith.index_cast %scan3A_151 : i32 to index
      %swap3A_483 = arith.constant 368 : index
      %swap3A_484 = tpu.vector_load %arg6[%swap3A_482, %swap3A_483] {strides = array<i32>} : memref<32x1024xf32, #tpu.memory_space<vmem>>, vector<1x16xf32>,
      %swap3A_485 = vector.shape_cast %swap3A_484 : vector<1x16xf32> to vector<16xf32>
      %swap3A_486 = vector.shape_cast %add3A_481 : vector<16xf32> to vector<1x16xf32>
      tpu.vector_store %arg6[%swap3A_482, %swap3A_483], %swap3A_486 {strides = array<i32>} : memref<32x1024xf32, #tpu.memory_space<vmem>>, vector<1x16xf32>,
      %get3A_487 = arith.index_cast %scan3A_151 : i32 to index
      %get3A_488 = arith.constant 384 : index
      %get3A_489 = tpu.vector_load %arg6[%get3A_487, %get3A_488] {strides = array<i32>} : memref<32x1024xf32, #tpu.memory_space<vmem>>, vector<1x16xf32>,
      %get3A_490 = vector.shape_cast %get3A_489 : vector<1x16xf32> to vector<16xf32>
      %get3A_491 = arith.index_cast %scan3A_151 : i32 to index
      %get3A_492 = arith.constant 384 : index
      %get3A_493 = tpu.vector_load %arg7[%get3A_491, %get3A_492] {strides = array<i32>} : memref<32x1024xf32, #tpu.memory_space<vmem>>, vector<1x16xf32>,
      %get3A_494 = vector.shape_cast %get3A_493 : vector<1x16xf32> to vector<16xf32>
      %add3A_495 = arith.addf %get3A_490, %get3A_494 : vector<16xf32>
      %swap3A_496 = arith.index_cast %scan3A_151 : i32 to index
      %swap3A_497 = arith.constant 384 : index
      %swap3A_498 = tpu.vector_load %arg6[%swap3A_496, %swap3A_497] {strides = array<i32>} : memref<32x1024xf32, #tpu.memory_space<vmem>>, vector<1x16xf32>,
      %swap3A_499 = vector.shape_cast %swap3A_498 : vector<1x16xf32> to vector<16xf32>
      %swap3A_500 = vector.shape_cast %add3A_495 : vector<16xf32> to vector<1x16xf32>
      tpu.vector_store %arg6[%swap3A_496, %swap3A_497], %swap3A_500 {strides = array<i32>} : memref<32x1024xf32, #tpu.memory_space<vmem>>, vector<1x16xf32>,
      %get3A_501 = arith.index_cast %scan3A_151 : i32 to index
      %get3A_502 = arith.constant 400 : index
      %get3A_503 = tpu.vector_load %arg6[%get3A_501, %get3A_502] {strides = array<i32>} : memref<32x1024xf32, #tpu.memory_space<vmem>>, vector<1x16xf32>,
      %get3A_504 = vector.shape_cast %get3A_503 : vector<1x16xf32> to vector<16xf32>
      %get3A_505 = arith.index_cast %scan3A_151 : i32 to index
      %get3A_506 = arith.constant 400 : index
      %get3A_507 = tpu.vector_load %arg7[%get3A_505, %get3A_506] {strides = array<i32>} : memref<32x1024xf32, #tpu.memory_space<vmem>>, vector<1x16xf32>,
      %get3A_508 = vector.shape_cast %get3A_507 : vector<1x16xf32> to vector<16xf32>
      %add3A_509 = arith.addf %get3A_504, %get3A_508 : vector<16xf32>
      %swap3A_510 = arith.index_cast %scan3A_151 : i32 to index
      %swap3A_511 = arith.constant 400 : index
      %swap3A_512 = tpu.vector_load %arg6[%swap3A_510, %swap3A_511] {strides = array<i32>} : memref<32x1024xf32, #tpu.memory_space<vmem>>, vector<1x16xf32>,
      %swap3A_513 = vector.shape_cast %swap3A_512 : vector<1x16xf32> to vector<16xf32>
      %swap3A_514 = vector.shape_cast %add3A_509 : vector<16xf32> to vector<1x16xf32>
      tpu.vector_store %arg6[%swap3A_510, %swap3A_511], %swap3A_514 {strides = array<i32>} : memref<32x1024xf32, #tpu.memory_space<vmem>>, vector<1x16xf32>,
      %get3A_515 = arith.index_cast %scan3A_151 : i32 to index
      %get3A_516 = arith.constant 416 : index
      %get3A_517 = tpu.vector_load %arg6[%get3A_515, %get3A_516] {strides = array<i32>} : memref<32x1024xf32, #tpu.memory_space<vmem>>, vector<1x16xf32>,
      %get3A_518 = vector.shape_cast %get3A_517 : vector<1x16xf32> to vector<16xf32>
      %get3A_519 = arith.index_cast %scan3A_151 : i32 to index
      %get3A_520 = arith.constant 416 : index
      %get3A_521 = tpu.vector_load %arg7[%get3A_519, %get3A_520] {strides = array<i32>} : memref<32x1024xf32, #tpu.memory_space<vmem>>, vector<1x16xf32>,
      %get3A_522 = vector.shape_cast %get3A_521 : vector<1x16xf32> to vector<16xf32>
      %add3A_523 = arith.addf %get3A_518, %get3A_522 : vector<16xf32>
      %swap3A_524 = arith.index_cast %scan3A_151 : i32 to index
      %swap3A_525 = arith.constant 416 : index
      %swap3A_526 = tpu.vector_load %arg6[%swap3A_524, %swap3A_525] {strides = array<i32>} : memref<32x1024xf32, #tpu.memory_space<vmem>>, vector<1x16xf32>,
      %swap3A_527 = vector.shape_cast %swap3A_526 : vector<1x16xf32> to vector<16xf32>
      %swap3A_528 = vector.shape_cast %add3A_523 : vector<16xf32> to vector<1x16xf32>
      tpu.vector_store %arg6[%swap3A_524, %swap3A_525], %swap3A_528 {strides = array<i32>} : memref<32x1024xf32, #tpu.memory_space<vmem>>, vector<1x16xf32>,
      %get3A_529 = arith.index_cast %scan3A_151 : i32 to index
      %get3A_530 = arith.constant 432 : index
      %get3A_531 = tpu.vector_load %arg6[%get3A_529, %get3A_530] {strides = array<i32>} : memref<32x1024xf32, #tpu.memory_space<vmem>>, vector<1x16xf32>,
      %get3A_532 = vector.shape_cast %get3A_531 : vector<1x16xf32> to vector<16xf32>
      %get3A_533 = arith.index_cast %scan3A_151 : i32 to index
      %get3A_534 = arith.constant 432 : index
      %get3A_535 = tpu.vector_load %arg7[%get3A_533, %get3A_534] {strides = array<i32>} : memref<32x1024xf32, #tpu.memory_space<vmem>>, vector<1x16xf32>,
      %get3A_536 = vector.shape_cast %get3A_535 : vector<1x16xf32> to vector<16xf32>
      %add3A_537 = arith.addf %get3A_532, %get3A_536 : vector<16xf32>
      %swap3A_538 = arith.index_cast %scan3A_151 : i32 to index
      %swap3A_539 = arith.constant 432 : index
      %swap3A_540 = tpu.vector_load %arg6[%swap3A_538, %swap3A_539] {strides = array<i32>} : memref<32x1024xf32, #tpu.memory_space<vmem>>, vector<1x16xf32>,
      %swap3A_541 = vector.shape_cast %swap3A_540 : vector<1x16xf32> to vector<16xf32>
      %swap3A_542 = vector.shape_cast %add3A_537 : vector<16xf32> to vector<1x16xf32>
      tpu.vector_store %arg6[%swap3A_538, %swap3A_539], %swap3A_542 {strides = array<i32>} : memref<32x1024xf32, #tpu.memory_space<vmem>>, vector<1x16xf32>,
      %get3A_543 = arith.index_cast %scan3A_151 : i32 to index
      %get3A_544 = arith.constant 448 : index
      %get3A_545 = tpu.vector_load %arg6[%get3A_543, %get3A_544] {strides = array<i32>} : memref<32x1024xf32, #tpu.memory_space<vmem>>, vector<1x16xf32>,
      %get3A_546 = vector.shape_cast %get3A_545 : vector<1x16xf32> to vector<16xf32>
      %get3A_547 = arith.index_cast %scan3A_151 : i32 to index
      %get3A_548 = arith.constant 448 : index
      %get3A_549 = tpu.vector_load %arg7[%get3A_547, %get3A_548] {strides = array<i32>} : memref<32x1024xf32, #tpu.memory_space<vmem>>, vector<1x16xf32>,
      %get3A_550 = vector.shape_cast %get3A_549 : vector<1x16xf32> to vector<16xf32>
      %add3A_551 = arith.addf %get3A_546, %get3A_550 : vector<16xf32>
      %swap3A_552 = arith.index_cast %scan3A_151 : i32 to index
      %swap3A_553 = arith.constant 448 : index
      %swap3A_554 = tpu.vector_load %arg6[%swap3A_552, %swap3A_553] {strides = array<i32>} : memref<32x1024xf32, #tpu.memory_space<vmem>>, vector<1x16xf32>,
      %swap3A_555 = vector.shape_cast %swap3A_554 : vector<1x16xf32> to vector<16xf32>
      %swap3A_556 = vector.shape_cast %add3A_551 : vector<16xf32> to vector<1x16xf32>
      tpu.vector_store %arg6[%swap3A_552, %swap3A_553], %swap3A_556 {strides = array<i32>} : memref<32x1024xf32, #tpu.memory_space<vmem>>, vector<1x16xf32>,
      %get3A_557 = arith.index_cast %scan3A_151 : i32 to index
      %get3A_558 = arith.constant 464 : index
      %get3A_559 = tpu.vector_load %arg6[%get3A_557, %get3A_558] {strides = array<i32>} : memref<32x1024xf32, #tpu.memory_space<vmem>>, vector<1x16xf32>,
      %get3A_560 = vector.shape_cast %get3A_559 : vector<1x16xf32> to vector<16xf32>
      %get3A_561 = arith.index_cast %scan3A_151 : i32 to index
      %get3A_562 = arith.constant 464 : index
      %get3A_563 = tpu.vector_load %arg7[%get3A_561, %get3A_562] {strides = array<i32>} : memref<32x1024xf32, #tpu.memory_space<vmem>>, vector<1x16xf32>,
      %get3A_564 = vector.shape_cast %get3A_563 : vector<1x16xf32> to vector<16xf32>
      %add3A_565 = arith.addf %get3A_560, %get3A_564 : vector<16xf32>
      %swap3A_566 = arith.index_cast %scan3A_151 : i32 to index
      %swap3A_567 = arith.constant 464 : index
      %swap3A_568 = tpu.vector_load %arg6[%swap3A_566, %swap3A_567] {strides = array<i32>} : memref<32x1024xf32, #tpu.memory_space<vmem>>, vector<1x16xf32>,
      %swap3A_569 = vector.shape_cast %swap3A_568 : vector<1x16xf32> to vector<16xf32>
      %swap3A_570 = vector.shape_cast %add3A_565 : vector<16xf32> to vector<1x16xf32>
      tpu.vector_store %arg6[%swap3A_566, %swap3A_567], %swap3A_570 {strides = array<i32>} : memref<32x1024xf32, #tpu.memory_space<vmem>>, vector<1x16xf32>,
      %get3A_571 = arith.index_cast %scan3A_151 : i32 to index
      %get3A_572 = arith.constant 480 : index
      %get3A_573 = tpu.vector_load %arg6[%get3A_571, %get3A_572] {strides = array<i32>} : memref<32x1024xf32, #tpu.memory_space<vmem>>, vector<1x16xf32>,
      %get3A_574 = vector.shape_cast %get3A_573 : vector<1x16xf32> to vector<16xf32>
      %get3A_575 = arith.index_cast %scan3A_151 : i32 to index
      %get3A_576 = arith.constant 480 : index
      %get3A_577 = tpu.vector_load %arg7[%get3A_575, %get3A_576] {strides = array<i32>} : memref<32x1024xf32, #tpu.memory_space<vmem>>, vector<1x16xf32>,
      %get3A_578 = vector.shape_cast %get3A_577 : vector<1x16xf32> to vector<16xf32>
      %add3A_579 = arith.addf %get3A_574, %get3A_578 : vector<16xf32>
      %swap3A_580 = arith.index_cast %scan3A_151 : i32 to index
      %swap3A_581 = arith.constant 480 : index
      %swap3A_582 = tpu.vector_load %arg6[%swap3A_580, %swap3A_581] {strides = array<i32>} : memref<32x1024xf32, #tpu.memory_space<vmem>>, vector<1x16xf32>,
      %swap3A_583 = vector.shape_cast %swap3A_582 : vector<1x16xf32> to vector<16xf32>
      %swap3A_584 = vector.shape_cast %add3A_579 : vector<16xf32> to vector<1x16xf32>
      tpu.vector_store %arg6[%swap3A_580, %swap3A_581], %swap3A_584 {strides = array<i32>} : memref<32x1024xf32, #tpu.memory_space<vmem>>, vector<1x16xf32>,
      %get3A_585 = arith.index_cast %scan3A_151 : i32 to index
      %get3A_586 = arith.constant 496 : index
      %get3A_587 = tpu.vector_load %arg6[%get3A_585, %get3A_586] {strides = array<i32>} : memref<32x1024xf32, #tpu.memory_space<vmem>>, vector<1x16xf32>,
      %get3A_588 = vector.shape_cast %get3A_587 : vector<1x16xf32> to vector<16xf32>
      %get3A_589 = arith.index_cast %scan3A_151 : i32 to index
      %get3A_590 = arith.constant 496 : index
      %get3A_591 = tpu.vector_load %arg7[%get3A_589, %get3A_590] {strides = array<i32>} : memref<32x1024xf32, #tpu.memory_space<vmem>>, vector<1x16xf32>,
      %get3A_592 = vector.shape_cast %get3A_591 : vector<1x16xf32> to vector<16xf32>
      %add3A_593 = arith.addf %get3A_588, %get3A_592 : vector<16xf32>
      %swap3A_594 = arith.index_cast %scan3A_151 : i32 to index
      %swap3A_595 = arith.constant 496 : index
      %swap3A_596 = tpu.vector_load %arg6[%swap3A_594, %swap3A_595] {strides = array<i32>} : memref<32x1024xf32, #tpu.memory_space<vmem>>, vector<1x16xf32>,
      %swap3A_597 = vector.shape_cast %swap3A_596 : vector<1x16xf32> to vector<16xf32>
      %swap3A_598 = vector.shape_cast %add3A_593 : vector<16xf32> to vector<1x16xf32>
      tpu.vector_store %arg6[%swap3A_594, %swap3A_595], %swap3A_598 {strides = array<i32>} : memref<32x1024xf32, #tpu.memory_space<vmem>>, vector<1x16xf32>,
      %get3A_599 = arith.index_cast %scan3A_151 : i32 to index
      %get3A_600 = arith.constant 512 : index
      %get3A_601 = tpu.vector_load %arg6[%get3A_599, %get3A_600] {strides = array<i32>} : memref<32x1024xf32, #tpu.memory_space<vmem>>, vector<1x16xf32>,
      %get3A_602 = vector.shape_cast %get3A_601 : vector<1x16xf32> to vector<16xf32>
      %get3A_603 = arith.index_cast %scan3A_151 : i32 to index
      %get3A_604 = arith.constant 512 : index
      %get3A_605 = tpu.vector_load %arg7[%get3A_603, %get3A_604] {strides = array<i32>} : memref<32x1024xf32, #tpu.memory_space<vmem>>, vector<1x16xf32>,
      %get3A_606 = vector.shape_cast %get3A_605 : vector<1x16xf32> to vector<16xf32>
      %add3A_607 = arith.addf %get3A_602, %get3A_606 : vector<16xf32>
      %swap3A_608 = arith.index_cast %scan3A_151 : i32 to index
      %swap3A_609 = arith.constant 512 : index
      %swap3A_610 = tpu.vector_load %arg6[%swap3A_608, %swap3A_609] {strides = array<i32>} : memref<32x1024xf32, #tpu.memory_space<vmem>>, vector<1x16xf32>,
      %swap3A_611 = vector.shape_cast %swap3A_610 : vector<1x16xf32> to vector<16xf32>
      %swap3A_612 = vector.shape_cast %add3A_607 : vector<16xf32> to vector<1x16xf32>
      tpu.vector_store %arg6[%swap3A_608, %swap3A_609], %swap3A_612 {strides = array<i32>} : memref<32x1024xf32, #tpu.memory_space<vmem>>, vector<1x16xf32>,
      %get3A_613 = arith.index_cast %scan3A_151 : i32 to index
      %get3A_614 = arith.constant 528 : index
      %get3A_615 = tpu.vector_load %arg6[%get3A_613, %get3A_614] {strides = array<i32>} : memref<32x1024xf32, #tpu.memory_space<vmem>>, vector<1x16xf32>,
      %get3A_616 = vector.shape_cast %get3A_615 : vector<1x16xf32> to vector<16xf32>
      %get3A_617 = arith.index_cast %scan3A_151 : i32 to index
      %get3A_618 = arith.constant 528 : index
      %get3A_619 = tpu.vector_load %arg7[%get3A_617, %get3A_618] {strides = array<i32>} : memref<32x1024xf32, #tpu.memory_space<vmem>>, vector<1x16xf32>,
      %get3A_620 = vector.shape_cast %get3A_619 : vector<1x16xf32> to vector<16xf32>
      %add3A_621 = arith.addf %get3A_616, %get3A_620 : vector<16xf32>
      %swap3A_622 = arith.index_cast %scan3A_151 : i32 to index
      %swap3A_623 = arith.constant 528 : index
      %swap3A_624 = tpu.vector_load %arg6[%swap3A_622, %swap3A_623] {strides = array<i32>} : memref<32x1024xf32, #tpu.memory_space<vmem>>, vector<1x16xf32>,
      %swap3A_625 = vector.shape_cast %swap3A_624 : vector<1x16xf32> to vector<16xf32>
      %swap3A_626 = vector.shape_cast %add3A_621 : vector<16xf32> to vector<1x16xf32>
      tpu.vector_store %arg6[%swap3A_622, %swap3A_623], %swap3A_626 {strides = array<i32>} : memref<32x1024xf32, #tpu.memory_space<vmem>>, vector<1x16xf32>,
      %get3A_627 = arith.index_cast %scan3A_151 : i32 to index
      %get3A_628 = arith.constant 544 : index
      %get3A_629 = tpu.vector_load %arg6[%get3A_627, %get3A_628] {strides = array<i32>} : memref<32x1024xf32, #tpu.memory_space<vmem>>, vector<1x16xf32>,
      %get3A_630 = vector.shape_cast %get3A_629 : vector<1x16xf32> to vector<16xf32>
      %get3A_631 = arith.index_cast %scan3A_151 : i32 to index
      %get3A_632 = arith.constant 544 : index
      %get3A_633 = tpu.vector_load %arg7[%get3A_631, %get3A_632] {strides = array<i32>} : memref<32x1024xf32, #tpu.memory_space<vmem>>, vector<1x16xf32>,
      %get3A_634 = vector.shape_cast %get3A_633 : vector<1x16xf32> to vector<16xf32>
      %add3A_635 = arith.addf %get3A_630, %get3A_634 : vector<16xf32>
      %swap3A_636 = arith.index_cast %scan3A_151 : i32 to index
      %swap3A_637 = arith.constant 544 : index
      %swap3A_638 = tpu.vector_load %arg6[%swap3A_636, %swap3A_637] {strides = array<i32>} : memref<32x1024xf32, #tpu.memory_space<vmem>>, vector<1x16xf32>,
      %swap3A_639 = vector.shape_cast %swap3A_638 : vector<1x16xf32> to vector<16xf32>
      %swap3A_640 = vector.shape_cast %add3A_635 : vector<16xf32> to vector<1x16xf32>
      tpu.vector_store %arg6[%swap3A_636, %swap3A_637], %swap3A_640 {strides = array<i32>} : memref<32x1024xf32, #tpu.memory_space<vmem>>, vector<1x16xf32>,
      %get3A_641 = arith.index_cast %scan3A_151 : i32 to index
      %get3A_642 = arith.constant 560 : index
      %get3A_643 = tpu.vector_load %arg6[%get3A_641, %get3A_642] {strides = array<i32>} : memref<32x1024xf32, #tpu.memory_space<vmem>>, vector<1x16xf32>,
      %get3A_644 = vector.shape_cast %get3A_643 : vector<1x16xf32> to vector<16xf32>
      %get3A_645 = arith.index_cast %scan3A_151 : i32 to index
      %get3A_646 = arith.constant 560 : index
      %get3A_647 = tpu.vector_load %arg7[%get3A_645, %get3A_646] {strides = array<i32>} : memref<32x1024xf32, #tpu.memory_space<vmem>>, vector<1x16xf32>,
      %get3A_648 = vector.shape_cast %get3A_647 : vector<1x16xf32> to vector<16xf32>
      %add3A_649 = arith.addf %get3A_644, %get3A_648 : vector<16xf32>
      %swap3A_650 = arith.index_cast %scan3A_151 : i32 to index
      %swap3A_651 = arith.constant 560 : index
      %swap3A_652 = tpu.vector_load %arg6[%swap3A_650, %swap3A_651] {strides = array<i32>} : memref<32x1024xf32, #tpu.memory_space<vmem>>, vector<1x16xf32>,
      %swap3A_653 = vector.shape_cast %swap3A_652 : vector<1x16xf32> to vector<16xf32>
      %swap3A_654 = vector.shape_cast %add3A_649 : vector<16xf32> to vector<1x16xf32>
      tpu.vector_store %arg6[%swap3A_650, %swap3A_651], %swap3A_654 {strides = array<i32>} : memref<32x1024xf32, #tpu.memory_space<vmem>>, vector<1x16xf32>,
      %get3A_655 = arith.index_cast %scan3A_151 : i32 to index
      %get3A_656 = arith.constant 576 : index
      %get3A_657 = tpu.vector_load %arg6[%get3A_655, %get3A_656] {strides = array<i32>} : memref<32x1024xf32, #tpu.memory_space<vmem>>, vector<1x16xf32>,
      %get3A_658 = vector.shape_cast %get3A_657 : vector<1x16xf32> to vector<16xf32>
      %get3A_659 = arith.index_cast %scan3A_151 : i32 to index
      %get3A_660 = arith.constant 576 : index
      %get3A_661 = tpu.vector_load %arg7[%get3A_659, %get3A_660] {strides = array<i32>} : memref<32x1024xf32, #tpu.memory_space<vmem>>, vector<1x16xf32>,
      %get3A_662 = vector.shape_cast %get3A_661 : vector<1x16xf32> to vector<16xf32>
      %add3A_663 = arith.addf %get3A_658, %get3A_662 : vector<16xf32>
      %swap3A_664 = arith.index_cast %scan3A_151 : i32 to index
      %swap3A_665 = arith.constant 576 : index
      %swap3A_666 = tpu.vector_load %arg6[%swap3A_664, %swap3A_665] {strides = array<i32>} : memref<32x1024xf32, #tpu.memory_space<vmem>>, vector<1x16xf32>,
      %swap3A_667 = vector.shape_cast %swap3A_666 : vector<1x16xf32> to vector<16xf32>
      %swap3A_668 = vector.shape_cast %add3A_663 : vector<16xf32> to vector<1x16xf32>
      tpu.vector_store %arg6[%swap3A_664, %swap3A_665], %swap3A_668 {strides = array<i32>} : memref<32x1024xf32, #tpu.memory_space<vmem>>, vector<1x16xf32>,
      %get3A_669 = arith.index_cast %scan3A_151 : i32 to index
      %get3A_670 = arith.constant 592 : index
      %get3A_671 = tpu.vector_load %arg6[%get3A_669, %get3A_670] {strides = array<i32>} : memref<32x1024xf32, #tpu.memory_space<vmem>>, vector<1x16xf32>,
      %get3A_672 = vector.shape_cast %get3A_671 : vector<1x16xf32> to vector<16xf32>
      %get3A_673 = arith.index_cast %scan3A_151 : i32 to index
      %get3A_674 = arith.constant 592 : index
      %get3A_675 = tpu.vector_load %arg7[%get3A_673, %get3A_674] {strides = array<i32>} : memref<32x1024xf32, #tpu.memory_space<vmem>>, vector<1x16xf32>,
      %get3A_676 = vector.shape_cast %get3A_675 : vector<1x16xf32> to vector<16xf32>
      %add3A_677 = arith.addf %get3A_672, %get3A_676 : vector<16xf32>
      %swap3A_678 = arith.index_cast %scan3A_151 : i32 to index
      %swap3A_679 = arith.constant 592 : index
      %swap3A_680 = tpu.vector_load %arg6[%swap3A_678, %swap3A_679] {strides = array<i32>} : memref<32x1024xf32, #tpu.memory_space<vmem>>, vector<1x16xf32>,
      %swap3A_681 = vector.shape_cast %swap3A_680 : vector<1x16xf32> to vector<16xf32>
      %swap3A_682 = vector.shape_cast %add3A_677 : vector<16xf32> to vector<1x16xf32>
      tpu.vector_store %arg6[%swap3A_678, %swap3A_679], %swap3A_682 {strides = array<i32>} : memref<32x1024xf32, #tpu.memory_space<vmem>>, vector<1x16xf32>,
      %get3A_683 = arith.index_cast %scan3A_151 : i32 to index
      %get3A_684 = arith.constant 608 : index
      %get3A_685 = tpu.vector_load %arg6[%get3A_683, %get3A_684] {strides = array<i32>} : memref<32x1024xf32, #tpu.memory_space<vmem>>, vector<1x16xf32>,
      %get3A_686 = vector.shape_cast %get3A_685 : vector<1x16xf32> to vector<16xf32>
      %get3A_687 = arith.index_cast %scan3A_151 : i32 to index
      %get3A_688 = arith.constant 608 : index
      %get3A_689 = tpu.vector_load %arg7[%get3A_687, %get3A_688] {strides = array<i32>} : memref<32x1024xf32, #tpu.memory_space<vmem>>, vector<1x16xf32>,
      %get3A_690 = vector.shape_cast %get3A_689 : vector<1x16xf32> to vector<16xf32>
      %add3A_691 = arith.addf %get3A_686, %get3A_690 : vector<16xf32>
      %swap3A_692 = arith.index_cast %scan3A_151 : i32 to index
      %swap3A_693 = arith.constant 608 : index
      %swap3A_694 = tpu.vector_load %arg6[%swap3A_692, %swap3A_693] {strides = array<i32>} : memref<32x1024xf32, #tpu.memory_space<vmem>>, vector<1x16xf32>,
      %swap3A_695 = vector.shape_cast %swap3A_694 : vector<1x16xf32> to vector<16xf32>
      %swap3A_696 = vector.shape_cast %add3A_691 : vector<16xf32> to vector<1x16xf32>
      tpu.vector_store %arg6[%swap3A_692, %swap3A_693], %swap3A_696 {strides = array<i32>} : memref<32x1024xf32, #tpu.memory_space<vmem>>, vector<1x16xf32>,
      %get3A_697 = arith.index_cast %scan3A_151 : i32 to index
      %get3A_698 = arith.constant 624 : index
      %get3A_699 = tpu.vector_load %arg6[%get3A_697, %get3A_698] {strides = array<i32>} : memref<32x1024xf32, #tpu.memory_space<vmem>>, vector<1x16xf32>,
      %get3A_700 = vector.shape_cast %get3A_699 : vector<1x16xf32> to vector<16xf32>
      %get3A_701 = arith.index_cast %scan3A_151 : i32 to index
      %get3A_702 = arith.constant 624 : index
      %get3A_703 = tpu.vector_load %arg7[%get3A_701, %get3A_702] {strides = array<i32>} : memref<32x1024xf32, #tpu.memory_space<vmem>>, vector<1x16xf32>,
      %get3A_704 = vector.shape_cast %get3A_703 : vector<1x16xf32> to vector<16xf32>
      %add3A_705 = arith.addf %get3A_700, %get3A_704 : vector<16xf32>
      %swap3A_706 = arith.index_cast %scan3A_151 : i32 to index
      %swap3A_707 = arith.constant 624 : index
      %swap3A_708 = tpu.vector_load %arg6[%swap3A_706, %swap3A_707] {strides = array<i32>} : memref<32x1024xf32, #tpu.memory_space<vmem>>, vector<1x16xf32>,
      %swap3A_709 = vector.shape_cast %swap3A_708 : vector<1x16xf32> to vector<16xf32>
      %swap3A_710 = vector.shape_cast %add3A_705 : vector<16xf32> to vector<1x16xf32>
      tpu.vector_store %arg6[%swap3A_706, %swap3A_707], %swap3A_710 {strides = array<i32>} : memref<32x1024xf32, #tpu.memory_space<vmem>>, vector<1x16xf32>,
      %get3A_711 = arith.index_cast %scan3A_151 : i32 to index
      %get3A_712 = arith.constant 640 : index
      %get3A_713 = tpu.vector_load %arg6[%get3A_711, %get3A_712] {strides = array<i32>} : memref<32x1024xf32, #tpu.memory_space<vmem>>, vector<1x16xf32>,
      %get3A_714 = vector.shape_cast %get3A_713 : vector<1x16xf32> to vector<16xf32>
      %get3A_715 = arith.index_cast %scan3A_151 : i32 to index
      %get3A_716 = arith.constant 640 : index
      %get3A_717 = tpu.vector_load %arg7[%get3A_715, %get3A_716] {strides = array<i32>} : memref<32x1024xf32, #tpu.memory_space<vmem>>, vector<1x16xf32>,
      %get3A_718 = vector.shape_cast %get3A_717 : vector<1x16xf32> to vector<16xf32>
      %add3A_719 = arith.addf %get3A_714, %get3A_718 : vector<16xf32>
      %swap3A_720 = arith.index_cast %scan3A_151 : i32 to index
      %swap3A_721 = arith.constant 640 : index
      %swap3A_722 = tpu.vector_load %arg6[%swap3A_720, %swap3A_721] {strides = array<i32>} : memref<32x1024xf32, #tpu.memory_space<vmem>>, vector<1x16xf32>,
      %swap3A_723 = vector.shape_cast %swap3A_722 : vector<1x16xf32> to vector<16xf32>
      %swap3A_724 = vector.shape_cast %add3A_719 : vector<16xf32> to vector<1x16xf32>
      tpu.vector_store %arg6[%swap3A_720, %swap3A_721], %swap3A_724 {strides = array<i32>} : memref<32x1024xf32, #tpu.memory_space<vmem>>, vector<1x16xf32>,
      %get3A_725 = arith.index_cast %scan3A_151 : i32 to index
      %get3A_726 = arith.constant 656 : index
      %get3A_727 = tpu.vector_load %arg6[%get3A_725, %get3A_726] {strides = array<i32>} : memref<32x1024xf32, #tpu.memory_space<vmem>>, vector<1x16xf32>,
      %get3A_728 = vector.shape_cast %get3A_727 : vector<1x16xf32> to vector<16xf32>
      %get3A_729 = arith.index_cast %scan3A_151 : i32 to index
      %get3A_730 = arith.constant 656 : index
      %get3A_731 = tpu.vector_load %arg7[%get3A_729, %get3A_730] {strides = array<i32>} : memref<32x1024xf32, #tpu.memory_space<vmem>>, vector<1x16xf32>,
      %get3A_732 = vector.shape_cast %get3A_731 : vector<1x16xf32> to vector<16xf32>
      %add3A_733 = arith.addf %get3A_728, %get3A_732 : vector<16xf32>
      %swap3A_734 = arith.index_cast %scan3A_151 : i32 to index
      %swap3A_735 = arith.constant 656 : index
      %swap3A_736 = tpu.vector_load %arg6[%swap3A_734, %swap3A_735] {strides = array<i32>} : memref<32x1024xf32, #tpu.memory_space<vmem>>, vector<1x16xf32>,
      %swap3A_737 = vector.shape_cast %swap3A_736 : vector<1x16xf32> to vector<16xf32>
      %swap3A_738 = vector.shape_cast %add3A_733 : vector<16xf32> to vector<1x16xf32>
      tpu.vector_store %arg6[%swap3A_734, %swap3A_735], %swap3A_738 {strides = array<i32>} : memref<32x1024xf32, #tpu.memory_space<vmem>>, vector<1x16xf32>,
      %get3A_739 = arith.index_cast %scan3A_151 : i32 to index
      %get3A_740 = arith.constant 672 : index
      %get3A_741 = tpu.vector_load %arg6[%get3A_739, %get3A_740] {strides = array<i32>} : memref<32x1024xf32, #tpu.memory_space<vmem>>, vector<1x16xf32>,
      %get3A_742 = vector.shape_cast %get3A_741 : vector<1x16xf32> to vector<16xf32>
      %get3A_743 = arith.index_cast %scan3A_151 : i32 to index
      %get3A_744 = arith.constant 672 : index
      %get3A_745 = tpu.vector_load %arg7[%get3A_743, %get3A_744] {strides = array<i32>} : memref<32x1024xf32, #tpu.memory_space<vmem>>, vector<1x16xf32>,
      %get3A_746 = vector.shape_cast %get3A_745 : vector<1x16xf32> to vector<16xf32>
      %add3A_747 = arith.addf %get3A_742, %get3A_746 : vector<16xf32>
      %swap3A_748 = arith.index_cast %scan3A_151 : i32 to index
      %swap3A_749 = arith.constant 672 : index
      %swap3A_750 = tpu.vector_load %arg6[%swap3A_748, %swap3A_749] {strides = array<i32>} : memref<32x1024xf32, #tpu.memory_space<vmem>>, vector<1x16xf32>,
      %swap3A_751 = vector.shape_cast %swap3A_750 : vector<1x16xf32> to vector<16xf32>
      %swap3A_752 = vector.shape_cast %add3A_747 : vector<16xf32> to vector<1x16xf32>
      tpu.vector_store %arg6[%swap3A_748, %swap3A_749], %swap3A_752 {strides = array<i32>} : memref<32x1024xf32, #tpu.memory_space<vmem>>, vector<1x16xf32>,
      %get3A_753 = arith.index_cast %scan3A_151 : i32 to index
      %get3A_754 = arith.constant 688 : index
      %get3A_755 = tpu.vector_load %arg6[%get3A_753, %get3A_754] {strides = array<i32>} : memref<32x1024xf32, #tpu.memory_space<vmem>>, vector<1x16xf32>,
      %get3A_756 = vector.shape_cast %get3A_755 : vector<1x16xf32> to vector<16xf32>
      %get3A_757 = arith.index_cast %scan3A_151 : i32 to index
      %get3A_758 = arith.constant 688 : index
      %get3A_759 = tpu.vector_load %arg7[%get3A_757, %get3A_758] {strides = array<i32>} : memref<32x1024xf32, #tpu.memory_space<vmem>>, vector<1x16xf32>,
      %get3A_760 = vector.shape_cast %get3A_759 : vector<1x16xf32> to vector<16xf32>
      %add3A_761 = arith.addf %get3A_756, %get3A_760 : vector<16xf32>
      %swap3A_762 = arith.index_cast %scan3A_151 : i32 to index
      %swap3A_763 = arith.constant 688 : index
      %swap3A_764 = tpu.vector_load %arg6[%swap3A_762, %swap3A_763] {strides = array<i32>} : memref<32x1024xf32, #tpu.memory_space<vmem>>, vector<1x16xf32>,
      %swap3A_765 = vector.shape_cast %swap3A_764 : vector<1x16xf32> to vector<16xf32>
      %swap3A_766 = vector.shape_cast %add3A_761 : vector<16xf32> to vector<1x16xf32>
      tpu.vector_store %arg6[%swap3A_762, %swap3A_763], %swap3A_766 {strides = array<i32>} : memref<32x1024xf32, #tpu.memory_space<vmem>>, vector<1x16xf32>,
      %get3A_767 = arith.index_cast %scan3A_151 : i32 to index
      %get3A_768 = arith.constant 704 : index
      %get3A_769 = tpu.vector_load %arg6[%get3A_767, %get3A_768] {strides = array<i32>} : memref<32x1024xf32, #tpu.memory_space<vmem>>, vector<1x16xf32>,
      %get3A_770 = vector.shape_cast %get3A_769 : vector<1x16xf32> to vector<16xf32>
      %get3A_771 = arith.index_cast %scan3A_151 : i32 to index
      %get3A_772 = arith.constant 704 : index
      %get3A_773 = tpu.vector_load %arg7[%get3A_771, %get3A_772] {strides = array<i32>} : memref<32x1024xf32, #tpu.memory_space<vmem>>, vector<1x16xf32>,
      %get3A_774 = vector.shape_cast %get3A_773 : vector<1x16xf32> to vector<16xf32>
      %add3A_775 = arith.addf %get3A_770, %get3A_774 : vector<16xf32>
      %swap3A_776 = arith.index_cast %scan3A_151 : i32 to index
      %swap3A_777 = arith.constant 704 : index
      %swap3A_778 = tpu.vector_load %arg6[%swap3A_776, %swap3A_777] {strides = array<i32>} : memref<32x1024xf32, #tpu.memory_space<vmem>>, vector<1x16xf32>,
      %swap3A_779 = vector.shape_cast %swap3A_778 : vector<1x16xf32> to vector<16xf32>
      %swap3A_780 = vector.shape_cast %add3A_775 : vector<16xf32> to vector<1x16xf32>
      tpu.vector_store %arg6[%swap3A_776, %swap3A_777], %swap3A_780 {strides = array<i32>} : memref<32x1024xf32, #tpu.memory_space<vmem>>, vector<1x16xf32>,
      %get3A_781 = arith.index_cast %scan3A_151 : i32 to index
      %get3A_782 = arith.constant 720 : index
      %get3A_783 = tpu.vector_load %arg6[%get3A_781, %get3A_782] {strides = array<i32>} : memref<32x1024xf32, #tpu.memory_space<vmem>>, vector<1x16xf32>,
      %get3A_784 = vector.shape_cast %get3A_783 : vector<1x16xf32> to vector<16xf32>
      %get3A_785 = arith.index_cast %scan3A_151 : i32 to index
      %get3A_786 = arith.constant 720 : index
      %get3A_787 = tpu.vector_load %arg7[%get3A_785, %get3A_786] {strides = array<i32>} : memref<32x1024xf32, #tpu.memory_space<vmem>>, vector<1x16xf32>,
      %get3A_788 = vector.shape_cast %get3A_787 : vector<1x16xf32> to vector<16xf32>
      %add3A_789 = arith.addf %get3A_784, %get3A_788 : vector<16xf32>
      %swap3A_790 = arith.index_cast %scan3A_151 : i32 to index
      %swap3A_791 = arith.constant 720 : index
      %swap3A_792 = tpu.vector_load %arg6[%swap3A_790, %swap3A_791] {strides = array<i32>} : memref<32x1024xf32, #tpu.memory_space<vmem>>, vector<1x16xf32>,
      %swap3A_793 = vector.shape_cast %swap3A_792 : vector<1x16xf32> to vector<16xf32>
      %swap3A_794 = vector.shape_cast %add3A_789 : vector<16xf32> to vector<1x16xf32>
      tpu.vector_store %arg6[%swap3A_790, %swap3A_791], %swap3A_794 {strides = array<i32>} : memref<32x1024xf32, #tpu.memory_space<vmem>>, vector<1x16xf32>,
      %get3A_795 = arith.index_cast %scan3A_151 : i32 to index
      %get3A_796 = arith.constant 736 : index
      %get3A_797 = tpu.vector_load %arg6[%get3A_795, %get3A_796] {strides = array<i32>} : memref<32x1024xf32, #tpu.memory_space<vmem>>, vector<1x16xf32>,
      %get3A_798 = vector.shape_cast %get3A_797 : vector<1x16xf32> to vector<16xf32>
      %get3A_799 = arith.index_cast %scan3A_151 : i32 to index
      %get3A_800 = arith.constant 736 : index
      %get3A_801 = tpu.vector_load %arg7[%get3A_799, %get3A_800] {strides = array<i32>} : memref<32x1024xf32, #tpu.memory_space<vmem>>, vector<1x16xf32>,
      %get3A_802 = vector.shape_cast %get3A_801 : vector<1x16xf32> to vector<16xf32>
      %add3A_803 = arith.addf %get3A_798, %get3A_802 : vector<16xf32>
      %swap3A_804 = arith.index_cast %scan3A_151 : i32 to index
      %swap3A_805 = arith.constant 736 : index
      %swap3A_806 = tpu.vector_load %arg6[%swap3A_804, %swap3A_805] {strides = array<i32>} : memref<32x1024xf32, #tpu.memory_space<vmem>>, vector<1x16xf32>,
      %swap3A_807 = vector.shape_cast %swap3A_806 : vector<1x16xf32> to vector<16xf32>
      %swap3A_808 = vector.shape_cast %add3A_803 : vector<16xf32> to vector<1x16xf32>
      tpu.vector_store %arg6[%swap3A_804, %swap3A_805], %swap3A_808 {strides = array<i32>} : memref<32x1024xf32, #tpu.memory_space<vmem>>, vector<1x16xf32>,
      %get3A_809 = arith.index_cast %scan3A_151 : i32 to index
      %get3A_810 = arith.constant 752 : index
      %get3A_811 = tpu.vector_load %arg6[%get3A_809, %get3A_810] {strides = array<i32>} : memref<32x1024xf32, #tpu.memory_space<vmem>>, vector<1x16xf32>,
      %get3A_812 = vector.shape_cast %get3A_811 : vector<1x16xf32> to vector<16xf32>
      %get3A_813 = arith.index_cast %scan3A_151 : i32 to index
      %get3A_814 = arith.constant 752 : index
      %get3A_815 = tpu.vector_load %arg7[%get3A_813, %get3A_814] {strides = array<i32>} : memref<32x1024xf32, #tpu.memory_space<vmem>>, vector<1x16xf32>,
      %get3A_816 = vector.shape_cast %get3A_815 : vector<1x16xf32> to vector<16xf32>
      %add3A_817 = arith.addf %get3A_812, %get3A_816 : vector<16xf32>
      %swap3A_818 = arith.index_cast %scan3A_151 : i32 to index
      %swap3A_819 = arith.constant 752 : index
      %swap3A_820 = tpu.vector_load %arg6[%swap3A_818, %swap3A_819] {strides = array<i32>} : memref<32x1024xf32, #tpu.memory_space<vmem>>, vector<1x16xf32>,
      %swap3A_821 = vector.shape_cast %swap3A_820 : vector<1x16xf32> to vector<16xf32>
      %swap3A_822 = vector.shape_cast %add3A_817 : vector<16xf32> to vector<1x16xf32>
      tpu.vector_store %arg6[%swap3A_818, %swap3A_819], %swap3A_822 {strides = array<i32>} : memref<32x1024xf32, #tpu.memory_space<vmem>>, vector<1x16xf32>,
      %get3A_823 = arith.index_cast %scan3A_151 : i32 to index
      %get3A_824 = arith.constant 768 : index
      %get3A_825 = tpu.vector_load %arg6[%get3A_823, %get3A_824] {strides = array<i32>} : memref<32x1024xf32, #tpu.memory_space<vmem>>, vector<1x16xf32>,
      %get3A_826 = vector.shape_cast %get3A_825 : vector<1x16xf32> to vector<16xf32>
      %get3A_827 = arith.index_cast %scan3A_151 : i32 to index
      %get3A_828 = arith.constant 768 : index
      %get3A_829 = tpu.vector_load %arg7[%get3A_827, %get3A_828] {strides = array<i32>} : memref<32x1024xf32, #tpu.memory_space<vmem>>, vector<1x16xf32>,
      %get3A_830 = vector.shape_cast %get3A_829 : vector<1x16xf32> to vector<16xf32>
      %add3A_831 = arith.addf %get3A_826, %get3A_830 : vector<16xf32>
      %swap3A_832 = arith.index_cast %scan3A_151 : i32 to index
      %swap3A_833 = arith.constant 768 : index
      %swap3A_834 = tpu.vector_load %arg6[%swap3A_832, %swap3A_833] {strides = array<i32>} : memref<32x1024xf32, #tpu.memory_space<vmem>>, vector<1x16xf32>,
      %swap3A_835 = vector.shape_cast %swap3A_834 : vector<1x16xf32> to vector<16xf32>
      %swap3A_836 = vector.shape_cast %add3A_831 : vector<16xf32> to vector<1x16xf32>
      tpu.vector_store %arg6[%swap3A_832, %swap3A_833], %swap3A_836 {strides = array<i32>} : memref<32x1024xf32, #tpu.memory_space<vmem>>, vector<1x16xf32>,
      %get3A_837 = arith.index_cast %scan3A_151 : i32 to index
      %get3A_838 = arith.constant 784 : index
      %get3A_839 = tpu.vector_load %arg6[%get3A_837, %get3A_838] {strides = array<i32>} : memref<32x1024xf32, #tpu.memory_space<vmem>>, vector<1x16xf32>,
      %get3A_840 = vector.shape_cast %get3A_839 : vector<1x16xf32> to vector<16xf32>
      %get3A_841 = arith.index_cast %scan3A_151 : i32 to index
      %get3A_842 = arith.constant 784 : index
      %get3A_843 = tpu.vector_load %arg7[%get3A_841, %get3A_842] {strides = array<i32>} : memref<32x1024xf32, #tpu.memory_space<vmem>>, vector<1x16xf32>,
      %get3A_844 = vector.shape_cast %get3A_843 : vector<1x16xf32> to vector<16xf32>
      %add3A_845 = arith.addf %get3A_840, %get3A_844 : vector<16xf32>
      %swap3A_846 = arith.index_cast %scan3A_151 : i32 to index
      %swap3A_847 = arith.constant 784 : index
      %swap3A_848 = tpu.vector_load %arg6[%swap3A_846, %swap3A_847] {strides = array<i32>} : memref<32x1024xf32, #tpu.memory_space<vmem>>, vector<1x16xf32>,
      %swap3A_849 = vector.shape_cast %swap3A_848 : vector<1x16xf32> to vector<16xf32>
      %swap3A_850 = vector.shape_cast %add3A_845 : vector<16xf32> to vector<1x16xf32>
      tpu.vector_store %arg6[%swap3A_846, %swap3A_847], %swap3A_850 {strides = array<i32>} : memref<32x1024xf32, #tpu.memory_space<vmem>>, vector<1x16xf32>,
      %get3A_851 = arith.index_cast %scan3A_151 : i32 to index
      %get3A_852 = arith.constant 800 : index
      %get3A_853 = tpu.vector_load %arg6[%get3A_851, %get3A_852] {strides = array<i32>} : memref<32x1024xf32, #tpu.memory_space<vmem>>, vector<1x16xf32>,
      %get3A_854 = vector.shape_cast %get3A_853 : vector<1x16xf32> to vector<16xf32>
      %get3A_855 = arith.index_cast %scan3A_151 : i32 to index
      %get3A_856 = arith.constant 800 : index
      %get3A_857 = tpu.vector_load %arg7[%get3A_855, %get3A_856] {strides = array<i32>} : memref<32x1024xf32, #tpu.memory_space<vmem>>, vector<1x16xf32>,
      %get3A_858 = vector.shape_cast %get3A_857 : vector<1x16xf32> to vector<16xf32>
      %add3A_859 = arith.addf %get3A_854, %get3A_858 : vector<16xf32>
      %swap3A_860 = arith.index_cast %scan3A_151 : i32 to index
      %swap3A_861 = arith.constant 800 : index
      %swap3A_862 = tpu.vector_load %arg6[%swap3A_860, %swap3A_861] {strides = array<i32>} : memref<32x1024xf32, #tpu.memory_space<vmem>>, vector<1x16xf32>,
      %swap3A_863 = vector.shape_cast %swap3A_862 : vector<1x16xf32> to vector<16xf32>
      %swap3A_864 = vector.shape_cast %add3A_859 : vector<16xf32> to vector<1x16xf32>
      tpu.vector_store %arg6[%swap3A_860, %swap3A_861], %swap3A_864 {strides = array<i32>} : memref<32x1024xf32, #tpu.memory_space<vmem>>, vector<1x16xf32>,
      %get3A_865 = arith.index_cast %scan3A_151 : i32 to index
      %get3A_866 = arith.constant 816 : index
      %get3A_867 = tpu.vector_load %arg6[%get3A_865, %get3A_866] {strides = array<i32>} : memref<32x1024xf32, #tpu.memory_space<vmem>>, vector<1x16xf32>,
      %get3A_868 = vector.shape_cast %get3A_867 : vector<1x16xf32> to vector<16xf32>
      %get3A_869 = arith.index_cast %scan3A_151 : i32 to index
      %get3A_870 = arith.constant 816 : index
      %get3A_871 = tpu.vector_load %arg7[%get3A_869, %get3A_870] {strides = array<i32>} : memref<32x1024xf32, #tpu.memory_space<vmem>>, vector<1x16xf32>,
      %get3A_872 = vector.shape_cast %get3A_871 : vector<1x16xf32> to vector<16xf32>
      %add3A_873 = arith.addf %get3A_868, %get3A_872 : vector<16xf32>
      %swap3A_874 = arith.index_cast %scan3A_151 : i32 to index
      %swap3A_875 = arith.constant 816 : index
      %swap3A_876 = tpu.vector_load %arg6[%swap3A_874, %swap3A_875] {strides = array<i32>} : memref<32x1024xf32, #tpu.memory_space<vmem>>, vector<1x16xf32>,
      %swap3A_877 = vector.shape_cast %swap3A_876 : vector<1x16xf32> to vector<16xf32>
      %swap3A_878 = vector.shape_cast %add3A_873 : vector<16xf32> to vector<1x16xf32>
      tpu.vector_store %arg6[%swap3A_874, %swap3A_875], %swap3A_878 {strides = array<i32>} : memref<32x1024xf32, #tpu.memory_space<vmem>>, vector<1x16xf32>,
      %get3A_879 = arith.index_cast %scan3A_151 : i32 to index
      %get3A_880 = arith.constant 832 : index
      %get3A_881 = tpu.vector_load %arg6[%get3A_879, %get3A_880] {strides = array<i32>} : memref<32x1024xf32, #tpu.memory_space<vmem>>, vector<1x16xf32>,
      %get3A_882 = vector.shape_cast %get3A_881 : vector<1x16xf32> to vector<16xf32>
      %get3A_883 = arith.index_cast %scan3A_151 : i32 to index
      %get3A_884 = arith.constant 832 : index
      %get3A_885 = tpu.vector_load %arg7[%get3A_883, %get3A_884] {strides = array<i32>} : memref<32x1024xf32, #tpu.memory_space<vmem>>, vector<1x16xf32>,
      %get3A_886 = vector.shape_cast %get3A_885 : vector<1x16xf32> to vector<16xf32>
      %add3A_887 = arith.addf %get3A_882, %get3A_886 : vector<16xf32>
      %swap3A_888 = arith.index_cast %scan3A_151 : i32 to index
      %swap3A_889 = arith.constant 832 : index
      %swap3A_890 = tpu.vector_load %arg6[%swap3A_888, %swap3A_889] {strides = array<i32>} : memref<32x1024xf32, #tpu.memory_space<vmem>>, vector<1x16xf32>,
      %swap3A_891 = vector.shape_cast %swap3A_890 : vector<1x16xf32> to vector<16xf32>
      %swap3A_892 = vector.shape_cast %add3A_887 : vector<16xf32> to vector<1x16xf32>
      tpu.vector_store %arg6[%swap3A_888, %swap3A_889], %swap3A_892 {strides = array<i32>} : memref<32x1024xf32, #tpu.memory_space<vmem>>, vector<1x16xf32>,
      %get3A_893 = arith.index_cast %scan3A_151 : i32 to index
      %get3A_894 = arith.constant 848 : index
      %get3A_895 = tpu.vector_load %arg6[%get3A_893, %get3A_894] {strides = array<i32>} : memref<32x1024xf32, #tpu.memory_space<vmem>>, vector<1x16xf32>,
      %get3A_896 = vector.shape_cast %get3A_895 : vector<1x16xf32> to vector<16xf32>
      %get3A_897 = arith.index_cast %scan3A_151 : i32 to index
      %get3A_898 = arith.constant 848 : index
      %get3A_899 = tpu.vector_load %arg7[%get3A_897, %get3A_898] {strides = array<i32>} : memref<32x1024xf32, #tpu.memory_space<vmem>>, vector<1x16xf32>,
      %get3A_900 = vector.shape_cast %get3A_899 : vector<1x16xf32> to vector<16xf32>
      %add3A_901 = arith.addf %get3A_896, %get3A_900 : vector<16xf32>
      %swap3A_902 = arith.index_cast %scan3A_151 : i32 to index
      %swap3A_903 = arith.constant 848 : index
      %swap3A_904 = tpu.vector_load %arg6[%swap3A_902, %swap3A_903] {strides = array<i32>} : memref<32x1024xf32, #tpu.memory_space<vmem>>, vector<1x16xf32>,
      %swap3A_905 = vector.shape_cast %swap3A_904 : vector<1x16xf32> to vector<16xf32>
      %swap3A_906 = vector.shape_cast %add3A_901 : vector<16xf32> to vector<1x16xf32>
      tpu.vector_store %arg6[%swap3A_902, %swap3A_903], %swap3A_906 {strides = array<i32>} : memref<32x1024xf32, #tpu.memory_space<vmem>>, vector<1x16xf32>,
      %get3A_907 = arith.index_cast %scan3A_151 : i32 to index
      %get3A_908 = arith.constant 864 : index
      %get3A_909 = tpu.vector_load %arg6[%get3A_907, %get3A_908] {strides = array<i32>} : memref<32x1024xf32, #tpu.memory_space<vmem>>, vector<1x16xf32>,
      %get3A_910 = vector.shape_cast %get3A_909 : vector<1x16xf32> to vector<16xf32>
      %get3A_911 = arith.index_cast %scan3A_151 : i32 to index
      %get3A_912 = arith.constant 864 : index
      %get3A_913 = tpu.vector_load %arg7[%get3A_911, %get3A_912] {strides = array<i32>} : memref<32x1024xf32, #tpu.memory_space<vmem>>, vector<1x16xf32>,
      %get3A_914 = vector.shape_cast %get3A_913 : vector<1x16xf32> to vector<16xf32>
      %add3A_915 = arith.addf %get3A_910, %get3A_914 : vector<16xf32>
      %swap3A_916 = arith.index_cast %scan3A_151 : i32 to index
      %swap3A_917 = arith.constant 864 : index
      %swap3A_918 = tpu.vector_load %arg6[%swap3A_916, %swap3A_917] {strides = array<i32>} : memref<32x1024xf32, #tpu.memory_space<vmem>>, vector<1x16xf32>,
      %swap3A_919 = vector.shape_cast %swap3A_918 : vector<1x16xf32> to vector<16xf32>
      %swap3A_920 = vector.shape_cast %add3A_915 : vector<16xf32> to vector<1x16xf32>
      tpu.vector_store %arg6[%swap3A_916, %swap3A_917], %swap3A_920 {strides = array<i32>} : memref<32x1024xf32, #tpu.memory_space<vmem>>, vector<1x16xf32>,
      %get3A_921 = arith.index_cast %scan3A_151 : i32 to index
      %get3A_922 = arith.constant 880 : index
      %get3A_923 = tpu.vector_load %arg6[%get3A_921, %get3A_922] {strides = array<i32>} : memref<32x1024xf32, #tpu.memory_space<vmem>>, vector<1x16xf32>,
      %get3A_924 = vector.shape_cast %get3A_923 : vector<1x16xf32> to vector<16xf32>
      %get3A_925 = arith.index_cast %scan3A_151 : i32 to index
      %get3A_926 = arith.constant 880 : index
      %get3A_927 = tpu.vector_load %arg7[%get3A_925, %get3A_926] {strides = array<i32>} : memref<32x1024xf32, #tpu.memory_space<vmem>>, vector<1x16xf32>,
      %get3A_928 = vector.shape_cast %get3A_927 : vector<1x16xf32> to vector<16xf32>
      %add3A_929 = arith.addf %get3A_924, %get3A_928 : vector<16xf32>
      %swap3A_930 = arith.index_cast %scan3A_151 : i32 to index
      %swap3A_931 = arith.constant 880 : index
      %swap3A_932 = tpu.vector_load %arg6[%swap3A_930, %swap3A_931] {strides = array<i32>} : memref<32x1024xf32, #tpu.memory_space<vmem>>, vector<1x16xf32>,
      %swap3A_933 = vector.shape_cast %swap3A_932 : vector<1x16xf32> to vector<16xf32>
      %swap3A_934 = vector.shape_cast %add3A_929 : vector<16xf32> to vector<1x16xf32>
      tpu.vector_store %arg6[%swap3A_930, %swap3A_931], %swap3A_934 {strides = array<i32>} : memref<32x1024xf32, #tpu.memory_space<vmem>>, vector<1x16xf32>,
      %get3A_935 = arith.index_cast %scan3A_151 : i32 to index
      %get3A_936 = arith.constant 896 : index
      %get3A_937 = tpu.vector_load %arg6[%get3A_935, %get3A_936] {strides = array<i32>} : memref<32x1024xf32, #tpu.memory_space<vmem>>, vector<1x16xf32>,
      %get3A_938 = vector.shape_cast %get3A_937 : vector<1x16xf32> to vector<16xf32>
      %get3A_939 = arith.index_cast %scan3A_151 : i32 to index
      %get3A_940 = arith.constant 896 : index
      %get3A_941 = tpu.vector_load %arg7[%get3A_939, %get3A_940] {strides = array<i32>} : memref<32x1024xf32, #tpu.memory_space<vmem>>, vector<1x16xf32>,
      %get3A_942 = vector.shape_cast %get3A_941 : vector<1x16xf32> to vector<16xf32>
      %add3A_943 = arith.addf %get3A_938, %get3A_942 : vector<16xf32>
      %swap3A_944 = arith.index_cast %scan3A_151 : i32 to index
      %swap3A_945 = arith.constant 896 : index
      %swap3A_946 = tpu.vector_load %arg6[%swap3A_944, %swap3A_945] {strides = array<i32>} : memref<32x1024xf32, #tpu.memory_space<vmem>>, vector<1x16xf32>,
      %swap3A_947 = vector.shape_cast %swap3A_946 : vector<1x16xf32> to vector<16xf32>
      %swap3A_948 = vector.shape_cast %add3A_943 : vector<16xf32> to vector<1x16xf32>
      tpu.vector_store %arg6[%swap3A_944, %swap3A_945], %swap3A_948 {strides = array<i32>} : memref<32x1024xf32, #tpu.memory_space<vmem>>, vector<1x16xf32>,
      %get3A_949 = arith.index_cast %scan3A_151 : i32 to index
      %get3A_950 = arith.constant 912 : index
      %get3A_951 = tpu.vector_load %arg6[%get3A_949, %get3A_950] {strides = array<i32>} : memref<32x1024xf32, #tpu.memory_space<vmem>>, vector<1x16xf32>,
      %get3A_952 = vector.shape_cast %get3A_951 : vector<1x16xf32> to vector<16xf32>
      %get3A_953 = arith.index_cast %scan3A_151 : i32 to index
      %get3A_954 = arith.constant 912 : index
      %get3A_955 = tpu.vector_load %arg7[%get3A_953, %get3A_954] {strides = array<i32>} : memref<32x1024xf32, #tpu.memory_space<vmem>>, vector<1x16xf32>,
      %get3A_956 = vector.shape_cast %get3A_955 : vector<1x16xf32> to vector<16xf32>
      %add3A_957 = arith.addf %get3A_952, %get3A_956 : vector<16xf32>
      %swap3A_958 = arith.index_cast %scan3A_151 : i32 to index
      %swap3A_959 = arith.constant 912 : index
      %swap3A_960 = tpu.vector_load %arg6[%swap3A_958, %swap3A_959] {strides = array<i32>} : memref<32x1024xf32, #tpu.memory_space<vmem>>, vector<1x16xf32>,
      %swap3A_961 = vector.shape_cast %swap3A_960 : vector<1x16xf32> to vector<16xf32>
      %swap3A_962 = vector.shape_cast %add3A_957 : vector<16xf32> to vector<1x16xf32>
      tpu.vector_store %arg6[%swap3A_958, %swap3A_959], %swap3A_962 {strides = array<i32>} : memref<32x1024xf32, #tpu.memory_space<vmem>>, vector<1x16xf32>,
      %get3A_963 = arith.index_cast %scan3A_151 : i32 to index
      %get3A_964 = arith.constant 928 : index
      %get3A_965 = tpu.vector_load %arg6[%get3A_963, %get3A_964] {strides = array<i32>} : memref<32x1024xf32, #tpu.memory_space<vmem>>, vector<1x16xf32>,
      %get3A_966 = vector.shape_cast %get3A_965 : vector<1x16xf32> to vector<16xf32>
      %get3A_967 = arith.index_cast %scan3A_151 : i32 to index
      %get3A_968 = arith.constant 928 : index
      %get3A_969 = tpu.vector_load %arg7[%get3A_967, %get3A_968] {strides = array<i32>} : memref<32x1024xf32, #tpu.memory_space<vmem>>, vector<1x16xf32>,
      %get3A_970 = vector.shape_cast %get3A_969 : vector<1x16xf32> to vector<16xf32>
      %add3A_971 = arith.addf %get3A_966, %get3A_970 : vector<16xf32>
      %swap3A_972 = arith.index_cast %scan3A_151 : i32 to index
      %swap3A_973 = arith.constant 928 : index
      %swap3A_974 = tpu.vector_load %arg6[%swap3A_972, %swap3A_973] {strides = array<i32>} : memref<32x1024xf32, #tpu.memory_space<vmem>>, vector<1x16xf32>,
      %swap3A_975 = vector.shape_cast %swap3A_974 : vector<1x16xf32> to vector<16xf32>
      %swap3A_976 = vector.shape_cast %add3A_971 : vector<16xf32> to vector<1x16xf32>
      tpu.vector_store %arg6[%swap3A_972, %swap3A_973], %swap3A_976 {strides = array<i32>} : memref<32x1024xf32, #tpu.memory_space<vmem>>, vector<1x16xf32>,
      %get3A_977 = arith.index_cast %scan3A_151 : i32 to index
      %get3A_978 = arith.constant 944 : index
      %get3A_979 = tpu.vector_load %arg6[%get3A_977, %get3A_978] {strides = array<i32>} : memref<32x1024xf32, #tpu.memory_space<vmem>>, vector<1x16xf32>,
      %get3A_980 = vector.shape_cast %get3A_979 : vector<1x16xf32> to vector<16xf32>
      %get3A_981 = arith.index_cast %scan3A_151 : i32 to index
      %get3A_982 = arith.constant 944 : index
      %get3A_983 = tpu.vector_load %arg7[%get3A_981, %get3A_982] {strides = array<i32>} : memref<32x1024xf32, #tpu.memory_space<vmem>>, vector<1x16xf32>,
      %get3A_984 = vector.shape_cast %get3A_983 : vector<1x16xf32> to vector<16xf32>
      %add3A_985 = arith.addf %get3A_980, %get3A_984 : vector<16xf32>
      %swap3A_986 = arith.index_cast %scan3A_151 : i32 to index
      %swap3A_987 = arith.constant 944 : index
      %swap3A_988 = tpu.vector_load %arg6[%swap3A_986, %swap3A_987] {strides = array<i32>} : memref<32x1024xf32, #tpu.memory_space<vmem>>, vector<1x16xf32>,
      %swap3A_989 = vector.shape_cast %swap3A_988 : vector<1x16xf32> to vector<16xf32>
      %swap3A_990 = vector.shape_cast %add3A_985 : vector<16xf32> to vector<1x16xf32>
      tpu.vector_store %arg6[%swap3A_986, %swap3A_987], %swap3A_990 {strides = array<i32>} : memref<32x1024xf32, #tpu.memory_space<vmem>>, vector<1x16xf32>,
      %get3A_991 = arith.index_cast %scan3A_151 : i32 to index
      %get3A_992 = arith.constant 960 : index
      %get3A_993 = tpu.vector_load %arg6[%get3A_991, %get3A_992] {strides = array<i32>} : memref<32x1024xf32, #tpu.memory_space<vmem>>, vector<1x16xf32>,
      %get3A_994 = vector.shape_cast %get3A_993 : vector<1x16xf32> to vector<16xf32>
      %get3A_995 = arith.index_cast %scan3A_151 : i32 to index
      %get3A_996 = arith.constant 960 : index
      %get3A_997 = tpu.vector_load %arg7[%get3A_995, %get3A_996] {strides = array<i32>} : memref<32x1024xf32, #tpu.memory_space<vmem>>, vector<1x16xf32>,
      %get3A_998 = vector.shape_cast %get3A_997 : vector<1x16xf32> to vector<16xf32>
      %add3A_999 = arith.addf %get3A_994, %get3A_998 : vector<16xf32>
      %swap3A_1000 = arith.index_cast %scan3A_151 : i32 to index
      %swap3A_1001 = arith.constant 960 : index
      %swap3A_1002 = tpu.vector_load %arg6[%swap3A_1000, %swap3A_1001] {strides = array<i32>} : memref<32x1024xf32, #tpu.memory_space<vmem>>, vector<1x16xf32>,
      %swap3A_1003 = vector.shape_cast %swap3A_1002 : vector<1x16xf32> to vector<16xf32>
      %swap3A_1004 = vector.shape_cast %add3A_999 : vector<16xf32> to vector<1x16xf32>
      tpu.vector_store %arg6[%swap3A_1000, %swap3A_1001], %swap3A_1004 {strides = array<i32>} : memref<32x1024xf32, #tpu.memory_space<vmem>>, vector<1x16xf32>,
      %get3A_1005 = arith.index_cast %scan3A_151 : i32 to index
      %get3A_1006 = arith.constant 976 : index
      %get3A_1007 = tpu.vector_load %arg6[%get3A_1005, %get3A_1006] {strides = array<i32>} : memref<32x1024xf32, #tpu.memory_space<vmem>>, vector<1x16xf32>,
      %get3A_1008 = vector.shape_cast %get3A_1007 : vector<1x16xf32> to vector<16xf32>
      %get3A_1009 = arith.index_cast %scan3A_151 : i32 to index
      %get3A_1010 = arith.constant 976 : index
      %get3A_1011 = tpu.vector_load %arg7[%get3A_1009, %get3A_1010] {strides = array<i32>} : memref<32x1024xf32, #tpu.memory_space<vmem>>, vector<1x16xf32>,
      %get3A_1012 = vector.shape_cast %get3A_1011 : vector<1x16xf32> to vector<16xf32>
      %add3A_1013 = arith.addf %get3A_1008, %get3A_1012 : vector<16xf32>
      %swap3A_1014 = arith.index_cast %scan3A_151 : i32 to index
      %swap3A_1015 = arith.constant 976 : index
      %swap3A_1016 = tpu.vector_load %arg6[%swap3A_1014, %swap3A_1015] {strides = array<i32>} : memref<32x1024xf32, #tpu.memory_space<vmem>>, vector<1x16xf32>,
      %swap3A_1017 = vector.shape_cast %swap3A_1016 : vector<1x16xf32> to vector<16xf32>
      %swap3A_1018 = vector.shape_cast %add3A_1013 : vector<16xf32> to vector<1x16xf32>
      tpu.vector_store %arg6[%swap3A_1014, %swap3A_1015], %swap3A_1018 {strides = array<i32>} : memref<32x1024xf32, #tpu.memory_space<vmem>>, vector<1x16xf32>,
      %get3A_1019 = arith.index_cast %scan3A_151 : i32 to index
      %get3A_1020 = arith.constant 992 : index
      %get3A_1021 = tpu.vector_load %arg6[%get3A_1019, %get3A_1020] {strides = array<i32>} : memref<32x1024xf32, #tpu.memory_space<vmem>>, vector<1x16xf32>,
      %get3A_1022 = vector.shape_cast %get3A_1021 : vector<1x16xf32> to vector<16xf32>
      %get3A_1023 = arith.index_cast %scan3A_151 : i32 to index
      %get3A_1024 = arith.constant 992 : index
      %get3A_1025 = tpu.vector_load %arg7[%get3A_1023, %get3A_1024] {strides = array<i32>} : memref<32x1024xf32, #tpu.memory_space<vmem>>, vector<1x16xf32>,
      %get3A_1026 = vector.shape_cast %get3A_1025 : vector<1x16xf32> to vector<16xf32>
      %add3A_1027 = arith.addf %get3A_1022, %get3A_1026 : vector<16xf32>
      %swap3A_1028 = arith.index_cast %scan3A_151 : i32 to index
      %swap3A_1029 = arith.constant 992 : index
      %swap3A_1030 = tpu.vector_load %arg6[%swap3A_1028, %swap3A_1029] {strides = array<i32>} : memref<32x1024xf32, #tpu.memory_space<vmem>>, vector<1x16xf32>,
      %swap3A_1031 = vector.shape_cast %swap3A_1030 : vector<1x16xf32> to vector<16xf32>
      %swap3A_1032 = vector.shape_cast %add3A_1027 : vector<16xf32> to vector<1x16xf32>
      tpu.vector_store %arg6[%swap3A_1028, %swap3A_1029], %swap3A_1032 {strides = array<i32>} : memref<32x1024xf32, #tpu.memory_space<vmem>>, vector<1x16xf32>,
      %get3A_1033 = arith.index_cast %scan3A_151 : i32 to index
      %get3A_1034 = arith.constant 1008 : index
      %get3A_1035 = tpu.vector_load %arg6[%get3A_1033, %get3A_1034] {strides = array<i32>} : memref<32x1024xf32, #tpu.memory_space<vmem>>, vector<1x16xf32>,
      %get3A_1036 = vector.shape_cast %get3A_1035 : vector<1x16xf32> to vector<16xf32>
      %get3A_1037 = arith.index_cast %scan3A_151 : i32 to index
      %get3A_1038 = arith.constant 1008 : index
      %get3A_1039 = tpu.vector_load %arg7[%get3A_1037, %get3A_1038] {strides = array<i32>} : memref<32x1024xf32, #tpu.memory_space<vmem>>, vector<1x16xf32>,
      %get3A_1040 = vector.shape_cast %get3A_1039 : vector<1x16xf32> to vector<16xf32>
      %add3A_1041 = arith.addf %get3A_1036, %get3A_1040 : vector<16xf32>
      %swap3A_1042 = arith.index_cast %scan3A_151 : i32 to index
      %swap3A_1043 = arith.constant 1008 : index
      %swap3A_1044 = tpu.vector_load %arg6[%swap3A_1042, %swap3A_1043] {strides = array<i32>} : memref<32x1024xf32, #tpu.memory_space<vmem>>, vector<1x16xf32>,
      %swap3A_1045 = vector.shape_cast %swap3A_1044 : vector<1x16xf32> to vector<16xf32>
      %swap3A_1046 = vector.shape_cast %add3A_1041 : vector<16xf32> to vector<1x16xf32>
      tpu.vector_store %arg6[%swap3A_1042, %swap3A_1043], %swap3A_1046 {strides = array<i32>} : memref<32x1024xf32, #tpu.memory_space<vmem>>, vector<1x16xf32>,
      %scan3A_1047 = arith.constant 0 : i32
      scf.yield %scan3A_1047 : i32
    }
    %scan3A_67 = arith.constant 32 : i32
    %run_scoped3A_68 = arith.constant 0 : i32
    "tpu.region"() ({
      %run_scoped3A_151 = tpu.sem_alloc : memref<!tpu.dma_semaphore, #tpu.memory_space<semaphore_mem>>
      %dma_start3A_152 = arith.constant 0 : i32
      %dma_start3A_153 = tpu.memref_slice %arg5[%run_scoped3A_68, %add3A_4, %dma_start3A_152] : memref<1x2048x1024xf32, #tpu.memory_space<hbm>> -> memref<1x32x1024xf32, #tpu.memory_space<hbm>>
      %dma_start3A_154 = tpu.memref_squeeze %dma_start3A_153 : memref<1x32x1024xf32, #tpu.memory_space<hbm>> -> memref<32x1024xf32, #tpu.memory_space<hbm>>
      %dma_start3A_155 = arith.constant 0 : i32
      %dma_start3A_156 = tpu.memref_slice %arg5[%run_scoped3A_68, %add3A_4, %dma_start3A_155] : memref<1x2048x1024xf32, #tpu.memory_space<hbm>> -> memref<1x32x1024xf32, #tpu.memory_space<hbm>>
      %dma_start3A_157 = tpu.memref_squeeze %dma_start3A_156 : memref<1x32x1024xf32, #tpu.memory_space<hbm>> -> memref<32x1024xf32, #tpu.memory_space<hbm>>
      tpu.enqueue_dma source(%arg6 : memref<32x1024xf32, #tpu.memory_space<vmem>>) target(%dma_start3A_157 : memref<32x1024xf32, #tpu.memory_space<hbm>>) target_semaphore(%run_scoped3A_151 : memref<!tpu.dma_semaphore, #tpu.memory_space<semaphore_mem>>)
      %dma_wait3A_158 = arith.constant 0 : i32
      %dma_wait3A_159 = tpu.memref_slice %arg5[%run_scoped3A_68, %add3A_4, %dma_wait3A_158] : memref<1x2048x1024xf32, #tpu.memory_space<hbm>> -> memref<1x32x1024xf32, #tpu.memory_space<hbm>>
      %dma_wait3A_160 = tpu.memref_squeeze %dma_wait3A_159 : memref<1x32x1024xf32, #tpu.memory_space<hbm>> -> memref<32x1024xf32, #tpu.memory_space<hbm>>
      %dma_wait3A_161 = arith.constant 0 : i32
      %dma_wait3A_162 = tpu.memref_slice %arg5[%run_scoped3A_68, %add3A_4, %dma_wait3A_161] : memref<1x2048x1024xf32, #tpu.memory_space<hbm>> -> memref<1x32x1024xf32, #tpu.memory_space<hbm>>
      %dma_wait3A_163 = tpu.memref_squeeze %dma_wait3A_162 : memref<1x32x1024xf32, #tpu.memory_space<hbm>> -> memref<32x1024xf32, #tpu.memory_space<hbm>>
      tpu.wait_dma2 semaphore(%run_scoped3A_151 : memref<!tpu.dma_semaphore, #tpu.memory_space<semaphore_mem>>) src(%arg6 : memref<32x1024xf32, #tpu.memory_space<vmem>>) dst(%dma_wait3A_163 : memref<32x1024xf32, #tpu.memory_space<hbm>>)
      tpu.yield
    }) : () -> ()
    %mul3A_69 = arith.constant 64 : i32
    %mul3A_70 = arith.muli %add3A, %mul3A_69 : i32
    %add3A_71 = arith.constant 32 : i32
    %add3A_72 = arith.addi %mul3A_70, %add3A_71 : i32
    %jit3A_73 = arith.constant 128 : i32
    %div3A_74 = arith.divsi %add3A_72, %jit3A_73 : i32
    %sign3A_75 = arith.constant 0 : i32
    %sign3A_76 = arith.cmpi sgt, %add3A_72, %sign3A_75 : i32
    %sign3A_77 = arith.extui %sign3A_76 : i1 to i32
    %sign3A_78 = arith.constant 0 : i32
    %sign3A_79 = arith.cmpi slt, %add3A_72, %sign3A_78 : i32
    %sign3A_80 = arith.extui %sign3A_79 : i1 to i32
    %sign3A_81 = arith.subi %sign3A_77, %sign3A_80 : i32
    %sign3A_82 = arith.constant 0 : i32
    %sign3A_83 = arith.cmpi sgt, %jit3A_73, %sign3A_82 : i32
    %sign3A_84 = arith.extui %sign3A_83 : i1 to i32
    %sign3A_85 = arith.constant 0 : i32
    %sign3A_86 = arith.cmpi slt, %jit3A_73, %sign3A_85 : i32
    %sign3A_87 = arith.extui %sign3A_86 : i1 to i32
    %sign3A_88 = arith.subi %sign3A_84, %sign3A_87 : i32
    %ne3A_89 = arith.cmpi ne, %sign3A_81, %sign3A_88 : i32
    %rem3A_90 = arith.remsi %add3A_72, %jit3A_73 : i32
    %ne3A_91 = arith.constant 0 : i32
    %ne3A_92 = arith.cmpi ne, %rem3A_90, %ne3A_91 : i32
    %and3A_93 = arith.andi %ne3A_89, %ne3A_92 : i1
    %sub3A_94 = arith.constant 1 : i32
    %sub3A_95 = arith.subi %div3A_74, %sub3A_94 : i32
    %select_n3A_96 = arith.select %and3A_93, %sub3A_95, %div3A_74 : i32
    %jit3A_97 = arith.constant 128 : i32
    %eq3A_98 = arith.constant 0 : i32
    %eq3A_99 = arith.cmpi eq, %jit3A_97, %eq3A_98 : i32
    %jit3A_100 = arith.constant 1 : i32
    %select_n3A_101 = arith.select %eq3A_99, %jit3A_100, %jit3A_97 : i32
    %rem3A_102 = arith.remsi %add3A_72, %select_n3A_101 : i32
    %ne3A_103 = arith.constant 0 : i32
    %ne3A_104 = arith.cmpi ne, %rem3A_102, %ne3A_103 : i32
    %lt3A_105 = arith.constant 0 : i32
    %lt3A_106 = arith.cmpi slt, %rem3A_102, %lt3A_105 : i32
    %lt3A_107 = arith.constant 0 : i32
    %lt3A_108 = arith.cmpi slt, %select_n3A_101, %lt3A_107 : i32
    %ne3A_109 = arith.xori %lt3A_106, %lt3A_108 : i1
    %and3A_110 = arith.andi %ne3A_109, %ne3A_104 : i1
    %add3A_111 = arith.addi %rem3A_102, %select_n3A_101 : i32
    %select_n3A_112 = arith.select %and3A_110, %add3A_111, %rem3A_102 : i32
    %run_scoped3A_113 = arith.constant 0 : i32
    "tpu.region"() ({
      %run_scoped3A_151 = tpu.sem_alloc : memref<!tpu.dma_semaphore, #tpu.memory_space<semaphore_mem>>
      %dma_start3A_152 = arith.constant 0 : i32
      %dma_start3A_153 = tpu.memref_slice %arg8[%run_scoped3A_113, %dma_start3A_152] : memref<1x32xi32, #tpu.memory_space<vmem>> -> memref<1x32xi32, #tpu.memory_space<vmem>>
      %dma_start3A_154 = tpu.memref_squeeze %dma_start3A_153 : memref<1x32xi32, #tpu.memory_space<vmem>> -> memref<32xi32, #tpu.memory_space<vmem>>
      %dma_start3A_155 = tpu.memref_slice %arg3[%select_n3A_96, %select_n3A_112] : memref<16x128xi32, #tpu.memory_space<hbm>> -> memref<1x32xi32, #tpu.memory_space<hbm>>
      %dma_start3A_156 = tpu.memref_squeeze %dma_start3A_155 : memref<1x32xi32, #tpu.memory_space<hbm>> -> memref<32xi32, #tpu.memory_space<hbm>>
      %dma_start3A_157 = arith.constant 0 : i32
      %dma_start3A_158 = tpu.memref_slice %arg8[%run_scoped3A_113, %dma_start3A_157] : memref<1x32xi32, #tpu.memory_space<vmem>> -> memref<1x32xi32, #tpu.memory_space<vmem>>
      %dma_start3A_159 = tpu.memref_squeeze %dma_start3A_158 : memref<1x32xi32, #tpu.memory_space<vmem>> -> memref<32xi32, #tpu.memory_space<vmem>>
      %dma_start3A_160 = tpu.memref_slice %arg3[%select_n3A_96, %select_n3A_112] : memref<16x128xi32, #tpu.memory_space<hbm>> -> memref<1x32xi32, #tpu.memory_space<hbm>>
      %dma_start3A_161 = tpu.memref_squeeze %dma_start3A_160 : memref<1x32xi32, #tpu.memory_space<hbm>> -> memref<32xi32, #tpu.memory_space<hbm>>
      tpu.enqueue_dma source(%dma_start3A_161 : memref<32xi32, #tpu.memory_space<hbm>>) target(%dma_start3A_159 : memref<32xi32, #tpu.memory_space<vmem>>) target_semaphore(%run_scoped3A_151 : memref<!tpu.dma_semaphore, #tpu.memory_space<semaphore_mem>>)
      %dma_wait3A_162 = arith.constant 0 : i32
      %dma_wait3A_163 = tpu.memref_slice %arg8[%run_scoped3A_113, %dma_wait3A_162] : memref<1x32xi32, #tpu.memory_space<vmem>> -> memref<1x32xi32, #tpu.memory_space<vmem>>
      %dma_wait3A_164 = tpu.memref_squeeze %dma_wait3A_163 : memref<1x32xi32, #tpu.memory_space<vmem>> -> memref<32xi32, #tpu.memory_space<vmem>>
      %dma_wait3A_165 = tpu.memref_slice %arg3[%select_n3A_96, %select_n3A_112] : memref<16x128xi32, #tpu.memory_space<hbm>> -> memref<1x32xi32, #tpu.memory_space<hbm>>
      %dma_wait3A_166 = tpu.memref_squeeze %dma_wait3A_165 : memref<1x32xi32, #tpu.memory_space<hbm>> -> memref<32xi32, #tpu.memory_space<hbm>>
      %dma_wait3A_167 = arith.constant 0 : i32
      %dma_wait3A_168 = tpu.memref_slice %arg8[%run_scoped3A_113, %dma_wait3A_167] : memref<1x32xi32, #tpu.memory_space<vmem>> -> memref<1x32xi32, #tpu.memory_space<vmem>>
      %dma_wait3A_169 = tpu.memref_squeeze %dma_wait3A_168 : memref<1x32xi32, #tpu.memory_space<vmem>> -> memref<32xi32, #tpu.memory_space<vmem>>
      %dma_wait3A_170 = tpu.memref_slice %arg3[%select_n3A_96, %select_n3A_112] : memref<16x128xi32, #tpu.memory_space<hbm>> -> memref<1x32xi32, #tpu.memory_space<hbm>>
      %dma_wait3A_171 = tpu.memref_squeeze %dma_wait3A_170 : memref<1x32xi32, #tpu.memory_space<hbm>> -> memref<32xi32, #tpu.memory_space<hbm>>
      tpu.wait_dma2 semaphore(%run_scoped3A_151 : memref<!tpu.dma_semaphore, #tpu.memory_space<semaphore_mem>>) src(%dma_wait3A_171 : memref<32xi32, #tpu.memory_space<hbm>>) dst(%dma_wait3A_169 : memref<32xi32, #tpu.memory_space<vmem>>)
      tpu.yield
    }) : () -> ()
    %run_scoped3A_114 = arith.constant 0 : i32
    "tpu.region"() ({
      %run_scoped3A_151 = tpu.sem_alloc : memref<!tpu.dma_semaphore, #tpu.memory_space<semaphore_mem>>
      %dma_start3A_152 = arith.constant 0 : i32
      %dma_start3A_153 = tpu.memref_slice %arg9[%run_scoped3A_114, %dma_start3A_152] : memref<1x32xi32, #tpu.memory_space<vmem>> -> memref<1x32xi32, #tpu.memory_space<vmem>>
      %dma_start3A_154 = tpu.memref_squeeze %dma_start3A_153 : memref<1x32xi32, #tpu.memory_space<vmem>> -> memref<32xi32, #tpu.memory_space<vmem>>
      %dma_start3A_155 = tpu.memref_slice %arg4[%select_n3A_96, %select_n3A_112] : memref<16x128xi32, #tpu.memory_space<hbm>> -> memref<1x32xi32, #tpu.memory_space<hbm>>
      %dma_start3A_156 = tpu.memref_squeeze %dma_start3A_155 : memref<1x32xi32, #tpu.memory_space<hbm>> -> memref<32xi32, #tpu.memory_space<hbm>>
      %dma_start3A_157 = arith.constant 0 : i32
      %dma_start3A_158 = tpu.memref_slice %arg9[%run_scoped3A_114, %dma_start3A_157] : memref<1x32xi32, #tpu.memory_space<vmem>> -> memref<1x32xi32, #tpu.memory_space<vmem>>
      %dma_start3A_159 = tpu.memref_squeeze %dma_start3A_158 : memref<1x32xi32, #tpu.memory_space<vmem>> -> memref<32xi32, #tpu.memory_space<vmem>>
      %dma_start3A_160 = tpu.memref_slice %arg4[%select_n3A_96, %select_n3A_112] : memref<16x128xi32, #tpu.memory_space<hbm>> -> memref<1x32xi32, #tpu.memory_space<hbm>>
      %dma_start3A_161 = tpu.memref_squeeze %dma_start3A_160 : memref<1x32xi32, #tpu.memory_space<hbm>> -> memref<32xi32, #tpu.memory_space<hbm>>
      tpu.enqueue_dma source(%dma_start3A_161 : memref<32xi32, #tpu.memory_space<hbm>>) target(%dma_start3A_159 : memref<32xi32, #tpu.memory_space<vmem>>) target_semaphore(%run_scoped3A_151 : memref<!tpu.dma_semaphore, #tpu.memory_space<semaphore_mem>>)
      %dma_wait3A_162 = arith.constant 0 : i32
      %dma_wait3A_163 = tpu.memref_slice %arg9[%run_scoped3A_114, %dma_wait3A_162] : memref<1x32xi32, #tpu.memory_space<vmem>> -> memref<1x32xi32, #tpu.memory_space<vmem>>
      %dma_wait3A_164 = tpu.memref_squeeze %dma_wait3A_163 : memref<1x32xi32, #tpu.memory_space<vmem>> -> memref<32xi32, #tpu.memory_space<vmem>>
      %dma_wait3A_165 = tpu.memref_slice %arg4[%select_n3A_96, %select_n3A_112] : memref<16x128xi32, #tpu.memory_space<hbm>> -> memref<1x32xi32, #tpu.memory_space<hbm>>
      %dma_wait3A_166 = tpu.memref_squeeze %dma_wait3A_165 : memref<1x32xi32, #tpu.memory_space<hbm>> -> memref<32xi32, #tpu.memory_space<hbm>>
      %dma_wait3A_167 = arith.constant 0 : i32
      %dma_wait3A_168 = tpu.memref_slice %arg9[%run_scoped3A_114, %dma_wait3A_167] : memref<1x32xi32, #tpu.memory_space<vmem>> -> memref<1x32xi32, #tpu.memory_space<vmem>>
      %dma_wait3A_169 = tpu.memref_squeeze %dma_wait3A_168 : memref<1x32xi32, #tpu.memory_space<vmem>> -> memref<32xi32, #tpu.memory_space<vmem>>
      %dma_wait3A_170 = tpu.memref_slice %arg4[%select_n3A_96, %select_n3A_112] : memref<16x128xi32, #tpu.memory_space<hbm>> -> memref<1x32xi32, #tpu.memory_space<hbm>>
      %dma_wait3A_171 = tpu.memref_squeeze %dma_wait3A_170 : memref<1x32xi32, #tpu.memory_space<hbm>> -> memref<32xi32, #tpu.memory_space<hbm>>
      tpu.wait_dma2 semaphore(%run_scoped3A_151 : memref<!tpu.dma_semaphore, #tpu.memory_space<semaphore_mem>>) src(%dma_wait3A_171 : memref<32xi32, #tpu.memory_space<hbm>>) dst(%dma_wait3A_169 : memref<32xi32, #tpu.memory_space<vmem>>)
      tpu.yield
    }) : () -> ()
    %dma_start3A_115 = arith.constant 0 : i32
    %dma_start3A_116 = arith.constant 0 : i32
    %dma_start3A_117 = tpu.memref_slice %arg8[%dma_start3A_115, %dma_start3A_116] : memref<1x32xi32, #tpu.memory_space<vmem>> -> memref<1x32xi32, #tpu.memory_space<vmem>>
    %dma_start3A_118 = tpu.memref_squeeze %dma_start3A_117 : memref<1x32xi32, #tpu.memory_space<vmem>> -> memref<32xi32, #tpu.memory_space<vmem>>
    %dma_start3A_119 = arith.constant 0 : i32
    %dma_start3A_120 = arith.constant 0 : i32
    %dma_start3A_121 = tpu.memref_slice %arg2[%dma_start3A_119, %dma_start3A_120] : memref<2624x1024xf32, #tpu.memory_space<hbm>> -> memref<2624x1024xf32, #tpu.memory_space<hbm>>
    tpu.enqueue_indirect_dma source(%dma_start3A_121 : memref<2624x1024xf32, #tpu.memory_space<hbm>>) target(%arg6 : memref<32x1024xf32, #tpu.memory_space<vmem>>) offsets(%dma_start3A_118 : memref<32xi32, #tpu.memory_space<vmem>>) semaphore(%arg10 : memref<!tpu.dma_semaphore, #tpu.memory_space<semaphore_mem>>)
    %dma_start3A_122 = arith.constant 0 : i32
    %dma_start3A_123 = arith.constant 0 : i32
    %dma_start3A_124 = tpu.memref_slice %arg9[%dma_start3A_122, %dma_start3A_123] : memref<1x32xi32, #tpu.memory_space<vmem>> -> memref<1x32xi32, #tpu.memory_space<vmem>>
    %dma_start3A_125 = tpu.memref_squeeze %dma_start3A_124 : memref<1x32xi32, #tpu.memory_space<vmem>> -> memref<32xi32, #tpu.memory_space<vmem>>
    %dma_start3A_126 = arith.constant 0 : i32
    %dma_start3A_127 = arith.constant 0 : i32
    %dma_start3A_128 = tpu.memref_slice %arg2[%dma_start3A_126, %dma_start3A_127] : memref<2624x1024xf32, #tpu.memory_space<hbm>> -> memref<2624x1024xf32, #tpu.memory_space<hbm>>
    tpu.enqueue_indirect_dma source(%dma_start3A_128 : memref<2624x1024xf32, #tpu.memory_space<hbm>>) target(%arg7 : memref<32x1024xf32, #tpu.memory_space<vmem>>) offsets(%dma_start3A_125 : memref<32xi32, #tpu.memory_space<vmem>>) semaphore(%arg11 : memref<!tpu.dma_semaphore, #tpu.memory_space<semaphore_mem>>)
    %dma_wait3A_129 = arith.constant 0 : i32
    %dma_wait3A_130 = arith.constant 0 : i32
    %dma_wait3A_131 = tpu.memref_slice %arg8[%dma_wait3A_129, %dma_wait3A_130] : memref<1x32xi32, #tpu.memory_space<vmem>> -> memref<1x32xi32, #tpu.memory_space<vmem>>
    %dma_wait3A_132 = tpu.memref_squeeze %dma_wait3A_131 : memref<1x32xi32, #tpu.memory_space<vmem>> -> memref<32xi32, #tpu.memory_space<vmem>>
    %dma_wait3A_133 = arith.constant 0 : i32
    %dma_wait3A_134 = arith.constant 0 : i32
    %dma_wait3A_135 = tpu.memref_slice %arg2[%dma_wait3A_133, %dma_wait3A_134] : memref<2624x1024xf32, #tpu.memory_space<hbm>> -> memref<2624x1024xf32, #tpu.memory_space<hbm>>
    tpu.wait_indirect_dma semaphore(%arg10 : memref<!tpu.dma_semaphore, #tpu.memory_space<semaphore_mem>>) src(%dma_wait3A_135 : memref<2624x1024xf32, #tpu.memory_space<hbm>>) dst(%arg6 : memref<32x1024xf32, #tpu.memory_space<vmem>>)
    %dma_wait3A_136 = arith.constant 0 : i32
    %dma_wait3A_137 = arith.constant 0 : i32
    %dma_wait3A_138 = tpu.memref_slice %arg9[%dma_wait3A_136, %dma_wait3A_137] : memref<1x32xi32, #tpu.memory_space<vmem>> -> memref<1x32xi32, #tpu.memory_space<vmem>>
    %dma_wait3A_139 = tpu.memref_squeeze %dma_wait3A_138 : memref<1x32xi32, #tpu.memory_space<vmem>> -> memref<32xi32, #tpu.memory_space<vmem>>
    %dma_wait3A_140 = arith.constant 0 : i32
    %dma_wait3A_141 = arith.constant 0 : i32
    %dma_wait3A_142 = tpu.memref_slice %arg2[%dma_wait3A_140, %dma_wait3A_141] : memref<2624x1024xf32, #tpu.memory_space<hbm>> -> memref<2624x1024xf32, #tpu.memory_space<hbm>>
    tpu.wait_indirect_dma semaphore(%arg11 : memref<!tpu.dma_semaphore, #tpu.memory_space<semaphore_mem>>) src(%dma_wait3A_142 : memref<2624x1024xf32, #tpu.memory_space<hbm>>) dst(%arg7 : memref<32x1024xf32, #tpu.memory_space<vmem>>)
    %scan3A_143 = arith.constant 0 : i32
    %scan3A_144 = arith.constant 0 : i32
    %scan3A_145 = arith.constant 32 : i32
    %scan3A_146 = arith.addi %scan3A_144, %scan3A_145 : i32
    %scan3A_147 = arith.constant 1 : i32
    %scan3A_148 = scf.for %scan3A_151 = %scan3A_144 to %scan3A_146 step %scan3A_147 iter_args(%scan3A_152 = %scan3A_143) -> (i32)  : i32 {
      %get3A = arith.index_cast %scan3A_151 : i32 to index
      %get3A_153 = arith.constant 0 : index
      %get3A_154 = tpu.vector_load %arg6[%get3A, %get3A_153] {strides = array<i32>} : memref<32x1024xf32, #tpu.memory_space<vmem>>, vector<1x16xf32>,
      %get3A_155 = vector.shape_cast %get3A_154 : vector<1x16xf32> to vector<16xf32>
      %get3A_156 = arith.index_cast %scan3A_151 : i32 to index
      %get3A_157 = arith.constant 0 : index
      %get3A_158 = tpu.vector_load %arg7[%get3A_156, %get3A_157] {strides = array<i32>} : memref<32x1024xf32, #tpu.memory_space<vmem>>, vector<1x16xf32>,
      %get3A_159 = vector.shape_cast %get3A_158 : vector<1x16xf32> to vector<16xf32>
      %add3A_160 = arith.addf %get3A_155, %get3A_159 : vector<16xf32>
      %swap3A = arith.index_cast %scan3A_151 : i32 to index
      %swap3A_161 = arith.constant 0 : index
      %swap3A_162 = tpu.vector_load %arg6[%swap3A, %swap3A_161] {strides = array<i32>} : memref<32x1024xf32, #tpu.memory_space<vmem>>, vector<1x16xf32>,
      %swap3A_163 = vector.shape_cast %swap3A_162 : vector<1x16xf32> to vector<16xf32>
      %swap3A_164 = vector.shape_cast %add3A_160 : vector<16xf32> to vector<1x16xf32>
      tpu.vector_store %arg6[%swap3A, %swap3A_161], %swap3A_164 {strides = array<i32>} : memref<32x1024xf32, #tpu.memory_space<vmem>>, vector<1x16xf32>,
      %get3A_165 = arith.index_cast %scan3A_151 : i32 to index
      %get3A_166 = arith.constant 16 : index
      %get3A_167 = tpu.vector_load %arg6[%get3A_165, %get3A_166] {strides = array<i32>} : memref<32x1024xf32, #tpu.memory_space<vmem>>, vector<1x16xf32>,
      %get3A_168 = vector.shape_cast %get3A_167 : vector<1x16xf32> to vector<16xf32>
      %get3A_169 = arith.index_cast %scan3A_151 : i32 to index
      %get3A_170 = arith.constant 16 : index
      %get3A_171 = tpu.vector_load %arg7[%get3A_169, %get3A_170] {strides = array<i32>} : memref<32x1024xf32, #tpu.memory_space<vmem>>, vector<1x16xf32>,
      %get3A_172 = vector.shape_cast %get3A_171 : vector<1x16xf32> to vector<16xf32>
      %add3A_173 = arith.addf %get3A_168, %get3A_172 : vector<16xf32>
      %swap3A_174 = arith.index_cast %scan3A_151 : i32 to index
      %swap3A_175 = arith.constant 16 : index
      %swap3A_176 = tpu.vector_load %arg6[%swap3A_174, %swap3A_175] {strides = array<i32>} : memref<32x1024xf32, #tpu.memory_space<vmem>>, vector<1x16xf32>,
      %swap3A_177 = vector.shape_cast %swap3A_176 : vector<1x16xf32> to vector<16xf32>
      %swap3A_178 = vector.shape_cast %add3A_173 : vector<16xf32> to vector<1x16xf32>
      tpu.vector_store %arg6[%swap3A_174, %swap3A_175], %swap3A_178 {strides = array<i32>} : memref<32x1024xf32, #tpu.memory_space<vmem>>, vector<1x16xf32>,
      %get3A_179 = arith.index_cast %scan3A_151 : i32 to index
      %get3A_180 = arith.constant 32 : index
      %get3A_181 = tpu.vector_load %arg6[%get3A_179, %get3A_180] {strides = array<i32>} : memref<32x1024xf32, #tpu.memory_space<vmem>>, vector<1x16xf32>,
      %get3A_182 = vector.shape_cast %get3A_181 : vector<1x16xf32> to vector<16xf32>
      %get3A_183 = arith.index_cast %scan3A_151 : i32 to index
      %get3A_184 = arith.constant 32 : index
      %get3A_185 = tpu.vector_load %arg7[%get3A_183, %get3A_184] {strides = array<i32>} : memref<32x1024xf32, #tpu.memory_space<vmem>>, vector<1x16xf32>,
      %get3A_186 = vector.shape_cast %get3A_185 : vector<1x16xf32> to vector<16xf32>
      %add3A_187 = arith.addf %get3A_182, %get3A_186 : vector<16xf32>
      %swap3A_188 = arith.index_cast %scan3A_151 : i32 to index
      %swap3A_189 = arith.constant 32 : index
      %swap3A_190 = tpu.vector_load %arg6[%swap3A_188, %swap3A_189] {strides = array<i32>} : memref<32x1024xf32, #tpu.memory_space<vmem>>, vector<1x16xf32>,
      %swap3A_191 = vector.shape_cast %swap3A_190 : vector<1x16xf32> to vector<16xf32>
      %swap3A_192 = vector.shape_cast %add3A_187 : vector<16xf32> to vector<1x16xf32>
      tpu.vector_store %arg6[%swap3A_188, %swap3A_189], %swap3A_192 {strides = array<i32>} : memref<32x1024xf32, #tpu.memory_space<vmem>>, vector<1x16xf32>,
      %get3A_193 = arith.index_cast %scan3A_151 : i32 to index
      %get3A_194 = arith.constant 48 : index
      %get3A_195 = tpu.vector_load %arg6[%get3A_193, %get3A_194] {strides = array<i32>} : memref<32x1024xf32, #tpu.memory_space<vmem>>, vector<1x16xf32>,
      %get3A_196 = vector.shape_cast %get3A_195 : vector<1x16xf32> to vector<16xf32>
      %get3A_197 = arith.index_cast %scan3A_151 : i32 to index
      %get3A_198 = arith.constant 48 : index
      %get3A_199 = tpu.vector_load %arg7[%get3A_197, %get3A_198] {strides = array<i32>} : memref<32x1024xf32, #tpu.memory_space<vmem>>, vector<1x16xf32>,
      %get3A_200 = vector.shape_cast %get3A_199 : vector<1x16xf32> to vector<16xf32>
      %add3A_201 = arith.addf %get3A_196, %get3A_200 : vector<16xf32>
      %swap3A_202 = arith.index_cast %scan3A_151 : i32 to index
      %swap3A_203 = arith.constant 48 : index
      %swap3A_204 = tpu.vector_load %arg6[%swap3A_202, %swap3A_203] {strides = array<i32>} : memref<32x1024xf32, #tpu.memory_space<vmem>>, vector<1x16xf32>,
      %swap3A_205 = vector.shape_cast %swap3A_204 : vector<1x16xf32> to vector<16xf32>
      %swap3A_206 = vector.shape_cast %add3A_201 : vector<16xf32> to vector<1x16xf32>
      tpu.vector_store %arg6[%swap3A_202, %swap3A_203], %swap3A_206 {strides = array<i32>} : memref<32x1024xf32, #tpu.memory_space<vmem>>, vector<1x16xf32>,
      %get3A_207 = arith.index_cast %scan3A_151 : i32 to index
      %get3A_208 = arith.constant 64 : index
      %get3A_209 = tpu.vector_load %arg6[%get3A_207, %get3A_208] {strides = array<i32>} : memref<32x1024xf32, #tpu.memory_space<vmem>>, vector<1x16xf32>,
      %get3A_210 = vector.shape_cast %get3A_209 : vector<1x16xf32> to vector<16xf32>
      %get3A_211 = arith.index_cast %scan3A_151 : i32 to index
      %get3A_212 = arith.constant 64 : index
      %get3A_213 = tpu.vector_load %arg7[%get3A_211, %get3A_212] {strides = array<i32>} : memref<32x1024xf32, #tpu.memory_space<vmem>>, vector<1x16xf32>,
      %get3A_214 = vector.shape_cast %get3A_213 : vector<1x16xf32> to vector<16xf32>
      %add3A_215 = arith.addf %get3A_210, %get3A_214 : vector<16xf32>
      %swap3A_216 = arith.index_cast %scan3A_151 : i32 to index
      %swap3A_217 = arith.constant 64 : index
      %swap3A_218 = tpu.vector_load %arg6[%swap3A_216, %swap3A_217] {strides = array<i32>} : memref<32x1024xf32, #tpu.memory_space<vmem>>, vector<1x16xf32>,
      %swap3A_219 = vector.shape_cast %swap3A_218 : vector<1x16xf32> to vector<16xf32>
      %swap3A_220 = vector.shape_cast %add3A_215 : vector<16xf32> to vector<1x16xf32>
      tpu.vector_store %arg6[%swap3A_216, %swap3A_217], %swap3A_220 {strides = array<i32>} : memref<32x1024xf32, #tpu.memory_space<vmem>>, vector<1x16xf32>,
      %get3A_221 = arith.index_cast %scan3A_151 : i32 to index
      %get3A_222 = arith.constant 80 : index
      %get3A_223 = tpu.vector_load %arg6[%get3A_221, %get3A_222] {strides = array<i32>} : memref<32x1024xf32, #tpu.memory_space<vmem>>, vector<1x16xf32>,
      %get3A_224 = vector.shape_cast %get3A_223 : vector<1x16xf32> to vector<16xf32>
      %get3A_225 = arith.index_cast %scan3A_151 : i32 to index
      %get3A_226 = arith.constant 80 : index
      %get3A_227 = tpu.vector_load %arg7[%get3A_225, %get3A_226] {strides = array<i32>} : memref<32x1024xf32, #tpu.memory_space<vmem>>, vector<1x16xf32>,
      %get3A_228 = vector.shape_cast %get3A_227 : vector<1x16xf32> to vector<16xf32>
      %add3A_229 = arith.addf %get3A_224, %get3A_228 : vector<16xf32>
      %swap3A_230 = arith.index_cast %scan3A_151 : i32 to index
      %swap3A_231 = arith.constant 80 : index
      %swap3A_232 = tpu.vector_load %arg6[%swap3A_230, %swap3A_231] {strides = array<i32>} : memref<32x1024xf32, #tpu.memory_space<vmem>>, vector<1x16xf32>,
      %swap3A_233 = vector.shape_cast %swap3A_232 : vector<1x16xf32> to vector<16xf32>
      %swap3A_234 = vector.shape_cast %add3A_229 : vector<16xf32> to vector<1x16xf32>
      tpu.vector_store %arg6[%swap3A_230, %swap3A_231], %swap3A_234 {strides = array<i32>} : memref<32x1024xf32, #tpu.memory_space<vmem>>, vector<1x16xf32>,
      %get3A_235 = arith.index_cast %scan3A_151 : i32 to index
      %get3A_236 = arith.constant 96 : index
      %get3A_237 = tpu.vector_load %arg6[%get3A_235, %get3A_236] {strides = array<i32>} : memref<32x1024xf32, #tpu.memory_space<vmem>>, vector<1x16xf32>,
      %get3A_238 = vector.shape_cast %get3A_237 : vector<1x16xf32> to vector<16xf32>
      %get3A_239 = arith.index_cast %scan3A_151 : i32 to index
      %get3A_240 = arith.constant 96 : index
      %get3A_241 = tpu.vector_load %arg7[%get3A_239, %get3A_240] {strides = array<i32>} : memref<32x1024xf32, #tpu.memory_space<vmem>>, vector<1x16xf32>,
      %get3A_242 = vector.shape_cast %get3A_241 : vector<1x16xf32> to vector<16xf32>
      %add3A_243 = arith.addf %get3A_238, %get3A_242 : vector<16xf32>
      %swap3A_244 = arith.index_cast %scan3A_151 : i32 to index
      %swap3A_245 = arith.constant 96 : index
      %swap3A_246 = tpu.vector_load %arg6[%swap3A_244, %swap3A_245] {strides = array<i32>} : memref<32x1024xf32, #tpu.memory_space<vmem>>, vector<1x16xf32>,
      %swap3A_247 = vector.shape_cast %swap3A_246 : vector<1x16xf32> to vector<16xf32>
      %swap3A_248 = vector.shape_cast %add3A_243 : vector<16xf32> to vector<1x16xf32>
      tpu.vector_store %arg6[%swap3A_244, %swap3A_245], %swap3A_248 {strides = array<i32>} : memref<32x1024xf32, #tpu.memory_space<vmem>>, vector<1x16xf32>,
      %get3A_249 = arith.index_cast %scan3A_151 : i32 to index
      %get3A_250 = arith.constant 112 : index
      %get3A_251 = tpu.vector_load %arg6[%get3A_249, %get3A_250] {strides = array<i32>} : memref<32x1024xf32, #tpu.memory_space<vmem>>, vector<1x16xf32>,
      %get3A_252 = vector.shape_cast %get3A_251 : vector<1x16xf32> to vector<16xf32>
      %get3A_253 = arith.index_cast %scan3A_151 : i32 to index
      %get3A_254 = arith.constant 112 : index
      %get3A_255 = tpu.vector_load %arg7[%get3A_253, %get3A_254] {strides = array<i32>} : memref<32x1024xf32, #tpu.memory_space<vmem>>, vector<1x16xf32>,
      %get3A_256 = vector.shape_cast %get3A_255 : vector<1x16xf32> to vector<16xf32>
      %add3A_257 = arith.addf %get3A_252, %get3A_256 : vector<16xf32>
      %swap3A_258 = arith.index_cast %scan3A_151 : i32 to index
      %swap3A_259 = arith.constant 112 : index
      %swap3A_260 = tpu.vector_load %arg6[%swap3A_258, %swap3A_259] {strides = array<i32>} : memref<32x1024xf32, #tpu.memory_space<vmem>>, vector<1x16xf32>,
      %swap3A_261 = vector.shape_cast %swap3A_260 : vector<1x16xf32> to vector<16xf32>
      %swap3A_262 = vector.shape_cast %add3A_257 : vector<16xf32> to vector<1x16xf32>
      tpu.vector_store %arg6[%swap3A_258, %swap3A_259], %swap3A_262 {strides = array<i32>} : memref<32x1024xf32, #tpu.memory_space<vmem>>, vector<1x16xf32>,
      %get3A_263 = arith.index_cast %scan3A_151 : i32 to index
      %get3A_264 = arith.constant 128 : index
      %get3A_265 = tpu.vector_load %arg6[%get3A_263, %get3A_264] {strides = array<i32>} : memref<32x1024xf32, #tpu.memory_space<vmem>>, vector<1x16xf32>,
      %get3A_266 = vector.shape_cast %get3A_265 : vector<1x16xf32> to vector<16xf32>
      %get3A_267 = arith.index_cast %scan3A_151 : i32 to index
      %get3A_268 = arith.constant 128 : index
      %get3A_269 = tpu.vector_load %arg7[%get3A_267, %get3A_268] {strides = array<i32>} : memref<32x1024xf32, #tpu.memory_space<vmem>>, vector<1x16xf32>,
      %get3A_270 = vector.shape_cast %get3A_269 : vector<1x16xf32> to vector<16xf32>
      %add3A_271 = arith.addf %get3A_266, %get3A_270 : vector<16xf32>
      %swap3A_272 = arith.index_cast %scan3A_151 : i32 to index
      %swap3A_273 = arith.constant 128 : index
      %swap3A_274 = tpu.vector_load %arg6[%swap3A_272, %swap3A_273] {strides = array<i32>} : memref<32x1024xf32, #tpu.memory_space<vmem>>, vector<1x16xf32>,
      %swap3A_275 = vector.shape_cast %swap3A_274 : vector<1x16xf32> to vector<16xf32>
      %swap3A_276 = vector.shape_cast %add3A_271 : vector<16xf32> to vector<1x16xf32>
      tpu.vector_store %arg6[%swap3A_272, %swap3A_273], %swap3A_276 {strides = array<i32>} : memref<32x1024xf32, #tpu.memory_space<vmem>>, vector<1x16xf32>,
      %get3A_277 = arith.index_cast %scan3A_151 : i32 to index
      %get3A_278 = arith.constant 144 : index
      %get3A_279 = tpu.vector_load %arg6[%get3A_277, %get3A_278] {strides = array<i32>} : memref<32x1024xf32, #tpu.memory_space<vmem>>, vector<1x16xf32>,
      %get3A_280 = vector.shape_cast %get3A_279 : vector<1x16xf32> to vector<16xf32>
      %get3A_281 = arith.index_cast %scan3A_151 : i32 to index
      %get3A_282 = arith.constant 144 : index
      %get3A_283 = tpu.vector_load %arg7[%get3A_281, %get3A_282] {strides = array<i32>} : memref<32x1024xf32, #tpu.memory_space<vmem>>, vector<1x16xf32>,
      %get3A_284 = vector.shape_cast %get3A_283 : vector<1x16xf32> to vector<16xf32>
      %add3A_285 = arith.addf %get3A_280, %get3A_284 : vector<16xf32>
      %swap3A_286 = arith.index_cast %scan3A_151 : i32 to index
      %swap3A_287 = arith.constant 144 : index
      %swap3A_288 = tpu.vector_load %arg6[%swap3A_286, %swap3A_287] {strides = array<i32>} : memref<32x1024xf32, #tpu.memory_space<vmem>>, vector<1x16xf32>,
      %swap3A_289 = vector.shape_cast %swap3A_288 : vector<1x16xf32> to vector<16xf32>
      %swap3A_290 = vector.shape_cast %add3A_285 : vector<16xf32> to vector<1x16xf32>
      tpu.vector_store %arg6[%swap3A_286, %swap3A_287], %swap3A_290 {strides = array<i32>} : memref<32x1024xf32, #tpu.memory_space<vmem>>, vector<1x16xf32>,
      %get3A_291 = arith.index_cast %scan3A_151 : i32 to index
      %get3A_292 = arith.constant 160 : index
      %get3A_293 = tpu.vector_load %arg6[%get3A_291, %get3A_292] {strides = array<i32>} : memref<32x1024xf32, #tpu.memory_space<vmem>>, vector<1x16xf32>,
      %get3A_294 = vector.shape_cast %get3A_293 : vector<1x16xf32> to vector<16xf32>
      %get3A_295 = arith.index_cast %scan3A_151 : i32 to index
      %get3A_296 = arith.constant 160 : index
      %get3A_297 = tpu.vector_load %arg7[%get3A_295, %get3A_296] {strides = array<i32>} : memref<32x1024xf32, #tpu.memory_space<vmem>>, vector<1x16xf32>,
      %get3A_298 = vector.shape_cast %get3A_297 : vector<1x16xf32> to vector<16xf32>
      %add3A_299 = arith.addf %get3A_294, %get3A_298 : vector<16xf32>
      %swap3A_300 = arith.index_cast %scan3A_151 : i32 to index
      %swap3A_301 = arith.constant 160 : index
      %swap3A_302 = tpu.vector_load %arg6[%swap3A_300, %swap3A_301] {strides = array<i32>} : memref<32x1024xf32, #tpu.memory_space<vmem>>, vector<1x16xf32>,
      %swap3A_303 = vector.shape_cast %swap3A_302 : vector<1x16xf32> to vector<16xf32>
      %swap3A_304 = vector.shape_cast %add3A_299 : vector<16xf32> to vector<1x16xf32>
      tpu.vector_store %arg6[%swap3A_300, %swap3A_301], %swap3A_304 {strides = array<i32>} : memref<32x1024xf32, #tpu.memory_space<vmem>>, vector<1x16xf32>,
      %get3A_305 = arith.index_cast %scan3A_151 : i32 to index
      %get3A_306 = arith.constant 176 : index
      %get3A_307 = tpu.vector_load %arg6[%get3A_305, %get3A_306] {strides = array<i32>} : memref<32x1024xf32, #tpu.memory_space<vmem>>, vector<1x16xf32>,
      %get3A_308 = vector.shape_cast %get3A_307 : vector<1x16xf32> to vector<16xf32>
      %get3A_309 = arith.index_cast %scan3A_151 : i32 to index
      %get3A_310 = arith.constant 176 : index
      %get3A_311 = tpu.vector_load %arg7[%get3A_309, %get3A_310] {strides = array<i32>} : memref<32x1024xf32, #tpu.memory_space<vmem>>, vector<1x16xf32>,
      %get3A_312 = vector.shape_cast %get3A_311 : vector<1x16xf32> to vector<16xf32>
      %add3A_313 = arith.addf %get3A_308, %get3A_312 : vector<16xf32>
      %swap3A_314 = arith.index_cast %scan3A_151 : i32 to index
      %swap3A_315 = arith.constant 176 : index
      %swap3A_316 = tpu.vector_load %arg6[%swap3A_314, %swap3A_315] {strides = array<i32>} : memref<32x1024xf32, #tpu.memory_space<vmem>>, vector<1x16xf32>,
      %swap3A_317 = vector.shape_cast %swap3A_316 : vector<1x16xf32> to vector<16xf32>
      %swap3A_318 = vector.shape_cast %add3A_313 : vector<16xf32> to vector<1x16xf32>
      tpu.vector_store %arg6[%swap3A_314, %swap3A_315], %swap3A_318 {strides = array<i32>} : memref<32x1024xf32, #tpu.memory_space<vmem>>, vector<1x16xf32>,
      %get3A_319 = arith.index_cast %scan3A_151 : i32 to index
      %get3A_320 = arith.constant 192 : index
      %get3A_321 = tpu.vector_load %arg6[%get3A_319, %get3A_320] {strides = array<i32>} : memref<32x1024xf32, #tpu.memory_space<vmem>>, vector<1x16xf32>,
      %get3A_322 = vector.shape_cast %get3A_321 : vector<1x16xf32> to vector<16xf32>
      %get3A_323 = arith.index_cast %scan3A_151 : i32 to index
      %get3A_324 = arith.constant 192 : index
      %get3A_325 = tpu.vector_load %arg7[%get3A_323, %get3A_324] {strides = array<i32>} : memref<32x1024xf32, #tpu.memory_space<vmem>>, vector<1x16xf32>,
      %get3A_326 = vector.shape_cast %get3A_325 : vector<1x16xf32> to vector<16xf32>
      %add3A_327 = arith.addf %get3A_322, %get3A_326 : vector<16xf32>
      %swap3A_328 = arith.index_cast %scan3A_151 : i32 to index
      %swap3A_329 = arith.constant 192 : index
      %swap3A_330 = tpu.vector_load %arg6[%swap3A_328, %swap3A_329] {strides = array<i32>} : memref<32x1024xf32, #tpu.memory_space<vmem>>, vector<1x16xf32>,
      %swap3A_331 = vector.shape_cast %swap3A_330 : vector<1x16xf32> to vector<16xf32>
      %swap3A_332 = vector.shape_cast %add3A_327 : vector<16xf32> to vector<1x16xf32>
      tpu.vector_store %arg6[%swap3A_328, %swap3A_329], %swap3A_332 {strides = array<i32>} : memref<32x1024xf32, #tpu.memory_space<vmem>>, vector<1x16xf32>,
      %get3A_333 = arith.index_cast %scan3A_151 : i32 to index
      %get3A_334 = arith.constant 208 : index
      %get3A_335 = tpu.vector_load %arg6[%get3A_333, %get3A_334] {strides = array<i32>} : memref<32x1024xf32, #tpu.memory_space<vmem>>, vector<1x16xf32>,
      %get3A_336 = vector.shape_cast %get3A_335 : vector<1x16xf32> to vector<16xf32>
      %get3A_337 = arith.index_cast %scan3A_151 : i32 to index
      %get3A_338 = arith.constant 208 : index
      %get3A_339 = tpu.vector_load %arg7[%get3A_337, %get3A_338] {strides = array<i32>} : memref<32x1024xf32, #tpu.memory_space<vmem>>, vector<1x16xf32>,
      %get3A_340 = vector.shape_cast %get3A_339 : vector<1x16xf32> to vector<16xf32>
      %add3A_341 = arith.addf %get3A_336, %get3A_340 : vector<16xf32>
      %swap3A_342 = arith.index_cast %scan3A_151 : i32 to index
      %swap3A_343 = arith.constant 208 : index
      %swap3A_344 = tpu.vector_load %arg6[%swap3A_342, %swap3A_343] {strides = array<i32>} : memref<32x1024xf32, #tpu.memory_space<vmem>>, vector<1x16xf32>,
      %swap3A_345 = vector.shape_cast %swap3A_344 : vector<1x16xf32> to vector<16xf32>
      %swap3A_346 = vector.shape_cast %add3A_341 : vector<16xf32> to vector<1x16xf32>
      tpu.vector_store %arg6[%swap3A_342, %swap3A_343], %swap3A_346 {strides = array<i32>} : memref<32x1024xf32, #tpu.memory_space<vmem>>, vector<1x16xf32>,
      %get3A_347 = arith.index_cast %scan3A_151 : i32 to index
      %get3A_348 = arith.constant 224 : index
      %get3A_349 = tpu.vector_load %arg6[%get3A_347, %get3A_348] {strides = array<i32>} : memref<32x1024xf32, #tpu.memory_space<vmem>>, vector<1x16xf32>,
      %get3A_350 = vector.shape_cast %get3A_349 : vector<1x16xf32> to vector<16xf32>
      %get3A_351 = arith.index_cast %scan3A_151 : i32 to index
      %get3A_352 = arith.constant 224 : index
      %get3A_353 = tpu.vector_load %arg7[%get3A_351, %get3A_352] {strides = array<i32>} : memref<32x1024xf32, #tpu.memory_space<vmem>>, vector<1x16xf32>,
      %get3A_354 = vector.shape_cast %get3A_353 : vector<1x16xf32> to vector<16xf32>
      %add3A_355 = arith.addf %get3A_350, %get3A_354 : vector<16xf32>
      %swap3A_356 = arith.index_cast %scan3A_151 : i32 to index
      %swap3A_357 = arith.constant 224 : index
      %swap3A_358 = tpu.vector_load %arg6[%swap3A_356, %swap3A_357] {strides = array<i32>} : memref<32x1024xf32, #tpu.memory_space<vmem>>, vector<1x16xf32>,
      %swap3A_359 = vector.shape_cast %swap3A_358 : vector<1x16xf32> to vector<16xf32>
      %swap3A_360 = vector.shape_cast %add3A_355 : vector<16xf32> to vector<1x16xf32>
      tpu.vector_store %arg6[%swap3A_356, %swap3A_357], %swap3A_360 {strides = array<i32>} : memref<32x1024xf32, #tpu.memory_space<vmem>>, vector<1x16xf32>,
      %get3A_361 = arith.index_cast %scan3A_151 : i32 to index
      %get3A_362 = arith.constant 240 : index
      %get3A_363 = tpu.vector_load %arg6[%get3A_361, %get3A_362] {strides = array<i32>} : memref<32x1024xf32, #tpu.memory_space<vmem>>, vector<1x16xf32>,
      %get3A_364 = vector.shape_cast %get3A_363 : vector<1x16xf32> to vector<16xf32>
      %get3A_365 = arith.index_cast %scan3A_151 : i32 to index
      %get3A_366 = arith.constant 240 : index
      %get3A_367 = tpu.vector_load %arg7[%get3A_365, %get3A_366] {strides = array<i32>} : memref<32x1024xf32, #tpu.memory_space<vmem>>, vector<1x16xf32>,
      %get3A_368 = vector.shape_cast %get3A_367 : vector<1x16xf32> to vector<16xf32>
      %add3A_369 = arith.addf %get3A_364, %get3A_368 : vector<16xf32>
      %swap3A_370 = arith.index_cast %scan3A_151 : i32 to index
      %swap3A_371 = arith.constant 240 : index
      %swap3A_372 = tpu.vector_load %arg6[%swap3A_370, %swap3A_371] {strides = array<i32>} : memref<32x1024xf32, #tpu.memory_space<vmem>>, vector<1x16xf32>,
      %swap3A_373 = vector.shape_cast %swap3A_372 : vector<1x16xf32> to vector<16xf32>
      %swap3A_374 = vector.shape_cast %add3A_369 : vector<16xf32> to vector<1x16xf32>
      tpu.vector_store %arg6[%swap3A_370, %swap3A_371], %swap3A_374 {strides = array<i32>} : memref<32x1024xf32, #tpu.memory_space<vmem>>, vector<1x16xf32>,
      %get3A_375 = arith.index_cast %scan3A_151 : i32 to index
      %get3A_376 = arith.constant 256 : index
      %get3A_377 = tpu.vector_load %arg6[%get3A_375, %get3A_376] {strides = array<i32>} : memref<32x1024xf32, #tpu.memory_space<vmem>>, vector<1x16xf32>,
      %get3A_378 = vector.shape_cast %get3A_377 : vector<1x16xf32> to vector<16xf32>
      %get3A_379 = arith.index_cast %scan3A_151 : i32 to index
      %get3A_380 = arith.constant 256 : index
      %get3A_381 = tpu.vector_load %arg7[%get3A_379, %get3A_380] {strides = array<i32>} : memref<32x1024xf32, #tpu.memory_space<vmem>>, vector<1x16xf32>,
      %get3A_382 = vector.shape_cast %get3A_381 : vector<1x16xf32> to vector<16xf32>
      %add3A_383 = arith.addf %get3A_378, %get3A_382 : vector<16xf32>
      %swap3A_384 = arith.index_cast %scan3A_151 : i32 to index
      %swap3A_385 = arith.constant 256 : index
      %swap3A_386 = tpu.vector_load %arg6[%swap3A_384, %swap3A_385] {strides = array<i32>} : memref<32x1024xf32, #tpu.memory_space<vmem>>, vector<1x16xf32>,
      %swap3A_387 = vector.shape_cast %swap3A_386 : vector<1x16xf32> to vector<16xf32>
      %swap3A_388 = vector.shape_cast %add3A_383 : vector<16xf32> to vector<1x16xf32>
      tpu.vector_store %arg6[%swap3A_384, %swap3A_385], %swap3A_388 {strides = array<i32>} : memref<32x1024xf32, #tpu.memory_space<vmem>>, vector<1x16xf32>,
      %get3A_389 = arith.index_cast %scan3A_151 : i32 to index
      %get3A_390 = arith.constant 272 : index
      %get3A_391 = tpu.vector_load %arg6[%get3A_389, %get3A_390] {strides = array<i32>} : memref<32x1024xf32, #tpu.memory_space<vmem>>, vector<1x16xf32>,
      %get3A_392 = vector.shape_cast %get3A_391 : vector<1x16xf32> to vector<16xf32>
      %get3A_393 = arith.index_cast %scan3A_151 : i32 to index
      %get3A_394 = arith.constant 272 : index
      %get3A_395 = tpu.vector_load %arg7[%get3A_393, %get3A_394] {strides = array<i32>} : memref<32x1024xf32, #tpu.memory_space<vmem>>, vector<1x16xf32>,
      %get3A_396 = vector.shape_cast %get3A_395 : vector<1x16xf32> to vector<16xf32>
      %add3A_397 = arith.addf %get3A_392, %get3A_396 : vector<16xf32>
      %swap3A_398 = arith.index_cast %scan3A_151 : i32 to index
      %swap3A_399 = arith.constant 272 : index
      %swap3A_400 = tpu.vector_load %arg6[%swap3A_398, %swap3A_399] {strides = array<i32>} : memref<32x1024xf32, #tpu.memory_space<vmem>>, vector<1x16xf32>,
      %swap3A_401 = vector.shape_cast %swap3A_400 : vector<1x16xf32> to vector<16xf32>
      %swap3A_402 = vector.shape_cast %add3A_397 : vector<16xf32> to vector<1x16xf32>
      tpu.vector_store %arg6[%swap3A_398, %swap3A_399], %swap3A_402 {strides = array<i32>} : memref<32x1024xf32, #tpu.memory_space<vmem>>, vector<1x16xf32>,
      %get3A_403 = arith.index_cast %scan3A_151 : i32 to index
      %get3A_404 = arith.constant 288 : index
      %get3A_405 = tpu.vector_load %arg6[%get3A_403, %get3A_404] {strides = array<i32>} : memref<32x1024xf32, #tpu.memory_space<vmem>>, vector<1x16xf32>,
      %get3A_406 = vector.shape_cast %get3A_405 : vector<1x16xf32> to vector<16xf32>
      %get3A_407 = arith.index_cast %scan3A_151 : i32 to index
      %get3A_408 = arith.constant 288 : index
      %get3A_409 = tpu.vector_load %arg7[%get3A_407, %get3A_408] {strides = array<i32>} : memref<32x1024xf32, #tpu.memory_space<vmem>>, vector<1x16xf32>,
      %get3A_410 = vector.shape_cast %get3A_409 : vector<1x16xf32> to vector<16xf32>
      %add3A_411 = arith.addf %get3A_406, %get3A_410 : vector<16xf32>
      %swap3A_412 = arith.index_cast %scan3A_151 : i32 to index
      %swap3A_413 = arith.constant 288 : index
      %swap3A_414 = tpu.vector_load %arg6[%swap3A_412, %swap3A_413] {strides = array<i32>} : memref<32x1024xf32, #tpu.memory_space<vmem>>, vector<1x16xf32>,
      %swap3A_415 = vector.shape_cast %swap3A_414 : vector<1x16xf32> to vector<16xf32>
      %swap3A_416 = vector.shape_cast %add3A_411 : vector<16xf32> to vector<1x16xf32>
      tpu.vector_store %arg6[%swap3A_412, %swap3A_413], %swap3A_416 {strides = array<i32>} : memref<32x1024xf32, #tpu.memory_space<vmem>>, vector<1x16xf32>,
      %get3A_417 = arith.index_cast %scan3A_151 : i32 to index
      %get3A_418 = arith.constant 304 : index
      %get3A_419 = tpu.vector_load %arg6[%get3A_417, %get3A_418] {strides = array<i32>} : memref<32x1024xf32, #tpu.memory_space<vmem>>, vector<1x16xf32>,
      %get3A_420 = vector.shape_cast %get3A_419 : vector<1x16xf32> to vector<16xf32>
      %get3A_421 = arith.index_cast %scan3A_151 : i32 to index
      %get3A_422 = arith.constant 304 : index
      %get3A_423 = tpu.vector_load %arg7[%get3A_421, %get3A_422] {strides = array<i32>} : memref<32x1024xf32, #tpu.memory_space<vmem>>, vector<1x16xf32>,
      %get3A_424 = vector.shape_cast %get3A_423 : vector<1x16xf32> to vector<16xf32>
      %add3A_425 = arith.addf %get3A_420, %get3A_424 : vector<16xf32>
      %swap3A_426 = arith.index_cast %scan3A_151 : i32 to index
      %swap3A_427 = arith.constant 304 : index
      %swap3A_428 = tpu.vector_load %arg6[%swap3A_426, %swap3A_427] {strides = array<i32>} : memref<32x1024xf32, #tpu.memory_space<vmem>>, vector<1x16xf32>,
      %swap3A_429 = vector.shape_cast %swap3A_428 : vector<1x16xf32> to vector<16xf32>
      %swap3A_430 = vector.shape_cast %add3A_425 : vector<16xf32> to vector<1x16xf32>
      tpu.vector_store %arg6[%swap3A_426, %swap3A_427], %swap3A_430 {strides = array<i32>} : memref<32x1024xf32, #tpu.memory_space<vmem>>, vector<1x16xf32>,
      %get3A_431 = arith.index_cast %scan3A_151 : i32 to index
      %get3A_432 = arith.constant 320 : index
      %get3A_433 = tpu.vector_load %arg6[%get3A_431, %get3A_432] {strides = array<i32>} : memref<32x1024xf32, #tpu.memory_space<vmem>>, vector<1x16xf32>,
      %get3A_434 = vector.shape_cast %get3A_433 : vector<1x16xf32> to vector<16xf32>
      %get3A_435 = arith.index_cast %scan3A_151 : i32 to index
      %get3A_436 = arith.constant 320 : index
      %get3A_437 = tpu.vector_load %arg7[%get3A_435, %get3A_436] {strides = array<i32>} : memref<32x1024xf32, #tpu.memory_space<vmem>>, vector<1x16xf32>,
      %get3A_438 = vector.shape_cast %get3A_437 : vector<1x16xf32> to vector<16xf32>
      %add3A_439 = arith.addf %get3A_434, %get3A_438 : vector<16xf32>
      %swap3A_440 = arith.index_cast %scan3A_151 : i32 to index
      %swap3A_441 = arith.constant 320 : index
      %swap3A_442 = tpu.vector_load %arg6[%swap3A_440, %swap3A_441] {strides = array<i32>} : memref<32x1024xf32, #tpu.memory_space<vmem>>, vector<1x16xf32>,
      %swap3A_443 = vector.shape_cast %swap3A_442 : vector<1x16xf32> to vector<16xf32>
      %swap3A_444 = vector.shape_cast %add3A_439 : vector<16xf32> to vector<1x16xf32>
      tpu.vector_store %arg6[%swap3A_440, %swap3A_441], %swap3A_444 {strides = array<i32>} : memref<32x1024xf32, #tpu.memory_space<vmem>>, vector<1x16xf32>,
      %get3A_445 = arith.index_cast %scan3A_151 : i32 to index
      %get3A_446 = arith.constant 336 : index
      %get3A_447 = tpu.vector_load %arg6[%get3A_445, %get3A_446] {strides = array<i32>} : memref<32x1024xf32, #tpu.memory_space<vmem>>, vector<1x16xf32>,
      %get3A_448 = vector.shape_cast %get3A_447 : vector<1x16xf32> to vector<16xf32>
      %get3A_449 = arith.index_cast %scan3A_151 : i32 to index
      %get3A_450 = arith.constant 336 : index
      %get3A_451 = tpu.vector_load %arg7[%get3A_449, %get3A_450] {strides = array<i32>} : memref<32x1024xf32, #tpu.memory_space<vmem>>, vector<1x16xf32>,
      %get3A_452 = vector.shape_cast %get3A_451 : vector<1x16xf32> to vector<16xf32>
      %add3A_453 = arith.addf %get3A_448, %get3A_452 : vector<16xf32>
      %swap3A_454 = arith.index_cast %scan3A_151 : i32 to index
      %swap3A_455 = arith.constant 336 : index
      %swap3A_456 = tpu.vector_load %arg6[%swap3A_454, %swap3A_455] {strides = array<i32>} : memref<32x1024xf32, #tpu.memory_space<vmem>>, vector<1x16xf32>,
      %swap3A_457 = vector.shape_cast %swap3A_456 : vector<1x16xf32> to vector<16xf32>
      %swap3A_458 = vector.shape_cast %add3A_453 : vector<16xf32> to vector<1x16xf32>
      tpu.vector_store %arg6[%swap3A_454, %swap3A_455], %swap3A_458 {strides = array<i32>} : memref<32x1024xf32, #tpu.memory_space<vmem>>, vector<1x16xf32>,
      %get3A_459 = arith.index_cast %scan3A_151 : i32 to index
      %get3A_460 = arith.constant 352 : index
      %get3A_461 = tpu.vector_load %arg6[%get3A_459, %get3A_460] {strides = array<i32>} : memref<32x1024xf32, #tpu.memory_space<vmem>>, vector<1x16xf32>,
      %get3A_462 = vector.shape_cast %get3A_461 : vector<1x16xf32> to vector<16xf32>
      %get3A_463 = arith.index_cast %scan3A_151 : i32 to index
      %get3A_464 = arith.constant 352 : index
      %get3A_465 = tpu.vector_load %arg7[%get3A_463, %get3A_464] {strides = array<i32>} : memref<32x1024xf32, #tpu.memory_space<vmem>>, vector<1x16xf32>,
      %get3A_466 = vector.shape_cast %get3A_465 : vector<1x16xf32> to vector<16xf32>
      %add3A_467 = arith.addf %get3A_462, %get3A_466 : vector<16xf32>
      %swap3A_468 = arith.index_cast %scan3A_151 : i32 to index
      %swap3A_469 = arith.constant 352 : index
      %swap3A_470 = tpu.vector_load %arg6[%swap3A_468, %swap3A_469] {strides = array<i32>} : memref<32x1024xf32, #tpu.memory_space<vmem>>, vector<1x16xf32>,
      %swap3A_471 = vector.shape_cast %swap3A_470 : vector<1x16xf32> to vector<16xf32>
      %swap3A_472 = vector.shape_cast %add3A_467 : vector<16xf32> to vector<1x16xf32>
      tpu.vector_store %arg6[%swap3A_468, %swap3A_469], %swap3A_472 {strides = array<i32>} : memref<32x1024xf32, #tpu.memory_space<vmem>>, vector<1x16xf32>,
      %get3A_473 = arith.index_cast %scan3A_151 : i32 to index
      %get3A_474 = arith.constant 368 : index
      %get3A_475 = tpu.vector_load %arg6[%get3A_473, %get3A_474] {strides = array<i32>} : memref<32x1024xf32, #tpu.memory_space<vmem>>, vector<1x16xf32>,
      %get3A_476 = vector.shape_cast %get3A_475 : vector<1x16xf32> to vector<16xf32>
      %get3A_477 = arith.index_cast %scan3A_151 : i32 to index
      %get3A_478 = arith.constant 368 : index
      %get3A_479 = tpu.vector_load %arg7[%get3A_477, %get3A_478] {strides = array<i32>} : memref<32x1024xf32, #tpu.memory_space<vmem>>, vector<1x16xf32>,
      %get3A_480 = vector.shape_cast %get3A_479 : vector<1x16xf32> to vector<16xf32>
      %add3A_481 = arith.addf %get3A_476, %get3A_480 : vector<16xf32>
      %swap3A_482 = arith.index_cast %scan3A_151 : i32 to index
      %swap3A_483 = arith.constant 368 : index
      %swap3A_484 = tpu.vector_load %arg6[%swap3A_482, %swap3A_483] {strides = array<i32>} : memref<32x1024xf32, #tpu.memory_space<vmem>>, vector<1x16xf32>,
      %swap3A_485 = vector.shape_cast %swap3A_484 : vector<1x16xf32> to vector<16xf32>
      %swap3A_486 = vector.shape_cast %add3A_481 : vector<16xf32> to vector<1x16xf32>
      tpu.vector_store %arg6[%swap3A_482, %swap3A_483], %swap3A_486 {strides = array<i32>} : memref<32x1024xf32, #tpu.memory_space<vmem>>, vector<1x16xf32>,
      %get3A_487 = arith.index_cast %scan3A_151 : i32 to index
      %get3A_488 = arith.constant 384 : index
      %get3A_489 = tpu.vector_load %arg6[%get3A_487, %get3A_488] {strides = array<i32>} : memref<32x1024xf32, #tpu.memory_space<vmem>>, vector<1x16xf32>,
      %get3A_490 = vector.shape_cast %get3A_489 : vector<1x16xf32> to vector<16xf32>
      %get3A_491 = arith.index_cast %scan3A_151 : i32 to index
      %get3A_492 = arith.constant 384 : index
      %get3A_493 = tpu.vector_load %arg7[%get3A_491, %get3A_492] {strides = array<i32>} : memref<32x1024xf32, #tpu.memory_space<vmem>>, vector<1x16xf32>,
      %get3A_494 = vector.shape_cast %get3A_493 : vector<1x16xf32> to vector<16xf32>
      %add3A_495 = arith.addf %get3A_490, %get3A_494 : vector<16xf32>
      %swap3A_496 = arith.index_cast %scan3A_151 : i32 to index
      %swap3A_497 = arith.constant 384 : index
      %swap3A_498 = tpu.vector_load %arg6[%swap3A_496, %swap3A_497] {strides = array<i32>} : memref<32x1024xf32, #tpu.memory_space<vmem>>, vector<1x16xf32>,
      %swap3A_499 = vector.shape_cast %swap3A_498 : vector<1x16xf32> to vector<16xf32>
      %swap3A_500 = vector.shape_cast %add3A_495 : vector<16xf32> to vector<1x16xf32>
      tpu.vector_store %arg6[%swap3A_496, %swap3A_497], %swap3A_500 {strides = array<i32>} : memref<32x1024xf32, #tpu.memory_space<vmem>>, vector<1x16xf32>,
      %get3A_501 = arith.index_cast %scan3A_151 : i32 to index
      %get3A_502 = arith.constant 400 : index
      %get3A_503 = tpu.vector_load %arg6[%get3A_501, %get3A_502] {strides = array<i32>} : memref<32x1024xf32, #tpu.memory_space<vmem>>, vector<1x16xf32>,
      %get3A_504 = vector.shape_cast %get3A_503 : vector<1x16xf32> to vector<16xf32>
      %get3A_505 = arith.index_cast %scan3A_151 : i32 to index
      %get3A_506 = arith.constant 400 : index
      %get3A_507 = tpu.vector_load %arg7[%get3A_505, %get3A_506] {strides = array<i32>} : memref<32x1024xf32, #tpu.memory_space<vmem>>, vector<1x16xf32>,
      %get3A_508 = vector.shape_cast %get3A_507 : vector<1x16xf32> to vector<16xf32>
      %add3A_509 = arith.addf %get3A_504, %get3A_508 : vector<16xf32>
      %swap3A_510 = arith.index_cast %scan3A_151 : i32 to index
      %swap3A_511 = arith.constant 400 : index
      %swap3A_512 = tpu.vector_load %arg6[%swap3A_510, %swap3A_511] {strides = array<i32>} : memref<32x1024xf32, #tpu.memory_space<vmem>>, vector<1x16xf32>,
      %swap3A_513 = vector.shape_cast %swap3A_512 : vector<1x16xf32> to vector<16xf32>
      %swap3A_514 = vector.shape_cast %add3A_509 : vector<16xf32> to vector<1x16xf32>
      tpu.vector_store %arg6[%swap3A_510, %swap3A_511], %swap3A_514 {strides = array<i32>} : memref<32x1024xf32, #tpu.memory_space<vmem>>, vector<1x16xf32>,
      %get3A_515 = arith.index_cast %scan3A_151 : i32 to index
      %get3A_516 = arith.constant 416 : index
      %get3A_517 = tpu.vector_load %arg6[%get3A_515, %get3A_516] {strides = array<i32>} : memref<32x1024xf32, #tpu.memory_space<vmem>>, vector<1x16xf32>,
      %get3A_518 = vector.shape_cast %get3A_517 : vector<1x16xf32> to vector<16xf32>
      %get3A_519 = arith.index_cast %scan3A_151 : i32 to index
      %get3A_520 = arith.constant 416 : index
      %get3A_521 = tpu.vector_load %arg7[%get3A_519, %get3A_520] {strides = array<i32>} : memref<32x1024xf32, #tpu.memory_space<vmem>>, vector<1x16xf32>,
      %get3A_522 = vector.shape_cast %get3A_521 : vector<1x16xf32> to vector<16xf32>
      %add3A_523 = arith.addf %get3A_518, %get3A_522 : vector<16xf32>
      %swap3A_524 = arith.index_cast %scan3A_151 : i32 to index
      %swap3A_525 = arith.constant 416 : index
      %swap3A_526 = tpu.vector_load %arg6[%swap3A_524, %swap3A_525] {strides = array<i32>} : memref<32x1024xf32, #tpu.memory_space<vmem>>, vector<1x16xf32>,
      %swap3A_527 = vector.shape_cast %swap3A_526 : vector<1x16xf32> to vector<16xf32>
      %swap3A_528 = vector.shape_cast %add3A_523 : vector<16xf32> to vector<1x16xf32>
      tpu.vector_store %arg6[%swap3A_524, %swap3A_525], %swap3A_528 {strides = array<i32>} : memref<32x1024xf32, #tpu.memory_space<vmem>>, vector<1x16xf32>,
      %get3A_529 = arith.index_cast %scan3A_151 : i32 to index
      %get3A_530 = arith.constant 432 : index
      %get3A_531 = tpu.vector_load %arg6[%get3A_529, %get3A_530] {strides = array<i32>} : memref<32x1024xf32, #tpu.memory_space<vmem>>, vector<1x16xf32>,
      %get3A_532 = vector.shape_cast %get3A_531 : vector<1x16xf32> to vector<16xf32>
      %get3A_533 = arith.index_cast %scan3A_151 : i32 to index
      %get3A_534 = arith.constant 432 : index
      %get3A_535 = tpu.vector_load %arg7[%get3A_533, %get3A_534] {strides = array<i32>} : memref<32x1024xf32, #tpu.memory_space<vmem>>, vector<1x16xf32>,
      %get3A_536 = vector.shape_cast %get3A_535 : vector<1x16xf32> to vector<16xf32>
      %add3A_537 = arith.addf %get3A_532, %get3A_536 : vector<16xf32>
      %swap3A_538 = arith.index_cast %scan3A_151 : i32 to index
      %swap3A_539 = arith.constant 432 : index
      %swap3A_540 = tpu.vector_load %arg6[%swap3A_538, %swap3A_539] {strides = array<i32>} : memref<32x1024xf32, #tpu.memory_space<vmem>>, vector<1x16xf32>,
      %swap3A_541 = vector.shape_cast %swap3A_540 : vector<1x16xf32> to vector<16xf32>
      %swap3A_542 = vector.shape_cast %add3A_537 : vector<16xf32> to vector<1x16xf32>
      tpu.vector_store %arg6[%swap3A_538, %swap3A_539], %swap3A_542 {strides = array<i32>} : memref<32x1024xf32, #tpu.memory_space<vmem>>, vector<1x16xf32>,
      %get3A_543 = arith.index_cast %scan3A_151 : i32 to index
      %get3A_544 = arith.constant 448 : index
      %get3A_545 = tpu.vector_load %arg6[%get3A_543, %get3A_544] {strides = array<i32>} : memref<32x1024xf32, #tpu.memory_space<vmem>>, vector<1x16xf32>,
      %get3A_546 = vector.shape_cast %get3A_545 : vector<1x16xf32> to vector<16xf32>
      %get3A_547 = arith.index_cast %scan3A_151 : i32 to index
      %get3A_548 = arith.constant 448 : index
      %get3A_549 = tpu.vector_load %arg7[%get3A_547, %get3A_548] {strides = array<i32>} : memref<32x1024xf32, #tpu.memory_space<vmem>>, vector<1x16xf32>,
      %get3A_550 = vector.shape_cast %get3A_549 : vector<1x16xf32> to vector<16xf32>
      %add3A_551 = arith.addf %get3A_546, %get3A_550 : vector<16xf32>
      %swap3A_552 = arith.index_cast %scan3A_151 : i32 to index
      %swap3A_553 = arith.constant 448 : index
      %swap3A_554 = tpu.vector_load %arg6[%swap3A_552, %swap3A_553] {strides = array<i32>} : memref<32x1024xf32, #tpu.memory_space<vmem>>, vector<1x16xf32>,
      %swap3A_555 = vector.shape_cast %swap3A_554 : vector<1x16xf32> to vector<16xf32>
      %swap3A_556 = vector.shape_cast %add3A_551 : vector<16xf32> to vector<1x16xf32>
      tpu.vector_store %arg6[%swap3A_552, %swap3A_553], %swap3A_556 {strides = array<i32>} : memref<32x1024xf32, #tpu.memory_space<vmem>>, vector<1x16xf32>,
      %get3A_557 = arith.index_cast %scan3A_151 : i32 to index
      %get3A_558 = arith.constant 464 : index
      %get3A_559 = tpu.vector_load %arg6[%get3A_557, %get3A_558] {strides = array<i32>} : memref<32x1024xf32, #tpu.memory_space<vmem>>, vector<1x16xf32>,
      %get3A_560 = vector.shape_cast %get3A_559 : vector<1x16xf32> to vector<16xf32>
      %get3A_561 = arith.index_cast %scan3A_151 : i32 to index
      %get3A_562 = arith.constant 464 : index
      %get3A_563 = tpu.vector_load %arg7[%get3A_561, %get3A_562] {strides = array<i32>} : memref<32x1024xf32, #tpu.memory_space<vmem>>, vector<1x16xf32>,
      %get3A_564 = vector.shape_cast %get3A_563 : vector<1x16xf32> to vector<16xf32>
      %add3A_565 = arith.addf %get3A_560, %get3A_564 : vector<16xf32>
      %swap3A_566 = arith.index_cast %scan3A_151 : i32 to index
      %swap3A_567 = arith.constant 464 : index
      %swap3A_568 = tpu.vector_load %arg6[%swap3A_566, %swap3A_567] {strides = array<i32>} : memref<32x1024xf32, #tpu.memory_space<vmem>>, vector<1x16xf32>,
      %swap3A_569 = vector.shape_cast %swap3A_568 : vector<1x16xf32> to vector<16xf32>
      %swap3A_570 = vector.shape_cast %add3A_565 : vector<16xf32> to vector<1x16xf32>
      tpu.vector_store %arg6[%swap3A_566, %swap3A_567], %swap3A_570 {strides = array<i32>} : memref<32x1024xf32, #tpu.memory_space<vmem>>, vector<1x16xf32>,
      %get3A_571 = arith.index_cast %scan3A_151 : i32 to index
      %get3A_572 = arith.constant 480 : index
      %get3A_573 = tpu.vector_load %arg6[%get3A_571, %get3A_572] {strides = array<i32>} : memref<32x1024xf32, #tpu.memory_space<vmem>>, vector<1x16xf32>,
      %get3A_574 = vector.shape_cast %get3A_573 : vector<1x16xf32> to vector<16xf32>
      %get3A_575 = arith.index_cast %scan3A_151 : i32 to index
      %get3A_576 = arith.constant 480 : index
      %get3A_577 = tpu.vector_load %arg7[%get3A_575, %get3A_576] {strides = array<i32>} : memref<32x1024xf32, #tpu.memory_space<vmem>>, vector<1x16xf32>,
      %get3A_578 = vector.shape_cast %get3A_577 : vector<1x16xf32> to vector<16xf32>
      %add3A_579 = arith.addf %get3A_574, %get3A_578 : vector<16xf32>
      %swap3A_580 = arith.index_cast %scan3A_151 : i32 to index
      %swap3A_581 = arith.constant 480 : index
      %swap3A_582 = tpu.vector_load %arg6[%swap3A_580, %swap3A_581] {strides = array<i32>} : memref<32x1024xf32, #tpu.memory_space<vmem>>, vector<1x16xf32>,
      %swap3A_583 = vector.shape_cast %swap3A_582 : vector<1x16xf32> to vector<16xf32>
      %swap3A_584 = vector.shape_cast %add3A_579 : vector<16xf32> to vector<1x16xf32>
      tpu.vector_store %arg6[%swap3A_580, %swap3A_581], %swap3A_584 {strides = array<i32>} : memref<32x1024xf32, #tpu.memory_space<vmem>>, vector<1x16xf32>,
      %get3A_585 = arith.index_cast %scan3A_151 : i32 to index
      %get3A_586 = arith.constant 496 : index
      %get3A_587 = tpu.vector_load %arg6[%get3A_585, %get3A_586] {strides = array<i32>} : memref<32x1024xf32, #tpu.memory_space<vmem>>, vector<1x16xf32>,
      %get3A_588 = vector.shape_cast %get3A_587 : vector<1x16xf32> to vector<16xf32>
      %get3A_589 = arith.index_cast %scan3A_151 : i32 to index
      %get3A_590 = arith.constant 496 : index
      %get3A_591 = tpu.vector_load %arg7[%get3A_589, %get3A_590] {strides = array<i32>} : memref<32x1024xf32, #tpu.memory_space<vmem>>, vector<1x16xf32>,
      %get3A_592 = vector.shape_cast %get3A_591 : vector<1x16xf32> to vector<16xf32>
      %add3A_593 = arith.addf %get3A_588, %get3A_592 : vector<16xf32>
      %swap3A_594 = arith.index_cast %scan3A_151 : i32 to index
      %swap3A_595 = arith.constant 496 : index
      %swap3A_596 = tpu.vector_load %arg6[%swap3A_594, %swap3A_595] {strides = array<i32>} : memref<32x1024xf32, #tpu.memory_space<vmem>>, vector<1x16xf32>,
      %swap3A_597 = vector.shape_cast %swap3A_596 : vector<1x16xf32> to vector<16xf32>
      %swap3A_598 = vector.shape_cast %add3A_593 : vector<16xf32> to vector<1x16xf32>
      tpu.vector_store %arg6[%swap3A_594, %swap3A_595], %swap3A_598 {strides = array<i32>} : memref<32x1024xf32, #tpu.memory_space<vmem>>, vector<1x16xf32>,
      %get3A_599 = arith.index_cast %scan3A_151 : i32 to index
      %get3A_600 = arith.constant 512 : index
      %get3A_601 = tpu.vector_load %arg6[%get3A_599, %get3A_600] {strides = array<i32>} : memref<32x1024xf32, #tpu.memory_space<vmem>>, vector<1x16xf32>,
      %get3A_602 = vector.shape_cast %get3A_601 : vector<1x16xf32> to vector<16xf32>
      %get3A_603 = arith.index_cast %scan3A_151 : i32 to index
      %get3A_604 = arith.constant 512 : index
      %get3A_605 = tpu.vector_load %arg7[%get3A_603, %get3A_604] {strides = array<i32>} : memref<32x1024xf32, #tpu.memory_space<vmem>>, vector<1x16xf32>,
      %get3A_606 = vector.shape_cast %get3A_605 : vector<1x16xf32> to vector<16xf32>
      %add3A_607 = arith.addf %get3A_602, %get3A_606 : vector<16xf32>
      %swap3A_608 = arith.index_cast %scan3A_151 : i32 to index
      %swap3A_609 = arith.constant 512 : index
      %swap3A_610 = tpu.vector_load %arg6[%swap3A_608, %swap3A_609] {strides = array<i32>} : memref<32x1024xf32, #tpu.memory_space<vmem>>, vector<1x16xf32>,
      %swap3A_611 = vector.shape_cast %swap3A_610 : vector<1x16xf32> to vector<16xf32>
      %swap3A_612 = vector.shape_cast %add3A_607 : vector<16xf32> to vector<1x16xf32>
      tpu.vector_store %arg6[%swap3A_608, %swap3A_609], %swap3A_612 {strides = array<i32>} : memref<32x1024xf32, #tpu.memory_space<vmem>>, vector<1x16xf32>,
      %get3A_613 = arith.index_cast %scan3A_151 : i32 to index
      %get3A_614 = arith.constant 528 : index
      %get3A_615 = tpu.vector_load %arg6[%get3A_613, %get3A_614] {strides = array<i32>} : memref<32x1024xf32, #tpu.memory_space<vmem>>, vector<1x16xf32>,
      %get3A_616 = vector.shape_cast %get3A_615 : vector<1x16xf32> to vector<16xf32>
      %get3A_617 = arith.index_cast %scan3A_151 : i32 to index
      %get3A_618 = arith.constant 528 : index
      %get3A_619 = tpu.vector_load %arg7[%get3A_617, %get3A_618] {strides = array<i32>} : memref<32x1024xf32, #tpu.memory_space<vmem>>, vector<1x16xf32>,
      %get3A_620 = vector.shape_cast %get3A_619 : vector<1x16xf32> to vector<16xf32>
      %add3A_621 = arith.addf %get3A_616, %get3A_620 : vector<16xf32>
      %swap3A_622 = arith.index_cast %scan3A_151 : i32 to index
      %swap3A_623 = arith.constant 528 : index
      %swap3A_624 = tpu.vector_load %arg6[%swap3A_622, %swap3A_623] {strides = array<i32>} : memref<32x1024xf32, #tpu.memory_space<vmem>>, vector<1x16xf32>,
      %swap3A_625 = vector.shape_cast %swap3A_624 : vector<1x16xf32> to vector<16xf32>
      %swap3A_626 = vector.shape_cast %add3A_621 : vector<16xf32> to vector<1x16xf32>
      tpu.vector_store %arg6[%swap3A_622, %swap3A_623], %swap3A_626 {strides = array<i32>} : memref<32x1024xf32, #tpu.memory_space<vmem>>, vector<1x16xf32>,
      %get3A_627 = arith.index_cast %scan3A_151 : i32 to index
      %get3A_628 = arith.constant 544 : index
      %get3A_629 = tpu.vector_load %arg6[%get3A_627, %get3A_628] {strides = array<i32>} : memref<32x1024xf32, #tpu.memory_space<vmem>>, vector<1x16xf32>,
      %get3A_630 = vector.shape_cast %get3A_629 : vector<1x16xf32> to vector<16xf32>
      %get3A_631 = arith.index_cast %scan3A_151 : i32 to index
      %get3A_632 = arith.constant 544 : index
      %get3A_633 = tpu.vector_load %arg7[%get3A_631, %get3A_632] {strides = array<i32>} : memref<32x1024xf32, #tpu.memory_space<vmem>>, vector<1x16xf32>,
      %get3A_634 = vector.shape_cast %get3A_633 : vector<1x16xf32> to vector<16xf32>
      %add3A_635 = arith.addf %get3A_630, %get3A_634 : vector<16xf32>
      %swap3A_636 = arith.index_cast %scan3A_151 : i32 to index
      %swap3A_637 = arith.constant 544 : index
      %swap3A_638 = tpu.vector_load %arg6[%swap3A_636, %swap3A_637] {strides = array<i32>} : memref<32x1024xf32, #tpu.memory_space<vmem>>, vector<1x16xf32>,
      %swap3A_639 = vector.shape_cast %swap3A_638 : vector<1x16xf32> to vector<16xf32>
      %swap3A_640 = vector.shape_cast %add3A_635 : vector<16xf32> to vector<1x16xf32>
      tpu.vector_store %arg6[%swap3A_636, %swap3A_637], %swap3A_640 {strides = array<i32>} : memref<32x1024xf32, #tpu.memory_space<vmem>>, vector<1x16xf32>,
      %get3A_641 = arith.index_cast %scan3A_151 : i32 to index
      %get3A_642 = arith.constant 560 : index
      %get3A_643 = tpu.vector_load %arg6[%get3A_641, %get3A_642] {strides = array<i32>} : memref<32x1024xf32, #tpu.memory_space<vmem>>, vector<1x16xf32>,
      %get3A_644 = vector.shape_cast %get3A_643 : vector<1x16xf32> to vector<16xf32>
      %get3A_645 = arith.index_cast %scan3A_151 : i32 to index
      %get3A_646 = arith.constant 560 : index
      %get3A_647 = tpu.vector_load %arg7[%get3A_645, %get3A_646] {strides = array<i32>} : memref<32x1024xf32, #tpu.memory_space<vmem>>, vector<1x16xf32>,
      %get3A_648 = vector.shape_cast %get3A_647 : vector<1x16xf32> to vector<16xf32>
      %add3A_649 = arith.addf %get3A_644, %get3A_648 : vector<16xf32>
      %swap3A_650 = arith.index_cast %scan3A_151 : i32 to index
      %swap3A_651 = arith.constant 560 : index
      %swap3A_652 = tpu.vector_load %arg6[%swap3A_650, %swap3A_651] {strides = array<i32>} : memref<32x1024xf32, #tpu.memory_space<vmem>>, vector<1x16xf32>,
      %swap3A_653 = vector.shape_cast %swap3A_652 : vector<1x16xf32> to vector<16xf32>
      %swap3A_654 = vector.shape_cast %add3A_649 : vector<16xf32> to vector<1x16xf32>
      tpu.vector_store %arg6[%swap3A_650, %swap3A_651], %swap3A_654 {strides = array<i32>} : memref<32x1024xf32, #tpu.memory_space<vmem>>, vector<1x16xf32>,
      %get3A_655 = arith.index_cast %scan3A_151 : i32 to index
      %get3A_656 = arith.constant 576 : index
      %get3A_657 = tpu.vector_load %arg6[%get3A_655, %get3A_656] {strides = array<i32>} : memref<32x1024xf32, #tpu.memory_space<vmem>>, vector<1x16xf32>,
      %get3A_658 = vector.shape_cast %get3A_657 : vector<1x16xf32> to vector<16xf32>
      %get3A_659 = arith.index_cast %scan3A_151 : i32 to index
      %get3A_660 = arith.constant 576 : index
      %get3A_661 = tpu.vector_load %arg7[%get3A_659, %get3A_660] {strides = array<i32>} : memref<32x1024xf32, #tpu.memory_space<vmem>>, vector<1x16xf32>,
      %get3A_662 = vector.shape_cast %get3A_661 : vector<1x16xf32> to vector<16xf32>
      %add3A_663 = arith.addf %get3A_658, %get3A_662 : vector<16xf32>
      %swap3A_664 = arith.index_cast %scan3A_151 : i32 to index
      %swap3A_665 = arith.constant 576 : index
      %swap3A_666 = tpu.vector_load %arg6[%swap3A_664, %swap3A_665] {strides = array<i32>} : memref<32x1024xf32, #tpu.memory_space<vmem>>, vector<1x16xf32>,
      %swap3A_667 = vector.shape_cast %swap3A_666 : vector<1x16xf32> to vector<16xf32>
      %swap3A_668 = vector.shape_cast %add3A_663 : vector<16xf32> to vector<1x16xf32>
      tpu.vector_store %arg6[%swap3A_664, %swap3A_665], %swap3A_668 {strides = array<i32>} : memref<32x1024xf32, #tpu.memory_space<vmem>>, vector<1x16xf32>,
      %get3A_669 = arith.index_cast %scan3A_151 : i32 to index
      %get3A_670 = arith.constant 592 : index
      %get3A_671 = tpu.vector_load %arg6[%get3A_669, %get3A_670] {strides = array<i32>} : memref<32x1024xf32, #tpu.memory_space<vmem>>, vector<1x16xf32>,
      %get3A_672 = vector.shape_cast %get3A_671 : vector<1x16xf32> to vector<16xf32>
      %get3A_673 = arith.index_cast %scan3A_151 : i32 to index
      %get3A_674 = arith.constant 592 : index
      %get3A_675 = tpu.vector_load %arg7[%get3A_673, %get3A_674] {strides = array<i32>} : memref<32x1024xf32, #tpu.memory_space<vmem>>, vector<1x16xf32>,
      %get3A_676 = vector.shape_cast %get3A_675 : vector<1x16xf32> to vector<16xf32>
      %add3A_677 = arith.addf %get3A_672, %get3A_676 : vector<16xf32>
      %swap3A_678 = arith.index_cast %scan3A_151 : i32 to index
      %swap3A_679 = arith.constant 592 : index
      %swap3A_680 = tpu.vector_load %arg6[%swap3A_678, %swap3A_679] {strides = array<i32>} : memref<32x1024xf32, #tpu.memory_space<vmem>>, vector<1x16xf32>,
      %swap3A_681 = vector.shape_cast %swap3A_680 : vector<1x16xf32> to vector<16xf32>
      %swap3A_682 = vector.shape_cast %add3A_677 : vector<16xf32> to vector<1x16xf32>
      tpu.vector_store %arg6[%swap3A_678, %swap3A_679], %swap3A_682 {strides = array<i32>} : memref<32x1024xf32, #tpu.memory_space<vmem>>, vector<1x16xf32>,
      %get3A_683 = arith.index_cast %scan3A_151 : i32 to index
      %get3A_684 = arith.constant 608 : index
      %get3A_685 = tpu.vector_load %arg6[%get3A_683, %get3A_684] {strides = array<i32>} : memref<32x1024xf32, #tpu.memory_space<vmem>>, vector<1x16xf32>,
      %get3A_686 = vector.shape_cast %get3A_685 : vector<1x16xf32> to vector<16xf32>
      %get3A_687 = arith.index_cast %scan3A_151 : i32 to index
      %get3A_688 = arith.constant 608 : index
      %get3A_689 = tpu.vector_load %arg7[%get3A_687, %get3A_688] {strides = array<i32>} : memref<32x1024xf32, #tpu.memory_space<vmem>>, vector<1x16xf32>,
      %get3A_690 = vector.shape_cast %get3A_689 : vector<1x16xf32> to vector<16xf32>
      %add3A_691 = arith.addf %get3A_686, %get3A_690 : vector<16xf32>
      %swap3A_692 = arith.index_cast %scan3A_151 : i32 to index
      %swap3A_693 = arith.constant 608 : index
      %swap3A_694 = tpu.vector_load %arg6[%swap3A_692, %swap3A_693] {strides = array<i32>} : memref<32x1024xf32, #tpu.memory_space<vmem>>, vector<1x16xf32>,
      %swap3A_695 = vector.shape_cast %swap3A_694 : vector<1x16xf32> to vector<16xf32>
      %swap3A_696 = vector.shape_cast %add3A_691 : vector<16xf32> to vector<1x16xf32>
      tpu.vector_store %arg6[%swap3A_692, %swap3A_693], %swap3A_696 {strides = array<i32>} : memref<32x1024xf32, #tpu.memory_space<vmem>>, vector<1x16xf32>,
      %get3A_697 = arith.index_cast %scan3A_151 : i32 to index
      %get3A_698 = arith.constant 624 : index
      %get3A_699 = tpu.vector_load %arg6[%get3A_697, %get3A_698] {strides = array<i32>} : memref<32x1024xf32, #tpu.memory_space<vmem>>, vector<1x16xf32>,
      %get3A_700 = vector.shape_cast %get3A_699 : vector<1x16xf32> to vector<16xf32>
      %get3A_701 = arith.index_cast %scan3A_151 : i32 to index
      %get3A_702 = arith.constant 624 : index
      %get3A_703 = tpu.vector_load %arg7[%get3A_701, %get3A_702] {strides = array<i32>} : memref<32x1024xf32, #tpu.memory_space<vmem>>, vector<1x16xf32>,
      %get3A_704 = vector.shape_cast %get3A_703 : vector<1x16xf32> to vector<16xf32>
      %add3A_705 = arith.addf %get3A_700, %get3A_704 : vector<16xf32>
      %swap3A_706 = arith.index_cast %scan3A_151 : i32 to index
      %swap3A_707 = arith.constant 624 : index
      %swap3A_708 = tpu.vector_load %arg6[%swap3A_706, %swap3A_707] {strides = array<i32>} : memref<32x1024xf32, #tpu.memory_space<vmem>>, vector<1x16xf32>,
      %swap3A_709 = vector.shape_cast %swap3A_708 : vector<1x16xf32> to vector<16xf32>
      %swap3A_710 = vector.shape_cast %add3A_705 : vector<16xf32> to vector<1x16xf32>
      tpu.vector_store %arg6[%swap3A_706, %swap3A_707], %swap3A_710 {strides = array<i32>} : memref<32x1024xf32, #tpu.memory_space<vmem>>, vector<1x16xf32>,
      %get3A_711 = arith.index_cast %scan3A_151 : i32 to index
      %get3A_712 = arith.constant 640 : index
      %get3A_713 = tpu.vector_load %arg6[%get3A_711, %get3A_712] {strides = array<i32>} : memref<32x1024xf32, #tpu.memory_space<vmem>>, vector<1x16xf32>,
      %get3A_714 = vector.shape_cast %get3A_713 : vector<1x16xf32> to vector<16xf32>
      %get3A_715 = arith.index_cast %scan3A_151 : i32 to index
      %get3A_716 = arith.constant 640 : index
      %get3A_717 = tpu.vector_load %arg7[%get3A_715, %get3A_716] {strides = array<i32>} : memref<32x1024xf32, #tpu.memory_space<vmem>>, vector<1x16xf32>,
      %get3A_718 = vector.shape_cast %get3A_717 : vector<1x16xf32> to vector<16xf32>
      %add3A_719 = arith.addf %get3A_714, %get3A_718 : vector<16xf32>
      %swap3A_720 = arith.index_cast %scan3A_151 : i32 to index
      %swap3A_721 = arith.constant 640 : index
      %swap3A_722 = tpu.vector_load %arg6[%swap3A_720, %swap3A_721] {strides = array<i32>} : memref<32x1024xf32, #tpu.memory_space<vmem>>, vector<1x16xf32>,
      %swap3A_723 = vector.shape_cast %swap3A_722 : vector<1x16xf32> to vector<16xf32>
      %swap3A_724 = vector.shape_cast %add3A_719 : vector<16xf32> to vector<1x16xf32>
      tpu.vector_store %arg6[%swap3A_720, %swap3A_721], %swap3A_724 {strides = array<i32>} : memref<32x1024xf32, #tpu.memory_space<vmem>>, vector<1x16xf32>,
      %get3A_725 = arith.index_cast %scan3A_151 : i32 to index
      %get3A_726 = arith.constant 656 : index
      %get3A_727 = tpu.vector_load %arg6[%get3A_725, %get3A_726] {strides = array<i32>} : memref<32x1024xf32, #tpu.memory_space<vmem>>, vector<1x16xf32>,
      %get3A_728 = vector.shape_cast %get3A_727 : vector<1x16xf32> to vector<16xf32>
      %get3A_729 = arith.index_cast %scan3A_151 : i32 to index
      %get3A_730 = arith.constant 656 : index
      %get3A_731 = tpu.vector_load %arg7[%get3A_729, %get3A_730] {strides = array<i32>} : memref<32x1024xf32, #tpu.memory_space<vmem>>, vector<1x16xf32>,
      %get3A_732 = vector.shape_cast %get3A_731 : vector<1x16xf32> to vector<16xf32>
      %add3A_733 = arith.addf %get3A_728, %get3A_732 : vector<16xf32>
      %swap3A_734 = arith.index_cast %scan3A_151 : i32 to index
      %swap3A_735 = arith.constant 656 : index
      %swap3A_736 = tpu.vector_load %arg6[%swap3A_734, %swap3A_735] {strides = array<i32>} : memref<32x1024xf32, #tpu.memory_space<vmem>>, vector<1x16xf32>,
      %swap3A_737 = vector.shape_cast %swap3A_736 : vector<1x16xf32> to vector<16xf32>
      %swap3A_738 = vector.shape_cast %add3A_733 : vector<16xf32> to vector<1x16xf32>
      tpu.vector_store %arg6[%swap3A_734, %swap3A_735], %swap3A_738 {strides = array<i32>} : memref<32x1024xf32, #tpu.memory_space<vmem>>, vector<1x16xf32>,
      %get3A_739 = arith.index_cast %scan3A_151 : i32 to index
      %get3A_740 = arith.constant 672 : index
      %get3A_741 = tpu.vector_load %arg6[%get3A_739, %get3A_740] {strides = array<i32>} : memref<32x1024xf32, #tpu.memory_space<vmem>>, vector<1x16xf32>,
      %get3A_742 = vector.shape_cast %get3A_741 : vector<1x16xf32> to vector<16xf32>
      %get3A_743 = arith.index_cast %scan3A_151 : i32 to index
      %get3A_744 = arith.constant 672 : index
      %get3A_745 = tpu.vector_load %arg7[%get3A_743, %get3A_744] {strides = array<i32>} : memref<32x1024xf32, #tpu.memory_space<vmem>>, vector<1x16xf32>,
      %get3A_746 = vector.shape_cast %get3A_745 : vector<1x16xf32> to vector<16xf32>
      %add3A_747 = arith.addf %get3A_742, %get3A_746 : vector<16xf32>
      %swap3A_748 = arith.index_cast %scan3A_151 : i32 to index
      %swap3A_749 = arith.constant 672 : index
      %swap3A_750 = tpu.vector_load %arg6[%swap3A_748, %swap3A_749] {strides = array<i32>} : memref<32x1024xf32, #tpu.memory_space<vmem>>, vector<1x16xf32>,
      %swap3A_751 = vector.shape_cast %swap3A_750 : vector<1x16xf32> to vector<16xf32>
      %swap3A_752 = vector.shape_cast %add3A_747 : vector<16xf32> to vector<1x16xf32>
      tpu.vector_store %arg6[%swap3A_748, %swap3A_749], %swap3A_752 {strides = array<i32>} : memref<32x1024xf32, #tpu.memory_space<vmem>>, vector<1x16xf32>,
      %get3A_753 = arith.index_cast %scan3A_151 : i32 to index
      %get3A_754 = arith.constant 688 : index
      %get3A_755 = tpu.vector_load %arg6[%get3A_753, %get3A_754] {strides = array<i32>} : memref<32x1024xf32, #tpu.memory_space<vmem>>, vector<1x16xf32>,
      %get3A_756 = vector.shape_cast %get3A_755 : vector<1x16xf32> to vector<16xf32>
      %get3A_757 = arith.index_cast %scan3A_151 : i32 to index
      %get3A_758 = arith.constant 688 : index
      %get3A_759 = tpu.vector_load %arg7[%get3A_757, %get3A_758] {strides = array<i32>} : memref<32x1024xf32, #tpu.memory_space<vmem>>, vector<1x16xf32>,
      %get3A_760 = vector.shape_cast %get3A_759 : vector<1x16xf32> to vector<16xf32>
      %add3A_761 = arith.addf %get3A_756, %get3A_760 : vector<16xf32>
      %swap3A_762 = arith.index_cast %scan3A_151 : i32 to index
      %swap3A_763 = arith.constant 688 : index
      %swap3A_764 = tpu.vector_load %arg6[%swap3A_762, %swap3A_763] {strides = array<i32>} : memref<32x1024xf32, #tpu.memory_space<vmem>>, vector<1x16xf32>,
      %swap3A_765 = vector.shape_cast %swap3A_764 : vector<1x16xf32> to vector<16xf32>
      %swap3A_766 = vector.shape_cast %add3A_761 : vector<16xf32> to vector<1x16xf32>
      tpu.vector_store %arg6[%swap3A_762, %swap3A_763], %swap3A_766 {strides = array<i32>} : memref<32x1024xf32, #tpu.memory_space<vmem>>, vector<1x16xf32>,
      %get3A_767 = arith.index_cast %scan3A_151 : i32 to index
      %get3A_768 = arith.constant 704 : index
      %get3A_769 = tpu.vector_load %arg6[%get3A_767, %get3A_768] {strides = array<i32>} : memref<32x1024xf32, #tpu.memory_space<vmem>>, vector<1x16xf32>,
      %get3A_770 = vector.shape_cast %get3A_769 : vector<1x16xf32> to vector<16xf32>
      %get3A_771 = arith.index_cast %scan3A_151 : i32 to index
      %get3A_772 = arith.constant 704 : index
      %get3A_773 = tpu.vector_load %arg7[%get3A_771, %get3A_772] {strides = array<i32>} : memref<32x1024xf32, #tpu.memory_space<vmem>>, vector<1x16xf32>,
      %get3A_774 = vector.shape_cast %get3A_773 : vector<1x16xf32> to vector<16xf32>
      %add3A_775 = arith.addf %get3A_770, %get3A_774 : vector<16xf32>
      %swap3A_776 = arith.index_cast %scan3A_151 : i32 to index
      %swap3A_777 = arith.constant 704 : index
      %swap3A_778 = tpu.vector_load %arg6[%swap3A_776, %swap3A_777] {strides = array<i32>} : memref<32x1024xf32, #tpu.memory_space<vmem>>, vector<1x16xf32>,
      %swap3A_779 = vector.shape_cast %swap3A_778 : vector<1x16xf32> to vector<16xf32>
      %swap3A_780 = vector.shape_cast %add3A_775 : vector<16xf32> to vector<1x16xf32>
      tpu.vector_store %arg6[%swap3A_776, %swap3A_777], %swap3A_780 {strides = array<i32>} : memref<32x1024xf32, #tpu.memory_space<vmem>>, vector<1x16xf32>,
      %get3A_781 = arith.index_cast %scan3A_151 : i32 to index
      %get3A_782 = arith.constant 720 : index
      %get3A_783 = tpu.vector_load %arg6[%get3A_781, %get3A_782] {strides = array<i32>} : memref<32x1024xf32, #tpu.memory_space<vmem>>, vector<1x16xf32>,
      %get3A_784 = vector.shape_cast %get3A_783 : vector<1x16xf32> to vector<16xf32>
      %get3A_785 = arith.index_cast %scan3A_151 : i32 to index
      %get3A_786 = arith.constant 720 : index
      %get3A_787 = tpu.vector_load %arg7[%get3A_785, %get3A_786] {strides = array<i32>} : memref<32x1024xf32, #tpu.memory_space<vmem>>, vector<1x16xf32>,
      %get3A_788 = vector.shape_cast %get3A_787 : vector<1x16xf32> to vector<16xf32>
      %add3A_789 = arith.addf %get3A_784, %get3A_788 : vector<16xf32>
      %swap3A_790 = arith.index_cast %scan3A_151 : i32 to index
      %swap3A_791 = arith.constant 720 : index
      %swap3A_792 = tpu.vector_load %arg6[%swap3A_790, %swap3A_791] {strides = array<i32>} : memref<32x1024xf32, #tpu.memory_space<vmem>>, vector<1x16xf32>,
      %swap3A_793 = vector.shape_cast %swap3A_792 : vector<1x16xf32> to vector<16xf32>
      %swap3A_794 = vector.shape_cast %add3A_789 : vector<16xf32> to vector<1x16xf32>
      tpu.vector_store %arg6[%swap3A_790, %swap3A_791], %swap3A_794 {strides = array<i32>} : memref<32x1024xf32, #tpu.memory_space<vmem>>, vector<1x16xf32>,
      %get3A_795 = arith.index_cast %scan3A_151 : i32 to index
      %get3A_796 = arith.constant 736 : index
      %get3A_797 = tpu.vector_load %arg6[%get3A_795, %get3A_796] {strides = array<i32>} : memref<32x1024xf32, #tpu.memory_space<vmem>>, vector<1x16xf32>,
      %get3A_798 = vector.shape_cast %get3A_797 : vector<1x16xf32> to vector<16xf32>
      %get3A_799 = arith.index_cast %scan3A_151 : i32 to index
      %get3A_800 = arith.constant 736 : index
      %get3A_801 = tpu.vector_load %arg7[%get3A_799, %get3A_800] {strides = array<i32>} : memref<32x1024xf32, #tpu.memory_space<vmem>>, vector<1x16xf32>,
      %get3A_802 = vector.shape_cast %get3A_801 : vector<1x16xf32> to vector<16xf32>
      %add3A_803 = arith.addf %get3A_798, %get3A_802 : vector<16xf32>
      %swap3A_804 = arith.index_cast %scan3A_151 : i32 to index
      %swap3A_805 = arith.constant 736 : index
      %swap3A_806 = tpu.vector_load %arg6[%swap3A_804, %swap3A_805] {strides = array<i32>} : memref<32x1024xf32, #tpu.memory_space<vmem>>, vector<1x16xf32>,
      %swap3A_807 = vector.shape_cast %swap3A_806 : vector<1x16xf32> to vector<16xf32>
      %swap3A_808 = vector.shape_cast %add3A_803 : vector<16xf32> to vector<1x16xf32>
      tpu.vector_store %arg6[%swap3A_804, %swap3A_805], %swap3A_808 {strides = array<i32>} : memref<32x1024xf32, #tpu.memory_space<vmem>>, vector<1x16xf32>,
      %get3A_809 = arith.index_cast %scan3A_151 : i32 to index
      %get3A_810 = arith.constant 752 : index
      %get3A_811 = tpu.vector_load %arg6[%get3A_809, %get3A_810] {strides = array<i32>} : memref<32x1024xf32, #tpu.memory_space<vmem>>, vector<1x16xf32>,
      %get3A_812 = vector.shape_cast %get3A_811 : vector<1x16xf32> to vector<16xf32>
      %get3A_813 = arith.index_cast %scan3A_151 : i32 to index
      %get3A_814 = arith.constant 752 : index
      %get3A_815 = tpu.vector_load %arg7[%get3A_813, %get3A_814] {strides = array<i32>} : memref<32x1024xf32, #tpu.memory_space<vmem>>, vector<1x16xf32>,
      %get3A_816 = vector.shape_cast %get3A_815 : vector<1x16xf32> to vector<16xf32>
      %add3A_817 = arith.addf %get3A_812, %get3A_816 : vector<16xf32>
      %swap3A_818 = arith.index_cast %scan3A_151 : i32 to index
      %swap3A_819 = arith.constant 752 : index
      %swap3A_820 = tpu.vector_load %arg6[%swap3A_818, %swap3A_819] {strides = array<i32>} : memref<32x1024xf32, #tpu.memory_space<vmem>>, vector<1x16xf32>,
      %swap3A_821 = vector.shape_cast %swap3A_820 : vector<1x16xf32> to vector<16xf32>
      %swap3A_822 = vector.shape_cast %add3A_817 : vector<16xf32> to vector<1x16xf32>
      tpu.vector_store %arg6[%swap3A_818, %swap3A_819], %swap3A_822 {strides = array<i32>} : memref<32x1024xf32, #tpu.memory_space<vmem>>, vector<1x16xf32>,
      %get3A_823 = arith.index_cast %scan3A_151 : i32 to index
      %get3A_824 = arith.constant 768 : index
      %get3A_825 = tpu.vector_load %arg6[%get3A_823, %get3A_824] {strides = array<i32>} : memref<32x1024xf32, #tpu.memory_space<vmem>>, vector<1x16xf32>,
      %get3A_826 = vector.shape_cast %get3A_825 : vector<1x16xf32> to vector<16xf32>
      %get3A_827 = arith.index_cast %scan3A_151 : i32 to index
      %get3A_828 = arith.constant 768 : index
      %get3A_829 = tpu.vector_load %arg7[%get3A_827, %get3A_828] {strides = array<i32>} : memref<32x1024xf32, #tpu.memory_space<vmem>>, vector<1x16xf32>,
      %get3A_830 = vector.shape_cast %get3A_829 : vector<1x16xf32> to vector<16xf32>
      %add3A_831 = arith.addf %get3A_826, %get3A_830 : vector<16xf32>
      %swap3A_832 = arith.index_cast %scan3A_151 : i32 to index
      %swap3A_833 = arith.constant 768 : index
      %swap3A_834 = tpu.vector_load %arg6[%swap3A_832, %swap3A_833] {strides = array<i32>} : memref<32x1024xf32, #tpu.memory_space<vmem>>, vector<1x16xf32>,
      %swap3A_835 = vector.shape_cast %swap3A_834 : vector<1x16xf32> to vector<16xf32>
      %swap3A_836 = vector.shape_cast %add3A_831 : vector<16xf32> to vector<1x16xf32>
      tpu.vector_store %arg6[%swap3A_832, %swap3A_833], %swap3A_836 {strides = array<i32>} : memref<32x1024xf32, #tpu.memory_space<vmem>>, vector<1x16xf32>,
      %get3A_837 = arith.index_cast %scan3A_151 : i32 to index
      %get3A_838 = arith.constant 784 : index
      %get3A_839 = tpu.vector_load %arg6[%get3A_837, %get3A_838] {strides = array<i32>} : memref<32x1024xf32, #tpu.memory_space<vmem>>, vector<1x16xf32>,
      %get3A_840 = vector.shape_cast %get3A_839 : vector<1x16xf32> to vector<16xf32>
      %get3A_841 = arith.index_cast %scan3A_151 : i32 to index
      %get3A_842 = arith.constant 784 : index
      %get3A_843 = tpu.vector_load %arg7[%get3A_841, %get3A_842] {strides = array<i32>} : memref<32x1024xf32, #tpu.memory_space<vmem>>, vector<1x16xf32>,
      %get3A_844 = vector.shape_cast %get3A_843 : vector<1x16xf32> to vector<16xf32>
      %add3A_845 = arith.addf %get3A_840, %get3A_844 : vector<16xf32>
      %swap3A_846 = arith.index_cast %scan3A_151 : i32 to index
      %swap3A_847 = arith.constant 784 : index
      %swap3A_848 = tpu.vector_load %arg6[%swap3A_846, %swap3A_847] {strides = array<i32>} : memref<32x1024xf32, #tpu.memory_space<vmem>>, vector<1x16xf32>,
      %swap3A_849 = vector.shape_cast %swap3A_848 : vector<1x16xf32> to vector<16xf32>
      %swap3A_850 = vector.shape_cast %add3A_845 : vector<16xf32> to vector<1x16xf32>
      tpu.vector_store %arg6[%swap3A_846, %swap3A_847], %swap3A_850 {strides = array<i32>} : memref<32x1024xf32, #tpu.memory_space<vmem>>, vector<1x16xf32>,
      %get3A_851 = arith.index_cast %scan3A_151 : i32 to index
      %get3A_852 = arith.constant 800 : index
      %get3A_853 = tpu.vector_load %arg6[%get3A_851, %get3A_852] {strides = array<i32>} : memref<32x1024xf32, #tpu.memory_space<vmem>>, vector<1x16xf32>,
      %get3A_854 = vector.shape_cast %get3A_853 : vector<1x16xf32> to vector<16xf32>
      %get3A_855 = arith.index_cast %scan3A_151 : i32 to index
      %get3A_856 = arith.constant 800 : index
      %get3A_857 = tpu.vector_load %arg7[%get3A_855, %get3A_856] {strides = array<i32>} : memref<32x1024xf32, #tpu.memory_space<vmem>>, vector<1x16xf32>,
      %get3A_858 = vector.shape_cast %get3A_857 : vector<1x16xf32> to vector<16xf32>
      %add3A_859 = arith.addf %get3A_854, %get3A_858 : vector<16xf32>
      %swap3A_860 = arith.index_cast %scan3A_151 : i32 to index
      %swap3A_861 = arith.constant 800 : index
      %swap3A_862 = tpu.vector_load %arg6[%swap3A_860, %swap3A_861] {strides = array<i32>} : memref<32x1024xf32, #tpu.memory_space<vmem>>, vector<1x16xf32>,
      %swap3A_863 = vector.shape_cast %swap3A_862 : vector<1x16xf32> to vector<16xf32>
      %swap3A_864 = vector.shape_cast %add3A_859 : vector<16xf32> to vector<1x16xf32>
      tpu.vector_store %arg6[%swap3A_860, %swap3A_861], %swap3A_864 {strides = array<i32>} : memref<32x1024xf32, #tpu.memory_space<vmem>>, vector<1x16xf32>,
      %get3A_865 = arith.index_cast %scan3A_151 : i32 to index
      %get3A_866 = arith.constant 816 : index
      %get3A_867 = tpu.vector_load %arg6[%get3A_865, %get3A_866] {strides = array<i32>} : memref<32x1024xf32, #tpu.memory_space<vmem>>, vector<1x16xf32>,
      %get3A_868 = vector.shape_cast %get3A_867 : vector<1x16xf32> to vector<16xf32>
      %get3A_869 = arith.index_cast %scan3A_151 : i32 to index
      %get3A_870 = arith.constant 816 : index
      %get3A_871 = tpu.vector_load %arg7[%get3A_869, %get3A_870] {strides = array<i32>} : memref<32x1024xf32, #tpu.memory_space<vmem>>, vector<1x16xf32>,
      %get3A_872 = vector.shape_cast %get3A_871 : vector<1x16xf32> to vector<16xf32>
      %add3A_873 = arith.addf %get3A_868, %get3A_872 : vector<16xf32>
      %swap3A_874 = arith.index_cast %scan3A_151 : i32 to index
      %swap3A_875 = arith.constant 816 : index
      %swap3A_876 = tpu.vector_load %arg6[%swap3A_874, %swap3A_875] {strides = array<i32>} : memref<32x1024xf32, #tpu.memory_space<vmem>>, vector<1x16xf32>,
      %swap3A_877 = vector.shape_cast %swap3A_876 : vector<1x16xf32> to vector<16xf32>
      %swap3A_878 = vector.shape_cast %add3A_873 : vector<16xf32> to vector<1x16xf32>
      tpu.vector_store %arg6[%swap3A_874, %swap3A_875], %swap3A_878 {strides = array<i32>} : memref<32x1024xf32, #tpu.memory_space<vmem>>, vector<1x16xf32>,
      %get3A_879 = arith.index_cast %scan3A_151 : i32 to index
      %get3A_880 = arith.constant 832 : index
      %get3A_881 = tpu.vector_load %arg6[%get3A_879, %get3A_880] {strides = array<i32>} : memref<32x1024xf32, #tpu.memory_space<vmem>>, vector<1x16xf32>,
      %get3A_882 = vector.shape_cast %get3A_881 : vector<1x16xf32> to vector<16xf32>
      %get3A_883 = arith.index_cast %scan3A_151 : i32 to index
      %get3A_884 = arith.constant 832 : index
      %get3A_885 = tpu.vector_load %arg7[%get3A_883, %get3A_884] {strides = array<i32>} : memref<32x1024xf32, #tpu.memory_space<vmem>>, vector<1x16xf32>,
      %get3A_886 = vector.shape_cast %get3A_885 : vector<1x16xf32> to vector<16xf32>
      %add3A_887 = arith.addf %get3A_882, %get3A_886 : vector<16xf32>
      %swap3A_888 = arith.index_cast %scan3A_151 : i32 to index
      %swap3A_889 = arith.constant 832 : index
      %swap3A_890 = tpu.vector_load %arg6[%swap3A_888, %swap3A_889] {strides = array<i32>} : memref<32x1024xf32, #tpu.memory_space<vmem>>, vector<1x16xf32>,
      %swap3A_891 = vector.shape_cast %swap3A_890 : vector<1x16xf32> to vector<16xf32>
      %swap3A_892 = vector.shape_cast %add3A_887 : vector<16xf32> to vector<1x16xf32>
      tpu.vector_store %arg6[%swap3A_888, %swap3A_889], %swap3A_892 {strides = array<i32>} : memref<32x1024xf32, #tpu.memory_space<vmem>>, vector<1x16xf32>,
      %get3A_893 = arith.index_cast %scan3A_151 : i32 to index
      %get3A_894 = arith.constant 848 : index
      %get3A_895 = tpu.vector_load %arg6[%get3A_893, %get3A_894] {strides = array<i32>} : memref<32x1024xf32, #tpu.memory_space<vmem>>, vector<1x16xf32>,
      %get3A_896 = vector.shape_cast %get3A_895 : vector<1x16xf32> to vector<16xf32>
      %get3A_897 = arith.index_cast %scan3A_151 : i32 to index
      %get3A_898 = arith.constant 848 : index
      %get3A_899 = tpu.vector_load %arg7[%get3A_897, %get3A_898] {strides = array<i32>} : memref<32x1024xf32, #tpu.memory_space<vmem>>, vector<1x16xf32>,
      %get3A_900 = vector.shape_cast %get3A_899 : vector<1x16xf32> to vector<16xf32>
      %add3A_901 = arith.addf %get3A_896, %get3A_900 : vector<16xf32>
      %swap3A_902 = arith.index_cast %scan3A_151 : i32 to index
      %swap3A_903 = arith.constant 848 : index
      %swap3A_904 = tpu.vector_load %arg6[%swap3A_902, %swap3A_903] {strides = array<i32>} : memref<32x1024xf32, #tpu.memory_space<vmem>>, vector<1x16xf32>,
      %swap3A_905 = vector.shape_cast %swap3A_904 : vector<1x16xf32> to vector<16xf32>
      %swap3A_906 = vector.shape_cast %add3A_901 : vector<16xf32> to vector<1x16xf32>
      tpu.vector_store %arg6[%swap3A_902, %swap3A_903], %swap3A_906 {strides = array<i32>} : memref<32x1024xf32, #tpu.memory_space<vmem>>, vector<1x16xf32>,
      %get3A_907 = arith.index_cast %scan3A_151 : i32 to index
      %get3A_908 = arith.constant 864 : index
      %get3A_909 = tpu.vector_load %arg6[%get3A_907, %get3A_908] {strides = array<i32>} : memref<32x1024xf32, #tpu.memory_space<vmem>>, vector<1x16xf32>,
      %get3A_910 = vector.shape_cast %get3A_909 : vector<1x16xf32> to vector<16xf32>
      %get3A_911 = arith.index_cast %scan3A_151 : i32 to index
      %get3A_912 = arith.constant 864 : index
      %get3A_913 = tpu.vector_load %arg7[%get3A_911, %get3A_912] {strides = array<i32>} : memref<32x1024xf32, #tpu.memory_space<vmem>>, vector<1x16xf32>,
      %get3A_914 = vector.shape_cast %get3A_913 : vector<1x16xf32> to vector<16xf32>
      %add3A_915 = arith.addf %get3A_910, %get3A_914 : vector<16xf32>
      %swap3A_916 = arith.index_cast %scan3A_151 : i32 to index
      %swap3A_917 = arith.constant 864 : index
      %swap3A_918 = tpu.vector_load %arg6[%swap3A_916, %swap3A_917] {strides = array<i32>} : memref<32x1024xf32, #tpu.memory_space<vmem>>, vector<1x16xf32>,
      %swap3A_919 = vector.shape_cast %swap3A_918 : vector<1x16xf32> to vector<16xf32>
      %swap3A_920 = vector.shape_cast %add3A_915 : vector<16xf32> to vector<1x16xf32>
      tpu.vector_store %arg6[%swap3A_916, %swap3A_917], %swap3A_920 {strides = array<i32>} : memref<32x1024xf32, #tpu.memory_space<vmem>>, vector<1x16xf32>,
      %get3A_921 = arith.index_cast %scan3A_151 : i32 to index
      %get3A_922 = arith.constant 880 : index
      %get3A_923 = tpu.vector_load %arg6[%get3A_921, %get3A_922] {strides = array<i32>} : memref<32x1024xf32, #tpu.memory_space<vmem>>, vector<1x16xf32>,
      %get3A_924 = vector.shape_cast %get3A_923 : vector<1x16xf32> to vector<16xf32>
      %get3A_925 = arith.index_cast %scan3A_151 : i32 to index
      %get3A_926 = arith.constant 880 : index
      %get3A_927 = tpu.vector_load %arg7[%get3A_925, %get3A_926] {strides = array<i32>} : memref<32x1024xf32, #tpu.memory_space<vmem>>, vector<1x16xf32>,
      %get3A_928 = vector.shape_cast %get3A_927 : vector<1x16xf32> to vector<16xf32>
      %add3A_929 = arith.addf %get3A_924, %get3A_928 : vector<16xf32>
      %swap3A_930 = arith.index_cast %scan3A_151 : i32 to index
      %swap3A_931 = arith.constant 880 : index
      %swap3A_932 = tpu.vector_load %arg6[%swap3A_930, %swap3A_931] {strides = array<i32>} : memref<32x1024xf32, #tpu.memory_space<vmem>>, vector<1x16xf32>,
      %swap3A_933 = vector.shape_cast %swap3A_932 : vector<1x16xf32> to vector<16xf32>
      %swap3A_934 = vector.shape_cast %add3A_929 : vector<16xf32> to vector<1x16xf32>
      tpu.vector_store %arg6[%swap3A_930, %swap3A_931], %swap3A_934 {strides = array<i32>} : memref<32x1024xf32, #tpu.memory_space<vmem>>, vector<1x16xf32>,
      %get3A_935 = arith.index_cast %scan3A_151 : i32 to index
      %get3A_936 = arith.constant 896 : index
      %get3A_937 = tpu.vector_load %arg6[%get3A_935, %get3A_936] {strides = array<i32>} : memref<32x1024xf32, #tpu.memory_space<vmem>>, vector<1x16xf32>,
      %get3A_938 = vector.shape_cast %get3A_937 : vector<1x16xf32> to vector<16xf32>
      %get3A_939 = arith.index_cast %scan3A_151 : i32 to index
      %get3A_940 = arith.constant 896 : index
      %get3A_941 = tpu.vector_load %arg7[%get3A_939, %get3A_940] {strides = array<i32>} : memref<32x1024xf32, #tpu.memory_space<vmem>>, vector<1x16xf32>,
      %get3A_942 = vector.shape_cast %get3A_941 : vector<1x16xf32> to vector<16xf32>
      %add3A_943 = arith.addf %get3A_938, %get3A_942 : vector<16xf32>
      %swap3A_944 = arith.index_cast %scan3A_151 : i32 to index
      %swap3A_945 = arith.constant 896 : index
      %swap3A_946 = tpu.vector_load %arg6[%swap3A_944, %swap3A_945] {strides = array<i32>} : memref<32x1024xf32, #tpu.memory_space<vmem>>, vector<1x16xf32>,
      %swap3A_947 = vector.shape_cast %swap3A_946 : vector<1x16xf32> to vector<16xf32>
      %swap3A_948 = vector.shape_cast %add3A_943 : vector<16xf32> to vector<1x16xf32>
      tpu.vector_store %arg6[%swap3A_944, %swap3A_945], %swap3A_948 {strides = array<i32>} : memref<32x1024xf32, #tpu.memory_space<vmem>>, vector<1x16xf32>,
      %get3A_949 = arith.index_cast %scan3A_151 : i32 to index
      %get3A_950 = arith.constant 912 : index
      %get3A_951 = tpu.vector_load %arg6[%get3A_949, %get3A_950] {strides = array<i32>} : memref<32x1024xf32, #tpu.memory_space<vmem>>, vector<1x16xf32>,
      %get3A_952 = vector.shape_cast %get3A_951 : vector<1x16xf32> to vector<16xf32>
      %get3A_953 = arith.index_cast %scan3A_151 : i32 to index
      %get3A_954 = arith.constant 912 : index
      %get3A_955 = tpu.vector_load %arg7[%get3A_953, %get3A_954] {strides = array<i32>} : memref<32x1024xf32, #tpu.memory_space<vmem>>, vector<1x16xf32>,
      %get3A_956 = vector.shape_cast %get3A_955 : vector<1x16xf32> to vector<16xf32>
      %add3A_957 = arith.addf %get3A_952, %get3A_956 : vector<16xf32>
      %swap3A_958 = arith.index_cast %scan3A_151 : i32 to index
      %swap3A_959 = arith.constant 912 : index
      %swap3A_960 = tpu.vector_load %arg6[%swap3A_958, %swap3A_959] {strides = array<i32>} : memref<32x1024xf32, #tpu.memory_space<vmem>>, vector<1x16xf32>,
      %swap3A_961 = vector.shape_cast %swap3A_960 : vector<1x16xf32> to vector<16xf32>
      %swap3A_962 = vector.shape_cast %add3A_957 : vector<16xf32> to vector<1x16xf32>
      tpu.vector_store %arg6[%swap3A_958, %swap3A_959], %swap3A_962 {strides = array<i32>} : memref<32x1024xf32, #tpu.memory_space<vmem>>, vector<1x16xf32>,
      %get3A_963 = arith.index_cast %scan3A_151 : i32 to index
      %get3A_964 = arith.constant 928 : index
      %get3A_965 = tpu.vector_load %arg6[%get3A_963, %get3A_964] {strides = array<i32>} : memref<32x1024xf32, #tpu.memory_space<vmem>>, vector<1x16xf32>,
      %get3A_966 = vector.shape_cast %get3A_965 : vector<1x16xf32> to vector<16xf32>
      %get3A_967 = arith.index_cast %scan3A_151 : i32 to index
      %get3A_968 = arith.constant 928 : index
      %get3A_969 = tpu.vector_load %arg7[%get3A_967, %get3A_968] {strides = array<i32>} : memref<32x1024xf32, #tpu.memory_space<vmem>>, vector<1x16xf32>,
      %get3A_970 = vector.shape_cast %get3A_969 : vector<1x16xf32> to vector<16xf32>
      %add3A_971 = arith.addf %get3A_966, %get3A_970 : vector<16xf32>
      %swap3A_972 = arith.index_cast %scan3A_151 : i32 to index
      %swap3A_973 = arith.constant 928 : index
      %swap3A_974 = tpu.vector_load %arg6[%swap3A_972, %swap3A_973] {strides = array<i32>} : memref<32x1024xf32, #tpu.memory_space<vmem>>, vector<1x16xf32>,
      %swap3A_975 = vector.shape_cast %swap3A_974 : vector<1x16xf32> to vector<16xf32>
      %swap3A_976 = vector.shape_cast %add3A_971 : vector<16xf32> to vector<1x16xf32>
      tpu.vector_store %arg6[%swap3A_972, %swap3A_973], %swap3A_976 {strides = array<i32>} : memref<32x1024xf32, #tpu.memory_space<vmem>>, vector<1x16xf32>,
      %get3A_977 = arith.index_cast %scan3A_151 : i32 to index
      %get3A_978 = arith.constant 944 : index
      %get3A_979 = tpu.vector_load %arg6[%get3A_977, %get3A_978] {strides = array<i32>} : memref<32x1024xf32, #tpu.memory_space<vmem>>, vector<1x16xf32>,
      %get3A_980 = vector.shape_cast %get3A_979 : vector<1x16xf32> to vector<16xf32>
      %get3A_981 = arith.index_cast %scan3A_151 : i32 to index
      %get3A_982 = arith.constant 944 : index
      %get3A_983 = tpu.vector_load %arg7[%get3A_981, %get3A_982] {strides = array<i32>} : memref<32x1024xf32, #tpu.memory_space<vmem>>, vector<1x16xf32>,
      %get3A_984 = vector.shape_cast %get3A_983 : vector<1x16xf32> to vector<16xf32>
      %add3A_985 = arith.addf %get3A_980, %get3A_984 : vector<16xf32>
      %swap3A_986 = arith.index_cast %scan3A_151 : i32 to index
      %swap3A_987 = arith.constant 944 : index
      %swap3A_988 = tpu.vector_load %arg6[%swap3A_986, %swap3A_987] {strides = array<i32>} : memref<32x1024xf32, #tpu.memory_space<vmem>>, vector<1x16xf32>,
      %swap3A_989 = vector.shape_cast %swap3A_988 : vector<1x16xf32> to vector<16xf32>
      %swap3A_990 = vector.shape_cast %add3A_985 : vector<16xf32> to vector<1x16xf32>
      tpu.vector_store %arg6[%swap3A_986, %swap3A_987], %swap3A_990 {strides = array<i32>} : memref<32x1024xf32, #tpu.memory_space<vmem>>, vector<1x16xf32>,
      %get3A_991 = arith.index_cast %scan3A_151 : i32 to index
      %get3A_992 = arith.constant 960 : index
      %get3A_993 = tpu.vector_load %arg6[%get3A_991, %get3A_992] {strides = array<i32>} : memref<32x1024xf32, #tpu.memory_space<vmem>>, vector<1x16xf32>,
      %get3A_994 = vector.shape_cast %get3A_993 : vector<1x16xf32> to vector<16xf32>
      %get3A_995 = arith.index_cast %scan3A_151 : i32 to index
      %get3A_996 = arith.constant 960 : index
      %get3A_997 = tpu.vector_load %arg7[%get3A_995, %get3A_996] {strides = array<i32>} : memref<32x1024xf32, #tpu.memory_space<vmem>>, vector<1x16xf32>,
      %get3A_998 = vector.shape_cast %get3A_997 : vector<1x16xf32> to vector<16xf32>
      %add3A_999 = arith.addf %get3A_994, %get3A_998 : vector<16xf32>
      %swap3A_1000 = arith.index_cast %scan3A_151 : i32 to index
      %swap3A_1001 = arith.constant 960 : index
      %swap3A_1002 = tpu.vector_load %arg6[%swap3A_1000, %swap3A_1001] {strides = array<i32>} : memref<32x1024xf32, #tpu.memory_space<vmem>>, vector<1x16xf32>,
      %swap3A_1003 = vector.shape_cast %swap3A_1002 : vector<1x16xf32> to vector<16xf32>
      %swap3A_1004 = vector.shape_cast %add3A_999 : vector<16xf32> to vector<1x16xf32>
      tpu.vector_store %arg6[%swap3A_1000, %swap3A_1001], %swap3A_1004 {strides = array<i32>} : memref<32x1024xf32, #tpu.memory_space<vmem>>, vector<1x16xf32>,
      %get3A_1005 = arith.index_cast %scan3A_151 : i32 to index
      %get3A_1006 = arith.constant 976 : index
      %get3A_1007 = tpu.vector_load %arg6[%get3A_1005, %get3A_1006] {strides = array<i32>} : memref<32x1024xf32, #tpu.memory_space<vmem>>, vector<1x16xf32>,
      %get3A_1008 = vector.shape_cast %get3A_1007 : vector<1x16xf32> to vector<16xf32>
      %get3A_1009 = arith.index_cast %scan3A_151 : i32 to index
      %get3A_1010 = arith.constant 976 : index
      %get3A_1011 = tpu.vector_load %arg7[%get3A_1009, %get3A_1010] {strides = array<i32>} : memref<32x1024xf32, #tpu.memory_space<vmem>>, vector<1x16xf32>,
      %get3A_1012 = vector.shape_cast %get3A_1011 : vector<1x16xf32> to vector<16xf32>
      %add3A_1013 = arith.addf %get3A_1008, %get3A_1012 : vector<16xf32>
      %swap3A_1014 = arith.index_cast %scan3A_151 : i32 to index
      %swap3A_1015 = arith.constant 976 : index
      %swap3A_1016 = tpu.vector_load %arg6[%swap3A_1014, %swap3A_1015] {strides = array<i32>} : memref<32x1024xf32, #tpu.memory_space<vmem>>, vector<1x16xf32>,
      %swap3A_1017 = vector.shape_cast %swap3A_1016 : vector<1x16xf32> to vector<16xf32>
      %swap3A_1018 = vector.shape_cast %add3A_1013 : vector<16xf32> to vector<1x16xf32>
      tpu.vector_store %arg6[%swap3A_1014, %swap3A_1015], %swap3A_1018 {strides = array<i32>} : memref<32x1024xf32, #tpu.memory_space<vmem>>, vector<1x16xf32>,
      %get3A_1019 = arith.index_cast %scan3A_151 : i32 to index
      %get3A_1020 = arith.constant 992 : index
      %get3A_1021 = tpu.vector_load %arg6[%get3A_1019, %get3A_1020] {strides = array<i32>} : memref<32x1024xf32, #tpu.memory_space<vmem>>, vector<1x16xf32>,
      %get3A_1022 = vector.shape_cast %get3A_1021 : vector<1x16xf32> to vector<16xf32>
      %get3A_1023 = arith.index_cast %scan3A_151 : i32 to index
      %get3A_1024 = arith.constant 992 : index
      %get3A_1025 = tpu.vector_load %arg7[%get3A_1023, %get3A_1024] {strides = array<i32>} : memref<32x1024xf32, #tpu.memory_space<vmem>>, vector<1x16xf32>,
      %get3A_1026 = vector.shape_cast %get3A_1025 : vector<1x16xf32> to vector<16xf32>
      %add3A_1027 = arith.addf %get3A_1022, %get3A_1026 : vector<16xf32>
      %swap3A_1028 = arith.index_cast %scan3A_151 : i32 to index
      %swap3A_1029 = arith.constant 992 : index
      %swap3A_1030 = tpu.vector_load %arg6[%swap3A_1028, %swap3A_1029] {strides = array<i32>} : memref<32x1024xf32, #tpu.memory_space<vmem>>, vector<1x16xf32>,
      %swap3A_1031 = vector.shape_cast %swap3A_1030 : vector<1x16xf32> to vector<16xf32>
      %swap3A_1032 = vector.shape_cast %add3A_1027 : vector<16xf32> to vector<1x16xf32>
      tpu.vector_store %arg6[%swap3A_1028, %swap3A_1029], %swap3A_1032 {strides = array<i32>} : memref<32x1024xf32, #tpu.memory_space<vmem>>, vector<1x16xf32>,
      %get3A_1033 = arith.index_cast %scan3A_151 : i32 to index
      %get3A_1034 = arith.constant 1008 : index
      %get3A_1035 = tpu.vector_load %arg6[%get3A_1033, %get3A_1034] {strides = array<i32>} : memref<32x1024xf32, #tpu.memory_space<vmem>>, vector<1x16xf32>,
      %get3A_1036 = vector.shape_cast %get3A_1035 : vector<1x16xf32> to vector<16xf32>
      %get3A_1037 = arith.index_cast %scan3A_151 : i32 to index
      %get3A_1038 = arith.constant 1008 : index
      %get3A_1039 = tpu.vector_load %arg7[%get3A_1037, %get3A_1038] {strides = array<i32>} : memref<32x1024xf32, #tpu.memory_space<vmem>>, vector<1x16xf32>,
      %get3A_1040 = vector.shape_cast %get3A_1039 : vector<1x16xf32> to vector<16xf32>
      %add3A_1041 = arith.addf %get3A_1036, %get3A_1040 : vector<16xf32>
      %swap3A_1042 = arith.index_cast %scan3A_151 : i32 to index
      %swap3A_1043 = arith.constant 1008 : index
      %swap3A_1044 = tpu.vector_load %arg6[%swap3A_1042, %swap3A_1043] {strides = array<i32>} : memref<32x1024xf32, #tpu.memory_space<vmem>>, vector<1x16xf32>,
      %swap3A_1045 = vector.shape_cast %swap3A_1044 : vector<1x16xf32> to vector<16xf32>
      %swap3A_1046 = vector.shape_cast %add3A_1041 : vector<16xf32> to vector<1x16xf32>
      tpu.vector_store %arg6[%swap3A_1042, %swap3A_1043], %swap3A_1046 {strides = array<i32>} : memref<32x1024xf32, #tpu.memory_space<vmem>>, vector<1x16xf32>,
      %scan3A_1047 = arith.constant 0 : i32
      scf.yield %scan3A_1047 : i32
    }
    %scan3A_149 = arith.constant 32 : i32
    %run_scoped3A_150 = arith.constant 0 : i32
    "tpu.region"() ({
      %run_scoped3A_151 = tpu.sem_alloc : memref<!tpu.dma_semaphore, #tpu.memory_space<semaphore_mem>>
      %dma_start3A_152 = arith.constant 0 : i32
      %dma_start3A_153 = tpu.memref_slice %arg5[%run_scoped3A_150, %add3A_72, %dma_start3A_152] : memref<1x2048x1024xf32, #tpu.memory_space<hbm>> -> memref<1x32x1024xf32, #tpu.memory_space<hbm>>
      %dma_start3A_154 = tpu.memref_squeeze %dma_start3A_153 : memref<1x32x1024xf32, #tpu.memory_space<hbm>> -> memref<32x1024xf32, #tpu.memory_space<hbm>>
      %dma_start3A_155 = arith.constant 0 : i32
      %dma_start3A_156 = tpu.memref_slice %arg5[%run_scoped3A_150, %add3A_72, %dma_start3A_155] : memref<1x2048x1024xf32, #tpu.memory_space<hbm>> -> memref<1x32x1024xf32, #tpu.memory_space<hbm>>
      %dma_start3A_157 = tpu.memref_squeeze %dma_start3A_156 : memref<1x32x1024xf32, #tpu.memory_space<hbm>> -> memref<32x1024xf32, #tpu.memory_space<hbm>>
      tpu.enqueue_dma source(%arg6 : memref<32x1024xf32, #tpu.memory_space<vmem>>) target(%dma_start3A_157 : memref<32x1024xf32, #tpu.memory_space<hbm>>) target_semaphore(%run_scoped3A_151 : memref<!tpu.dma_semaphore, #tpu.memory_space<semaphore_mem>>)
      %dma_wait3A_158 = arith.constant 0 : i32
      %dma_wait3A_159 = tpu.memref_slice %arg5[%run_scoped3A_150, %add3A_72, %dma_wait3A_158] : memref<1x2048x1024xf32, #tpu.memory_space<hbm>> -> memref<1x32x1024xf32, #tpu.memory_space<hbm>>
      %dma_wait3A_160 = tpu.memref_squeeze %dma_wait3A_159 : memref<1x32x1024xf32, #tpu.memory_space<hbm>> -> memref<32x1024xf32, #tpu.memory_space<hbm>>
      %dma_wait3A_161 = arith.constant 0 : i32
      %dma_wait3A_162 = tpu.memref_slice %arg5[%run_scoped3A_150, %add3A_72, %dma_wait3A_161] : memref<1x2048x1024xf32, #tpu.memory_space<hbm>> -> memref<1x32x1024xf32, #tpu.memory_space<hbm>>
      %dma_wait3A_163 = tpu.memref_squeeze %dma_wait3A_162 : memref<1x32x1024xf32, #tpu.memory_space<hbm>> -> memref<32x1024xf32, #tpu.memory_space<hbm>>
      tpu.wait_dma2 semaphore(%run_scoped3A_151 : memref<!tpu.dma_semaphore, #tpu.memory_space<semaphore_mem>>) src(%arg6 : memref<32x1024xf32, #tpu.memory_space<vmem>>) dst(%dma_wait3A_163 : memref<32x1024xf32, #tpu.memory_space<hbm>>)
      tpu.yield
    }) : () -> ()
    return
  }
}

module attributes {stable_mosaic.version = 14 : i64} {
  func.func @_ffn_body(%arg0: i32, %arg1: i32, %arg2: memref<328x1024xf32, #tpu.memory_space<vmem>>, %arg3: memref<1x1024x1024xf32, #tpu.memory_space<vmem>>, %arg4: memref<1x1024x1024xf32, #tpu.memory_space<vmem>>, %arg5: memref<1x1024x1024xf32, #tpu.memory_space<vmem>>, %arg6: memref<328x128xf32, #tpu.memory_space<vmem>>, %arg7: memref<328x1024xf32, #tpu.memory_space<vmem>>, %arg8: memref<328x1024xf32, #tpu.memory_space<vmem>>) attributes {dimension_semantics = [#tpu.dimension_semantics<arbitrary>, #tpu.dimension_semantics<arbitrary>], iteration_bounds = array<i64: 8, 2>, scalar_prefetch = 0 : i64, scratch_operands = 1 : i64, tpu.core_type = #tpu.core_type<tc>, window_params = [{transform_indices = @transform_0, window_bounds = array<i64: 328, 1024>}, {transform_indices = @transform_1, window_bounds = array<i64: 1, 1024, 1024>}, {transform_indices = @transform_2, window_bounds = array<i64: 1, 1024, 1024>}, {transform_indices = @transform_3, window_bounds = array<i64: 1, 1024, 1024>}, {transform_indices = @transform_4, window_bounds = array<i64: 328, 128>}, {transform_indices = @transform_5, window_bounds = array<i64: 328, 1024>}]} {
    %get3A = arith.constant 0 : index
    %get3A_0 = arith.constant 0 : index
    %get3A_1 = vector.load %arg2[%get3A, %get3A_0] : memref<328x1024xf32, #tpu.memory_space<vmem>>, vector<328x1024xf32>
    %get3A_2 = arith.constant 0 : index
    %get3A_3 = arith.constant 0 : index
    %get3A_4 = arith.constant 0 : index
    %get3A_5 = vector.load %arg3[%get3A_2, %get3A_3, %get3A_4] : memref<1x1024x1024xf32, #tpu.memory_space<vmem>>, vector<1x1024x1024xf32>
    %get3A_6 = vector.shape_cast %get3A_5 : vector<1x1024x1024xf32> to vector<1024x1024xf32>
    %dot_general3A = arith.constant dense<0.000000e+00> : vector<328x1024xf32>
    %dot_general3A_7 = tpu.matmul %get3A_1, %get3A_6, %dot_general3A {dimension_numbers = #tpu.dot_dimension_numbers<[1], [0], [0], [1], [0, 0, 1, 1], [], []>, transpose_lhs_hint = false} : vector<328x1024xf32>, vector<1024x1024xf32>, vector<328x1024xf32> -> vector<328x1024xf32>
    %get3A_8 = arith.constant 0 : index
    %get3A_9 = arith.constant 0 : index
    %get3A_10 = arith.constant 0 : index
    %get3A_11 = vector.load %arg4[%get3A_8, %get3A_9, %get3A_10] : memref<1x1024x1024xf32, #tpu.memory_space<vmem>>, vector<1x1024x1024xf32>
    %get3A_12 = vector.shape_cast %get3A_11 : vector<1x1024x1024xf32> to vector<1024x1024xf32>
    %dot_general3A_13 = arith.constant dense<0.000000e+00> : vector<328x1024xf32>
    %dot_general3A_14 = tpu.matmul %get3A_1, %get3A_12, %dot_general3A_13 {dimension_numbers = #tpu.dot_dimension_numbers<[1], [0], [0], [1], [0, 0, 1, 1], [], []>, transpose_lhs_hint = false} : vector<328x1024xf32>, vector<1024x1024xf32>, vector<328x1024xf32> -> vector<328x1024xf32>
    %neg3A = arith.constant 0.000000e+00 : f32
    %neg3A_15 = vector.broadcast %neg3A : f32 to vector<328x1024xf32>
    %neg3A_16 = arith.subf %neg3A_15, %dot_general3A_7 : vector<328x1024xf32>
    %exp3A = math.exp %neg3A_16 : vector<328x1024xf32>
    %add3A = arith.constant 1.000000e+00 : f32
    %add3A_17 = vector.broadcast %add3A : f32 to vector<328x1024xf32>
    %add3A_18 = arith.addf %add3A_17, %exp3A : vector<328x1024xf32>
    %div3A = arith.constant 1.000000e+00 : f32
    %div3A_19 = vector.broadcast %div3A : f32 to vector<328x1024xf32>
    %div3A_20 = arith.divf %div3A_19, %add3A_18 : vector<328x1024xf32>
    %mul3A = arith.mulf %dot_general3A_7, %div3A_20 : vector<328x1024xf32>
    %mul3A_21 = arith.mulf %mul3A, %dot_general3A_14 : vector<328x1024xf32>
    %get3A_22 = arith.constant 0 : index
    %get3A_23 = arith.constant 0 : index
    %get3A_24 = arith.constant 0 : index
    %get3A_25 = vector.load %arg5[%get3A_22, %get3A_23, %get3A_24] : memref<1x1024x1024xf32, #tpu.memory_space<vmem>>, vector<1x1024x1024xf32>
    %get3A_26 = vector.shape_cast %get3A_25 : vector<1x1024x1024xf32> to vector<1024x1024xf32>
    %dot_general3A_27 = arith.constant dense<0.000000e+00> : vector<328x1024xf32>
    %dot_general3A_28 = tpu.matmul %mul3A_21, %get3A_26, %dot_general3A_27 {dimension_numbers = #tpu.dot_dimension_numbers<[1], [0], [0], [1], [0, 0, 1, 1], [], []>, transpose_lhs_hint = false} : vector<328x1024xf32>, vector<1024x1024xf32>, vector<328x1024xf32> -> vector<328x1024xf32>
    %eq3A = arith.constant 0 : i32
    %eq3A_29 = arith.cmpi eq, %arg1, %eq3A : i32
    %convert_element_type3A = arith.extui %eq3A_29 : i1 to i32
    %cond3A = arith.constant 0 : i32
    %cond3A_30 = arith.cmpi ne, %convert_element_type3A, %cond3A : i32
    scf.if %cond3A_30 {
      %swap3A = arith.constant 0 : index
      %swap3A_40 = arith.constant 0 : index
      %swap3A_41 = vector.load %arg8[%swap3A, %swap3A_40] : memref<328x1024xf32, #tpu.memory_space<vmem>>, vector<328x1024xf32>
      tpu.vector_store %arg8[%swap3A, %swap3A_40], %dot_general3A_28 {strides = array<i32>} : memref<328x1024xf32, #tpu.memory_space<vmem>>, vector<328x1024xf32>,
    } else {
    }
    %gt3A = arith.constant 0 : i32
    %gt3A_31 = arith.cmpi sgt, %arg1, %gt3A : i32
    %convert_element_type3A_32 = arith.extui %gt3A_31 : i1 to i32
    %cond3A_33 = arith.constant 0 : i32
    %cond3A_34 = arith.cmpi ne, %convert_element_type3A_32, %cond3A_33 : i32
    scf.if %cond3A_34 {
      %get3A_40 = arith.constant 0 : index
      %get3A_41 = arith.constant 0 : index
      %get3A_42 = vector.load %arg8[%get3A_40, %get3A_41] : memref<328x1024xf32, #tpu.memory_space<vmem>>, vector<328x1024xf32>
      %add3A_43 = arith.addf %get3A_42, %dot_general3A_28 : vector<328x1024xf32>
      %swap3A = arith.constant 0 : index
      %swap3A_44 = arith.constant 0 : index
      %swap3A_45 = vector.load %arg8[%swap3A, %swap3A_44] : memref<328x1024xf32, #tpu.memory_space<vmem>>, vector<328x1024xf32>
      tpu.vector_store %arg8[%swap3A, %swap3A_44], %add3A_43 {strides = array<i32>} : memref<328x1024xf32, #tpu.memory_space<vmem>>, vector<328x1024xf32>,
    } else {
    }
    %eq3A_35 = arith.constant 1 : i32
    %eq3A_36 = arith.cmpi eq, %arg1, %eq3A_35 : i32
    %convert_element_type3A_37 = arith.extui %eq3A_36 : i1 to i32
    %cond3A_38 = arith.constant 0 : i32
    %cond3A_39 = arith.cmpi ne, %convert_element_type3A_37, %cond3A_38 : i32
    scf.if %cond3A_39 {
      %get3A_40 = arith.constant 0 : index
      %get3A_41 = arith.constant 0 : index
      %get3A_42 = vector.load %arg8[%get3A_40, %get3A_41] : memref<328x1024xf32, #tpu.memory_space<vmem>>, vector<328x1024xf32>
      %get3A_43 = arith.constant 0 : index
      %get3A_44 = arith.constant 0 : index
      %get3A_45 = vector.load %arg6[%get3A_43, %get3A_44] : memref<328x128xf32, #tpu.memory_space<vmem>>, vector<328x1xf32>
      %mul3A_46 = vector.broadcast %get3A_45 : vector<328x1xf32> to vector<328x1024xf32>
      %mul3A_47 = arith.mulf %get3A_42, %mul3A_46 : vector<328x1024xf32>
      %swap3A = arith.constant 0 : index
      %swap3A_48 = arith.constant 0 : index
      %swap3A_49 = vector.load %arg7[%swap3A, %swap3A_48] : memref<328x1024xf32, #tpu.memory_space<vmem>>, vector<328x1024xf32>
      tpu.vector_store %arg7[%swap3A, %swap3A_48], %mul3A_47 {strides = array<i32>} : memref<328x1024xf32, #tpu.memory_space<vmem>>, vector<328x1024xf32>,
      %broadcast_in_dim3A = arith.constant 0.000000e+00 : f32
      %broadcast_in_dim3A_50 = vector.broadcast %broadcast_in_dim3A : f32 to vector<8x1024xf32>
      %swap3A_51 = arith.constant 320 : index
      %swap3A_52 = arith.constant 0 : index
      %swap3A_53 = vector.load %arg7[%swap3A_51, %swap3A_52] : memref<328x1024xf32, #tpu.memory_space<vmem>>, vector<8x1024xf32>
      tpu.vector_store %arg7[%swap3A_51, %swap3A_52], %broadcast_in_dim3A_50 {strides = array<i32>} : memref<328x1024xf32, #tpu.memory_space<vmem>>, vector<8x1024xf32>,
    } else {
    }
    return
  }
  func.func @transform_0(%arg0: i32, %arg1: i32) -> (i32, i32) {
    %c0_i32 = arith.constant 0 : i32
    %c0_i32_0 = arith.constant 0 : i32
    return %arg0, %c0_i32 : i32, i32
  }
  func.func @transform_1(%arg0: i32, %arg1: i32) -> (i32, i32, i32) {
    %c0_i32 = arith.constant 0 : i32
    %c0_i32_0 = arith.constant 0 : i32
    return %arg0, %c0_i32, %arg1 : i32, i32, i32
  }
  func.func @transform_2(%arg0: i32, %arg1: i32) -> (i32, i32, i32) {
    %c0_i32 = arith.constant 0 : i32
    %c0_i32_0 = arith.constant 0 : i32
    return %arg0, %c0_i32, %arg1 : i32, i32, i32
  }
  func.func @transform_3(%arg0: i32, %arg1: i32) -> (i32, i32, i32) {
    %c0_i32 = arith.constant 0 : i32
    %c0_i32_0 = arith.constant 0 : i32
    return %arg0, %arg1, %c0_i32 : i32, i32, i32
  }
  func.func @transform_4(%arg0: i32, %arg1: i32) -> (i32, i32) {
    %c0_i32 = arith.constant 0 : i32
    %c0_i32_0 = arith.constant 0 : i32
    return %arg0, %c0_i32 : i32, i32
  }
  func.func @transform_5(%arg0: i32, %arg1: i32) -> (i32, i32) {
    %c0_i32 = arith.constant 0 : i32
    %c0_i32_0 = arith.constant 0 : i32
    return %arg0, %c0_i32 : i32, i32
  }
}

module attributes {stable_mosaic.version = 14 : i64} {
  func.func @_route_body(%arg0: memref<1x2048x1024xf32, #tpu.memory_space<vmem>>, %arg1: memref<1024x8xf32, #tpu.memory_space<vmem>>, %arg2: memref<1x8xf32, #tpu.memory_space<vmem>>, %arg3: memref<16x128xi32, #tpu.memory_space<vmem>>, %arg4: memref<16x128xi32, #tpu.memory_space<vmem>>, %arg5: memref<16x128xf32, #tpu.memory_space<vmem>>, %arg6: memref<16x128xf32, #tpu.memory_space<vmem>>, %arg7: memref<2048x8xf32, #tpu.memory_space<vmem>>, %arg8: memref<2048x8xf32, #tpu.memory_space<vmem>>) attributes {dimension_semantics = [], scalar_prefetch = 0 : i64, scratch_operands = 2 : i64, tpu.core_type = #tpu.core_type<tc>} {
    %get3A = arith.constant 0 : index
    %get3A_0 = arith.constant 0 : index
    %get3A_1 = arith.constant 0 : index
    %get3A_2 = vector.load %arg0[%get3A, %get3A_0, %get3A_1] : memref<1x2048x1024xf32, #tpu.memory_space<vmem>>, vector<1x2048x1024xf32>
    %get3A_3 = vector.shape_cast %get3A_2 : vector<1x2048x1024xf32> to vector<2048x1024xf32>
    %get3A_4 = arith.constant 0 : index
    %get3A_5 = arith.constant 0 : index
    %get3A_6 = vector.load %arg1[%get3A_4, %get3A_5] : memref<1024x8xf32, #tpu.memory_space<vmem>>, vector<1024x8xf32>
    %dot_general3A = arith.constant dense<0.000000e+00> : vector<2048x8xf32>
    %dot_general3A_7 = tpu.matmul %get3A_3, %get3A_6, %dot_general3A {dimension_numbers = #tpu.dot_dimension_numbers<[1], [0], [0], [1], [0, 0, 1, 1], [], []>, transpose_lhs_hint = false} : vector<2048x1024xf32>, vector<1024x8xf32>, vector<2048x8xf32> -> vector<2048x8xf32>
    %get3A_8 = arith.constant 0 : index
    %get3A_9 = arith.constant 0 : index
    %get3A_10 = vector.load %arg2[%get3A_8, %get3A_9] : memref<1x8xf32, #tpu.memory_space<vmem>>, vector<1x8xf32>
    %add3A = vector.broadcast %get3A_10 : vector<1x8xf32> to vector<2048x8xf32>
    %add3A_11 = arith.addf %dot_general3A_7, %add3A : vector<2048x8xf32>
    %iota3A = tpu.iota {dimensions = array<i32: 1>} : vector<2048x8xi32>
    %convert_element_type3A = arith.sitofp %iota3A : vector<2048x8xi32> to vector<2048x8xf32>
    %reduce_max3A = arith.constant dense<0xFF800000> : vector<2048xf32>
    %reduce_max3A_12 = vector.multi_reduction <maximumf>, %add3A_11, %reduce_max3A [1] : vector<2048x8xf32> to vector<2048xf32>
    %broadcast_in_dim3A = vector.shape_cast %reduce_max3A_12 : vector<2048xf32> to vector<2048x1xf32>
    %eq3A = vector.broadcast %broadcast_in_dim3A : vector<2048x1xf32> to vector<2048x8xf32>
    %eq3A_13 = arith.cmpf oeq, %add3A_11, %eq3A : vector<2048x8xf32>
    %jit3A = arith.constant 8.000000e+00 : f32
    %broadcast_in_dim3A_14 = vector.broadcast %jit3A : f32 to vector<2048x8xf32>
    %select_n3A = arith.select %eq3A_13, %convert_element_type3A, %broadcast_in_dim3A_14 : vector<2048x8xi1>, vector<2048x8xf32>
    %reduce_min3A = arith.constant dense<0x7F800000> : vector<2048xf32>
    %reduce_min3A_15 = vector.multi_reduction <minimumf>, %select_n3A, %reduce_min3A [1] : vector<2048x8xf32> to vector<2048xf32>
    %broadcast_in_dim3A_16 = vector.shape_cast %reduce_min3A_15 : vector<2048xf32> to vector<2048x1xf32>
    %eq3A_17 = vector.broadcast %broadcast_in_dim3A_16 : vector<2048x1xf32> to vector<2048x8xf32>
    %eq3A_18 = arith.cmpf oeq, %convert_element_type3A, %eq3A_17 : vector<2048x8xf32>
    %jit3A_19 = arith.constant 0xFF800000 : f32
    %broadcast_in_dim3A_20 = vector.broadcast %jit3A_19 : f32 to vector<2048x8xf32>
    %select_n3A_21 = arith.select %eq3A_18, %broadcast_in_dim3A_20, %add3A_11 : vector<2048x8xi1>, vector<2048x8xf32>
    %reduce_max3A_22 = arith.constant dense<0xFF800000> : vector<2048xf32>
    %reduce_max3A_23 = vector.multi_reduction <maximumf>, %select_n3A_21, %reduce_max3A_22 [1] : vector<2048x8xf32> to vector<2048xf32>
    %broadcast_in_dim3A_24 = vector.shape_cast %reduce_max3A_23 : vector<2048xf32> to vector<2048x1xf32>
    %eq3A_25 = vector.broadcast %broadcast_in_dim3A_24 : vector<2048x1xf32> to vector<2048x8xf32>
    %eq3A_26 = arith.cmpf oeq, %select_n3A_21, %eq3A_25 : vector<2048x8xf32>
    %jit3A_27 = arith.constant 8.000000e+00 : f32
    %broadcast_in_dim3A_28 = vector.broadcast %jit3A_27 : f32 to vector<2048x8xf32>
    %select_n3A_29 = arith.select %eq3A_26, %convert_element_type3A, %broadcast_in_dim3A_28 : vector<2048x8xi1>, vector<2048x8xf32>
    %reduce_min3A_30 = arith.constant dense<0x7F800000> : vector<2048xf32>
    %reduce_min3A_31 = vector.multi_reduction <minimumf>, %select_n3A_29, %reduce_min3A_30 [1] : vector<2048x8xf32> to vector<2048xf32>
    %broadcast_in_dim3A_32 = vector.shape_cast %reduce_min3A_31 : vector<2048xf32> to vector<2048x1xf32>
    %eq3A_33 = vector.broadcast %broadcast_in_dim3A_16 : vector<2048x1xf32> to vector<2048x8xf32>
    %eq3A_34 = arith.cmpf oeq, %convert_element_type3A, %eq3A_33 : vector<2048x8xf32>
    %eq3A_35 = vector.broadcast %broadcast_in_dim3A_32 : vector<2048x1xf32> to vector<2048x8xf32>
    %eq3A_36 = arith.cmpf oeq, %convert_element_type3A, %eq3A_35 : vector<2048x8xf32>
    %or3A = arith.ori %eq3A_34, %eq3A_36 : vector<2048x8xi1>
    %convert_element_type3A_37 = arith.extui %or3A : vector<2048x8xi1> to vector<2048x8xi32>
    %convert_element_type3A_38 = arith.sitofp %convert_element_type3A_37 : vector<2048x8xi32> to vector<2048x8xf32>
    %swap3A = arith.constant 0 : index
    %swap3A_39 = arith.constant 0 : index
    %swap3A_40 = vector.load %arg7[%swap3A, %swap3A_39] : memref<2048x8xf32, #tpu.memory_space<vmem>>, vector<2048x8xf32>
    tpu.vector_store %arg7[%swap3A, %swap3A_39], %convert_element_type3A_38 {strides = array<i32>} : memref<2048x8xf32, #tpu.memory_space<vmem>>, vector<2048x8xf32>,
    %iota3A_41 = tpu.iota {dimensions = array<i32: 0>} : vector<256x256xi32>
    %iota3A_42 = tpu.iota {dimensions = array<i32: 1>} : vector<256x256xi32>
    %ge3A = arith.cmpi sge, %iota3A_41, %iota3A_42 : vector<256x256xi32>
    %convert_element_type3A_43 = arith.extui %ge3A : vector<256x256xi1> to vector<256x256xi32>
    %convert_element_type3A_44 = arith.sitofp %convert_element_type3A_43 : vector<256x256xi32> to vector<256x256xf32>
    %broadcast_in_dim3A_45 = arith.constant 0.000000e+00 : f32
    %broadcast_in_dim3A_46 = vector.broadcast %broadcast_in_dim3A_45 : f32 to vector<1x8xf32>
    %scan3A = arith.constant 0 : i32
    %scan3A_47 = arith.constant 8 : i32
    %scan3A_48 = arith.addi %scan3A, %scan3A_47 : i32
    %scan3A_49 = arith.constant 1 : i32
    %scan3A_50 = scf.for %scan3A_142 = %scan3A to %scan3A_48 step %scan3A_49 iter_args(%scan3A_143 = %broadcast_in_dim3A_46) -> (vector<1x8xf32>)  : i32 {
      %mul3A_144 = arith.constant 256 : i32
      %mul3A_145 = arith.muli %scan3A_142, %mul3A_144 : i32
      %get3A_146 = arith.index_cast %mul3A_145 : i32 to index
      %get3A_147 = arith.constant 0 : index
      %get3A_148 = vector.load %arg7[%get3A_146, %get3A_147] : memref<2048x8xf32, #tpu.memory_space<vmem>>, vector<256x8xf32>
      %dot_general3A_149 = arith.constant dense<0.000000e+00> : vector<256x8xf32>
      %dot_general3A_150 = tpu.matmul %convert_element_type3A_44, %get3A_148, %dot_general3A_149 {dimension_numbers = #tpu.dot_dimension_numbers<[1], [0], [0], [1], [0, 0, 1, 1], [], []>, transpose_lhs_hint = false} : vector<256x256xf32>, vector<256x8xf32>, vector<256x8xf32> -> vector<256x8xf32>
      %add3A_151 = vector.broadcast %scan3A_143 : vector<1x8xf32> to vector<256x8xf32>
      %add3A_152 = arith.addf %dot_general3A_150, %add3A_151 : vector<256x8xf32>
      %mul3A_153 = arith.constant 256 : i32
      %mul3A_154 = arith.muli %scan3A_142, %mul3A_153 : i32
      %swap3A_155 = arith.index_cast %mul3A_154 : i32 to index
      %swap3A_156 = arith.constant 0 : index
      %swap3A_157 = vector.load %arg8[%swap3A_155, %swap3A_156] : memref<2048x8xf32, #tpu.memory_space<vmem>>, vector<256x8xf32>
      tpu.vector_store %arg8[%swap3A_155, %swap3A_156], %add3A_152 {strides = array<i32>} : memref<2048x8xf32, #tpu.memory_space<vmem>>, vector<256x8xf32>,
      %slice3A = vector.extract_strided_slice %add3A_152 {offsets = [255, 0], sizes = [1, 8], strides = [1, 1]} : vector<256x8xf32> to vector<1x8xf32>
      scf.yield %slice3A : vector<1x8xf32>
    }
    %scan3A_51 = arith.constant 8 : i32
    %get3A_52 = arith.constant 0 : index
    %get3A_53 = arith.constant 0 : index
    %get3A_54 = vector.load %arg8[%get3A_52, %get3A_53] : memref<2048x8xf32, #tpu.memory_space<vmem>>, vector<2048x8xf32>
    %eq3A_55 = vector.broadcast %broadcast_in_dim3A_16 : vector<2048x1xf32> to vector<2048x8xf32>
    %eq3A_56 = arith.cmpf oeq, %convert_element_type3A, %eq3A_55 : vector<2048x8xf32>
    %convert_element_type3A_57 = arith.extui %eq3A_56 : vector<2048x8xi1> to vector<2048x8xi32>
    %convert_element_type3A_58 = arith.sitofp %convert_element_type3A_57 : vector<2048x8xi32> to vector<2048x8xf32>
    %mul3A = arith.mulf %get3A_54, %convert_element_type3A_58 : vector<2048x8xf32>
    %reduce_sum3A = arith.constant dense<0.000000e+00> : vector<2048xf32>
    %reduce_sum3A_59 = vector.multi_reduction <add>, %mul3A, %reduce_sum3A [1] : vector<2048x8xf32> to vector<2048xf32>
    %broadcast_in_dim3A_60 = vector.shape_cast %reduce_sum3A_59 : vector<2048xf32> to vector<2048x1xf32>
    %eq3A_61 = vector.broadcast %broadcast_in_dim3A_32 : vector<2048x1xf32> to vector<2048x8xf32>
    %eq3A_62 = arith.cmpf oeq, %convert_element_type3A, %eq3A_61 : vector<2048x8xf32>
    %convert_element_type3A_63 = arith.extui %eq3A_62 : vector<2048x8xi1> to vector<2048x8xi32>
    %convert_element_type3A_64 = arith.sitofp %convert_element_type3A_63 : vector<2048x8xi32> to vector<2048x8xf32>
    %mul3A_65 = arith.mulf %get3A_54, %convert_element_type3A_64 : vector<2048x8xf32>
    %reduce_sum3A_66 = arith.constant dense<0.000000e+00> : vector<2048xf32>
    %reduce_sum3A_67 = vector.multi_reduction <add>, %mul3A_65, %reduce_sum3A_66 [1] : vector<2048x8xf32> to vector<2048xf32>
    %broadcast_in_dim3A_68 = vector.shape_cast %reduce_sum3A_67 : vector<2048xf32> to vector<2048x1xf32>
    %le3A = arith.constant 3.200000e+02 : f32
    %le3A_69 = vector.broadcast %le3A : f32 to vector<2048x1xf32>
    %le3A_70 = arith.cmpf ole, %broadcast_in_dim3A_60, %le3A_69 : vector<2048x1xf32>
    %le3A_71 = arith.constant 3.200000e+02 : f32
    %le3A_72 = vector.broadcast %le3A_71 : f32 to vector<2048x1xf32>
    %le3A_73 = arith.cmpf ole, %broadcast_in_dim3A_68, %le3A_72 : vector<2048x1xf32>
    %iota3A_74 = tpu.iota {dimensions = array<i32: 0>} : vector<2048x1xi32>
    %jit3A_75 = arith.constant 8 : i32
    %eq3A_76 = arith.constant 0 : i32
    %eq3A_77 = arith.cmpi eq, %jit3A_75, %eq3A_76 : i32
    %jit3A_78 = arith.constant 1 : i32
    %select_n3A_79 = arith.select %eq3A_77, %jit3A_78, %jit3A_75 : i32
    %rem3A = vector.broadcast %select_n3A_79 : i32 to vector<2048x1xi32>
    %rem3A_80 = arith.remsi %iota3A_74, %rem3A : vector<2048x1xi32>
    %ne3A = arith.constant 0 : i32
    %ne3A_81 = vector.broadcast %ne3A : i32 to vector<2048x1xi32>
    %ne3A_82 = arith.cmpi ne, %rem3A_80, %ne3A_81 : vector<2048x1xi32>
    %lt3A = arith.constant 0 : i32
    %lt3A_83 = vector.broadcast %lt3A : i32 to vector<2048x1xi32>
    %lt3A_84 = arith.cmpi slt, %rem3A_80, %lt3A_83 : vector<2048x1xi32>
    %lt3A_85 = arith.constant 0 : i32
    %lt3A_86 = arith.cmpi slt, %select_n3A_79, %lt3A_85 : i32
    %ne3A_87 = vector.broadcast %lt3A_86 : i1 to vector<2048x1xi1>
    %ne3A_88 = vector.broadcast %ne3A_87 : vector<2048x1xi1> to vector<2048x1xi1>
    %ne3A_89 = arith.xori %lt3A_84, %ne3A_88 : vector<2048x1xi1>
    %and3A = arith.andi %ne3A_89, %ne3A_82 : vector<2048x1xi1>
    %add3A_90 = vector.broadcast %select_n3A_79 : i32 to vector<2048x1xi32>
    %add3A_91 = arith.addi %rem3A_80, %add3A_90 : vector<2048x1xi32>
    %select_n3A_92 = arith.select %and3A, %add3A_91, %rem3A_80 : vector<2048x1xi1>, vector<2048x1xi32>
    %convert_element_type3A_93 = arith.sitofp %select_n3A_92 : vector<2048x1xi32> to vector<2048x1xf32>
    %sub3A = arith.constant 1.000000e+00 : f32
    %sub3A_94 = vector.broadcast %sub3A : f32 to vector<2048x1xf32>
    %sub3A_95 = arith.subf %broadcast_in_dim3A_60, %sub3A_94 : vector<2048x1xf32>
    %add3A_96 = arith.constant 3.200000e+02 : f32
    %add3A_97 = vector.broadcast %add3A_96 : f32 to vector<2048x1xf32>
    %add3A_98 = arith.addf %add3A_97, %convert_element_type3A_93 : vector<2048x1xf32>
    %select_n3A_99 = arith.select %le3A_70, %sub3A_95, %add3A_98 : vector<2048x1xi1>, vector<2048x1xf32>
    %sub3A_100 = arith.constant 1.000000e+00 : f32
    %sub3A_101 = vector.broadcast %sub3A_100 : f32 to vector<2048x1xf32>
    %sub3A_102 = arith.subf %broadcast_in_dim3A_68, %sub3A_101 : vector<2048x1xf32>
    %add3A_103 = arith.constant 3.200000e+02 : f32
    %add3A_104 = vector.broadcast %add3A_103 : f32 to vector<2048x1xf32>
    %add3A_105 = arith.addf %add3A_104, %convert_element_type3A_93 : vector<2048x1xf32>
    %select_n3A_106 = arith.select %le3A_73, %sub3A_102, %add3A_105 : vector<2048x1xi1>, vector<2048x1xf32>
    %mul3A_107 = arith.constant 3.280000e+02 : f32
    %mul3A_108 = vector.broadcast %mul3A_107 : f32 to vector<2048x1xf32>
    %mul3A_109 = arith.mulf %broadcast_in_dim3A_16, %mul3A_108 : vector<2048x1xf32>
    %add3A_110 = arith.addf %mul3A_109, %select_n3A_99 : vector<2048x1xf32>
    %mul3A_111 = arith.constant 3.280000e+02 : f32
    %mul3A_112 = vector.broadcast %mul3A_111 : f32 to vector<2048x1xf32>
    %mul3A_113 = arith.mulf %broadcast_in_dim3A_32, %mul3A_112 : vector<2048x1xf32>
    %add3A_114 = arith.addf %mul3A_113, %select_n3A_106 : vector<2048x1xf32>
    %convert_element_type3A_115 = arith.fptosi %add3A_110 : vector<2048x1xf32> to vector<2048x1xi32>
    %reshape3A = vector.shape_cast %convert_element_type3A_115 : vector<2048x1xi32> to vector<16x128xi32>
    %swap3A_116 = arith.constant 0 : index
    %swap3A_117 = arith.constant 0 : index
    %swap3A_118 = vector.load %arg3[%swap3A_116, %swap3A_117] : memref<16x128xi32, #tpu.memory_space<vmem>>, vector<16x128xi32>
    tpu.vector_store %arg3[%swap3A_116, %swap3A_117], %reshape3A {strides = array<i32>} : memref<16x128xi32, #tpu.memory_space<vmem>>, vector<16x128xi32>,
    %convert_element_type3A_119 = arith.fptosi %add3A_114 : vector<2048x1xf32> to vector<2048x1xi32>
    %reshape3A_120 = vector.shape_cast %convert_element_type3A_119 : vector<2048x1xi32> to vector<16x128xi32>
    %swap3A_121 = arith.constant 0 : index
    %swap3A_122 = arith.constant 0 : index
    %swap3A_123 = vector.load %arg4[%swap3A_121, %swap3A_122] : memref<16x128xi32, #tpu.memory_space<vmem>>, vector<16x128xi32>
    tpu.vector_store %arg4[%swap3A_121, %swap3A_122], %reshape3A_120 {strides = array<i32>} : memref<16x128xi32, #tpu.memory_space<vmem>>, vector<16x128xi32>,
    %sub3A_124 = arith.subf %broadcast_in_dim3A_24, %broadcast_in_dim3A : vector<2048x1xf32>
    %exp3A = math.exp %sub3A_124 : vector<2048x1xf32>
    %add3A_125 = arith.constant 1.000000e+00 : f32
    %add3A_126 = vector.broadcast %add3A_125 : f32 to vector<2048x1xf32>
    %add3A_127 = arith.addf %add3A_126, %exp3A : vector<2048x1xf32>
    %convert_element_type3A_128 = arith.extui %le3A_70 : vector<2048x1xi1> to vector<2048x1xi32>
    %convert_element_type3A_129 = arith.sitofp %convert_element_type3A_128 : vector<2048x1xi32> to vector<2048x1xf32>
    %div3A = arith.divf %convert_element_type3A_129, %add3A_127 : vector<2048x1xf32>
    %reshape3A_130 = vector.shape_cast %div3A : vector<2048x1xf32> to vector<16x128xf32>
    %swap3A_131 = arith.constant 0 : index
    %swap3A_132 = arith.constant 0 : index
    %swap3A_133 = vector.load %arg5[%swap3A_131, %swap3A_132] : memref<16x128xf32, #tpu.memory_space<vmem>>, vector<16x128xf32>
    tpu.vector_store %arg5[%swap3A_131, %swap3A_132], %reshape3A_130 {strides = array<i32>} : memref<16x128xf32, #tpu.memory_space<vmem>>, vector<16x128xf32>,
    %convert_element_type3A_134 = arith.extui %le3A_73 : vector<2048x1xi1> to vector<2048x1xi32>
    %convert_element_type3A_135 = arith.sitofp %convert_element_type3A_134 : vector<2048x1xi32> to vector<2048x1xf32>
    %mul3A_136 = arith.mulf %convert_element_type3A_135, %exp3A : vector<2048x1xf32>
    %div3A_137 = arith.divf %mul3A_136, %add3A_127 : vector<2048x1xf32>
    %reshape3A_138 = vector.shape_cast %div3A_137 : vector<2048x1xf32> to vector<16x128xf32>
    %swap3A_139 = arith.constant 0 : index
    %swap3A_140 = arith.constant 0 : index
    %swap3A_141 = vector.load %arg6[%swap3A_139, %swap3A_140] : memref<16x128xf32, #tpu.memory_space<vmem>>, vector<16x128xf32>
    tpu.vector_store %arg6[%swap3A_139, %swap3A_140], %reshape3A_138 {strides = array<i32>} : memref<16x128xf32, #tpu.memory_space<vmem>>, vector<16x128xf32>,
    return
  }
}

</mosaic_0001>

<sc_bundles>
// kernel: kernel.6.cloned.1.call-start
scs
__scs_entry_jumppad:
0x0: {  	(pc) =	sbr.rel $0x88, $3  }
0x1: {  	(tag) =	ssettag $0x0;
	lr =	simm.s32 $0x1  }
0x2: {  	[smem:$0x3F9B] =	sst lr;
	_ =	strace $0xD0000000  }
0x3: {  	_ = 	snop  }
0x4: {  	_ = 	snop  }
0x5: {  	_ = 	snop  }
0x6: {  	_ = 	snop  }
0x7: {  	_ = 	snop  }
__scs_overlays_trampoline_lowered:
0x8: {  	[smem:$0x3FAA] =	sst s0  }
0x9: {  	[smem:$0x3FAB] =	sst s1  }
0xa: {  	[smem:$0x3FAC] =	sst s2  }
0xb: {  	[smem:$0x3FAD] =	sst s3  }
0xc: {  	[smem:$0x3FAE] =	sst s4  }
0xd: {  	[smem:$0x3FAF] =	sst s5  }
0xe: {  	[smem:$0x3FB0] =	sst s6  }
0xf: {  	[smem:$0x3FB1] =	sst s7  }
0x10: {  	[smem:$0x3FB2] =	sst s8  }
0x11: {  	[smem:$0x3FB3] =	sst s9;
	s0 =	simm.s32 @!p0 $0x0  }
0x12: {  	s1 =	sld [smem:$0x3F99];
	s0 =	simm.s32 @p0 $0x1  }
0x13: {  	[smem:$0x3FB4] =	sst s0;
	s0 =	simm.s32 @!p1 $0x0  }
0x14: {  	s2 =	sld [smem:$0x3F98];
	s0 =	simm.s32 @p1 $0x1  }
0x15: {  	[smem:$0x3FB5] =	sst s0;
	s0 =	simm.s32 @!p2 $0x0  }
0x16: {  	s3 =	sld [smem:$0x3FDB];
	s0 =	simm.s32 @p2 $0x1  }
0x17: {  	s4 =	simm.s32 $0x1BF5;
	[smem:$0x3FB7] =	sst s0  }
0x18: {  	s0 =	sld [smem:$0x3F9A];
	_ =	swait.ge [sflag:s4], $0x0  }
0x19: {  	s7 =	sld [smem:$0x3F9B]  }
0x1a: {  	s8 =	sadd.s32 $0xFFFFE003, lr  }
0x1b: {  	s9 =	sadd.s32 $0xFFFFFEF7, lr;
	s5 =	simm.s32 $0xFFFFFFFF;
	p2 =	slt.u32 s8, $0xFFFFF086  }
0x1c: {  	p1 =	slt.u32 s9, $0xF7A;
	s5 =	simm.s32 @!p2 $0x0  }
0x1d: {  	s5 =	simm.s32 @p1 $0x1;
	p0 =	seq.s32 s7, s2  }
0x1e: {  	s7 =	smul.u32 @!p0 $0xF7A, s2;
	p2 =	seq.s32 @!p0 s5, $0x0  }
0x1f: {  	s9 =	smul.u32 $0xF7A, s1;
	s8 =	simm.s32 @!p0 $0x1BF5;
	p2 =	por !p2, p0  }
0x20: {  	[sflag:s8] =	ssyncset.s32 @!p0 $0xFFFFF086;
	s6 =	sadd.s32 @!p0 s3, s7;
	s7 =	simm.s32 @!p0 $0x108  }
0x21: {  	s3 =	sadd.s32 s3, s9;
	s6 =	sadd.s32 @!p0 $0x88, s6;
	s7 =	simm.s32 @p2 $0x1082  }
0x22: {  	[simem:s7], [sflag:s8] =	dma.local @!p0 [hbm:s6], $0xF7A  }
0x23: {  	s9 =	sor.u32 $0xD0000000, s2;
	s6 =	simm.s32 $0x108;
	_ =	swait.ge @!p0 [sflag:s8], $0x0  }
0x24: {  	s3 =	sadd.s32 $0x88, s3;
	s6 =	simm.s32 @!p1 $0x1082;
	[sflag:s4] =	ssyncset.s32 $0xFFFFF086  }
0x25: {  	[simem:s6], [sflag:s4] =	dma.local [hbm:s3], $0xF7A  }
0x26: {  	[smem:$0x3F9B] =	sst s1;
	(tag) =	ssettag s2;
	_ =	strace s9  }
0x27: {  	s1 =	sld [smem:$0x3FAB]  }
0x28: {  	s2 =	sld [smem:$0x3FAC]  }
0x29: {  	s4 =	sld [smem:$0x3FAE]  }
0x2a: {  	p0 =	seq.s32 s5, $0x0;
	s5 =	sld [smem:$0x3FAF]  }
0x2b: {  	s6 =	sld [smem:$0x3FB0]  }
0x2c: {  	s7 =	sld [smem:$0x3FB1]  }
0x2d: {  	s3 =	simm.s32 $0x108;
	s8 =	sld [smem:$0x3FB2]  }
0x2e: {  	s3 =	simm.s32 @!p0 $0x1082;
	s9 =	sld [smem:$0x3FB3]  }
0x2f: {  	lr =	sadd.s32 s0, s3;
	s0 =	sld [smem:$0x3FAA]  }
0x30: {  	s3 =	sld [smem:$0x3FAD]  }
0x31: {  	[smem:$0x3FB6] =	sst s10  }
0x32: {  	s10 =	sld [smem:$0x3FB4];
	_ =	sdelay $0x3  }
0x33: {  	p0 =	seq.s32 s10, $0x1;
	s10 =	sld [smem:$0x3FB6];
	_ =	sdelay $0x3  }
0x34: {  	[smem:$0x3FB6] =	sst s10  }
0x35: {  	s10 =	sld [smem:$0x3FB5];
	_ =	sdelay $0x3  }
0x36: {  	p1 =	seq.s32 s10, $0x1;
	s10 =	sld [smem:$0x3FB6];
	_ =	sdelay $0x3  }
0x37: {  	[smem:$0x3FB6] =	sst s10  }
0x38: {  	s10 =	sld [smem:$0x3FB7]  }
0x39: {  	_ = 	snop;
	(pc) =	sbr.ind lr, $3  }
0x3a: {  	_ = 	snop  }
0x3b: {  	_ = 	snop  }
0x3c: {  	p2 =	seq.s32 s10, $0x1;
	s10 =	sld [smem:$0x3FB6]  }
0x3d: {  	_ =	shalt  }
0x3e: {  	_ =	shalt  }
0x3f: {  	_ =	shalt  }
0x40: {  	_ =	shalt  }
0x41: {  	_ =	shalt  }
0x42: {  	_ =	shalt  }
0x43: {  	_ =	shalt  }
0x44: {  	_ =	shalt  }
0x45: {  	_ =	shalt  }
0x46: {  	_ =	shalt  }
0x47: {  	_ =	shalt  }
0x48: {  	_ =	shalt  }
0x49: {  	_ =	shalt  }
0x4a: {  	_ =	shalt  }
0x4b: {  	_ =	shalt  }
0x4c: {  	_ =	shalt  }
0x4d: {  	_ =	shalt  }
0x4e: {  	_ =	shalt  }
0x4f: {  	_ =	shalt  }
0x50: {  	_ =	shalt  }
0x51: {  	_ =	shalt  }
0x52: {  	_ =	shalt  }
0x53: {  	_ =	shalt  }
0x54: {  	_ =	shalt  }
0x55: {  	_ =	shalt  }
0x56: {  	_ =	shalt  }
0x57: {  	_ =	shalt  }
0x58: {  	_ =	shalt  }
0x59: {  	_ =	shalt  }
0x5a: {  	_ =	shalt  }
0x5b: {  	_ =	shalt  }
0x5c: {  	_ =	shalt  }
0x5d: {  	_ =	shalt  }
0x5e: {  	_ =	shalt  }
0x5f: {  	_ =	shalt  }
0x60: {  	_ =	shalt  }
0x61: {  	_ =	shalt  }
0x62: {  	_ =	shalt  }
0x63: {  	_ =	shalt  }
0x64: {  	_ =	shalt  }
0x65: {  	_ =	shalt  }
0x66: {  	_ =	shalt  }
0x67: {  	_ =	shalt  }
0x68: {  	_ =	shalt  }
0x69: {  	_ =	shalt  }
0x6a: {  	_ =	shalt  }
0x6b: {  	_ =	shalt  }
0x6c: {  	_ =	shalt  }
0x6d: {  	_ =	shalt  }
0x6e: {  	_ =	shalt  }
0x6f: {  	_ =	shalt  }
0x70: {  	_ =	shalt  }
0x71: {  	_ =	shalt  }
0x72: {  	_ =	shalt  }
0x73: {  	_ =	shalt  }
0x74: {  	_ =	shalt  }
0x75: {  	_ =	shalt  }
0x76: {  	_ =	shalt  }
0x77: {  	_ =	shalt  }
0x78: {  	_ =	shalt  }
0x79: {  	_ =	shalt  }
0x7a: {  	_ =	shalt  }
0x7b: {  	_ =	shalt  }
0x7c: {  	_ =	shalt  }
0x7d: {  	_ =	shalt  }
0x7e: {  	_ =	shalt  }
0x7f: {  	_ =	shalt  }
0x80: {  	_ =	shalt  }
0x81: {  	_ =	shalt  }
0x82: {  	_ =	shalt  }
0x83: {  	_ =	shalt  }
0x84: {  	_ =	shalt  }
0x85: {  	_ =	shalt  }
0x86: {  	_ =	shalt  }
0x87: {  	_ =	shalt  }
.Lfunc_end0:
.L_simem_size_0:
called_computation_lowered:
.L_overlay_start_0:
0x88: {  	s2 =	sld [smem:$0x3FD9]  }
0x89: {  	s3 =	sld [smem:$0x3FFE];
	_ =	sdelay $0x1  }
0x8a: {  	s1 =	srdreg.scid  }
0x8b: {  	s0 =	sand.u32 $0x1, s1  }
0x8c: {  	s17 =	sshll.u32 s0, $0xA;
	s2 =	sadd.s32 s3, s2  }
0x8d: {  	s2 =	sadd.s32 s2, s17  }
0x8e: {  	[smem:$0x3FC2] =	sst s2  }
0x8f: {  	_ = 	snop  }
0x90: {  	s2 =	sld [smem:$0x3FC9]  }
0x91: {  	s18 =	sld [smem:$0x3FD0];
	(tm) =	ssettm $0x1  }
0x92: {  	s4 =	sld [smem:$0x3FFB];
	_ =	sdelay $0x3  }
0x93: {  	_ =	strace s4  }
0x94: {  	s4 =	sld [smem:$0x3FFC];
	_ =	sdelay $0x3  }
0x95: {  	_ =	strace s4  }
0x96: {  	s4 =	sld [smem:$0x3FFD];
	_ =	sdelay $0x3  }
0x97: {  	_ =	strace s4  }
0x98: {  	_ =	strace $0x8FFFFFFF  }
0x99: {  	s19 =	sld [smem:$0x3FDB];
	_ =	sdelay $0x1  }
0x9a: {  	s5 =	simm.s32 $_scs_section_size  }
0x9b: {  	s6 =	simm.s32 $_size__tile_overlayer_lowered;
	s7 =	simm.s32 $_tile_overlayer_lowered  }
0x9c: {  	s22 =	simm.s32 $0x1BFF;
	s21 =	sshll.u32 s7, $0x1;
	s4 =	sadd.s32 s5, s19  }
0x9d: {  	s8 =	simm.s32 $0x0;
	s20 =	sshll.u32 s6, $0x1;
	s6 =	sadd.s32 s21, s4  }
0x9e: {  	[timem:s8], [sflag:s22] =	dma.local [hbm:s6], s20  }
0x9f: {  	_ =	swait.ge [sflag:s22], s20  }
0xa0: {  	s5 =	ssub.s32 $0x0, s20;
	[sflag:s22] =	ssyncset.done $0x0  }
0xa1: {  	[sflag:s22] =	ssyncadd.s32 s5;
	_ =	sdelay $0x1  }
0xa2: {  	s23 =	simm.s32 $0x1B8B  }
0xa3: {  	_ =	swait.ge [sflag:s23], $0x1  }
0xa4: {  	[sflag:s23] =	ssyncset.done $0x0  }
0xa5: {  	s25 =	simm.s32 $0x1B8E;
	s24 =	sld [smem:$0x3FFE];
	[sflag:s23] =	ssyncadd.s32 $0xFFFFFFFF  }
0xa6: {  	s26 =	simm.s32 $execute0_lowered;
	[smem:$0x3FD2] =	sst s25  }
0xa7: {  	s6 =	sshll.u32 s26, $0x1;
	_ =	strace $0x80000046;
	[dreg:$0x1] =	wrdreg $0xFFFFFFFF  }
0xa8: {  	s28 =	simm.s32 $_size_execute0_lowered;
	s4 =	sadd.s32 s4, s6;
	[dreg:$0x0] =	wrdreg $0x0  }
0xa9: {  	s6 =	sshll.u32 s28, $0x1;
	[dreg:$0x2] =	wrdreg s4  }
0xaa: {  	[dreg:$0x3] =	wrdreg s6  }
0xab: {  	[dreg:$0x4] =	wrdreg $0xC0  }
0xac: {  	_ =	task [dreg:s8], $0x5FFFF  }
0xad: {  	[dreg:$0x1] =	wrdreg $0xFFFFFFFF  }
0xae: {  	[dreg:$0x0] =	wrdreg $0x60  }
0xaf: {  	[dreg:$0x2] =	wrdreg s2  }
0xb0: {  	[dreg:$0x3] =	wrdreg s24  }
0xb1: {  	[dreg:$0x4] =	wrdreg s18  }
0xb2: {  	[dreg:$0x5] =	wrdreg $0x9  }
0xb3: {  	_ =	task.clear_ibuf [dreg:s8], $0x6FFFF;
	_ =	strace $0x90000046  }
0xb4: {  	s29 =	simm.s32 $0x9;
	_ =	strace $0x80000048  }
0xb5: {  	_ =	swait.ge [sflag:s29], $0x1  }
0xb6: {  	[sflag:s29] =	ssyncadd.s32 $0xFFFFFFFF  }
0xb7: {  	_ =	strace $0x90000048  }
0xb8: {  	_ =	sfence  }
0xb9: {  	s30 =	sld [smem:$0x0];
	_ =	sdelay $0x2  }
0xba: {  	s31 =	sshll.u32 s1, $0xD;
	s1 =	sshrl.u32 s1, $0x2  }
0xbb: {  	s3 =	sand.u32 $0x4000, s31;
	s1 =	sadd.s32 s1, s30  }
0xbc: {  	s0 =	sor.u32 s3, s0;
	s1 =	sshll.u32 s1, $0x11  }
0xbd: {  	s0 =	sor.u32 s1, s0  }
0xbe: {  	s0 =	sadd.s32 $0x8F2B, s0  }
0xbf: {  	[sflag:s0] =	ssyncadd.remote.s32 $0x1  }
0xc0: {  	_ =	sfence.sel $0xFFFF  }
0xc1: {  	[dreg:$0x0] =	wrdreg $0xFFFFFFFF;
	(pc) =	sbr.abs _section_cstart, $3  }
0xc2: {  	[dreg:$0x1] =	wrdreg $0xFFFFFFFF  }
0xc3: {  	_ =	task.clear_ibuf [dreg:s8], $0x2FFFF;
	_ =	strace $0x9FFFFFFF  }
0xc4: {  	(tm) =	ssettm $0x7FFFFFFF  }
0xc5: {  	_ =	shalt  }
tec
execute0_lowered:
.L_overlay_start_1:
0x0: {  	(tag) =	ssettag $0x1  }
0x1: {  	s0 =	srdreg.scid;
	s2 =	rddreg [dreg:$0x0]  }
0x2: {  	s4 =	stileid.u32;
	s8 =	rddreg [dreg:$0x1];
	s3 =	simm.s32 $0x1  }
0x3: {  	s25 =	simm.s32 $0x10180;
	s26 =	simm.s32 $0x12180;
	s29 =	simm.s32 $0x2000  }
0x4: {  	s30 =	simm.s32 $0x2800;
	s31 =	simm.s32 $0x3000;
	s11 =	simm.s32 $0x5000  }
0x5: {  	s12 =	simm.s32 $0x5800;
	s13 =	simm.s32 $0x6000;
	s14 =	simm.s32 $0x6800  }
0x6: {  	s15 =	simm.s32 $0x7000;
	s0 =	sand.u32 $0x1, s0;
	s1 =	sshll.u32 s4, $0x1  }
0x7: {  	s16 =	simm.s32 $0x7800;
	s17 =	simm.s32 $0x8000;
	s1 =	sor.u32 s0, s1  }
0x8: {  	s18 =	simm.s32 $0x8800;
	p1 =	seq.s32 s0, $0x1;
	p0 =	seq.s32 s1, $0x0  }
0x9: {  	s19 =	simm.s32 $0x9000;
	s28 =	simm.s32 $0xB800;
	p0 =	por !p0, !p1  }
0xa: {  	s6 =	sadd.s32 $0x2900, s8;
	s7 =	sadd.s32 $0x2A00, s8;
	p0 =	por !p0, !p0  }
0xb: {  	s5 =	sshll.u32 s0, $0x6;
	s0 =	ssub.s32 $0x2, s0;
	s3 =	simm.s32 @!p0 $0x0  }
0xc: {  	s1 =	sshll.u32 s1, $0xD;
	s21 =	sshrl.u32 s0, $0x1;
	s4 =	ssub.s32 s4, s3  }
0xd: {  	s1 =	sadd.s32 s2, s1;
	s3 =	simm.s32 $0x0;
	s4 =	sshll.u32 s4, $0x7  }
0xe: {  	s0 =	ssub.s32 s0, s21;
	[smem:$0x7FF] =	sst s3;
	s4 =	sor.u32 s5, s4  }
0xf: {  	_ =	strace $0x80000047;
	[dreg:$0x4] =	wrdreg s1;
	s5 =	sshrl.u32 s4, $0x3  }
0x10: {  	s21 =	simm.s32 $0xA000;
	[dreg:$0x9] =	wrdreg s25;
	s9 =	sadd.s32 s5, s8  }
0x11: {  	s1 =	smax.u32 s0, $0x1;
	[dreg:$0xa] =	wrdreg s26;
	s20 =	sadd.s32 $0x2000, s9  }
0x12: {  	s26 =	simm.s32 $0xC000;
	s22 =	sadd.s32 $0x2200, s9;
	[dreg:$0x5] =	wrdreg s20  }
0x13: {  	v2 =	vlaneseq.u32;
	s5 =	sadd.s32 $0x2800, s8;
	s23 =	sadd.s32 $0x2400, s9;
	[dreg:$0x6] =	wrdreg s22  }
0x14: {  	vm0 =	vmmov $0xffff;
	v3 =	vimm.f32 $0.0e+00;
	v1 =	vshrl.u32 v2, $0x3;
	s8 =	sadd.s32 $0x2B00, s8;
	s24 =	sadd.s32 $0x2600, s9;
	[dreg:$0x7] =	wrdreg s23  }
0x15: {  	v0 =	vand.u32 $0x7, v2;
	v2 =	vor.u32 $0x8, v2;
	v1 =	vmul.u32 $0x8, v1;
	[dreg:$0x8] =	wrdreg s24;
	s20 =	simm.s32 $0x9800;
	s22 =	simm.s32 $0xA800  }
.LBB2_1:
0x16: {  	s23 =	rddreg [dreg:$0x4];
	s0 =	simm.s32 $0x2  }
0x17: {  	[tilespmem:s3], [sflag:$0x2] =	stream.linear.gather [hbm4b:s23+s3], $0x10000, $0x38;
	[tilespmem:$0x14180] =	vst v63  }
0x18: {  	_ =	swait.ge [sflag:s0], $0x10000  }
0x19: {  	[sflag:s0] =	ssyncset.done $0x0  }
0x1a: {  	s2 =	simm.s32 $0x10000;
	s10 =	rddreg [dreg:$0x5];
	[sflag:s0] =	ssyncadd.s32 $0xFFFF0000  }
0x1b: {  	[tilespmem:s2], [sflag:$0x2] =	stream.linear.gather [hbm4b:s10+s3], $0x40, $0x38;
	[tilespmem:$0x14180] =	vst v63  }
0x1c: {  	_ =	swait.ge [sflag:s0], $0x40  }
0x1d: {  	[sflag:s0] =	ssyncset.done $0x0  }
0x1e: {  	s25 =	simm.s32 $0x10080;
	s24 =	rddreg [dreg:$0x6];
	[sflag:s0] =	ssyncadd.s32 $0xFFFFFFC0  }
0x1f: {  	[tilespmem:s25], [sflag:$0x2] =	stream.linear.gather [hbm4b:s24+s3], $0x40, $0x38;
	[tilespmem:$0x14180] =	vst v63  }
0x20: {  	_ =	swait.ge [sflag:s0], $0x40  }
0x21: {  	[sflag:s0] =	ssyncset.done $0x0  }
0x22: {  	[sflag:s0] =	ssyncadd.s32 $0xFFFFFFC0  }
0x23: {  	v4 =	vld [tilespmem:$0x10000];
	_ =	sdelay $0x4  }
0x24: {  	v5 =	vshll.u32 v4, $0x3  }
0x25: {  	v4 =	vand.u32 $0x7, v4;
	v5 =	vand.u32 $0xFFFFFFC0, v5  }
0x26: {  	v4 =	vor.u32 v4, v5  }
0x27: {  	v5 =	vperm.xlane v4, v0;
	_ =	sdelay $0x1  }
0x28: {  	v5 =	vadd.s32 v1, v5;
	_ =	sdelay $0x4  }
0x29: {  	[hbm4b:s5+s3] =	stream.indirect_vreg.scatter [tilespmem:s3], [sflag:$0x1], $0x80, v5, vm0, $0xb8;
	[tilespmem:$0x14180] =	vst v63  }
0x2a: {  	s23 =	simm.s32 $0x800;
	v4 =	vperm.xlane v4, v2  }
0x2b: {  	[hbm4b:s6+s3] =	stream.indirect_vreg.scatter [tilespmem:s23], [sflag:$0x1], $0x80, v5, vm0, $0xb8;
	[tilespmem:$0x14180] =	vst v63  }
0x2c: {  	s24 =	simm.s32 $0x1000;
	v4 =	vadd.s32 v1, v4  }
0x2d: {  	[hbm4b:s7+s3] =	stream.indirect_vreg.scatter [tilespmem:s24], [sflag:$0x1], $0x80, v5, vm0, $0xb8;
	[tilespmem:$0x14180] =	vst v63  }
0x2e: {  	s25 =	simm.s32 $0x1800  }
0x2f: {  	[hbm4b:s8+s3] =	stream.indirect_vreg.scatter [tilespmem:s25], [sflag:$0x1], $0x80, v5, vm0, $0xb8;
	[tilespmem:$0x14180] =	vst v63  }
0x30: {  	_ = 	snop  }
0x31: {  	[hbm4b:s5+s3] =	stream.indirect_vreg.scatter [tilespmem:s29], [sflag:$0x1], $0x80, v4, vm0, $0xb8;
	[tilespmem:$0x14180] =	vst v63  }
0x32: {  	_ = 	snop  }
0x33: {  	[hbm4b:s6+s3] =	stream.indirect_vreg.scatter [tilespmem:s30], [sflag:$0x1], $0x80, v4, vm0, $0xb8;
	[tilespmem:$0x14180] =	vst v63  }
0x34: {  	_ = 	snop  }
0x35: {  	[hbm4b:s7+s3] =	stream.indirect_vreg.scatter [tilespmem:s31], [sflag:$0x1], $0x80, v4, vm0, $0xb8;
	[tilespmem:$0x14180] =	vst v63  }
0x36: {  	s10 =	simm.s32 $0x3800  }
0x37: {  	[hbm4b:s8+s3] =	stream.indirect_vreg.scatter [tilespmem:s10], [sflag:$0x1], $0x80, v4, vm0, $0xb8;
	[tilespmem:$0x14180] =	vst v63  }
0x38: {  	v4 =	vld [tilespmem:$0x10010];
	_ =	sdelay $0x4  }
0x39: {  	v5 =	vshll.u32 v4, $0x3  }
0x3a: {  	v4 =	vand.u32 $0x7, v4;
	v5 =	vand.u32 $0xFFFFFFC0, v5  }
0x3b: {  	v4 =	vor.u32 v4, v5  }
0x3c: {  	v5 =	vperm.xlane v4, v0;
	_ =	sdelay $0x1  }
0x3d: {  	v5 =	vadd.s32 v1, v5;
	_ =	sdelay $0x3  }
0x3e: {  	s4 =	simm.s32 $0x4000  }
0x3f: {  	[hbm4b:s5+s3] =	stream.indirect_vreg.scatter [tilespmem:s4], [sflag:$0x1], $0x80, v5, vm0, $0xb8;
	[tilespmem:$0x14180] =	vst v63  }
0x40: {  	s9 =	simm.s32 $0x4800;
	v4 =	vperm.xlane v4, v2  }
0x41: {  	[hbm4b:s6+s3] =	stream.indirect_vreg.scatter [tilespmem:s9], [sflag:$0x1], $0x80, v5, vm0, $0xb8;
	[tilespmem:$0x14180] =	vst v63  }
0x42: {  	v4 =	vadd.s32 v1, v4  }
0x43: {  	[hbm4b:s7+s3] =	stream.indirect_vreg.scatter [tilespmem:s11], [sflag:$0x1], $0x80, v5, vm0, $0xb8;
	[tilespmem:$0x14180] =	vst v63  }
0x44: {  	_ = 	snop  }
0x45: {  	[hbm4b:s8+s3] =	stream.indirect_vreg.scatter [tilespmem:s12], [sflag:$0x1], $0x80, v5, vm0, $0xb8;
	[tilespmem:$0x14180] =	vst v63  }
0x46: {  	_ = 	snop  }
0x47: {  	[hbm4b:s5+s3] =	stream.indirect_vreg.scatter [tilespmem:s13], [sflag:$0x1], $0x80, v4, vm0, $0xb8;
	[tilespmem:$0x14180] =	vst v63  }
0x48: {  	_ = 	snop  }
0x49: {  	[hbm4b:s6+s3] =	stream.indirect_vreg.scatter [tilespmem:s14], [sflag:$0x1], $0x80, v4, vm0, $0xb8;
	[tilespmem:$0x14180] =	vst v63  }
0x4a: {  	_ = 	snop  }
0x4b: {  	[hbm4b:s7+s3] =	stream.indirect_vreg.scatter [tilespmem:s15], [sflag:$0x1], $0x80, v4, vm0, $0xb8;
	[tilespmem:$0x14180] =	vst v63  }
0x4c: {  	_ = 	snop  }
0x4d: {  	[hbm4b:s8+s3] =	stream.indirect_vreg.scatter [tilespmem:s16], [sflag:$0x1], $0x80, v4, vm0, $0xb8;
	[tilespmem:$0x14180] =	vst v63  }
0x4e: {  	v4 =	vld [tilespmem:$0x10020];
	_ =	sdelay $0x4  }
0x4f: {  	v5 =	vshll.u32 v4, $0x3  }
0x50: {  	v4 =	vand.u32 $0x7, v4;
	v5 =	vand.u32 $0xFFFFFFC0, v5  }
0x51: {  	v4 =	vor.u32 v4, v5  }
0x52: {  	v5 =	vperm.xlane v4, v0;
	_ =	sdelay $0x1  }
0x53: {  	v5 =	vadd.s32 v1, v5;
	_ =	sdelay $0x4  }
0x54: {  	[hbm4b:s5+s3] =	stream.indirect_vreg.scatter [tilespmem:s17], [sflag:$0x1], $0x80, v5, vm0, $0xb8;
	[tilespmem:$0x14180] =	vst v63  }
0x55: {  	v4 =	vperm.xlane v4, v2  }
0x56: {  	[hbm4b:s6+s3] =	stream.indirect_vreg.scatter [tilespmem:s18], [sflag:$0x1], $0x80, v5, vm0, $0xb8;
	[tilespmem:$0x14180] =	vst v63  }
0x57: {  	v4 =	vadd.s32 v1, v4  }
0x58: {  	[hbm4b:s7+s3] =	stream.indirect_vreg.scatter [tilespmem:s19], [sflag:$0x1], $0x80, v5, vm0, $0xb8;
	[tilespmem:$0x14180] =	vst v63  }
0x59: {  	_ = 	snop  }
0x5a: {  	[hbm4b:s8+s3] =	stream.indirect_vreg.scatter [tilespmem:s20], [sflag:$0x1], $0x80, v5, vm0, $0xb8;
	[tilespmem:$0x14180] =	vst v63  }
0x5b: {  	_ = 	snop  }
0x5c: {  	[hbm4b:s5+s3] =	stream.indirect_vreg.scatter [tilespmem:s21], [sflag:$0x1], $0x80, v4, vm0, $0xb8;
	[tilespmem:$0x14180] =	vst v63  }
0x5d: {  	_ = 	snop  }
0x5e: {  	[hbm4b:s6+s3] =	stream.indirect_vreg.scatter [tilespmem:s22], [sflag:$0x1], $0x80, v4, vm0, $0xb8;
	[tilespmem:$0x14180] =	vst v63  }
0x5f: {  	s4 =	simm.s32 $0xB000  }
0x60: {  	[hbm4b:s7+s3] =	stream.indirect_vreg.scatter [tilespmem:s4], [sflag:$0x1], $0x80, v4, vm0, $0xb8;
	[tilespmem:$0x14180] =	vst v63  }
0x61: {  	_ = 	snop  }
0x62: {  	[hbm4b:s8+s3] =	stream.indirect_vreg.scatter [tilespmem:s28], [sflag:$0x1], $0x80, v4, vm0, $0xb8;
	[tilespmem:$0x14180] =	vst v63  }
0x63: {  	v4 =	vld [tilespmem:$0x10030];
	_ =	sdelay $0x4  }
0x64: {  	v5 =	vshll.u32 v4, $0x3  }
0x65: {  	v4 =	vand.u32 $0x7, v4;
	v5 =	vand.u32 $0xFFFFFFC0, v5  }
0x66: {  	v4 =	vor.u32 v4, v5  }
0x67: {  	v5 =	vperm.xlane v4, v0;
	_ =	sdelay $0x1  }
0x68: {  	v5 =	vadd.s32 v1, v5;
	_ =	sdelay $0x4  }
0x69: {  	[hbm4b:s5+s3] =	stream.indirect_vreg.scatter [tilespmem:s26], [sflag:$0x1], $0x80, v5, vm0, $0xb8;
	[tilespmem:$0x14180] =	vst v63  }
0x6a: {  	s9 =	simm.s32 $0xC800;
	v4 =	vperm.xlane v4, v2  }
0x6b: {  	[hbm4b:s6+s3] =	stream.indirect_vreg.scatter [tilespmem:s9], [sflag:$0x1], $0x80, v5, vm0, $0xb8;
	[tilespmem:$0x14180] =	vst v63  }
0x6c: {  	s2 =	simm.s32 $0xD000;
	v4 =	vadd.s32 v1, v4  }
0x6d: {  	[hbm4b:s7+s3] =	stream.indirect_vreg.scatter [tilespmem:s2], [sflag:$0x1], $0x80, v5, vm0, $0xb8;
	[tilespmem:$0x14180] =	vst v63  }
0x6e: {  	s2 =	simm.s32 $0xD800  }
0x6f: {  	[hbm4b:s8+s3] =	stream.indirect_vreg.scatter [tilespmem:s2], [sflag:$0x1], $0x80, v5, vm0, $0xb8;
	[tilespmem:$0x14180] =	vst v63  }
0x70: {  	s2 =	simm.s32 $0xE000  }
0x71: {  	[hbm4b:s5+s3] =	stream.indirect_vreg.scatter [tilespmem:s2], [sflag:$0x1], $0x80, v4, vm0, $0xb8;
	[tilespmem:$0x14180] =	vst v63  }
0x72: {  	s2 =	simm.s32 $0xE800  }
0x73: {  	[hbm4b:s6+s3] =	stream.indirect_vreg.scatter [tilespmem:s2], [sflag:$0x1], $0x80, v4, vm0, $0xb8;
	[tilespmem:$0x14180] =	vst v63  }
0x74: {  	s2 =	simm.s32 $0xF000  }
0x75: {  	[hbm4b:s7+s3] =	stream.indirect_vreg.scatter [tilespmem:s2], [sflag:$0x1], $0x80, v4, vm0, $0xb8;
	[tilespmem:$0x14180] =	vst v63  }
0x76: {  	s2 =	simm.s32 $0xF800  }
0x77: {  	[hbm4b:s8+s3] =	stream.indirect_vreg.scatter [tilespmem:s2], [sflag:$0x1], $0x80, v4, vm0, $0xb8;
	[tilespmem:$0x14180] =	vst v63  }
0x78: {  	v4 =	vld [tilespmem:$0x10080];
	_ =	sdelay $0x4  }
0x79: {  	v5 =	vshll.u32 v4, $0x3  }
0x7a: {  	v4 =	vand.u32 $0x7, v4;
	v5 =	vand.u32 $0xFFFFFFC0, v5  }
0x7b: {  	v4 =	vor.u32 v4, v5  }
0x7c: {  	v5 =	vperm.xlane v4, v0;
	_ =	sdelay $0x1  }
0x7d: {  	v5 =	vadd.s32 v1, v5;
	_ =	sdelay $0x4  }
0x7e: {  	[hbm4b:s5+s3] =	stream.indirect_vreg.scatter [tilespmem:s3], [sflag:$0x1], $0x80, v5, vm0, $0xb8;
	[tilespmem:$0x14180] =	vst v63  }
0x7f: {  	v4 =	vperm.xlane v4, v2  }
0x80: {  	[hbm4b:s6+s3] =	stream.indirect_vreg.scatter [tilespmem:s23], [sflag:$0x1], $0x80, v5, vm0, $0xb8;
	[tilespmem:$0x14180] =	vst v63  }
0x81: {  	v4 =	vadd.s32 v1, v4  }
0x82: {  	[hbm4b:s7+s3] =	stream.indirect_vreg.scatter [tilespmem:s24], [sflag:$0x1], $0x80, v5, vm0, $0xb8;
	[tilespmem:$0x14180] =	vst v63  }
0x83: {  	_ = 	snop  }
0x84: {  	[hbm4b:s8+s3] =	stream.indirect_vreg.scatter [tilespmem:s25], [sflag:$0x1], $0x80, v5, vm0, $0xb8;
	[tilespmem:$0x14180] =	vst v63  }
0x85: {  	_ = 	snop  }
0x86: {  	[hbm4b:s5+s3] =	stream.indirect_vreg.scatter [tilespmem:s29], [sflag:$0x1], $0x80, v4, vm0, $0xb8;
	[tilespmem:$0x14180] =	vst v63  }
0x87: {  	_ = 	snop  }
0x88: {  	[hbm4b:s6+s3] =	stream.indirect_vreg.scatter [tilespmem:s30], [sflag:$0x1], $0x80, v4, vm0, $0xb8;
	[tilespmem:$0x14180] =	vst v63  }
0x89: {  	_ = 	snop  }
0x8a: {  	[hbm4b:s7+s3] =	stream.indirect_vreg.scatter [tilespmem:s31], [sflag:$0x1], $0x80, v4, vm0, $0xb8;
	[tilespmem:$0x14180] =	vst v63  }
0x8b: {  	_ = 	snop  }
0x8c: {  	[hbm4b:s8+s3] =	stream.indirect_vreg.scatter [tilespmem:s10], [sflag:$0x1], $0x80, v4, vm0, $0xb8;
	[tilespmem:$0x14180] =	vst v63  }
0x8d: {  	v4 =	vld [tilespmem:$0x10090];
	_ =	sdelay $0x4  }
0x8e: {  	v5 =	vshll.u32 v4, $0x3  }
0x8f: {  	v4 =	vand.u32 $0x7, v4;
	v5 =	vand.u32 $0xFFFFFFC0, v5  }
0x90: {  	v4 =	vor.u32 v4, v5  }
0x91: {  	v5 =	vperm.xlane v4, v0;
	_ =	sdelay $0x1  }
0x92: {  	v5 =	vadd.s32 v1, v5;
	_ =	sdelay $0x3  }
0x93: {  	s24 =	simm.s32 $0x4000  }
0x94: {  	[hbm4b:s5+s3] =	stream.indirect_vreg.scatter [tilespmem:s24], [sflag:$0x1], $0x80, v5, vm0, $0xb8;
	[tilespmem:$0x14180] =	vst v63  }
0x95: {  	s25 =	simm.s32 $0x4800;
	v4 =	vperm.xlane v4, v2  }
0x96: {  	[hbm4b:s6+s3] =	stream.indirect_vreg.scatter [tilespmem:s25], [sflag:$0x1], $0x80, v5, vm0, $0xb8;
	[tilespmem:$0x14180] =	vst v63  }
0x97: {  	v4 =	vadd.s32 v1, v4  }
0x98: {  	[hbm4b:s7+s3] =	stream.indirect_vreg.scatter [tilespmem:s11], [sflag:$0x1], $0x80, v5, vm0, $0xb8;
	[tilespmem:$0x14180] =	vst v63  }
0x99: {  	_ = 	snop  }
0x9a: {  	[hbm4b:s8+s3] =	stream.indirect_vreg.scatter [tilespmem:s12], [sflag:$0x1], $0x80, v5, vm0, $0xb8;
	[tilespmem:$0x14180] =	vst v63  }
0x9b: {  	_ = 	snop  }
0x9c: {  	[hbm4b:s5+s3] =	stream.indirect_vreg.scatter [tilespmem:s13], [sflag:$0x1], $0x80, v4, vm0, $0xb8;
	[tilespmem:$0x14180] =	vst v63  }
0x9d: {  	_ = 	snop  }
0x9e: {  	[hbm4b:s6+s3] =	stream.indirect_vreg.scatter [tilespmem:s14], [sflag:$0x1], $0x80, v4, vm0, $0xb8;
	[tilespmem:$0x14180] =	vst v63  }
0x9f: {  	_ = 	snop  }
0xa0: {  	[hbm4b:s7+s3] =	stream.indirect_vreg.scatter [tilespmem:s15], [sflag:$0x1], $0x80, v4, vm0, $0xb8;
	[tilespmem:$0x14180] =	vst v63  }
0xa1: {  	_ = 	snop  }
0xa2: {  	[hbm4b:s8+s3] =	stream.indirect_vreg.scatter [tilespmem:s16], [sflag:$0x1], $0x80, v4, vm0, $0xb8;
	[tilespmem:$0x14180] =	vst v63  }
0xa3: {  	v4 =	vld [tilespmem:$0x100A0];
	_ =	sdelay $0x4  }
0xa4: {  	v5 =	vshll.u32 v4, $0x3  }
0xa5: {  	v4 =	vand.u32 $0x7, v4;
	v5 =	vand.u32 $0xFFFFFFC0, v5  }
0xa6: {  	v4 =	vor.u32 v4, v5  }
0xa7: {  	v5 =	vperm.xlane v4, v0;
	_ =	sdelay $0x1  }
0xa8: {  	v5 =	vadd.s32 v1, v5;
	_ =	sdelay $0x4  }
0xa9: {  	[hbm4b:s5+s3] =	stream.indirect_vreg.scatter [tilespmem:s17], [sflag:$0x1], $0x80, v5, vm0, $0xb8;
	[tilespmem:$0x14180] =	vst v63  }
0xaa: {  	v4 =	vperm.xlane v4, v2  }
0xab: {  	[hbm4b:s6+s3] =	stream.indirect_vreg.scatter [tilespmem:s18], [sflag:$0x1], $0x80, v5, vm0, $0xb8;
	[tilespmem:$0x14180] =	vst v63  }
0xac: {  	v4 =	vadd.s32 v1, v4  }
0xad: {  	[hbm4b:s7+s3] =	stream.indirect_vreg.scatter [tilespmem:s19], [sflag:$0x1], $0x80, v5, vm0, $0xb8;
	[tilespmem:$0x14180] =	vst v63  }
0xae: {  	_ = 	snop  }
0xaf: {  	[hbm4b:s8+s3] =	stream.indirect_vreg.scatter [tilespmem:s20], [sflag:$0x1], $0x80, v5, vm0, $0xb8;
	[tilespmem:$0x14180] =	vst v63  }
0xb0: {  	_ = 	snop  }
0xb1: {  	[hbm4b:s5+s3] =	stream.indirect_vreg.scatter [tilespmem:s21], [sflag:$0x1], $0x80, v4, vm0, $0xb8;
	[tilespmem:$0x14180] =	vst v63  }
0xb2: {  	_ = 	snop  }
0xb3: {  	[hbm4b:s6+s3] =	stream.indirect_vreg.scatter [tilespmem:s22], [sflag:$0x1], $0x80, v4, vm0, $0xb8;
	[tilespmem:$0x14180] =	vst v63  }
0xb4: {  	_ = 	snop  }
0xb5: {  	[hbm4b:s7+s3] =	stream.indirect_vreg.scatter [tilespmem:s4], [sflag:$0x1], $0x80, v4, vm0, $0xb8;
	[tilespmem:$0x14180] =	vst v63  }
0xb6: {  	_ = 	snop  }
0xb7: {  	[hbm4b:s8+s3] =	stream.indirect_vreg.scatter [tilespmem:s28], [sflag:$0x1], $0x80, v4, vm0, $0xb8;
	[tilespmem:$0x14180] =	vst v63  }
0xb8: {  	v4 =	vld [tilespmem:$0x100B0];
	_ =	sdelay $0x4  }
0xb9: {  	v5 =	vshll.u32 v4, $0x3  }
0xba: {  	v4 =	vand.u32 $0x7, v4;
	v5 =	vand.u32 $0xFFFFFFC0, v5  }
0xbb: {  	v4 =	vor.u32 v4, v5  }
0xbc: {  	v5 =	vperm.xlane v4, v0;
	_ =	sdelay $0x1  }
0xbd: {  	v5 =	vadd.s32 v1, v5;
	_ =	sdelay $0x4  }
0xbe: {  	[hbm4b:s5+s3] =	stream.indirect_vreg.scatter [tilespmem:s26], [sflag:$0x1], $0x80, v5, vm0, $0xb8;
	[tilespmem:$0x14180] =	vst v63  }
0xbf: {  	v4 =	vperm.xlane v4, v2  }
0xc0: {  	[hbm4b:s6+s3] =	stream.indirect_vreg.scatter [tilespmem:s9], [sflag:$0x1], $0x80, v5, vm0, $0xb8;
	[tilespmem:$0x14180] =	vst v63  }
0xc1: {  	v4 =	vadd.s32 v1, v4;
	s9 =	simm.s32 $0xD000  }
0xc2: {  	[hbm4b:s7+s3] =	stream.indirect_vreg.scatter [tilespmem:s9], [sflag:$0x1], $0x80, v5, vm0, $0xb8;
	[tilespmem:$0x14180] =	vst v63  }
0xc3: {  	s10 =	simm.s32 $0xD800  }
0xc4: {  	[hbm4b:s8+s3] =	stream.indirect_vreg.scatter [tilespmem:s10], [sflag:$0x1], $0x80, v5, vm0, $0xb8;
	[tilespmem:$0x14180] =	vst v63  }
0xc5: {  	s23 =	simm.s32 $0xE000  }
0xc6: {  	[hbm4b:s5+s3] =	stream.indirect_vreg.scatter [tilespmem:s23], [sflag:$0x1], $0x80, v4, vm0, $0xb8;
	[tilespmem:$0x14180] =	vst v63  }
0xc7: {  	s24 =	simm.s32 $0xE800  }
0xc8: {  	[hbm4b:s6+s3] =	stream.indirect_vreg.scatter [tilespmem:s24], [sflag:$0x1], $0x80, v4, vm0, $0xb8;
	[tilespmem:$0x14180] =	vst v63  }
0xc9: {  	s25 =	simm.s32 $0xF000  }
0xca: {  	[hbm4b:s7+s3] =	stream.indirect_vreg.scatter [tilespmem:s25], [sflag:$0x1], $0x80, v4, vm0, $0xb8;
	[tilespmem:$0x14180] =	vst v63  }
0xcb: {  	s2 =	simm.s32 $0xF800  }
0xcc: {  	[hbm4b:s8+s3] =	stream.indirect_vreg.scatter [tilespmem:s2], [sflag:$0x1], $0x80, v4, vm0, $0xb8;
	[tilespmem:$0x14180] =	vst v63  }
0xcd: {  	s4 =	rddreg [dreg:$0x7];
	s2 =	simm.s32 $0x10100  }
0xce: {  	[tilespmem:s2], [sflag:$0x2] =	stream.linear.gather [hbm4b:s4+s3], $0x40, $0x38;
	[tilespmem:$0x14180] =	vst v63  }
0xcf: {  	_ =	swait.ge [sflag:s0], $0x40  }
0xd0: {  	[sflag:s0] =	ssyncset.done $0x0  }
0xd1: {  	[sflag:s0] =	ssyncadd.s32 $0xFFFFFFC0  }
0xd2: {  	v4 =	vld [tilespmem:$0x10100]  }
0xd3: {  	v5 =	vld [tilespmem:$0x10101]  }
0xd4: {  	v6 =	vld [tilespmem:$0x10102]  }
0xd5: {  	v7 =	vld [tilespmem:$0x10103]  }
0xd6: {  	[tilespmem:$0x10140] =	vst v3;
	v8 =	vld [tilespmem:$0x10104]  }
0xd7: {  	v43 =	vld [tilespmem:$0x10107];
	[tilespmem:$0x10180] =	vst v4  }
0xd8: {  	v44 =	vld [tilespmem:$0x10108];
	[tilespmem:$0x10200] =	vst v5  }
0xd9: {  	v4 =	vld [tilespmem:$0x10105];
	[tilespmem:$0x10280] =	vst v6  }
0xda: {  	v5 =	vld [tilespmem:$0x10106];
	[tilespmem:$0x10300] =	vst v7  }
0xdb: {  	v45 =	vld [tilespmem:$0x10109];
	[tilespmem:$0x10380] =	vst v8  }
0xdc: {  	v46 =	vld [tilespmem:$0x1010C];
	[tilespmem:$0x10500] =	vst v43  }
0xdd: {  	v47 =	vld [tilespmem:$0x1010D];
	[tilespmem:$0x10580] =	vst v44  }
0xde: {  	[tilespmem:$0x10400] =	vst v4;
	v4 =	vld [tilespmem:$0x1010A]  }
0xdf: {  	[tilespmem:$0x10480] =	vst v5;
	v5 =	vld [tilespmem:$0x1010B]  }
0xe0: {  	v48 =	vld [tilespmem:$0x1010E];
	[tilespmem:$0x10600] =	vst v45  }
0xe1: {  	v49 =	vld [tilespmem:$0x10111];
	[tilespmem:$0x10780] =	vst v46  }
0xe2: {  	v50 =	vld [tilespmem:$0x10112];
	[tilespmem:$0x10800] =	vst v47  }
0xe3: {  	[tilespmem:$0x10680] =	vst v4;
	v4 =	vld [tilespmem:$0x1010F]  }
0xe4: {  	[tilespmem:$0x10700] =	vst v5;
	v5 =	vld [tilespmem:$0x10110]  }
0xe5: {  	v51 =	vld [tilespmem:$0x10113];
	[tilespmem:$0x10880] =	vst v48  }
0xe6: {  	v52 =	vld [tilespmem:$0x10116];
	[tilespmem:$0x10A00] =	vst v49  }
0xe7: {  	v53 =	vld [tilespmem:$0x10117];
	[tilespmem:$0x10A80] =	vst v50  }
0xe8: {  	[tilespmem:$0x10900] =	vst v4;
	v4 =	vld [tilespmem:$0x10114]  }
0xe9: {  	[tilespmem:$0x10980] =	vst v5;
	v5 =	vld [tilespmem:$0x10115]  }
0xea: {  	v54 =	vld [tilespmem:$0x10118];
	[tilespmem:$0x10B00] =	vst v51  }
0xeb: {  	v55 =	vld [tilespmem:$0x1011B];
	[tilespmem:$0x10C80] =	vst v52  }
0xec: {  	v56 =	vld [tilespmem:$0x1011C];
	[tilespmem:$0x10D00] =	vst v53  }
0xed: {  	[tilespmem:$0x10B80] =	vst v4;
	v4 =	vld [tilespmem:$0x10119]  }
0xee: {  	[tilespmem:$0x10C00] =	vst v5;
	v5 =	vld [tilespmem:$0x1011A]  }
0xef: {  	v57 =	vld [tilespmem:$0x1011D];
	[tilespmem:$0x10D80] =	vst v54  }
0xf0: {  	v58 =	vld [tilespmem:$0x10120];
	[tilespmem:$0x10F00] =	vst v55  }
0xf1: {  	v59 =	vld [tilespmem:$0x10121];
	[tilespmem:$0x10F80] =	vst v56  }
0xf2: {  	[tilespmem:$0x10E00] =	vst v4;
	v4 =	vld [tilespmem:$0x1011E]  }
0xf3: {  	[tilespmem:$0x10E80] =	vst v5;
	v5 =	vld [tilespmem:$0x1011F]  }
0xf4: {  	v60 =	vld [tilespmem:$0x10122];
	[tilespmem:$0x11000] =	vst v57  }
0xf5: {  	v61 =	vld [tilespmem:$0x10125];
	[tilespmem:$0x11180] =	vst v58  }
0xf6: {  	v62 =	vld [tilespmem:$0x10126];
	[tilespmem:$0x11200] =	vst v59  }
0xf7: {  	[tilespmem:$0x11080] =	vst v4;
	v4 =	vld [tilespmem:$0x10123]  }
0xf8: {  	[tilespmem:$0x11100] =	vst v5;
	v5 =	vld [tilespmem:$0x10124]  }
0xf9: {  	v63 =	vld [tilespmem:$0x10127];
	[tilespmem:$0x11280] =	vst v60  }
0xfa: {  	v12 =	vld [tilespmem:$0x1012A];
	[tilespmem:$0x11400] =	vst v61  }
0xfb: {  	v13 =	vld [tilespmem:$0x1012B];
	[tilespmem:$0x11480] =	vst v62  }
0xfc: {  	[tilespmem:$0x11300] =	vst v4;
	v4 =	vld [tilespmem:$0x10128]  }
0xfd: {  	[tilespmem:$0x11380] =	vst v5;
	v5 =	vld [tilespmem:$0x10129]  }
0xfe: {  	v14 =	vld [tilespmem:$0x1012C];
	[tilespmem:$0x11500] =	vst v63  }
0xff: {  	v15 =	vld [tilespmem:$0x1012F];
	[tilespmem:$0x11680] =	vst v12  }
0x100: {  	v16 =	vld [tilespmem:$0x10130];
	[tilespmem:$0x11700] =	vst v13  }
0x101: {  	[tilespmem:$0x11580] =	vst v4;
	v4 =	vld [tilespmem:$0x1012D]  }
0x102: {  	[tilespmem:$0x11600] =	vst v5;
	v5 =	vld [tilespmem:$0x1012E]  }
0x103: {  	v17 =	vld [tilespmem:$0x10131];
	[tilespmem:$0x11780] =	vst v14  }
0x104: {  	v18 =	vld [tilespmem:$0x10134];
	[tilespmem:$0x11900] =	vst v15  }
0x105: {  	v19 =	vld [tilespmem:$0x10135];
	[tilespmem:$0x11980] =	vst v16  }
0x106: {  	[tilespmem:$0x11800] =	vst v4;
	v4 =	vld [tilespmem:$0x10132]  }
0x107: {  	[tilespmem:$0x11880] =	vst v5;
	v5 =	vld [tilespmem:$0x10133]  }
0x108: {  	v20 =	vld [tilespmem:$0x10136];
	[tilespmem:$0x11A00] =	vst v17  }
0x109: {  	v21 =	vld [tilespmem:$0x10139];
	[tilespmem:$0x11B80] =	vst v18  }
0x10a: {  	v22 =	vld [tilespmem:$0x1013A];
	[tilespmem:$0x11C00] =	vst v19  }
0x10b: {  	[tilespmem:$0x11A80] =	vst v4;
	v4 =	vld [tilespmem:$0x10137]  }
0x10c: {  	[tilespmem:$0x11B00] =	vst v5;
	v5 =	vld [tilespmem:$0x10138]  }
0x10d: {  	v23 =	vld [tilespmem:$0x1013B];
	[tilespmem:$0x11C80] =	vst v20  }
0x10e: {  	v24 =	vld [tilespmem:$0x1013E];
	[tilespmem:$0x11E00] =	vst v21  }
0x10f: {  	v25 =	vld [tilespmem:$0x1013F];
	[tilespmem:$0x11E80] =	vst v22  }
0x110: {  	[tilespmem:$0x11D00] =	vst v4;
	v4 =	vld [tilespmem:$0x1013C]  }
0x111: {  	[tilespmem:$0x11D80] =	vst v5;
	v5 =	vld [tilespmem:$0x1013D]  }
0x112: {  	[tilespmem:$0x11F00] =	vst v23  }
0x113: {  	[tilespmem:$0x12080] =	vst v24  }
0x114: {  	[tilespmem:$0x12100] =	vst v25  }
0x115: {  	s9 =	rddreg [dreg:$0x9];
	[tilespmem:$0x11F80] =	vst v4  }
0x116: {  	s10 =	simm.s32 $0x10000;
	s4 =	simm.s32 $0x40;
	s25 =	rddreg [dreg:$0x2];
	[tilespmem:$0x12000] =	vst v5  }
0x117: {  	[hbm4b:s25+s4] =	stream.indirect.scatter [tilespmem:s9], [sflag:$0x1], $0x80, s10, s4, $0xb8;
	[tilespmem:$0x14180] =	vst v63  }
0x118: {  	s24 =	rddreg [dreg:$0x8]  }
0x119: {  	[tilespmem:s2], [sflag:$0x2] =	stream.linear.gather [hbm4b:s24+s3], $0x40, $0x38;
	[tilespmem:$0x14180] =	vst v63  }
0x11a: {  	_ =	swait.ge [sflag:s0], $0x40  }
0x11b: {  	[sflag:s0] =	ssyncset.done $0x0  }
0x11c: {  	[sflag:s0] =	ssyncadd.s32 $0xFFFFFFC0  }
0x11d: {  	v4 =	vld [tilespmem:$0x10100]  }
0x11e: {  	v5 =	vld [tilespmem:$0x10101]  }
0x11f: {  	v26 =	vld [tilespmem:$0x10102]  }
0x120: {  	v27 =	vld [tilespmem:$0x10103]  }
0x121: {  	[tilespmem:$0x10140] =	vst v3;
	v28 =	vld [tilespmem:$0x10104]  }
0x122: {  	v29 =	vld [tilespmem:$0x10107];
	[tilespmem:$0x12180] =	vst v4  }
0x123: {  	v30 =	vld [tilespmem:$0x10108];
	[tilespmem:$0x12200] =	vst v5  }
0x124: {  	v4 =	vld [tilespmem:$0x10105];
	[tilespmem:$0x12280] =	vst v26  }
0x125: {  	v5 =	vld [tilespmem:$0x10106];
	[tilespmem:$0x12300] =	vst v27  }
0x126: {  	v31 =	vld [tilespmem:$0x10109];
	[tilespmem:$0x12380] =	vst v28  }
0x127: {  	v32 =	vld [tilespmem:$0x1010C];
	[tilespmem:$0x12500] =	vst v29  }
0x128: {  	v33 =	vld [tilespmem:$0x1010D];
	[tilespmem:$0x12580] =	vst v30  }
0x129: {  	[tilespmem:$0x12400] =	vst v4;
	v4 =	vld [tilespmem:$0x1010A]  }
0x12a: {  	[tilespmem:$0x12480] =	vst v5;
	v5 =	vld [tilespmem:$0x1010B]  }
0x12b: {  	v34 =	vld [tilespmem:$0x1010E];
	[tilespmem:$0x12600] =	vst v31  }
0x12c: {  	v35 =	vld [tilespmem:$0x10111];
	[tilespmem:$0x12780] =	vst v32  }
0x12d: {  	v36 =	vld [tilespmem:$0x10112];
	[tilespmem:$0x12800] =	vst v33  }
0x12e: {  	[tilespmem:$0x12680] =	vst v4;
	v4 =	vld [tilespmem:$0x1010F]  }
0x12f: {  	[tilespmem:$0x12700] =	vst v5;
	v5 =	vld [tilespmem:$0x10110]  }
0x130: {  	v37 =	vld [tilespmem:$0x10113];
	[tilespmem:$0x12880] =	vst v34  }
0x131: {  	v38 =	vld [tilespmem:$0x10116];
	[tilespmem:$0x12A00] =	vst v35  }
0x132: {  	v39 =	vld [tilespmem:$0x10117];
	[tilespmem:$0x12A80] =	vst v36  }
0x133: {  	[tilespmem:$0x12900] =	vst v4;
	v4 =	vld [tilespmem:$0x10114]  }
0x134: {  	[tilespmem:$0x12980] =	vst v5;
	v5 =	vld [tilespmem:$0x10115]  }
0x135: {  	v40 =	vld [tilespmem:$0x10118];
	[tilespmem:$0x12B00] =	vst v37  }
0x136: {  	v41 =	vld [tilespmem:$0x1011B];
	[tilespmem:$0x12C80] =	vst v38  }
0x137: {  	v42 =	vld [tilespmem:$0x1011C];
	[tilespmem:$0x12D00] =	vst v39  }
0x138: {  	[tilespmem:$0x12B80] =	vst v4;
	v4 =	vld [tilespmem:$0x10119]  }
0x139: {  	[tilespmem:$0x12C00] =	vst v5;
	v5 =	vld [tilespmem:$0x1011A]  }
0x13a: {  	v43 =	vld [tilespmem:$0x1011D];
	[tilespmem:$0x12D80] =	vst v40  }
0x13b: {  	v44 =	vld [tilespmem:$0x10120];
	[tilespmem:$0x12F00] =	vst v41  }
0x13c: {  	v45 =	vld [tilespmem:$0x10121];
	[tilespmem:$0x12F80] =	vst v42  }
0x13d: {  	[tilespmem:$0x12E00] =	vst v4;
	v4 =	vld [tilespmem:$0x1011E]  }
0x13e: {  	[tilespmem:$0x12E80] =	vst v5;
	v5 =	vld [tilespmem:$0x1011F]  }
0x13f: {  	v46 =	vld [tilespmem:$0x10122];
	[tilespmem:$0x13000] =	vst v43  }
0x140: {  	v47 =	vld [tilespmem:$0x10125];
	[tilespmem:$0x13180] =	vst v44  }
0x141: {  	v48 =	vld [tilespmem:$0x10126];
	[tilespmem:$0x13200] =	vst v45  }
0x142: {  	[tilespmem:$0x13080] =	vst v4;
	v4 =	vld [tilespmem:$0x10123]  }
0x143: {  	[tilespmem:$0x13100] =	vst v5;
	v5 =	vld [tilespmem:$0x10124]  }
0x144: {  	v49 =	vld [tilespmem:$0x10127];
	[tilespmem:$0x13280] =	vst v46  }
0x145: {  	v50 =	vld [tilespmem:$0x1012A];
	[tilespmem:$0x13400] =	vst v47  }
0x146: {  	v51 =	vld [tilespmem:$0x1012B];
	[tilespmem:$0x13480] =	vst v48  }
0x147: {  	[tilespmem:$0x13300] =	vst v4;
	v4 =	vld [tilespmem:$0x10128]  }
0x148: {  	[tilespmem:$0x13380] =	vst v5;
	v5 =	vld [tilespmem:$0x10129]  }
0x149: {  	v52 =	vld [tilespmem:$0x1012C];
	[tilespmem:$0x13500] =	vst v49  }
0x14a: {  	v53 =	vld [tilespmem:$0x1012F];
	[tilespmem:$0x13680] =	vst v50  }
0x14b: {  	v54 =	vld [tilespmem:$0x10130];
	[tilespmem:$0x13700] =	vst v51  }
0x14c: {  	[tilespmem:$0x13580] =	vst v4;
	v4 =	vld [tilespmem:$0x1012D]  }
0x14d: {  	[tilespmem:$0x13600] =	vst v5;
	v5 =	vld [tilespmem:$0x1012E]  }
0x14e: {  	v55 =	vld [tilespmem:$0x10131];
	[tilespmem:$0x13780] =	vst v52  }
0x14f: {  	v56 =	vld [tilespmem:$0x10134];
	[tilespmem:$0x13900] =	vst v53  }
0x150: {  	v57 =	vld [tilespmem:$0x10135];
	[tilespmem:$0x13980] =	vst v54  }
0x151: {  	[tilespmem:$0x13800] =	vst v4;
	v4 =	vld [tilespmem:$0x10132]  }
0x152: {  	[tilespmem:$0x13880] =	vst v5;
	v5 =	vld [tilespmem:$0x10133]  }
0x153: {  	v58 =	vld [tilespmem:$0x10136];
	[tilespmem:$0x13A00] =	vst v55  }
0x154: {  	v59 =	vld [tilespmem:$0x10139];
	[tilespmem:$0x13B80] =	vst v56  }
0x155: {  	v60 =	vld [tilespmem:$0x1013A];
	[tilespmem:$0x13C00] =	vst v57  }
0x156: {  	[tilespmem:$0x13A80] =	vst v4;
	v4 =	vld [tilespmem:$0x10137]  }
0x157: {  	[tilespmem:$0x13B00] =	vst v5;
	v5 =	vld [tilespmem:$0x10138]  }
0x158: {  	v61 =	vld [tilespmem:$0x1013B];
	[tilespmem:$0x13C80] =	vst v58  }
0x159: {  	v62 =	vld [tilespmem:$0x1013E];
	[tilespmem:$0x13E00] =	vst v59  }
0x15a: {  	v63 =	vld [tilespmem:$0x1013F];
	[tilespmem:$0x13E80] =	vst v60  }
0x15b: {  	[tilespmem:$0x13D00] =	vst v4;
	v4 =	vld [tilespmem:$0x1013C]  }
0x15c: {  	[tilespmem:$0x13D80] =	vst v5;
	v5 =	vld [tilespmem:$0x1013D]  }
0x15d: {  	[tilespmem:$0x13F00] =	vst v61  }
0x15e: {  	[tilespmem:$0x14080] =	vst v62  }
0x15f: {  	[tilespmem:$0x14100] =	vst v63  }
0x160: {  	[tilespmem:$0x13F80] =	vst v4  }
0x161: {  	s24 =	simm.s32 $0x10080;
	s10 =	rddreg [dreg:$0xa];
	[tilespmem:$0x14000] =	vst v5  }
0x162: {  	[hbm4b:s25+s4] =	stream.indirect.scatter [tilespmem:s10], [sflag:$0x1], $0x80, s24, s4, $0xb8;
	[tilespmem:$0x14180] =	vst v63  }
0x163: {  	s25 =	simm.s32 $0x1  }
0x164: {  	_ =	swait.ge [sflag:s25], $0x10000  }
0x165: {  	[sflag:s25] =	ssyncset.done $0x0  }
0x166: {  	[sflag:s25] =	ssyncadd.s32 $0xFFFF0000  }
0x167: {  	_ =	swait.ge [sflag:s25], $0x10000  }
0x168: {  	[sflag:s25] =	ssyncset.done $0x0  }
0x169: {  	[sflag:s25] =	ssyncadd.s32 $0xFFFF0000  }
0x16a: {  	p0 =	sne.s32 s1, $0x1;
	_ =	swait.ge [sflag:s25], $0x2000  }
.Ltmp0:
0x16b: {  	[sflag:s25] =	ssyncset.done $0x0;
	(pc) =	sbr.rel @p0 .LBB2_1-.Ltmp0, $4  }
0x16c: {  	[sflag:s25] =	ssyncadd.s32 $0xFFFFE000  }
0x16d: {  	_ =	swait.ge [sflag:s25], $0x2000  }
0x16e: {  	[sflag:s25] =	ssyncset.done $0x0  }
0x16f: {  	s1 =	sadd.s32 $0xFFFFFFFF, s1;
	[sflag:s25] =	ssyncadd.s32 $0xFFFFE000  }
0x170: {  	_ =	sfence.sel $0x180000  }
0x171: {  	[bflag:$0x0] =	sbarrier.arrive $0xFFFF  }
0x172: {  	_ =	strace $0x90000047  }
0x173: {  	s0 =	stileid.u32;
	[bflag:$0x2] =	sbarrier.arrive $0xFFFF  }
0x174: {  	p0 =	sne.s32 s0, $0x0;
	s0 =	rddreg [dreg:$0x3]  }
0x175: {  	s0 =	sadd.s32 @!p0 $0x100000, s0  }
0x176: {  	[sflag:s0] =	ssyncadd.tile.s32 @!p0 $0x1;
	_ =	shalt  }
.Lfunc_end2:
_tile_overlayer_lowered:
.L_overlay_start_2:
0x177: {  	(tag) =	ssettag $0x2  }
0x178: {  	s0 =	rddreg [dreg:$0x0];
	s2 =	stileid.u32  }
0x179: {  	s1 =	rddreg [dreg:$0x1];
	p0 =	sne.s32 s2, $0x0  }
0x17a: {  	s3 =	rddreg [dreg:$0x2];
	[bflag:$0x3] =	sbarrier.arrive $0xFFFF;
	s2 =	simm.s32 @!p0 $0x1C02  }
0x17b: {  	[timem:s3], [sflag:s2] =	dma.local @!p0 [hbm:s0], s1  }
0x17c: {  	s0 =	simm.s32 @!p0 $0x2  }
0x17d: {  	_ =	swait.ge @!p0 [sflag:s0], s1  }
0x17e: {  	s1 =	ssub.s32 @!p0 $0x0, s1;
	[sflag:s0] =	ssyncset.done @!p0 $0x0  }
0x17f: {  	[sflag:s0] =	ssyncadd.s32 @!p0 s1  }
0x180: {  	[bflag:$0x3] =	sbarrier.arrive $0xFFFF  }
0x181: {  	_ =	shalt  }

// kernel: kernel.9.cloned.1.call-start
scs
__scs_entry_jumppad:
0x0: {  	(pc) =	sbr.rel $0x88, $3  }
0x1: {  	(tag) =	ssettag $0x0;
	lr =	simm.s32 $0x1  }
0x2: {  	[smem:$0x3F9B] =	sst lr;
	_ =	strace $0xD0000000  }
0x3: {  	_ = 	snop  }
0x4: {  	_ = 	snop  }
0x5: {  	_ = 	snop  }
0x6: {  	_ = 	snop  }
0x7: {  	_ = 	snop  }
__scs_overlays_trampoline_lowered:
0x8: {  	[smem:$0x3FAA] =	sst s0  }
0x9: {  	[smem:$0x3FAB] =	sst s1  }
0xa: {  	[smem:$0x3FAC] =	sst s2  }
0xb: {  	[smem:$0x3FAD] =	sst s3  }
0xc: {  	[smem:$0x3FAE] =	sst s4  }
0xd: {  	[smem:$0x3FAF] =	sst s5  }
0xe: {  	[smem:$0x3FB0] =	sst s6  }
0xf: {  	[smem:$0x3FB1] =	sst s7  }
0x10: {  	[smem:$0x3FB2] =	sst s8  }
0x11: {  	[smem:$0x3FB3] =	sst s9;
	s0 =	simm.s32 @!p0 $0x0  }
0x12: {  	s1 =	sld [smem:$0x3F99];
	s0 =	simm.s32 @p0 $0x1  }
0x13: {  	[smem:$0x3FB4] =	sst s0;
	s0 =	simm.s32 @!p1 $0x0  }
0x14: {  	s2 =	sld [smem:$0x3F98];
	s0 =	simm.s32 @p1 $0x1  }
0x15: {  	[smem:$0x3FB5] =	sst s0;
	s0 =	simm.s32 @!p2 $0x0  }
0x16: {  	s3 =	sld [smem:$0x3FDB];
	s0 =	simm.s32 @p2 $0x1  }
0x17: {  	s4 =	simm.s32 $0x1BF5;
	[smem:$0x3FB7] =	sst s0  }
0x18: {  	s0 =	sld [smem:$0x3F9A];
	_ =	swait.ge [sflag:s4], $0x0  }
0x19: {  	s7 =	sld [smem:$0x3F9B]  }
0x1a: {  	s8 =	sadd.s32 $0xFFFFE003, lr  }
0x1b: {  	s9 =	sadd.s32 $0xFFFFFEF7, lr;
	s5 =	simm.s32 $0xFFFFFFFF;
	p2 =	slt.u32 s8, $0xFFFFF086  }
0x1c: {  	p1 =	slt.u32 s9, $0xF7A;
	s5 =	simm.s32 @!p2 $0x0  }
0x1d: {  	s5 =	simm.s32 @p1 $0x1;
	p0 =	seq.s32 s7, s2  }
0x1e: {  	s7 =	smul.u32 @!p0 $0xF7A, s2;
	p2 =	seq.s32 @!p0 s5, $0x0  }
0x1f: {  	s9 =	smul.u32 $0xF7A, s1;
	s8 =	simm.s32 @!p0 $0x1BF5;
	p2 =	por !p2, p0  }
0x20: {  	[sflag:s8] =	ssyncset.s32 @!p0 $0xFFFFF086;
	s6 =	sadd.s32 @!p0 s3, s7;
	s7 =	simm.s32 @!p0 $0x108  }
0x21: {  	s3 =	sadd.s32 s3, s9;
	s6 =	sadd.s32 @!p0 $0x88, s6;
	s7 =	simm.s32 @p2 $0x1082  }
0x22: {  	[simem:s7], [sflag:s8] =	dma.local @!p0 [hbm:s6], $0xF7A  }
0x23: {  	s9 =	sor.u32 $0xD0000000, s2;
	s6 =	simm.s32 $0x108;
	_ =	swait.ge @!p0 [sflag:s8], $0x0  }
0x24: {  	s3 =	sadd.s32 $0x88, s3;
	s6 =	simm.s32 @!p1 $0x1082;
	[sflag:s4] =	ssyncset.s32 $0xFFFFF086  }
0x25: {  	[simem:s6], [sflag:s4] =	dma.local [hbm:s3], $0xF7A  }
0x26: {  	[smem:$0x3F9B] =	sst s1;
	(tag) =	ssettag s2;
	_ =	strace s9  }
0x27: {  	s1 =	sld [smem:$0x3FAB]  }
0x28: {  	s2 =	sld [smem:$0x3FAC]  }
0x29: {  	s4 =	sld [smem:$0x3FAE]  }
0x2a: {  	p0 =	seq.s32 s5, $0x0;
	s5 =	sld [smem:$0x3FAF]  }
0x2b: {  	s6 =	sld [smem:$0x3FB0]  }
0x2c: {  	s7 =	sld [smem:$0x3FB1]  }
0x2d: {  	s3 =	simm.s32 $0x108;
	s8 =	sld [smem:$0x3FB2]  }
0x2e: {  	s3 =	simm.s32 @!p0 $0x1082;
	s9 =	sld [smem:$0x3FB3]  }
0x2f: {  	lr =	sadd.s32 s0, s3;
	s0 =	sld [smem:$0x3FAA]  }
0x30: {  	s3 =	sld [smem:$0x3FAD]  }
0x31: {  	[smem:$0x3FB6] =	sst s10  }
0x32: {  	s10 =	sld [smem:$0x3FB4];
	_ =	sdelay $0x3  }
0x33: {  	p0 =	seq.s32 s10, $0x1;
	s10 =	sld [smem:$0x3FB6];
	_ =	sdelay $0x3  }
0x34: {  	[smem:$0x3FB6] =	sst s10  }
0x35: {  	s10 =	sld [smem:$0x3FB5];
	_ =	sdelay $0x3  }
0x36: {  	p1 =	seq.s32 s10, $0x1;
	s10 =	sld [smem:$0x3FB6];
	_ =	sdelay $0x3  }
0x37: {  	[smem:$0x3FB6] =	sst s10  }
0x38: {  	s10 =	sld [smem:$0x3FB7]  }
0x39: {  	_ = 	snop;
	(pc) =	sbr.ind lr, $3  }
0x3a: {  	_ = 	snop  }
0x3b: {  	_ = 	snop  }
0x3c: {  	p2 =	seq.s32 s10, $0x1;
	s10 =	sld [smem:$0x3FB6]  }
0x3d: {  	_ =	shalt  }
0x3e: {  	_ =	shalt  }
0x3f: {  	_ =	shalt  }
0x40: {  	_ =	shalt  }
0x41: {  	_ =	shalt  }
0x42: {  	_ =	shalt  }
0x43: {  	_ =	shalt  }
0x44: {  	_ =	shalt  }
0x45: {  	_ =	shalt  }
0x46: {  	_ =	shalt  }
0x47: {  	_ =	shalt  }
0x48: {  	_ =	shalt  }
0x49: {  	_ =	shalt  }
0x4a: {  	_ =	shalt  }
0x4b: {  	_ =	shalt  }
0x4c: {  	_ =	shalt  }
0x4d: {  	_ =	shalt  }
0x4e: {  	_ =	shalt  }
0x4f: {  	_ =	shalt  }
0x50: {  	_ =	shalt  }
0x51: {  	_ =	shalt  }
0x52: {  	_ =	shalt  }
0x53: {  	_ =	shalt  }
0x54: {  	_ =	shalt  }
0x55: {  	_ =	shalt  }
0x56: {  	_ =	shalt  }
0x57: {  	_ =	shalt  }
0x58: {  	_ =	shalt  }
0x59: {  	_ =	shalt  }
0x5a: {  	_ =	shalt  }
0x5b: {  	_ =	shalt  }
0x5c: {  	_ =	shalt  }
0x5d: {  	_ =	shalt  }
0x5e: {  	_ =	shalt  }
0x5f: {  	_ =	shalt  }
0x60: {  	_ =	shalt  }
0x61: {  	_ =	shalt  }
0x62: {  	_ =	shalt  }
0x63: {  	_ =	shalt  }
0x64: {  	_ =	shalt  }
0x65: {  	_ =	shalt  }
0x66: {  	_ =	shalt  }
0x67: {  	_ =	shalt  }
0x68: {  	_ =	shalt  }
0x69: {  	_ =	shalt  }
0x6a: {  	_ =	shalt  }
0x6b: {  	_ =	shalt  }
0x6c: {  	_ =	shalt  }
0x6d: {  	_ =	shalt  }
0x6e: {  	_ =	shalt  }
0x6f: {  	_ =	shalt  }
0x70: {  	_ =	shalt  }
0x71: {  	_ =	shalt  }
0x72: {  	_ =	shalt  }
0x73: {  	_ =	shalt  }
0x74: {  	_ =	shalt  }
0x75: {  	_ =	shalt  }
0x76: {  	_ =	shalt  }
0x77: {  	_ =	shalt  }
0x78: {  	_ =	shalt  }
0x79: {  	_ =	shalt  }
0x7a: {  	_ =	shalt  }
0x7b: {  	_ =	shalt  }
0x7c: {  	_ =	shalt  }
0x7d: {  	_ =	shalt  }
0x7e: {  	_ =	shalt  }
0x7f: {  	_ =	shalt  }
0x80: {  	_ =	shalt  }
0x81: {  	_ =	shalt  }
0x82: {  	_ =	shalt  }
0x83: {  	_ =	shalt  }
0x84: {  	_ =	shalt  }
0x85: {  	_ =	shalt  }
0x86: {  	_ =	shalt  }
0x87: {  	_ =	shalt  }
.Lfunc_end0:
.L_simem_size_0:
called_computation.1_lowered:
.L_overlay_start_0:
0x88: {  	s2 =	sld [smem:$0x3FD9]  }
0x89: {  	s3 =	sld [smem:$0x3FFE];
	_ =	sdelay $0x1  }
0x8a: {  	s1 =	srdreg.scid  }
0x8b: {  	s0 =	sand.u32 $0x1, s1  }
0x8c: {  	s17 =	sshll.u32 s0, $0xA;
	s2 =	sadd.s32 s3, s2  }
0x8d: {  	s2 =	sadd.s32 s2, s17  }
0x8e: {  	[smem:$0x3FC2] =	sst s2  }
0x8f: {  	_ = 	snop  }
0x90: {  	s2 =	sld [smem:$0x3FD0];
	(tm) =	ssettm $0x1  }
0x91: {  	s18 =	sld [smem:$0x3FFB];
	_ =	sdelay $0x3  }
0x92: {  	_ =	strace s18  }
0x93: {  	s3 =	sld [smem:$0x3FFC];
	_ =	sdelay $0x3  }
0x94: {  	_ =	strace s3  }
0x95: {  	s3 =	sld [smem:$0x3FFD];
	_ =	sdelay $0x3  }
0x96: {  	_ =	strace s3  }
0x97: {  	_ =	strace $0x8FFFFFFF  }
0x98: {  	s19 =	sld [smem:$0x3FDB];
	_ =	sdelay $0x1  }
0x99: {  	s4 =	simm.s32 $_scs_section_size  }
0x9a: {  	s5 =	simm.s32 $_size__tile_overlayer_lowered;
	s6 =	simm.s32 $_tile_overlayer_lowered  }
0x9b: {  	s22 =	simm.s32 $0x1BFF;
	s21 =	sshll.u32 s6, $0x1;
	s3 =	sadd.s32 s4, s19  }
0x9c: {  	s7 =	simm.s32 $0x0;
	s20 =	sshll.u32 s5, $0x1;
	s5 =	sadd.s32 s21, s3  }
0x9d: {  	[timem:s7], [sflag:s22] =	dma.local [hbm:s5], s20  }
0x9e: {  	_ =	swait.ge [sflag:s22], s20  }
0x9f: {  	s4 =	ssub.s32 $0x0, s20;
	[sflag:s22] =	ssyncset.done $0x0  }
0xa0: {  	[sflag:s22] =	ssyncadd.s32 s4;
	_ =	sdelay $0x1  }
0xa1: {  	s23 =	simm.s32 $0x1B8B  }
0xa2: {  	_ =	swait.ge [sflag:s23], $0x1  }
0xa3: {  	[sflag:s23] =	ssyncset.done $0x0  }
0xa4: {  	s25 =	simm.s32 $0x1B8E;
	s24 =	sld [smem:$0x3FFE];
	[sflag:s23] =	ssyncadd.s32 $0xFFFFFFFF  }
0xa5: {  	s26 =	simm.s32 $execute0_lowered;
	[smem:$0x3FD2] =	sst s25  }
0xa6: {  	s5 =	sshll.u32 s26, $0x1;
	_ =	strace $0x80000049;
	[dreg:$0x1] =	wrdreg $0xFFFFFFFF  }
0xa7: {  	s28 =	simm.s32 $_size_execute0_lowered;
	s3 =	sadd.s32 s3, s5;
	[dreg:$0x0] =	wrdreg $0x0  }
0xa8: {  	s5 =	sshll.u32 s28, $0x1;
	[dreg:$0x2] =	wrdreg s3  }
0xa9: {  	[dreg:$0x3] =	wrdreg s5  }
0xaa: {  	[dreg:$0x4] =	wrdreg $0xC0  }
0xab: {  	_ =	task [dreg:s7], $0x5FFFF  }
0xac: {  	[dreg:$0x1] =	wrdreg $0xFFFFFFFF  }
0xad: {  	[dreg:$0x0] =	wrdreg $0x60  }
0xae: {  	[dreg:$0x2] =	wrdreg s24  }
0xaf: {  	[dreg:$0x3] =	wrdreg s2  }
0xb0: {  	[dreg:$0x4] =	wrdreg $0x9  }
0xb1: {  	_ =	task.clear_ibuf [dreg:s7], $0x5FFFF;
	_ =	strace $0x90000049  }
0xb2: {  	s29 =	simm.s32 $0x9;
	_ =	strace $0x8000004B  }
0xb3: {  	_ =	swait.ge [sflag:s29], $0x1  }
0xb4: {  	[sflag:s29] =	ssyncadd.s32 $0xFFFFFFFF  }
0xb5: {  	_ =	strace $0x9000004B  }
0xb6: {  	_ =	sfence  }
0xb7: {  	s30 =	sld [smem:$0x0];
	_ =	sdelay $0x2  }
0xb8: {  	s31 =	sshll.u32 s1, $0xD;
	s1 =	sshrl.u32 s1, $0x2  }
0xb9: {  	s3 =	sand.u32 $0x4000, s31;
	s1 =	sadd.s32 s1, s30  }
0xba: {  	s0 =	sor.u32 s3, s0;
	s1 =	sshll.u32 s1, $0x11  }
0xbb: {  	s0 =	sor.u32 s1, s0  }
0xbc: {  	s0 =	sadd.s32 $0x8F2B, s0  }
0xbd: {  	[sflag:s0] =	ssyncadd.remote.s32 $0x1  }
0xbe: {  	_ =	sfence.sel $0xFFFF  }
0xbf: {  	[dreg:$0x0] =	wrdreg $0xFFFFFFFF;
	(pc) =	sbr.abs _section_cstart, $3  }
0xc0: {  	[dreg:$0x1] =	wrdreg $0xFFFFFFFF  }
0xc1: {  	_ =	task.clear_ibuf [dreg:s7], $0x2FFFF;
	_ =	strace $0x9FFFFFFF  }
0xc2: {  	(tm) =	ssettm $0x7FFFFFFF  }
0xc3: {  	_ =	shalt  }
tec
execute0_lowered:
.L_overlay_start_1:
0x0: {  	(tag) =	ssettag $0x1  }
0x1: {  	s0 =	srdreg.scid;
	s5 =	rddreg [dreg:$0x0]  }
0x2: {  	s7 =	stileid.u32;
	s6 =	rddreg [dreg:$0x1]  }
0x3: {  	s2 =	simm.s32 $0x0;
	s3 =	simm.s32 $0x1;
	s16 =	simm.s32 $0x3  }
0x4: {  	s15 =	simm.s32 $0x9000;
	s17 =	simm.s32 $0x9800;
	s18 =	simm.s32 $0xA000  }
0x5: {  	s19 =	simm.s32 $0xA800;
	s20 =	simm.s32 $0xB000;
	s21 =	simm.s32 $0xB800  }
0x6: {  	s22 =	simm.s32 $0xC800;
	s23 =	simm.s32 $0xD800;
	s24 =	simm.s32 $0xE000  }
0x7: {  	s25 =	simm.s32 $0xF000;
	s13 =	simm.s32 $0xF800;
	s26 =	simm.s32 $0x2  }
0x8: {  	s14 =	simm.s32 $0x0;
	s0 =	sand.u32 $0x1, s0;
	s1 =	sshll.u32 s7, $0x7  }
0x9: {  	[smem:$0x7FF] =	sst s2;
	s10 =	sadd.s32 $0x2000, s5;
	s11 =	sadd.s32 $0x2200, s5  }
0xa: {  	s4 =	sshll.u32 s0, $0x6;
	p1 =	seq.s32 s0, $0x1;
	s0 =	ssub.s32 $0x2, s0  }
0xb: {  	s9 =	sadd.s32 $0x2700, s5;
	s1 =	sor.u32 s4, s1;
	s8 =	sshrl.u32 s0, $0x1  }
0xc: {  	_ =	strace $0x8000004A;
	p0 =	seq.s32 s1, $0x0;
	s0 =	ssub.s32 s0, s8  }
0xd: {  	s8 =	sadd.s32 $0x2600, s5;
	s12 =	sor.u32 $0x20, s1;
	p0 =	por !p0, !p1  }
0xe: {  	s1 =	sshll.u32 s1, $0x7;
	s29 =	sshrl.u32 s12, $0x3;
	p0 =	por !p0, !p0  }
0xf: {  	s1 =	sadd.s32 s6, s1;
	s31 =	sshll.u32 s12, $0x7;
	s3 =	simm.s32 @!p0 $0x0  }
0x10: {  	s0 =	smax.u32 s0, $0x1;
	s12 =	simm.s32 $0xE800;
	s7 =	ssub.s32 s7, s3  }
0x11: {  	[dreg:$0x5] =	wrdreg s1;
	s30 =	sadd.s32 s10, s29;
	s7 =	sshll.u32 s7, $0x7  }
0x12: {  	s1 =	sadd.s32 s6, s31;
	[dreg:$0x9] =	wrdreg s0;
	s4 =	sor.u32 s4, s7  }
0x13: {  	s6 =	simm.s32 $0x8800;
	[dreg:$0x6] =	wrdreg s30;
	s7 =	sshrl.u32 s4, $0x3  }
0x14: {  	[dreg:$0x8] =	wrdreg s1;
	s3 =	sadd.s32 $0x2400, s5;
	s28 =	sadd.s32 s10, s7  }
0x15: {  	v2 =	vlaneseq.u32;
	s4 =	simm.s32 $0x1;
	s7 =	sadd.s32 s11, s7;
	[dreg:$0x3] =	wrdreg s28  }
0x16: {  	vm0 =	vmmov $0xffff;
	v1 =	vshrl.u32 v2, $0x3;
	[dreg:$0x4] =	wrdreg s7;
	s7 =	sadd.s32 $0x2500, s5;
	s5 =	sadd.s32 s11, s29  }
0x17: {  	v0 =	vand.u32 $0x7, v2;
	v2 =	vor.u32 $0x8, v2;
	v1 =	vmul.u32 $0x8, v1;
	s10 =	simm.s32 $0xC000;
	s11 =	simm.s32 $0xD000;
	[dreg:$0x7] =	wrdreg s5  }
.LBB2_1:
0x18: {  	s0 =	rddreg [dreg:$0x3];
	s1 =	simm.s32 $0x10000  }
0x19: {  	[tilespmem:s1], [sflag:$0x3] =	stream.linear.gather [hbm4b:s0+s2], $0x20, $0x38;
	[tilespmem:$0x10100] =	vst v63  }
0x1a: {  	_ =	swait.ge [sflag:s16], $0x20  }
0x1b: {  	[sflag:s16] =	ssyncset.done $0x0  }
0x1c: {  	s5 =	simm.s32 $0x10080;
	s1 =	rddreg [dreg:$0x4];
	[sflag:s16] =	ssyncadd.s32 $0xFFFFFFE0  }
0x1d: {  	[tilespmem:s5], [sflag:$0x3] =	stream.linear.gather [hbm4b:s1+s2], $0x20, $0x38;
	[tilespmem:$0x10100] =	vst v63  }
0x1e: {  	_ =	swait.ge [sflag:s16], $0x20  }
0x1f: {  	[sflag:s16] =	ssyncset.done $0x0  }
0x20: {  	[sflag:s16] =	ssyncadd.s32 $0xFFFFFFE0  }
0x21: {  	v3 =	vld [tilespmem:$0x10000];
	_ =	sdelay $0x4  }
0x22: {  	v4 =	vshll.u32 v3, $0x3  }
0x23: {  	v3 =	vand.u32 $0x7, v3;
	v4 =	vand.u32 $0xFFFFFFC0, v4  }
0x24: {  	v3 =	vor.u32 v3, v4  }
0x25: {  	v4 =	vperm.xlane v3, v0;
	_ =	sdelay $0x1  }
0x26: {  	v4 =	vadd.s32 v1, v4;
	_ =	sdelay $0x4  }
0x27: {  	[tilespmem:s2], [sflag:$0x1] =	stream.indirect_vreg.gather [hbm4b:s3+s2], $0x80, v4, vm0, $0xb8;
	[tilespmem:$0x10100] =	vst v63  }
0x28: {  	s1 =	simm.s32 $0x800;
	v3 =	vperm.xlane v3, v2  }
0x29: {  	[tilespmem:s1], [sflag:$0x1] =	stream.indirect_vreg.gather [hbm4b:s7+s2], $0x80, v4, vm0, $0xb8;
	[tilespmem:$0x10100] =	vst v63  }
0x2a: {  	s5 =	simm.s32 $0x1000;
	v3 =	vadd.s32 v1, v3  }
0x2b: {  	[tilespmem:s5], [sflag:$0x1] =	stream.indirect_vreg.gather [hbm4b:s8+s2], $0x80, v4, vm0, $0xb8;
	[tilespmem:$0x10100] =	vst v63  }
0x2c: {  	s1 =	simm.s32 $0x1800  }
0x2d: {  	[tilespmem:s1], [sflag:$0x1] =	stream.indirect_vreg.gather [hbm4b:s9+s2], $0x80, v4, vm0, $0xb8;
	[tilespmem:$0x10100] =	vst v63  }
0x2e: {  	s5 =	simm.s32 $0x2000  }
0x2f: {  	[tilespmem:s5], [sflag:$0x1] =	stream.indirect_vreg.gather [hbm4b:s3+s2], $0x80, v3, vm0, $0xb8;
	[tilespmem:$0x10100] =	vst v63  }
0x30: {  	s1 =	simm.s32 $0x2800  }
0x31: {  	[tilespmem:s1], [sflag:$0x1] =	stream.indirect_vreg.gather [hbm4b:s7+s2], $0x80, v3, vm0, $0xb8;
	[tilespmem:$0x10100] =	vst v63  }
0x32: {  	s5 =	simm.s32 $0x3000  }
0x33: {  	[tilespmem:s5], [sflag:$0x1] =	stream.indirect_vreg.gather [hbm4b:s8+s2], $0x80, v3, vm0, $0xb8;
	[tilespmem:$0x10100] =	vst v63  }
0x34: {  	s1 =	simm.s32 $0x3800  }
0x35: {  	[tilespmem:s1], [sflag:$0x1] =	stream.indirect_vreg.gather [hbm4b:s9+s2], $0x80, v3, vm0, $0xb8;
	[tilespmem:$0x10100] =	vst v63  }
0x36: {  	v3 =	vld [tilespmem:$0x10010];
	_ =	sdelay $0x4  }
0x37: {  	v61 =	vshll.u32 v3, $0x3  }
0x38: {  	v3 =	vand.u32 $0x7, v3;
	v4 =	vand.u32 $0xFFFFFFC0, v61  }
0x39: {  	v3 =	vor.u32 v3, v4  }
0x3a: {  	v4 =	vperm.xlane v3, v0;
	_ =	sdelay $0x1  }
0x3b: {  	v4 =	vadd.s32 v1, v4;
	_ =	sdelay $0x3  }
0x3c: {  	s5 =	simm.s32 $0x4000  }
0x3d: {  	[tilespmem:s5], [sflag:$0x1] =	stream.indirect_vreg.gather [hbm4b:s3+s2], $0x80, v4, vm0, $0xb8;
	[tilespmem:$0x10100] =	vst v63  }
0x3e: {  	s1 =	simm.s32 $0x4800;
	v3 =	vperm.xlane v3, v2  }
0x3f: {  	[tilespmem:s1], [sflag:$0x1] =	stream.indirect_vreg.gather [hbm4b:s7+s2], $0x80, v4, vm0, $0xb8;
	[tilespmem:$0x10100] =	vst v63  }
0x40: {  	v3 =	vadd.s32 v1, v3;
	s5 =	simm.s32 $0x5000  }
0x41: {  	[tilespmem:s5], [sflag:$0x1] =	stream.indirect_vreg.gather [hbm4b:s8+s2], $0x80, v4, vm0, $0xb8;
	[tilespmem:$0x10100] =	vst v63  }
0x42: {  	s1 =	simm.s32 $0x5800  }
0x43: {  	[tilespmem:s1], [sflag:$0x1] =	stream.indirect_vreg.gather [hbm4b:s9+s2], $0x80, v4, vm0, $0xb8;
	[tilespmem:$0x10100] =	vst v63  }
0x44: {  	s5 =	simm.s32 $0x6000  }
0x45: {  	[tilespmem:s5], [sflag:$0x1] =	stream.indirect_vreg.gather [hbm4b:s3+s2], $0x80, v3, vm0, $0xb8;
	[tilespmem:$0x10100] =	vst v63  }
0x46: {  	s1 =	simm.s32 $0x6800  }
0x47: {  	[tilespmem:s1], [sflag:$0x1] =	stream.indirect_vreg.gather [hbm4b:s7+s2], $0x80, v3, vm0, $0xb8;
	[tilespmem:$0x10100] =	vst v63  }
0x48: {  	s5 =	simm.s32 $0x7000  }
0x49: {  	[tilespmem:s5], [sflag:$0x1] =	stream.indirect_vreg.gather [hbm4b:s8+s2], $0x80, v3, vm0, $0xb8;
	[tilespmem:$0x10100] =	vst v63  }
0x4a: {  	s1 =	simm.s32 $0x7800  }
0x4b: {  	[tilespmem:s1], [sflag:$0x1] =	stream.indirect_vreg.gather [hbm4b:s9+s2], $0x80, v3, vm0, $0xb8;
	[tilespmem:$0x10100] =	vst v63  }
0x4c: {  	v3 =	vld [tilespmem:$0x10080];
	_ =	sdelay $0x4  }
0x4d: {  	v62 =	vshll.u32 v3, $0x3  }
0x4e: {  	v3 =	vand.u32 $0x7, v3;
	v4 =	vand.u32 $0xFFFFFFC0, v62  }
0x4f: {  	v3 =	vor.u32 v3, v4  }
0x50: {  	v4 =	vperm.xlane v3, v0;
	_ =	sdelay $0x1  }
0x51: {  	v4 =	vadd.s32 v1, v4;
	_ =	sdelay $0x3  }
0x52: {  	s5 =	simm.s32 $0x8000  }
0x53: {  	[tilespmem:s5], [sflag:$0x2] =	stream.indirect_vreg.gather [hbm4b:s3+s2], $0x80, v4, vm0, $0xb8;
	[tilespmem:$0x10100] =	vst v63  }
0x54: {  	v3 =	vperm.xlane v3, v2  }
0x55: {  	[tilespmem:s6], [sflag:$0x2] =	stream.indirect_vreg.gather [hbm4b:s7+s2], $0x80, v4, vm0, $0xb8;
	[tilespmem:$0x10100] =	vst v63  }
0x56: {  	v3 =	vadd.s32 v1, v3  }
0x57: {  	[tilespmem:s15], [sflag:$0x2] =	stream.indirect_vreg.gather [hbm4b:s8+s2], $0x80, v4, vm0, $0xb8;
	[tilespmem:$0x10100] =	vst v63  }
0x58: {  	_ = 	snop  }
0x59: {  	[tilespmem:s17], [sflag:$0x2] =	stream.indirect_vreg.gather [hbm4b:s9+s2], $0x80, v4, vm0, $0xb8;
	[tilespmem:$0x10100] =	vst v63  }
0x5a: {  	_ = 	snop  }
0x5b: {  	[tilespmem:s18], [sflag:$0x2] =	stream.indirect_vreg.gather [hbm4b:s3+s2], $0x80, v3, vm0, $0xb8;
	[tilespmem:$0x10100] =	vst v63  }
0x5c: {  	_ = 	snop  }
0x5d: {  	[tilespmem:s19], [sflag:$0x2] =	stream.indirect_vreg.gather [hbm4b:s7+s2], $0x80, v3, vm0, $0xb8;
	[tilespmem:$0x10100] =	vst v63  }
0x5e: {  	_ = 	snop  }
0x5f: {  	[tilespmem:s20], [sflag:$0x2] =	stream.indirect_vreg.gather [hbm4b:s8+s2], $0x80, v3, vm0, $0xb8;
	[tilespmem:$0x10100] =	vst v63  }
0x60: {  	_ = 	snop  }
0x61: {  	[tilespmem:s21], [sflag:$0x2] =	stream.indirect_vreg.gather [hbm4b:s9+s2], $0x80, v3, vm0, $0xb8;
	[tilespmem:$0x10100] =	vst v63  }
0x62: {  	v3 =	vld [tilespmem:$0x10090];
	_ =	sdelay $0x4  }
0x63: {  	v63 =	vshll.u32 v3, $0x3  }
0x64: {  	v3 =	vand.u32 $0x7, v3;
	v4 =	vand.u32 $0xFFFFFFC0, v63  }
0x65: {  	v3 =	vor.u32 v3, v4  }
0x66: {  	v4 =	vperm.xlane v3, v0;
	_ =	sdelay $0x1  }
0x67: {  	v4 =	vadd.s32 v1, v4;
	_ =	sdelay $0x4  }
0x68: {  	[tilespmem:s10], [sflag:$0x2] =	stream.indirect_vreg.gather [hbm4b:s3+s2], $0x80, v4, vm0, $0xb8;
	[tilespmem:$0x10100] =	vst v63  }
0x69: {  	v3 =	vperm.xlane v3, v2  }
0x6a: {  	[tilespmem:s22], [sflag:$0x2] =	stream.indirect_vreg.gather [hbm4b:s7+s2], $0x80, v4, vm0, $0xb8;
	[tilespmem:$0x10100] =	vst v63  }
0x6b: {  	v3 =	vadd.s32 v1, v3  }
0x6c: {  	[tilespmem:s11], [sflag:$0x2] =	stream.indirect_vreg.gather [hbm4b:s8+s2], $0x80, v4, vm0, $0xb8;
	[tilespmem:$0x10100] =	vst v63  }
0x6d: {  	_ = 	snop  }
0x6e: {  	[tilespmem:s23], [sflag:$0x2] =	stream.indirect_vreg.gather [hbm4b:s9+s2], $0x80, v4, vm0, $0xb8;
	[tilespmem:$0x10100] =	vst v63  }
0x6f: {  	_ = 	snop  }
0x70: {  	[tilespmem:s24], [sflag:$0x2] =	stream.indirect_vreg.gather [hbm4b:s3+s2], $0x80, v3, vm0, $0xb8;
	[tilespmem:$0x10100] =	vst v63  }
0x71: {  	_ = 	snop  }
0x72: {  	[tilespmem:s12], [sflag:$0x2] =	stream.indirect_vreg.gather [hbm4b:s7+s2], $0x80, v3, vm0, $0xb8;
	[tilespmem:$0x10100] =	vst v63  }
0x73: {  	_ = 	snop  }
0x74: {  	[tilespmem:s25], [sflag:$0x2] =	stream.indirect_vreg.gather [hbm4b:s8+s2], $0x80, v3, vm0, $0xb8;
	[tilespmem:$0x10100] =	vst v63  }
0x75: {  	_ = 	snop  }
0x76: {  	[tilespmem:s13], [sflag:$0x2] =	stream.indirect_vreg.gather [hbm4b:s9+s2], $0x80, v3, vm0, $0xb8;
	[tilespmem:$0x10100] =	vst v63  }
0x77: {  	_ =	swait.ge [sflag:s4], $0x8000  }
0x78: {  	[sflag:s4] =	ssyncset.done $0x0  }
0x79: {  	[sflag:s4] =	ssyncadd.s32 $0xFFFF8000  }
0x7a: {  	_ =	swait.ge [sflag:s26], $0x8000  }
0x7b: {  	s28 =	simm.s32 $0xFFFF8000;
	s29 =	simm.s32 $0x0;
	[sflag:s26] =	ssyncset.done $0x0  }
0x7c: {  	s30 =	simm.s32 $0x0;
	s31 =	simm.s32 $0x0;
	[sflag:s26] =	ssyncadd.s32 $0xFFFF8000  }
.LBB2_2:
0x7d: {  	s1 =	sadd.s32 $0x8000, s28  }
0x7e: {  	s0 =	sand.u32 $0x380, s31;
	s1 =	sand.u32 $0x6000, s1  }
0x7f: {  	s1 =	sor.u32 s0, s1  }
0x80: {  	v3 =	vld [tilespmem:s1+$0x0]  }
0x81: {  	v4 =	vld [tilespmem:s1+$0x8000]  }
0x82: {  	v5 =	vld [tilespmem:s1+$0x10]  }
0x83: {  	v6 =	vld [tilespmem:s1+$0x8010]  }
0x84: {  	v7 =	vld [tilespmem:s1+$0x20]  }
0x85: {  	v8 =	vld [tilespmem:s1+$0x8020]  }
0x86: {  	v9 =	vld [tilespmem:s1+$0x30]  }
0x87: {  	v10 =	vld [tilespmem:s1+$0x8030]  }
0x88: {  	v11 =	vld [tilespmem:s1+$0x40]  }
0x89: {  	v12 =	vld [tilespmem:s1+$0x8040]  }
0x8a: {  	v13 =	vld [tilespmem:s1+$0x50]  }
0x8b: {  	v14 =	vld [tilespmem:s1+$0x8050]  }
0x8c: {  	v15 =	vld [tilespmem:s1+$0x60]  }
0x8d: {  	v16 =	vld [tilespmem:s1+$0x8060]  }
0x8e: {  	v17 =	vld [tilespmem:s1+$0x70]  }
0x8f: {  	v18 =	vld [tilespmem:s1+$0x8070]  }
0x90: {  	v19 =	vld [tilespmem:s1+$0x400]  }
0x91: {  	v20 =	vld [tilespmem:s1+$0x8400]  }
0x92: {  	v21 =	vld [tilespmem:s1+$0x410]  }
0x93: {  	v22 =	vld [tilespmem:s1+$0x8410]  }
0x94: {  	v23 =	vld [tilespmem:s1+$0x420]  }
0x95: {  	v24 =	vld [tilespmem:s1+$0x8420]  }
0x96: {  	v25 =	vld [tilespmem:s1+$0x430]  }
0x97: {  	v26 =	vld [tilespmem:s1+$0x8430]  }
0x98: {  	v27 =	vld [tilespmem:s1+$0x440]  }
0x99: {  	v28 =	vld [tilespmem:s1+$0x8440]  }
0x9a: {  	v29 =	vld [tilespmem:s1+$0x450]  }
0x9b: {  	v30 =	vld [tilespmem:s1+$0x8450]  }
0x9c: {  	v31 =	vld [tilespmem:s1+$0x460]  }
0x9d: {  	v32 =	vld [tilespmem:s1+$0x8460]  }
0x9e: {  	v33 =	vld [tilespmem:s1+$0x470]  }
0x9f: {  	v34 =	vld [tilespmem:s1+$0x8470]  }
0xa0: {  	v35 =	vld [tilespmem:s1+$0x800]  }
0xa1: {  	v36 =	vld [tilespmem:s1+$0x8800]  }
0xa2: {  	v37 =	vld [tilespmem:s1+$0x810]  }
0xa3: {  	v38 =	vld [tilespmem:s1+$0x8810]  }
0xa4: {  	v39 =	vld [tilespmem:s1+$0x820]  }
0xa5: {  	v40 =	vld [tilespmem:s1+$0x8820]  }
0xa6: {  	v41 =	vld [tilespmem:s1+$0x830]  }
0xa7: {  	v42 =	vld [tilespmem:s1+$0x8830]  }
0xa8: {  	v43 =	vld [tilespmem:s1+$0x840]  }
0xa9: {  	v44 =	vld [tilespmem:s1+$0x8840]  }
0xaa: {  	v45 =	vld [tilespmem:s1+$0x850]  }
0xab: {  	v46 =	vld [tilespmem:s1+$0x8850]  }
0xac: {  	v47 =	vld [tilespmem:s1+$0x860]  }
0xad: {  	v48 =	vld [tilespmem:s1+$0x8860]  }
0xae: {  	v49 =	vld [tilespmem:s1+$0x870]  }
0xaf: {  	v50 =	vld [tilespmem:s1+$0x8870]  }
0xb0: {  	v51 =	vld [tilespmem:s1+$0xC00]  }
0xb1: {  	v52 =	vld [tilespmem:s1+$0x8C00]  }
0xb2: {  	v53 =	vld [tilespmem:s1+$0xC10]  }
0xb3: {  	v54 =	vld [tilespmem:s1+$0x8C10]  }
0xb4: {  	v55 =	vld [tilespmem:s1+$0xC20]  }
0xb5: {  	v56 =	vld [tilespmem:s1+$0x8C20]  }
0xb6: {  	v57 =	vld [tilespmem:s1+$0xC30]  }
0xb7: {  	v58 =	vld [tilespmem:s1+$0x8C30]  }
0xb8: {  	v59 =	vld [tilespmem:s1+$0xC40]  }
0xb9: {  	v60 =	vld [tilespmem:s1+$0x8C40]  }
0xba: {  	v61 =	vld [tilespmem:s1+$0xC50]  }
0xbb: {  	v62 =	vld [tilespmem:s1+$0x8C50]  }
0xbc: {  	v63 =	vld [tilespmem:s1+$0xC60]  }
0xbd: {  	v3 =	vadd.f32 v4, v3;
	v4 =	vld [tilespmem:s1+$0x8C60]  }
0xbe: {  	v5 =	vadd.f32 v6, v5;
	v6 =	vld [tilespmem:s1+$0xC70]  }
0xbf: {  	v14 =	vadd.f32 v14, v13;
	v13 =	vld [tilespmem:s1+$0x9020];
	[tilespmem:s1+$0x0] =	vst v3;
	v3 =	vadd.f32 v8, v7  }
0xc0: {  	v18 =	vadd.f32 v18, v17;
	v17 =	vld [tilespmem:s1+$0x9040];
	[tilespmem:s1+$0x10] =	vst v5  }
0xc1: {  	v22 =	vadd.f32 v22, v21;
	v21 =	vld [tilespmem:s1+$0x9060];
	[tilespmem:s1+$0x20] =	vst v3;
	v3 =	vadd.f32 v12, v11  }
0xc2: {  	v7 =	vld [tilespmem:s1+$0x8C70];
	[tilespmem:s1+$0x50] =	vst v14  }
0xc3: {  	v8 =	vld [tilespmem:s1+$0x1000];
	[tilespmem:s1+$0x40] =	vst v3;
	v3 =	vadd.f32 v16, v15  }
0xc4: {  	v5 =	vadd.f32 v10, v9;
	v9 =	vld [tilespmem:s1+$0x9000];
	[tilespmem:s1+$0x70] =	vst v18  }
0xc5: {  	v10 =	vld [tilespmem:s1+$0x1010];
	[tilespmem:s1+$0x60] =	vst v3;
	v3 =	vadd.f32 v20, v19  }
0xc6: {  	v26 =	vadd.f32 v26, v25;
	v14 =	vld [tilespmem:s1+$0x1030];
	[tilespmem:s1+$0x410] =	vst v22  }
0xc7: {  	v18 =	vld [tilespmem:s1+$0x1050];
	[tilespmem:s1+$0x400] =	vst v3;
	v3 =	vadd.f32 v24, v23  }
0xc8: {  	v30 =	vadd.f32 v30, v29;
	[tilespmem:s1+$0x430] =	vst v26;
	v22 =	vld [tilespmem:s1+$0x1070]  }
0xc9: {  	v19 =	vld [tilespmem:s1+$0x9050];
	[tilespmem:s1+$0x420] =	vst v3;
	v3 =	vadd.f32 v28, v27  }
0xca: {  	v34 =	vadd.f32 v34, v33;
	[tilespmem:s1+$0x450] =	vst v30;
	v11 =	vld [tilespmem:s1+$0x9010]  }
0xcb: {  	v12 =	vld [tilespmem:s1+$0x1020];
	[tilespmem:s1+$0x440] =	vst v3;
	v3 =	vadd.f32 v32, v31  }
0xcc: {  	[tilespmem:s1+$0x470] =	vst v34;
	v15 =	vld [tilespmem:s1+$0x9030]  }
0xcd: {  	v16 =	vld [tilespmem:s1+$0x1040];
	[tilespmem:s1+$0x460] =	vst v3;
	v3 =	vadd.f32 v36, v35  }
0xce: {  	[tilespmem:s1+$0x30] =	vst v5;
	v20 =	vld [tilespmem:s1+$0x1060];
	v19 =	vadd.f32 v19, v18  }
0xcf: {  	v24 =	vld [tilespmem:s1+$0x1400];
	[tilespmem:s1+$0x800] =	vst v3;
	v3 =	vadd.f32 v40, v39  }
0xd0: {  	[tilespmem:s1+$0x1050] =	vst v19;
	v36 =	vadd.f32 v38, v37;
	v37 =	vld [tilespmem:s1+$0x9070]  }
0xd1: {  	v38 =	vadd.f32 v42, v41;
	v41 =	vld [tilespmem:s1+$0x1410];
	[tilespmem:s1+$0x820] =	vst v3;
	v3 =	vadd.f32 v44, v43  }
0xd2: {  	v42 =	vld [tilespmem:s1+$0x9410];
	[tilespmem:s1+$0x810] =	vst v36  }
0xd3: {  	v35 =	vld [tilespmem:s1+$0x1810];
	[tilespmem:s1+$0x840] =	vst v3;
	v3 =	vadd.f32 v48, v47  }
0xd4: {  	v39 =	vld [tilespmem:s1+$0x9400];
	[tilespmem:s1+$0x830] =	vst v38;
	v40 =	vadd.f32 v46, v45  }
0xd5: {  	v45 =	vld [tilespmem:s1+$0x9420];
	[tilespmem:s1+$0x860] =	vst v3;
	v3 =	vadd.f32 v52, v51  }
0xd6: {  	v46 =	vadd.f32 v54, v53;
	v53 =	vld [tilespmem:s1+$0x1450];
	[tilespmem:s1+$0x850] =	vst v40  }
0xd7: {  	v54 =	vld [tilespmem:s1+$0x9450];
	[tilespmem:s1+$0xC00] =	vst v3;
	v3 =	vadd.f32 v56, v55  }
0xd8: {  	v36 =	vld [tilespmem:s1+$0x9810];
	v43 =	vadd.f32 v50, v49;
	[tilespmem:s1+$0xC10] =	vst v46  }
0xd9: {  	v38 =	vld [tilespmem:s1+$0x1820];
	[tilespmem:s1+$0xC20] =	vst v3;
	v3 =	vadd.f32 v60, v59  }
0xda: {  	v44 =	vld [tilespmem:s1+$0x1420];
	v49 =	vadd.f32 v58, v57;
	[tilespmem:s1+$0x870] =	vst v43  }
0xdb: {  	v50 =	vld [tilespmem:s1+$0x1440];
	[tilespmem:s1+$0xC40] =	vst v3;
	v3 =	vadd.f32 v4, v63  }
0xdc: {  	v57 =	vld [tilespmem:s1+$0x9460];
	v58 =	vadd.f32 v11, v10;
	[tilespmem:s1+$0xC30] =	vst v49  }
0xdd: {  	v46 =	vld [tilespmem:s1+$0x9850];
	[tilespmem:s1+$0xC60] =	vst v3;
	v3 =	vadd.f32 v9, v8  }
0xde: {  	v37 =	vadd.f32 v37, v22;
	v40 =	vadd.f32 v42, v41;
	v41 =	vld [tilespmem:s1+$0x1830];
	[tilespmem:s1+$0x1010] =	vst v58  }
0xdf: {  	v42 =	vld [tilespmem:s1+$0x9830];
	[tilespmem:s1+$0x1000] =	vst v3;
	v3 =	vadd.f32 v13, v12  }
0xe0: {  	v47 =	vld [tilespmem:s1+$0x1430];
	[tilespmem:s1+$0x1070] =	vst v37  }
0xe1: {  	v48 =	vld [tilespmem:s1+$0x9430];
	[tilespmem:s1+$0x1020] =	vst v3;
	v3 =	vadd.f32 v17, v16  }
0xe2: {  	v49 =	vld [tilespmem:s1+$0x9860];
	[tilespmem:s1+$0x1410] =	vst v40;
	v52 =	vadd.f32 v62, v61  }
0xe3: {  	v51 =	vld [tilespmem:s1+$0x9440];
	[tilespmem:s1+$0x1040] =	vst v3;
	v3 =	vadd.f32 v21, v20  }
0xe4: {  	v61 =	vadd.f32 v15, v14;
	v62 =	vld [tilespmem:s1+$0x1800];
	[tilespmem:s1+$0xC50] =	vst v52  }
0xe5: {  	v56 =	vld [tilespmem:s1+$0x1460];
	[tilespmem:s1+$0x1060] =	vst v3;
	v3 =	vadd.f32 v39, v24  }
0xe6: {  	v55 =	vadd.f32 v7, v6;
	[tilespmem:s1+$0x1030] =	vst v61;
	v52 =	vld [tilespmem:s1+$0x9870]  }
0xe7: {  	v43 =	vadd.f32 v48, v47;
	v47 =	vld [tilespmem:s1+$0x1860];
	[tilespmem:s1+$0x1400] =	vst v3;
	v3 =	vadd.f32 v45, v44  }
0xe8: {  	[tilespmem:s1+$0xC70] =	vst v55;
	v63 =	vld [tilespmem:s1+$0x9800]  }
0xe9: {  	v59 =	vld [tilespmem:s1+$0x1470];
	[tilespmem:s1+$0x1420] =	vst v3;
	v3 =	vadd.f32 v51, v50  }
0xea: {  	[tilespmem:s1+$0x1430] =	vst v43;
	v4 =	vadd.f32 v54, v53;
	v39 =	vld [tilespmem:s1+$0x9820]  }
0xeb: {  	v60 =	vld [tilespmem:s1+$0x9470];
	[tilespmem:s1+$0x1440] =	vst v3;
	v3 =	vadd.f32 v57, v56  }
0xec: {  	v54 =	vadd.f32 v42, v41;
	[tilespmem:s1+$0x1450] =	vst v4;
	v45 =	vld [tilespmem:s1+$0x1850]  }
0xed: {  	v53 =	vld [tilespmem:s1+$0x9840];
	[tilespmem:s1+$0x1460] =	vst v3;
	v3 =	vadd.f32 v63, v62  }
0xee: {  	[tilespmem:s1+$0x1830] =	vst v54;
	v55 =	vadd.f32 v49, v47;
	v50 =	vld [tilespmem:s1+$0x1870]  }
0xef: {  	v44 =	vld [tilespmem:s1+$0x1840];
	[tilespmem:s1+$0x1800] =	vst v3;
	v3 =	vadd.f32 v39, v38  }
0xf0: {  	v48 =	vadd.f32 v60, v59;
	[tilespmem:s1+$0x1860] =	vst v55  }
0xf1: {  	[tilespmem:s1+$0x1820] =	vst v3;
	v3 =	vadd.f32 v46, v45  }
0xf2: {  	s5 =	sand.u32 $0x7, s29;
	[tilespmem:s1+$0x1470] =	vst v48;
	v51 =	vadd.f32 v36, v35  }
0xf3: {  	s0 =	sshll.u32 s5, $0x7;
	[tilespmem:s1+$0x1850] =	vst v3;
	v3 =	vadd.f32 v52, v50  }
0xf4: {  	s0 =	sadd.s32 s0, s30;
	[tilespmem:s1+$0x1810] =	vst v51;
	v56 =	vadd.f32 v53, v44  }
0xf5: {  	s5 =	sor.u32 $0x1C00, s0;
	[tilespmem:s1+$0x1870] =	vst v3  }
0xf6: {  	[tilespmem:s1+$0x1840] =	vst v56;
	v3 =	vld [tilespmem:s5+$0x0]  }
0xf7: {  	v4 =	vld [tilespmem:s5+$0x8000];
	_ =	sdelay $0x4  }
0xf8: {  	v3 =	vadd.f32 v4, v3;
	_ =	sdelay $0x1  }
0xf9: {  	[tilespmem:s5+$0x0] =	vst v3;
	s5 =	sor.u32 $0x1C10, s0  }
0xfa: {  	v3 =	vld [tilespmem:s5+$0x0]  }
0xfb: {  	v57 =	vld [tilespmem:s5+$0x8000];
	_ =	sdelay $0x4  }
0xfc: {  	v3 =	vadd.f32 v57, v3;
	_ =	sdelay $0x1  }
0xfd: {  	[tilespmem:s5+$0x0] =	vst v3;
	s5 =	sor.u32 $0x1C20, s0  }
0xfe: {  	v3 =	vld [tilespmem:s5+$0x0]  }
0xff: {  	v58 =	vld [tilespmem:s5+$0x8000];
	_ =	sdelay $0x4  }
0x100: {  	v3 =	vadd.f32 v58, v3;
	_ =	sdelay $0x1  }
0x101: {  	[tilespmem:s5+$0x0] =	vst v3;
	s5 =	sor.u32 $0x1C30, s0  }
0x102: {  	v3 =	vld [tilespmem:s5+$0x0]  }
0x103: {  	v59 =	vld [tilespmem:s5+$0x8000];
	_ =	sdelay $0x4  }
0x104: {  	v3 =	vadd.f32 v59, v3;
	_ =	sdelay $0x1  }
0x105: {  	[tilespmem:s5+$0x0] =	vst v3;
	s5 =	sor.u32 $0x1C40, s0  }
0x106: {  	v3 =	vld [tilespmem:s5+$0x0]  }
0x107: {  	v60 =	vld [tilespmem:s5+$0x8000];
	_ =	sdelay $0x4  }
0x108: {  	v3 =	vadd.f32 v60, v3;
	_ =	sdelay $0x1  }
0x109: {  	[tilespmem:s5+$0x0] =	vst v3;
	s5 =	sor.u32 $0x1C50, s0  }
0x10a: {  	v3 =	vld [tilespmem:s5+$0x0]  }
0x10b: {  	v61 =	vld [tilespmem:s5+$0x8000];
	_ =	sdelay $0x4  }
0x10c: {  	v3 =	vadd.f32 v61, v3;
	_ =	sdelay $0x1  }
0x10d: {  	[tilespmem:s5+$0x0] =	vst v3;
	s5 =	sor.u32 $0x1C60, s0  }
0x10e: {  	v3 =	vld [tilespmem:s5+$0x0]  }
0x10f: {  	v62 =	vld [tilespmem:s5+$0x8000];
	_ =	sdelay $0x4  }
0x110: {  	v3 =	vadd.f32 v62, v3;
	_ =	sdelay $0x1  }
0x111: {  	s0 =	sor.u32 $0x1C70, s0;
	[tilespmem:s5+$0x0] =	vst v3  }
0x112: {  	v3 =	vld [tilespmem:s0+$0x0]  }
0x113: {  	v63 =	vld [tilespmem:s0+$0x8000];
	_ =	sdelay $0x1  }
0x114: {  	p0 =	sne.s32 s31, $0xF80  }
.Ltmp0:
0x115: {  	_ = 	snop;
	(pc) =	sbr.rel @p0 .LBB2_2-.Ltmp0, $4  }
0x116: {  	_ = 	snop  }
0x117: {  	v3 =	vadd.f32 v63, v3  }
0x118: {  	s29 =	sadd.s32 $0x1, s29  }
0x119: {  	s28 =	sadd.s32 $0x400, s28;
	s31 =	sadd.s32 $0x80, s31;
	s30 =	sadd.s32 $0x400, s30;
	[tilespmem:s0+$0x0] =	vst v3  }
0x11a: {  	s28 =	simm.s32 $0x0;
	s0 =	rddreg [dreg:$0x5]  }
0x11b: {  	[hbm4b:s0+s28] =	stream.linear.scatter [tilespmem:s28], [sflag:$0x3], $0x8000, $0x38;
	[tilespmem:$0x10100] =	vst v63  }
0x11c: {  	_ =	swait.ge [sflag:s16], $0x8000  }
0x11d: {  	[sflag:s16] =	ssyncset.done $0x0  }
0x11e: {  	s1 =	simm.s32 $0x10000;
	s5 =	rddreg [dreg:$0x6];
	[sflag:s16] =	ssyncadd.s32 $0xFFFF8000  }
0x11f: {  	[tilespmem:s1], [sflag:$0x3] =	stream.linear.gather [hbm4b:s5+s28], $0x20, $0x38;
	[tilespmem:$0x10100] =	vst v63  }
0x120: {  	_ =	swait.ge [sflag:s16], $0x20  }
0x121: {  	[sflag:s16] =	ssyncset.done $0x0  }
0x122: {  	s5 =	simm.s32 $0x10080;
	s1 =	rddreg [dreg:$0x7];
	[sflag:s16] =	ssyncadd.s32 $0xFFFFFFE0  }
0x123: {  	[tilespmem:s5], [sflag:$0x3] =	stream.linear.gather [hbm4b:s1+s28], $0x20, $0x38;
	[tilespmem:$0x10100] =	vst v63  }
0x124: {  	_ =	swait.ge [sflag:s16], $0x20  }
0x125: {  	[sflag:s16] =	ssyncset.done $0x0  }
0x126: {  	[sflag:s16] =	ssyncadd.s32 $0xFFFFFFE0  }
0x127: {  	v3 =	vld [tilespmem:$0x10000];
	_ =	sdelay $0x4  }
0x128: {  	v4 =	vshll.u32 v3, $0x3  }
0x129: {  	v3 =	vand.u32 $0x7, v3;
	v4 =	vand.u32 $0xFFFFFFC0, v4  }
0x12a: {  	v3 =	vor.u32 v3, v4  }
0x12b: {  	v4 =	vperm.xlane v3, v0;
	_ =	sdelay $0x1  }
0x12c: {  	v4 =	vadd.s32 v1, v4;
	_ =	sdelay $0x4  }
0x12d: {  	[tilespmem:s28], [sflag:$0x1] =	stream.indirect_vreg.gather [hbm4b:s3+s28], $0x80, v4, vm0, $0xb8;
	[tilespmem:$0x10100] =	vst v63  }
0x12e: {  	s1 =	simm.s32 $0x800;
	v3 =	vperm.xlane v3, v2  }
0x12f: {  	[tilespmem:s1], [sflag:$0x1] =	stream.indirect_vreg.gather [hbm4b:s7+s28], $0x80, v4, vm0, $0xb8;
	[tilespmem:$0x10100] =	vst v63  }
0x130: {  	s5 =	simm.s32 $0x1000;
	v3 =	vadd.s32 v1, v3  }
0x131: {  	[tilespmem:s5], [sflag:$0x1] =	stream.indirect_vreg.gather [hbm4b:s8+s28], $0x80, v4, vm0, $0xb8;
	[tilespmem:$0x10100] =	vst v63  }
0x132: {  	s1 =	simm.s32 $0x1800  }
0x133: {  	[tilespmem:s1], [sflag:$0x1] =	stream.indirect_vreg.gather [hbm4b:s9+s28], $0x80, v4, vm0, $0xb8;
	[tilespmem:$0x10100] =	vst v63  }
0x134: {  	s5 =	simm.s32 $0x2000  }
0x135: {  	[tilespmem:s5], [sflag:$0x1] =	stream.indirect_vreg.gather [hbm4b:s3+s28], $0x80, v3, vm0, $0xb8;
	[tilespmem:$0x10100] =	vst v63  }
0x136: {  	s1 =	simm.s32 $0x2800  }
0x137: {  	[tilespmem:s1], [sflag:$0x1] =	stream.indirect_vreg.gather [hbm4b:s7+s28], $0x80, v3, vm0, $0xb8;
	[tilespmem:$0x10100] =	vst v63  }
0x138: {  	s5 =	simm.s32 $0x3000  }
0x139: {  	[tilespmem:s5], [sflag:$0x1] =	stream.indirect_vreg.gather [hbm4b:s8+s28], $0x80, v3, vm0, $0xb8;
	[tilespmem:$0x10100] =	vst v63  }
0x13a: {  	s1 =	simm.s32 $0x3800  }
0x13b: {  	[tilespmem:s1], [sflag:$0x1] =	stream.indirect_vreg.gather [hbm4b:s9+s28], $0x80, v3, vm0, $0xb8;
	[tilespmem:$0x10100] =	vst v63  }
0x13c: {  	v3 =	vld [tilespmem:$0x10010];
	_ =	sdelay $0x4  }
0x13d: {  	v61 =	vshll.u32 v3, $0x3  }
0x13e: {  	v3 =	vand.u32 $0x7, v3;
	v4 =	vand.u32 $0xFFFFFFC0, v61  }
0x13f: {  	v3 =	vor.u32 v3, v4  }
0x140: {  	v4 =	vperm.xlane v3, v0;
	_ =	sdelay $0x1  }
0x141: {  	v4 =	vadd.s32 v1, v4;
	_ =	sdelay $0x3  }
0x142: {  	s5 =	simm.s32 $0x4000  }
0x143: {  	[tilespmem:s5], [sflag:$0x1] =	stream.indirect_vreg.gather [hbm4b:s3+s28], $0x80, v4, vm0, $0xb8;
	[tilespmem:$0x10100] =	vst v63  }
0x144: {  	s1 =	simm.s32 $0x4800;
	v3 =	vperm.xlane v3, v2  }
0x145: {  	[tilespmem:s1], [sflag:$0x1] =	stream.indirect_vreg.gather [hbm4b:s7+s28], $0x80, v4, vm0, $0xb8;
	[tilespmem:$0x10100] =	vst v63  }
0x146: {  	v3 =	vadd.s32 v1, v3;
	s5 =	simm.s32 $0x5000  }
0x147: {  	[tilespmem:s5], [sflag:$0x1] =	stream.indirect_vreg.gather [hbm4b:s8+s28], $0x80, v4, vm0, $0xb8;
	[tilespmem:$0x10100] =	vst v63  }
0x148: {  	s1 =	simm.s32 $0x5800  }
0x149: {  	[tilespmem:s1], [sflag:$0x1] =	stream.indirect_vreg.gather [hbm4b:s9+s28], $0x80, v4, vm0, $0xb8;
	[tilespmem:$0x10100] =	vst v63  }
0x14a: {  	s5 =	simm.s32 $0x6000  }
0x14b: {  	[tilespmem:s5], [sflag:$0x1] =	stream.indirect_vreg.gather [hbm4b:s3+s28], $0x80, v3, vm0, $0xb8;
	[tilespmem:$0x10100] =	vst v63  }
0x14c: {  	s1 =	simm.s32 $0x6800  }
0x14d: {  	[tilespmem:s1], [sflag:$0x1] =	stream.indirect_vreg.gather [hbm4b:s7+s28], $0x80, v3, vm0, $0xb8;
	[tilespmem:$0x10100] =	vst v63  }
0x14e: {  	s5 =	simm.s32 $0x7000  }
0x14f: {  	[tilespmem:s5], [sflag:$0x1] =	stream.indirect_vreg.gather [hbm4b:s8+s28], $0x80, v3, vm0, $0xb8;
	[tilespmem:$0x10100] =	vst v63  }
0x150: {  	s1 =	simm.s32 $0x7800  }
0x151: {  	[tilespmem:s1], [sflag:$0x1] =	stream.indirect_vreg.gather [hbm4b:s9+s28], $0x80, v3, vm0, $0xb8;
	[tilespmem:$0x10100] =	vst v63  }
0x152: {  	v3 =	vld [tilespmem:$0x10080];
	_ =	sdelay $0x4  }
0x153: {  	v62 =	vshll.u32 v3, $0x3  }
0x154: {  	v3 =	vand.u32 $0x7, v3;
	v4 =	vand.u32 $0xFFFFFFC0, v62  }
0x155: {  	v3 =	vor.u32 v3, v4  }
0x156: {  	v4 =	vperm.xlane v3, v0;
	_ =	sdelay $0x1  }
0x157: {  	v4 =	vadd.s32 v1, v4;
	_ =	sdelay $0x3  }
0x158: {  	s5 =	simm.s32 $0x8000  }
0x159: {  	[tilespmem:s5], [sflag:$0x2] =	stream.indirect_vreg.gather [hbm4b:s3+s28], $0x80, v4, vm0, $0xb8;
	[tilespmem:$0x10100] =	vst v63  }
0x15a: {  	v3 =	vperm.xlane v3, v2  }
0x15b: {  	[tilespmem:s6], [sflag:$0x2] =	stream.indirect_vreg.gather [hbm4b:s7+s28], $0x80, v4, vm0, $0xb8;
	[tilespmem:$0x10100] =	vst v63  }
0x15c: {  	v3 =	vadd.s32 v1, v3  }
0x15d: {  	[tilespmem:s15], [sflag:$0x2] =	stream.indirect_vreg.gather [hbm4b:s8+s28], $0x80, v4, vm0, $0xb8;
	[tilespmem:$0x10100] =	vst v63  }
0x15e: {  	_ = 	snop  }
0x15f: {  	[tilespmem:s17], [sflag:$0x2] =	stream.indirect_vreg.gather [hbm4b:s9+s28], $0x80, v4, vm0, $0xb8;
	[tilespmem:$0x10100] =	vst v63  }
0x160: {  	_ = 	snop  }
0x161: {  	[tilespmem:s18], [sflag:$0x2] =	stream.indirect_vreg.gather [hbm4b:s3+s28], $0x80, v3, vm0, $0xb8;
	[tilespmem:$0x10100] =	vst v63  }
0x162: {  	_ = 	snop  }
0x163: {  	[tilespmem:s19], [sflag:$0x2] =	stream.indirect_vreg.gather [hbm4b:s7+s28], $0x80, v3, vm0, $0xb8;
	[tilespmem:$0x10100] =	vst v63  }
0x164: {  	_ = 	snop  }
0x165: {  	[tilespmem:s20], [sflag:$0x2] =	stream.indirect_vreg.gather [hbm4b:s8+s28], $0x80, v3, vm0, $0xb8;
	[tilespmem:$0x10100] =	vst v63  }
0x166: {  	_ = 	snop  }
0x167: {  	[tilespmem:s21], [sflag:$0x2] =	stream.indirect_vreg.gather [hbm4b:s9+s28], $0x80, v3, vm0, $0xb8;
	[tilespmem:$0x10100] =	vst v63  }
0x168: {  	v3 =	vld [tilespmem:$0x10090];
	_ =	sdelay $0x4  }
0x169: {  	v63 =	vshll.u32 v3, $0x3  }
0x16a: {  	v3 =	vand.u32 $0x7, v3;
	v4 =	vand.u32 $0xFFFFFFC0, v63  }
0x16b: {  	v3 =	vor.u32 v3, v4  }
0x16c: {  	v4 =	vperm.xlane v3, v0;
	_ =	sdelay $0x1  }
0x16d: {  	v4 =	vadd.s32 v1, v4;
	_ =	sdelay $0x4  }
0x16e: {  	[tilespmem:s10], [sflag:$0x2] =	stream.indirect_vreg.gather [hbm4b:s3+s28], $0x80, v4, vm0, $0xb8;
	[tilespmem:$0x10100] =	vst v63  }
0x16f: {  	v3 =	vperm.xlane v3, v2  }
0x170: {  	[tilespmem:s22], [sflag:$0x2] =	stream.indirect_vreg.gather [hbm4b:s7+s28], $0x80, v4, vm0, $0xb8;
	[tilespmem:$0x10100] =	vst v63  }
0x171: {  	v3 =	vadd.s32 v1, v3  }
0x172: {  	[tilespmem:s11], [sflag:$0x2] =	stream.indirect_vreg.gather [hbm4b:s8+s28], $0x80, v4, vm0, $0xb8;
	[tilespmem:$0x10100] =	vst v63  }
0x173: {  	_ = 	snop  }
0x174: {  	[tilespmem:s23], [sflag:$0x2] =	stream.indirect_vreg.gather [hbm4b:s9+s28], $0x80, v4, vm0, $0xb8;
	[tilespmem:$0x10100] =	vst v63  }
0x175: {  	_ = 	snop  }
0x176: {  	[tilespmem:s24], [sflag:$0x2] =	stream.indirect_vreg.gather [hbm4b:s3+s28], $0x80, v3, vm0, $0xb8;
	[tilespmem:$0x10100] =	vst v63  }
0x177: {  	_ = 	snop  }
0x178: {  	[tilespmem:s12], [sflag:$0x2] =	stream.indirect_vreg.gather [hbm4b:s7+s28], $0x80, v3, vm0, $0xb8;
	[tilespmem:$0x10100] =	vst v63  }
0x179: {  	_ = 	snop  }
0x17a: {  	[tilespmem:s25], [sflag:$0x2] =	stream.indirect_vreg.gather [hbm4b:s8+s28], $0x80, v3, vm0, $0xb8;
	[tilespmem:$0x10100] =	vst v63  }
0x17b: {  	_ = 	snop  }
0x17c: {  	[tilespmem:s13], [sflag:$0x2] =	stream.indirect_vreg.gather [hbm4b:s9+s28], $0x80, v3, vm0, $0xb8;
	[tilespmem:$0x10100] =	vst v63  }
0x17d: {  	_ =	swait.ge [sflag:s4], $0x8000  }
0x17e: {  	[sflag:s4] =	ssyncset.done $0x0  }
0x17f: {  	[sflag:s4] =	ssyncadd.s32 $0xFFFF8000  }
0x180: {  	_ =	swait.ge [sflag:s26], $0x8000  }
0x181: {  	s29 =	simm.s32 $0xFFFF8000;
	[sflag:s26] =	ssyncset.done $0x0  }
0x182: {  	s30 =	simm.s32 $0x0;
	s31 =	simm.s32 $0x0;
	[sflag:s26] =	ssyncadd.s32 $0xFFFF8000  }
.LBB2_4:
0x183: {  	s0 =	sadd.s32 $0x8000, s29  }
0x184: {  	s1 =	sand.u32 $0x380, s31;
	s0 =	sand.u32 $0x6000, s0  }
0x185: {  	s1 =	sor.u32 s1, s0  }
0x186: {  	v3 =	vld [tilespmem:s1+$0x0]  }
0x187: {  	v4 =	vld [tilespmem:s1+$0x8000]  }
0x188: {  	v5 =	vld [tilespmem:s1+$0x10]  }
0x189: {  	v6 =	vld [tilespmem:s1+$0x8010]  }
0x18a: {  	v7 =	vld [tilespmem:s1+$0x20]  }
0x18b: {  	v8 =	vld [tilespmem:s1+$0x8020]  }
0x18c: {  	v9 =	vld [tilespmem:s1+$0x30]  }
0x18d: {  	v10 =	vld [tilespmem:s1+$0x8030]  }
0x18e: {  	v11 =	vld [tilespmem:s1+$0x40]  }
0x18f: {  	v12 =	vld [tilespmem:s1+$0x8040]  }
0x190: {  	v13 =	vld [tilespmem:s1+$0x50]  }
0x191: {  	v14 =	vld [tilespmem:s1+$0x8050]  }
0x192: {  	v15 =	vld [tilespmem:s1+$0x60]  }
0x193: {  	v16 =	vld [tilespmem:s1+$0x8060]  }
0x194: {  	v17 =	vld [tilespmem:s1+$0x70]  }
0x195: {  	v18 =	vld [tilespmem:s1+$0x8070]  }
0x196: {  	v19 =	vld [tilespmem:s1+$0x400]  }
0x197: {  	v20 =	vld [tilespmem:s1+$0x8400]  }
0x198: {  	v21 =	vld [tilespmem:s1+$0x410]  }
0x199: {  	v22 =	vld [tilespmem:s1+$0x8410]  }
0x19a: {  	v23 =	vld [tilespmem:s1+$0x420]  }
0x19b: {  	v24 =	vld [tilespmem:s1+$0x8420]  }
0x19c: {  	v25 =	vld [tilespmem:s1+$0x430]  }
0x19d: {  	v26 =	vld [tilespmem:s1+$0x8430]  }
0x19e: {  	v27 =	vld [tilespmem:s1+$0x440]  }
0x19f: {  	v28 =	vld [tilespmem:s1+$0x8440]  }
0x1a0: {  	v29 =	vld [tilespmem:s1+$0x450]  }
0x1a1: {  	v30 =	vld [tilespmem:s1+$0x8450]  }
0x1a2: {  	v31 =	vld [tilespmem:s1+$0x460]  }
0x1a3: {  	v32 =	vld [tilespmem:s1+$0x8460]  }
0x1a4: {  	v33 =	vld [tilespmem:s1+$0x470]  }
0x1a5: {  	v34 =	vld [tilespmem:s1+$0x8470]  }
0x1a6: {  	v35 =	vld [tilespmem:s1+$0x800]  }
0x1a7: {  	v36 =	vld [tilespmem:s1+$0x8800]  }
0x1a8: {  	v37 =	vld [tilespmem:s1+$0x810]  }
0x1a9: {  	v38 =	vld [tilespmem:s1+$0x8810]  }
0x1aa: {  	v39 =	vld [tilespmem:s1+$0x820]  }
0x1ab: {  	v40 =	vld [tilespmem:s1+$0x8820]  }
0x1ac: {  	v41 =	vld [tilespmem:s1+$0x830]  }
0x1ad: {  	v42 =	vld [tilespmem:s1+$0x8830]  }
0x1ae: {  	v43 =	vld [tilespmem:s1+$0x840]  }
0x1af: {  	v44 =	vld [tilespmem:s1+$0x8840]  }
0x1b0: {  	v45 =	vld [tilespmem:s1+$0x850]  }
0x1b1: {  	v46 =	vld [tilespmem:s1+$0x8850]  }
0x1b2: {  	v47 =	vld [tilespmem:s1+$0x860]  }
0x1b3: {  	v48 =	vld [tilespmem:s1+$0x8860]  }
0x1b4: {  	v49 =	vld [tilespmem:s1+$0x870]  }
0x1b5: {  	v50 =	vld [tilespmem:s1+$0x8870]  }
0x1b6: {  	v51 =	vld [tilespmem:s1+$0xC00]  }
0x1b7: {  	v52 =	vld [tilespmem:s1+$0x8C00]  }
0x1b8: {  	v53 =	vld [tilespmem:s1+$0xC10]  }
0x1b9: {  	v54 =	vld [tilespmem:s1+$0x8C10]  }
0x1ba: {  	v55 =	vld [tilespmem:s1+$0xC20]  }
0x1bb: {  	v56 =	vld [tilespmem:s1+$0x8C20]  }
0x1bc: {  	v57 =	vld [tilespmem:s1+$0xC30]  }
0x1bd: {  	v58 =	vld [tilespmem:s1+$0x8C30]  }
0x1be: {  	v59 =	vld [tilespmem:s1+$0xC40]  }
0x1bf: {  	v60 =	vld [tilespmem:s1+$0x8C40]  }
0x1c0: {  	v61 =	vld [tilespmem:s1+$0xC50]  }
0x1c1: {  	v62 =	vld [tilespmem:s1+$0x8C50]  }
0x1c2: {  	v63 =	vld [tilespmem:s1+$0xC60]  }
0x1c3: {  	v3 =	vadd.f32 v4, v3;
	v4 =	vld [tilespmem:s1+$0x8C60]  }
0x1c4: {  	v5 =	vadd.f32 v6, v5;
	v6 =	vld [tilespmem:s1+$0xC70]  }
0x1c5: {  	v14 =	vadd.f32 v14, v13;
	v13 =	vld [tilespmem:s1+$0x9020];
	[tilespmem:s1+$0x0] =	vst v3;
	v3 =	vadd.f32 v8, v7  }
0x1c6: {  	v18 =	vadd.f32 v18, v17;
	v17 =	vld [tilespmem:s1+$0x9040];
	[tilespmem:s1+$0x10] =	vst v5  }
0x1c7: {  	v22 =	vadd.f32 v22, v21;
	v21 =	vld [tilespmem:s1+$0x9060];
	[tilespmem:s1+$0x20] =	vst v3;
	v3 =	vadd.f32 v12, v11  }
0x1c8: {  	v7 =	vld [tilespmem:s1+$0x8C70];
	[tilespmem:s1+$0x50] =	vst v14  }
0x1c9: {  	v8 =	vld [tilespmem:s1+$0x1000];
	[tilespmem:s1+$0x40] =	vst v3;
	v3 =	vadd.f32 v16, v15  }
0x1ca: {  	v5 =	vadd.f32 v10, v9;
	v9 =	vld [tilespmem:s1+$0x9000];
	[tilespmem:s1+$0x70] =	vst v18  }
0x1cb: {  	v10 =	vld [tilespmem:s1+$0x1010];
	[tilespmem:s1+$0x60] =	vst v3;
	v3 =	vadd.f32 v20, v19  }
0x1cc: {  	v26 =	vadd.f32 v26, v25;
	v14 =	vld [tilespmem:s1+$0x1030];
	[tilespmem:s1+$0x410] =	vst v22  }
0x1cd: {  	v18 =	vld [tilespmem:s1+$0x1050];
	[tilespmem:s1+$0x400] =	vst v3;
	v3 =	vadd.f32 v24, v23  }
0x1ce: {  	v30 =	vadd.f32 v30, v29;
	[tilespmem:s1+$0x430] =	vst v26;
	v22 =	vld [tilespmem:s1+$0x1070]  }
0x1cf: {  	v19 =	vld [tilespmem:s1+$0x9050];
	[tilespmem:s1+$0x420] =	vst v3;
	v3 =	vadd.f32 v28, v27  }
0x1d0: {  	v34 =	vadd.f32 v34, v33;
	[tilespmem:s1+$0x450] =	vst v30;
	v11 =	vld [tilespmem:s1+$0x9010]  }
0x1d1: {  	v12 =	vld [tilespmem:s1+$0x1020];
	[tilespmem:s1+$0x440] =	vst v3;
	v3 =	vadd.f32 v32, v31  }
0x1d2: {  	[tilespmem:s1+$0x470] =	vst v34;
	v15 =	vld [tilespmem:s1+$0x9030]  }
0x1d3: {  	v16 =	vld [tilespmem:s1+$0x1040];
	[tilespmem:s1+$0x460] =	vst v3;
	v3 =	vadd.f32 v36, v35  }
0x1d4: {  	[tilespmem:s1+$0x30] =	vst v5;
	v20 =	vld [tilespmem:s1+$0x1060];
	v19 =	vadd.f32 v19, v18  }
0x1d5: {  	v24 =	vld [tilespmem:s1+$0x1400];
	[tilespmem:s1+$0x800] =	vst v3;
	v3 =	vadd.f32 v40, v39  }
0x1d6: {  	[tilespmem:s1+$0x1050] =	vst v19;
	v36 =	vadd.f32 v38, v37;
	v37 =	vld [tilespmem:s1+$0x9070]  }
0x1d7: {  	v38 =	vadd.f32 v42, v41;
	v41 =	vld [tilespmem:s1+$0x1410];
	[tilespmem:s1+$0x820] =	vst v3;
	v3 =	vadd.f32 v44, v43  }
0x1d8: {  	v42 =	vld [tilespmem:s1+$0x9410];
	[tilespmem:s1+$0x810] =	vst v36  }
0x1d9: {  	v35 =	vld [tilespmem:s1+$0x1810];
	[tilespmem:s1+$0x840] =	vst v3;
	v3 =	vadd.f32 v48, v47  }
0x1da: {  	v39 =	vld [tilespmem:s1+$0x9400];
	[tilespmem:s1+$0x830] =	vst v38;
	v40 =	vadd.f32 v46, v45  }
0x1db: {  	v45 =	vld [tilespmem:s1+$0x9420];
	[tilespmem:s1+$0x860] =	vst v3;
	v3 =	vadd.f32 v52, v51  }
0x1dc: {  	v46 =	vadd.f32 v54, v53;
	v53 =	vld [tilespmem:s1+$0x1450];
	[tilespmem:s1+$0x850] =	vst v40  }
0x1dd: {  	v54 =	vld [tilespmem:s1+$0x9450];
	[tilespmem:s1+$0xC00] =	vst v3;
	v3 =	vadd.f32 v56, v55  }
0x1de: {  	v36 =	vld [tilespmem:s1+$0x9810];
	v43 =	vadd.f32 v50, v49;
	[tilespmem:s1+$0xC10] =	vst v46  }
0x1df: {  	v38 =	vld [tilespmem:s1+$0x1820];
	[tilespmem:s1+$0xC20] =	vst v3;
	v3 =	vadd.f32 v60, v59  }
0x1e0: {  	v44 =	vld [tilespmem:s1+$0x1420];
	v49 =	vadd.f32 v58, v57;
	[tilespmem:s1+$0x870] =	vst v43  }
0x1e1: {  	v50 =	vld [tilespmem:s1+$0x1440];
	[tilespmem:s1+$0xC40] =	vst v3;
	v3 =	vadd.f32 v4, v63  }
0x1e2: {  	v57 =	vld [tilespmem:s1+$0x9460];
	v58 =	vadd.f32 v11, v10;
	[tilespmem:s1+$0xC30] =	vst v49  }
0x1e3: {  	v46 =	vld [tilespmem:s1+$0x9850];
	[tilespmem:s1+$0xC60] =	vst v3;
	v3 =	vadd.f32 v9, v8  }
0x1e4: {  	v37 =	vadd.f32 v37, v22;
	v40 =	vadd.f32 v42, v41;
	v41 =	vld [tilespmem:s1+$0x1830];
	[tilespmem:s1+$0x1010] =	vst v58  }
0x1e5: {  	v42 =	vld [tilespmem:s1+$0x9830];
	[tilespmem:s1+$0x1000] =	vst v3;
	v3 =	vadd.f32 v13, v12  }
0x1e6: {  	v47 =	vld [tilespmem:s1+$0x1430];
	[tilespmem:s1+$0x1070] =	vst v37  }
0x1e7: {  	v48 =	vld [tilespmem:s1+$0x9430];
	[tilespmem:s1+$0x1020] =	vst v3;
	v3 =	vadd.f32 v17, v16  }
0x1e8: {  	v49 =	vld [tilespmem:s1+$0x9860];
	[tilespmem:s1+$0x1410] =	vst v40;
	v52 =	vadd.f32 v62, v61  }
0x1e9: {  	v51 =	vld [tilespmem:s1+$0x9440];
	[tilespmem:s1+$0x1040] =	vst v3;
	v3 =	vadd.f32 v21, v20  }
0x1ea: {  	v61 =	vadd.f32 v15, v14;
	v62 =	vld [tilespmem:s1+$0x1800];
	[tilespmem:s1+$0xC50] =	vst v52  }
0x1eb: {  	v56 =	vld [tilespmem:s1+$0x1460];
	[tilespmem:s1+$0x1060] =	vst v3;
	v3 =	vadd.f32 v39, v24  }
0x1ec: {  	v55 =	vadd.f32 v7, v6;
	[tilespmem:s1+$0x1030] =	vst v61;
	v52 =	vld [tilespmem:s1+$0x9870]  }
0x1ed: {  	v43 =	vadd.f32 v48, v47;
	v47 =	vld [tilespmem:s1+$0x1860];
	[tilespmem:s1+$0x1400] =	vst v3;
	v3 =	vadd.f32 v45, v44  }
0x1ee: {  	[tilespmem:s1+$0xC70] =	vst v55;
	v63 =	vld [tilespmem:s1+$0x9800]  }
0x1ef: {  	v59 =	vld [tilespmem:s1+$0x1470];
	[tilespmem:s1+$0x1420] =	vst v3;
	v3 =	vadd.f32 v51, v50  }
0x1f0: {  	[tilespmem:s1+$0x1430] =	vst v43;
	v4 =	vadd.f32 v54, v53;
	v39 =	vld [tilespmem:s1+$0x9820]  }
0x1f1: {  	v60 =	vld [tilespmem:s1+$0x9470];
	[tilespmem:s1+$0x1440] =	vst v3;
	v3 =	vadd.f32 v57, v56  }
0x1f2: {  	v54 =	vadd.f32 v42, v41;
	[tilespmem:s1+$0x1450] =	vst v4;
	v45 =	vld [tilespmem:s1+$0x1850]  }
0x1f3: {  	v53 =	vld [tilespmem:s1+$0x9840];
	[tilespmem:s1+$0x1460] =	vst v3;
	v3 =	vadd.f32 v63, v62  }
0x1f4: {  	[tilespmem:s1+$0x1830] =	vst v54;
	v55 =	vadd.f32 v49, v47;
	v50 =	vld [tilespmem:s1+$0x1870]  }
0x1f5: {  	v44 =	vld [tilespmem:s1+$0x1840];
	[tilespmem:s1+$0x1800] =	vst v3;
	v3 =	vadd.f32 v39, v38  }
0x1f6: {  	v48 =	vadd.f32 v60, v59;
	[tilespmem:s1+$0x1860] =	vst v55  }
0x1f7: {  	[tilespmem:s1+$0x1820] =	vst v3;
	v3 =	vadd.f32 v46, v45  }
0x1f8: {  	s5 =	sand.u32 $0x7, s28;
	[tilespmem:s1+$0x1470] =	vst v48;
	v51 =	vadd.f32 v36, v35  }
0x1f9: {  	s0 =	sshll.u32 s5, $0x7;
	[tilespmem:s1+$0x1850] =	vst v3;
	v3 =	vadd.f32 v52, v50  }
0x1fa: {  	s0 =	sadd.s32 s0, s30;
	[tilespmem:s1+$0x1810] =	vst v51;
	v56 =	vadd.f32 v53, v44  }
0x1fb: {  	s5 =	sor.u32 $0x1C00, s0;
	[tilespmem:s1+$0x1870] =	vst v3  }
0x1fc: {  	[tilespmem:s1+$0x1840] =	vst v56;
	v3 =	vld [tilespmem:s5+$0x0]  }
0x1fd: {  	v4 =	vld [tilespmem:s5+$0x8000];
	_ =	sdelay $0x4  }
0x1fe: {  	v3 =	vadd.f32 v4, v3;
	_ =	sdelay $0x1  }
0x1ff: {  	[tilespmem:s5+$0x0] =	vst v3;
	s5 =	sor.u32 $0x1C10, s0  }
0x200: {  	v3 =	vld [tilespmem:s5+$0x0]  }
0x201: {  	v57 =	vld [tilespmem:s5+$0x8000];
	_ =	sdelay $0x4  }
0x202: {  	v3 =	vadd.f32 v57, v3;
	_ =	sdelay $0x1  }
0x203: {  	[tilespmem:s5+$0x0] =	vst v3;
	s5 =	sor.u32 $0x1C20, s0  }
0x204: {  	v3 =	vld [tilespmem:s5+$0x0]  }
0x205: {  	v58 =	vld [tilespmem:s5+$0x8000];
	_ =	sdelay $0x4  }
0x206: {  	v3 =	vadd.f32 v58, v3;
	_ =	sdelay $0x1  }
0x207: {  	[tilespmem:s5+$0x0] =	vst v3;
	s5 =	sor.u32 $0x1C30, s0  }
0x208: {  	v3 =	vld [tilespmem:s5+$0x0]  }
0x209: {  	v59 =	vld [tilespmem:s5+$0x8000];
	_ =	sdelay $0x4  }
0x20a: {  	v3 =	vadd.f32 v59, v3;
	_ =	sdelay $0x1  }
0x20b: {  	[tilespmem:s5+$0x0] =	vst v3;
	s5 =	sor.u32 $0x1C40, s0  }
0x20c: {  	v3 =	vld [tilespmem:s5+$0x0]  }
0x20d: {  	v60 =	vld [tilespmem:s5+$0x8000];
	_ =	sdelay $0x4  }
0x20e: {  	v3 =	vadd.f32 v60, v3;
	_ =	sdelay $0x1  }
0x20f: {  	[tilespmem:s5+$0x0] =	vst v3;
	s5 =	sor.u32 $0x1C50, s0  }
0x210: {  	v3 =	vld [tilespmem:s5+$0x0]  }
0x211: {  	v61 =	vld [tilespmem:s5+$0x8000];
	_ =	sdelay $0x4  }
0x212: {  	v3 =	vadd.f32 v61, v3;
	_ =	sdelay $0x1  }
0x213: {  	[tilespmem:s5+$0x0] =	vst v3;
	s5 =	sor.u32 $0x1C60, s0  }
0x214: {  	v3 =	vld [tilespmem:s5+$0x0]  }
0x215: {  	v62 =	vld [tilespmem:s5+$0x8000];
	_ =	sdelay $0x4  }
0x216: {  	v3 =	vadd.f32 v62, v3;
	_ =	sdelay $0x1  }
0x217: {  	s0 =	sor.u32 $0x1C70, s0;
	[tilespmem:s5+$0x0] =	vst v3  }
0x218: {  	v3 =	vld [tilespmem:s0+$0x0]  }
0x219: {  	v63 =	vld [tilespmem:s0+$0x8000];
	_ =	sdelay $0x1  }
0x21a: {  	p0 =	sne.s32 s31, $0xF80  }
.Ltmp1:
0x21b: {  	_ = 	snop;
	(pc) =	sbr.rel @p0 .LBB2_4-.Ltmp1, $4  }
0x21c: {  	_ = 	snop  }
0x21d: {  	v3 =	vadd.f32 v63, v3  }
0x21e: {  	s28 =	sadd.s32 $0x1, s28  }
0x21f: {  	s29 =	sadd.s32 $0x400, s29;
	s31 =	sadd.s32 $0x80, s31;
	s30 =	sadd.s32 $0x400, s30;
	[tilespmem:s0+$0x0] =	vst v3  }
0x220: {  	s0 =	rddreg [dreg:$0x8]  }
0x221: {  	[hbm4b:s0+s2] =	stream.linear.scatter [tilespmem:s2], [sflag:$0x3], $0x8000, $0x38;
	[tilespmem:$0x10100] =	vst v63  }
0x222: {  	_ =	swait.ge [sflag:s16], $0x8000  }
0x223: {  	s14 =	sadd.s32 $0x1, s14;
	s31 =	rddreg [dreg:$0x9]  }
0x224: {  	p0 =	sne.s32 s14, s31  }
.Ltmp2:
0x225: {  	_ = 	snop;
	(pc) =	sbr.rel @p0 .LBB2_1-.Ltmp2, $3  }
0x226: {  	_ =	sdelay $0x1  }
0x227: {  	[sflag:s16] =	ssyncset.done $0x0  }
0x228: {  	[sflag:s16] =	ssyncadd.s32 $0xFFFF8000  }
0x229: {  	_ =	sfence.sel $0x180000  }
0x22a: {  	[bflag:$0x0] =	sbarrier.arrive $0xFFFF  }
0x22b: {  	_ =	strace $0x9000004A  }
0x22c: {  	s0 =	stileid.u32;
	[bflag:$0x2] =	sbarrier.arrive $0xFFFF  }
0x22d: {  	p0 =	sne.s32 s0, $0x0;
	s0 =	rddreg [dreg:$0x2]  }
0x22e: {  	s0 =	sadd.s32 @!p0 $0x100000, s0  }
0x22f: {  	[sflag:s0] =	ssyncadd.tile.s32 @!p0 $0x1;
	_ =	shalt  }
.Lfunc_end2:
_tile_overlayer_lowered:
.L_overlay_start_2:
0x230: {  	(tag) =	ssettag $0x2  }
0x231: {  	s0 =	rddreg [dreg:$0x0];
	s2 =	stileid.u32  }
0x232: {  	s1 =	rddreg [dreg:$0x1];
	p0 =	sne.s32 s2, $0x0  }
0x233: {  	s3 =	rddreg [dreg:$0x2];
	[bflag:$0x3] =	sbarrier.arrive $0xFFFF;
	s2 =	simm.s32 @!p0 $0x1C03  }
0x234: {  	[timem:s3], [sflag:s2] =	dma.local @!p0 [hbm:s0], s1  }
0x235: {  	s0 =	simm.s32 @!p0 $0x3  }
0x236: {  	_ =	swait.ge @!p0 [sflag:s0], s1  }
0x237: {  	s1 =	ssub.s32 @!p0 $0x0, s1;
	[sflag:s0] =	ssyncset.done @!p0 $0x0  }
0x238: {  	[sflag:s0] =	ssyncadd.s32 @!p0 s1  }
0x239: {  	[bflag:$0x3] =	sbarrier.arrive $0xFFFF  }
0x23a: {  	_ =	shalt  }

</sc_bundles>
